<compile_context>
chip_gen: v7x
topology: tpu7x:2x2x1
jax: 0.10.2.dev20260603
libtpu: 0.0.44.dev20260713+nightly
codegen_flags: <defaults>
</compile_context>

<pallas_src>
import functools

import jax
import jax.numpy as jnp
from jax import lax
from jax.experimental import pallas as pl
from jax.experimental.pallas import tpu as pltpu
from jax.experimental.pallas import tpu_sc as plsc

L = 16
NC = 2
NS = 16
NW = NC * NS
B = 16384
D = 32
BPW = B // NW
G = 4
NG = BPW // G
WIN = 128

_mesh = plsc.VectorSubcoreMesh(core_axis_name="c", subcore_axis_name="s")


@functools.partial(
    pl.kernel,
    mesh=_mesh,
    out_type=jax.ShapeDtypeStruct((B,), jnp.float32),
    compiler_params=pltpu.CompilerParams(
        needs_layout_passes=False, use_tc_tiling_on_sc=True),
    scratch_types=[
        pltpu.VMEM((BPW + L,), jnp.int32),
        pltpu.VMEM((BPW + L,), jnp.int32),
        pltpu.VMEM((3, G, D, WIN), jnp.float32),
        pltpu.VMEM((3, G, D, WIN), jnp.float32),
        pltpu.VMEM((BPW,), jnp.float32),
        pltpu.SemaphoreType.DMA,
        pltpu.SemaphoreType.DMA,
        pltpu.SemaphoreType.DMA,
    ],
)
def _mf_sc(user_hbm, item_hbm, utab_hbm, itab_hbm, out_hbm,
           uidx_v, iidx_v, ubuf, ibuf, out_v, sem0, sem1, sem2):
    wid = lax.axis_index("s") * NC + lax.axis_index("c")
    base = wid * BPW

    pltpu.sync_copy(user_hbm.at[wid], uidx_v.at[pl.ds(0, BPW)])
    pltpu.sync_copy(item_hbm.at[wid], iidx_v.at[pl.ds(0, BPW)])

    lanes = lax.iota(jnp.int32, L)
    c_lo = lanes
    c_hi = lanes + L
    sems = (sem0, sem1, sem2)

    def fire(t, slab):
        sem = sems[slab]
        gbase = t * G
        ruv = uidx_v[pl.ds(gbase, L)]
        riv = iidx_v[pl.ds(gbase, L)]
        cu = ruv & ~(WIN - 1)
        ci = riv & ~(WIN - 1)
        for k in range(G):
            cuk = pl.multiple_of(cu[k], WIN)
            cik = pl.multiple_of(ci[k], WIN)
            pltpu.async_copy(
                utab_hbm.at[:, pl.ds(cuk, WIN)], ubuf.at[slab, k], sem)
            pltpu.async_copy(
                itab_hbm.at[:, pl.ds(cik, WIN)], ibuf.at[slab, k], sem)

    def wait(slab):
        for _ in range(2 * G):
            pltpu.make_async_copy(
                utab_hbm.at[:, pl.ds(0, WIN)], ubuf.at[0, 0], sems[slab]
            ).wait()

    def compute(t, slab, acc):
        gbase = t * G
        ruv = uidx_v[pl.ds(gbase, L)]
        riv = iidx_v[pl.ds(gbase, L)]
        rsu = ruv & (WIN - 1)
        rsi = riv & (WIN - 1)
        lane0 = (lax.rem(t, 4) * G).astype(jnp.int32)
        for k in range(G):
            su = jnp.full((L,), rsu[k], jnp.int32)
            si = jnp.full((L,), rsi[k], jnp.int32)
            u0 = plsc.load_gather(ubuf.at[slab, k], [c_lo, su])
            u1 = plsc.load_gather(ubuf.at[slab, k], [c_hi, su])
            i0 = plsc.load_gather(ibuf.at[slab, k], [c_lo, si])
            i1 = plsc.load_gather(ibuf.at[slab, k], [c_hi, si])
            p = u0 * i0 + u1 * i1
            dot = lax.reduce_sum(p, (0,))
            acc = jnp.where(lanes == lane0 + k, jnp.full((L,), dot), acc)
        out_v[pl.ds(lax.div(t, 4) * L, L)] = acc
        return jnp.where(jnp.full((L,), lax.rem(t, 4) == 3), 0.0, acc)

    fire(0, 0)
    fire(1, 1)

    def triple_body(p, acc):
        t = 3 * p
        fire(t + 2, 2)
        wait(0)
        acc = compute(t, 0, acc)
        fire(t + 3, 0)
        wait(1)
        acc = compute(t + 1, 1, acc)
        fire(t + 4, 1)
        wait(2)
        acc = compute(t + 2, 2, acc)
        return acc

    acc = lax.fori_loop(0, (NG - 2) // 3, triple_body,
                        jnp.zeros((L,), jnp.float32))
    wait(0)
    acc = compute(NG - 2, 0, acc)
    wait(1)
    compute(NG - 1, 1, acc)

    pltpu.sync_copy(out_v, out_hbm.at[pl.ds(base, BPW)])


def kernel(user, item, user_table, item_table):
    u2 = user.reshape(NW, BPW)
    i2 = item.reshape(NW, BPW)
    return _mf_sc(u2, i2, user_table.T, item_table.T)

# --- scband reference (transcript-rebuilt; emitter-appended) ---
"""Pipeline reference for scband-mf-30554397344388 (READ-ONLY COPY).

The authoritative reference and input builder live on the scoring server;
editing this copy changes nothing except your own understanding.
"""

import jax, jax.numpy as jnp
import numpy as np

N_USERS = 1000000
N_ITEMS = 1000000
EMB_DIM = 32
BATCH = 16384
INIT_STD = 0.01


def setup_inputs(seed: int = 0) -> dict:
    key = jax.random.key(seed)
    k_u, k_i, k_uw, k_iw = jax.random.split(key, 4)
    user = jax.random.randint(k_u, (BATCH,), 0, N_USERS, dtype=jnp.int64 if jax.config.jax_enable_x64 else jnp.int32).astype(jnp.int32)
    item = jax.random.randint(k_i, (BATCH,), 0, N_ITEMS, dtype=jnp.int64 if jax.config.jax_enable_x64 else jnp.int32).astype(jnp.int32)
    user_table = jax.random.normal(k_uw, (N_USERS, EMB_DIM), dtype=jnp.float32) * INIT_STD
    item_table = jax.random.normal(k_iw, (N_ITEMS, EMB_DIM), dtype=jnp.float32) * INIT_STD
    return {"user": user, "item": item, "user_table": user_table, "item_table": item_table}


def reference(user, item, user_table, item_table):
    # MF.forward: gather user/item embeddings, elementwise multiply, sum over emb dim
    user_emb = jnp.take(user_table, user, axis=0)  # [B, D]
    item_emb = jnp.take(item_table, item, axis=0)  # [B, D]
    result = jnp.sum(user_emb * item_emb, axis=-1)  # [B]
    return result

if __name__ == "__main__":
    import jax
    _d = setup_inputs()
    print(jax.jit(kernel)(*tuple(_d.values())))

</pallas_src>

<mosaic_0001>
#map = affine_map<(d0, d1) -> (0, 0)>
#map1 = affine_map<(d0, d1) -> (0)>
module attributes {stable_mosaic.version = 14 : i64} {
  func.func @_mf_sc(%arg0: i32, %arg1: i32, %arg2: memref<32x512xi32, #tpu.memory_space<hbm>>, %arg3: memref<32x512xi32, #tpu.memory_space<hbm>>, %arg4: memref<32x1000000xf32, #tpu.memory_space<hbm>>, %arg5: memref<32x1000000xf32, #tpu.memory_space<hbm>>, %arg6: memref<16384xf32, #tpu.memory_space<hbm>>, %arg7: memref<528xi32, #tpu.memory_space<vmem>>, %arg8: memref<528xi32, #tpu.memory_space<vmem>>, %arg9: memref<3x4x32x128xf32, #tpu.memory_space<vmem>>, %arg10: memref<3x4x32x128xf32, #tpu.memory_space<vmem>>, %arg11: memref<512xf32, #tpu.memory_space<vmem>>, %arg12: memref<!tpu.dma_semaphore, #tpu.memory_space<semaphore_mem>>, %arg13: memref<!tpu.dma_semaphore, #tpu.memory_space<semaphore_mem>>, %arg14: memref<!tpu.dma_semaphore, #tpu.memory_space<semaphore_mem>>) attributes {dimension_semantics = [#tpu.dimension_semantics<core_parallel>, #tpu.dimension_semantics<subcore_parallel>], iteration_bounds = array<i64: 2, 16>, scalar_prefetch = 0 : i64, scratch_operands = 8 : i64, tpu.core_type = #tpu.core_type<sc_vector_subcore>, window_params = [{transform_indices = #map}, {transform_indices = #map}, {transform_indices = #map}, {transform_indices = #map}, {transform_indices = #map1}]} {
    %mul3A = arith.constant 2 : i32
    %mul3A_0 = arith.muli %arg1, %mul3A : i32
    %add3A = arith.addi %mul3A_0, %arg0 : i32
    %mul3A_1 = arith.constant 512 : i32
    %mul3A_2 = arith.muli %add3A, %mul3A_1 : i32
    "tpu.region"() ({
      %run_scoped3A = tpu.sem_alloc : memref<!tpu.dma_semaphore, #tpu.memory_space<semaphore_mem>>
      %dma_start3A_983 = arith.constant 0 : i32
      %dma_start3A_984 = tpu.memref_slice %arg7[%dma_start3A_983] : memref<528xi32, #tpu.memory_space<vmem>> -> memref<512xi32, #tpu.memory_space<vmem>>
      %dma_start3A_985 = arith.constant 0 : i32
      %dma_start3A_986 = tpu.memref_slice %arg2[%add3A, %dma_start3A_985] : memref<32x512xi32, #tpu.memory_space<hbm>> -> memref<1x512xi32, #tpu.memory_space<hbm>>
      %dma_start3A_987 = tpu.memref_squeeze %dma_start3A_986 : memref<1x512xi32, #tpu.memory_space<hbm>> -> memref<512xi32, #tpu.memory_space<hbm>>
      %dma_start3A_988 = arith.constant 0 : i32
      %dma_start3A_989 = tpu.memref_slice %arg7[%dma_start3A_988] : memref<528xi32, #tpu.memory_space<vmem>> -> memref<512xi32, #tpu.memory_space<vmem>>
      %dma_start3A_990 = arith.constant 0 : i32
      %dma_start3A_991 = tpu.memref_slice %arg2[%add3A, %dma_start3A_990] : memref<32x512xi32, #tpu.memory_space<hbm>> -> memref<1x512xi32, #tpu.memory_space<hbm>>
      %dma_start3A_992 = tpu.memref_squeeze %dma_start3A_991 : memref<1x512xi32, #tpu.memory_space<hbm>> -> memref<512xi32, #tpu.memory_space<hbm>>
      tpu.enqueue_dma source(%dma_start3A_992 : memref<512xi32, #tpu.memory_space<hbm>>) target(%dma_start3A_989 : memref<512xi32, #tpu.memory_space<vmem>>) target_semaphore(%run_scoped3A : memref<!tpu.dma_semaphore, #tpu.memory_space<semaphore_mem>>)
      %dma_wait3A_993 = arith.constant 0 : i32
      %dma_wait3A_994 = tpu.memref_slice %arg7[%dma_wait3A_993] : memref<528xi32, #tpu.memory_space<vmem>> -> memref<512xi32, #tpu.memory_space<vmem>>
      %dma_wait3A_995 = arith.constant 0 : i32
      %dma_wait3A_996 = tpu.memref_slice %arg2[%add3A, %dma_wait3A_995] : memref<32x512xi32, #tpu.memory_space<hbm>> -> memref<1x512xi32, #tpu.memory_space<hbm>>
      %dma_wait3A_997 = tpu.memref_squeeze %dma_wait3A_996 : memref<1x512xi32, #tpu.memory_space<hbm>> -> memref<512xi32, #tpu.memory_space<hbm>>
      %dma_wait3A_998 = arith.constant 0 : i32
      %dma_wait3A_999 = tpu.memref_slice %arg7[%dma_wait3A_998] : memref<528xi32, #tpu.memory_space<vmem>> -> memref<512xi32, #tpu.memory_space<vmem>>
      %dma_wait3A_1000 = arith.constant 0 : i32
      %dma_wait3A_1001 = tpu.memref_slice %arg2[%add3A, %dma_wait3A_1000] : memref<32x512xi32, #tpu.memory_space<hbm>> -> memref<1x512xi32, #tpu.memory_space<hbm>>
      %dma_wait3A_1002 = tpu.memref_squeeze %dma_wait3A_1001 : memref<1x512xi32, #tpu.memory_space<hbm>> -> memref<512xi32, #tpu.memory_space<hbm>>
      tpu.wait_dma2 semaphore(%run_scoped3A : memref<!tpu.dma_semaphore, #tpu.memory_space<semaphore_mem>>) src(%dma_wait3A_1002 : memref<512xi32, #tpu.memory_space<hbm>>) dst(%dma_wait3A_999 : memref<512xi32, #tpu.memory_space<vmem>>)
      tpu.yield
    }) : () -> ()
    "tpu.region"() ({
      %run_scoped3A = tpu.sem_alloc : memref<!tpu.dma_semaphore, #tpu.memory_space<semaphore_mem>>
      %dma_start3A_983 = arith.constant 0 : i32
      %dma_start3A_984 = tpu.memref_slice %arg8[%dma_start3A_983] : memref<528xi32, #tpu.memory_space<vmem>> -> memref<512xi32, #tpu.memory_space<vmem>>
      %dma_start3A_985 = arith.constant 0 : i32
      %dma_start3A_986 = tpu.memref_slice %arg3[%add3A, %dma_start3A_985] : memref<32x512xi32, #tpu.memory_space<hbm>> -> memref<1x512xi32, #tpu.memory_space<hbm>>
      %dma_start3A_987 = tpu.memref_squeeze %dma_start3A_986 : memref<1x512xi32, #tpu.memory_space<hbm>> -> memref<512xi32, #tpu.memory_space<hbm>>
      %dma_start3A_988 = arith.constant 0 : i32
      %dma_start3A_989 = tpu.memref_slice %arg8[%dma_start3A_988] : memref<528xi32, #tpu.memory_space<vmem>> -> memref<512xi32, #tpu.memory_space<vmem>>
      %dma_start3A_990 = arith.constant 0 : i32
      %dma_start3A_991 = tpu.memref_slice %arg3[%add3A, %dma_start3A_990] : memref<32x512xi32, #tpu.memory_space<hbm>> -> memref<1x512xi32, #tpu.memory_space<hbm>>
      %dma_start3A_992 = tpu.memref_squeeze %dma_start3A_991 : memref<1x512xi32, #tpu.memory_space<hbm>> -> memref<512xi32, #tpu.memory_space<hbm>>
      tpu.enqueue_dma source(%dma_start3A_992 : memref<512xi32, #tpu.memory_space<hbm>>) target(%dma_start3A_989 : memref<512xi32, #tpu.memory_space<vmem>>) target_semaphore(%run_scoped3A : memref<!tpu.dma_semaphore, #tpu.memory_space<semaphore_mem>>)
      %dma_wait3A_993 = arith.constant 0 : i32
      %dma_wait3A_994 = tpu.memref_slice %arg8[%dma_wait3A_993] : memref<528xi32, #tpu.memory_space<vmem>> -> memref<512xi32, #tpu.memory_space<vmem>>
      %dma_wait3A_995 = arith.constant 0 : i32
      %dma_wait3A_996 = tpu.memref_slice %arg3[%add3A, %dma_wait3A_995] : memref<32x512xi32, #tpu.memory_space<hbm>> -> memref<1x512xi32, #tpu.memory_space<hbm>>
      %dma_wait3A_997 = tpu.memref_squeeze %dma_wait3A_996 : memref<1x512xi32, #tpu.memory_space<hbm>> -> memref<512xi32, #tpu.memory_space<hbm>>
      %dma_wait3A_998 = arith.constant 0 : i32
      %dma_wait3A_999 = tpu.memref_slice %arg8[%dma_wait3A_998] : memref<528xi32, #tpu.memory_space<vmem>> -> memref<512xi32, #tpu.memory_space<vmem>>
      %dma_wait3A_1000 = arith.constant 0 : i32
      %dma_wait3A_1001 = tpu.memref_slice %arg3[%add3A, %dma_wait3A_1000] : memref<32x512xi32, #tpu.memory_space<hbm>> -> memref<1x512xi32, #tpu.memory_space<hbm>>
      %dma_wait3A_1002 = tpu.memref_squeeze %dma_wait3A_1001 : memref<1x512xi32, #tpu.memory_space<hbm>> -> memref<512xi32, #tpu.memory_space<hbm>>
      tpu.wait_dma2 semaphore(%run_scoped3A : memref<!tpu.dma_semaphore, #tpu.memory_space<semaphore_mem>>) src(%dma_wait3A_1002 : memref<512xi32, #tpu.memory_space<hbm>>) dst(%dma_wait3A_999 : memref<512xi32, #tpu.memory_space<vmem>>)
      tpu.yield
    }) : () -> ()
    %iota3A = tpu.iota {dimensions = array<i32: 0>} : vector<16xi32>
    %add3A_3 = arith.constant 16 : i32
    %add3A_4 = vector.broadcast %add3A_3 : i32 to vector<16xi32>
    %add3A_5 = arith.addi %iota3A, %add3A_4 : vector<16xi32>
    %get3A = arith.constant 0 : index
    %get3A_6 = tpu.vector_load %arg7[%get3A] {strides = array<i32>} : memref<528xi32, #tpu.memory_space<vmem>>, vector<16xi32>,
    %get3A_7 = arith.constant 0 : index
    %get3A_8 = tpu.vector_load %arg8[%get3A_7] {strides = array<i32>} : memref<528xi32, #tpu.memory_space<vmem>>, vector<16xi32>,
    %and3A = arith.constant -128 : i32
    %and3A_9 = vector.broadcast %and3A : i32 to vector<16xi32>
    %and3A_10 = arith.andi %get3A_6, %and3A_9 : vector<16xi32>
    %and3A_11 = arith.constant -128 : i32
    %and3A_12 = vector.broadcast %and3A_11 : i32 to vector<16xi32>
    %and3A_13 = arith.andi %get3A_8, %and3A_12 : vector<16xi32>
    %slice3A = vector.extract_strided_slice %and3A_10 {offsets = [0], sizes = [1], strides = [1]} : vector<16xi32> to vector<1xi32>
    %squeeze3A = vector.extract %slice3A[0] : i32 from vector<1xi32>
    %multiple_of3A = tpu.assume_multiple %squeeze3A, 128 : i32
    %slice3A_14 = vector.extract_strided_slice %and3A_13 {offsets = [0], sizes = [1], strides = [1]} : vector<16xi32> to vector<1xi32>
    %squeeze3A_15 = vector.extract %slice3A_14[0] : i32 from vector<1xi32>
    %multiple_of3A_16 = tpu.assume_multiple %squeeze3A_15, 128 : i32
    %dma_start3A = arith.constant 0 : i32
    %dma_start3A_17 = arith.constant 0 : i32
    %dma_start3A_18 = arith.constant 0 : i32
    %dma_start3A_19 = arith.constant 0 : i32
    %dma_start3A_20 = tpu.memref_slice %arg9[%dma_start3A, %dma_start3A_17, %dma_start3A_18, %dma_start3A_19] : memref<3x4x32x128xf32, #tpu.memory_space<vmem>> -> memref<1x1x32x128xf32, #tpu.memory_space<vmem>>
    %dma_start3A_21 = tpu.memref_squeeze %dma_start3A_20 : memref<1x1x32x128xf32, #tpu.memory_space<vmem>> -> memref<32x128xf32, #tpu.memory_space<vmem>>
    %dma_start3A_22 = arith.constant 0 : i32
    %dma_start3A_23 = tpu.memref_slice %arg4[%dma_start3A_22, %multiple_of3A] : memref<32x1000000xf32, #tpu.memory_space<hbm>> -> memref<32x128xf32, #tpu.memory_space<hbm>>
    %dma_start3A_24 = arith.constant 0 : i32
    %dma_start3A_25 = arith.constant 0 : i32
    %dma_start3A_26 = tpu.memref_slice %arg9[%dma_start3A, %dma_start3A_17, %dma_start3A_24, %dma_start3A_25] : memref<3x4x32x128xf32, #tpu.memory_space<vmem>> -> memref<1x1x32x128xf32, #tpu.memory_space<vmem>>
    %dma_start3A_27 = tpu.memref_squeeze %dma_start3A_26 : memref<1x1x32x128xf32, #tpu.memory_space<vmem>> -> memref<32x128xf32, #tpu.memory_space<vmem>>
    %dma_start3A_28 = arith.constant 0 : i32
    %dma_start3A_29 = tpu.memref_slice %arg4[%dma_start3A_28, %multiple_of3A] : memref<32x1000000xf32, #tpu.memory_space<hbm>> -> memref<32x128xf32, #tpu.memory_space<hbm>>
    tpu.enqueue_dma source(%dma_start3A_29 : memref<32x128xf32, #tpu.memory_space<hbm>>) target(%dma_start3A_27 : memref<32x128xf32, #tpu.memory_space<vmem>>) target_semaphore(%arg12 : memref<!tpu.dma_semaphore, #tpu.memory_space<semaphore_mem>>)
    %dma_start3A_30 = arith.constant 0 : i32
    %dma_start3A_31 = arith.constant 0 : i32
    %dma_start3A_32 = arith.constant 0 : i32
    %dma_start3A_33 = arith.constant 0 : i32
    %dma_start3A_34 = tpu.memref_slice %arg10[%dma_start3A_30, %dma_start3A_31, %dma_start3A_32, %dma_start3A_33] : memref<3x4x32x128xf32, #tpu.memory_space<vmem>> -> memref<1x1x32x128xf32, #tpu.memory_space<vmem>>
    %dma_start3A_35 = tpu.memref_squeeze %dma_start3A_34 : memref<1x1x32x128xf32, #tpu.memory_space<vmem>> -> memref<32x128xf32, #tpu.memory_space<vmem>>
    %dma_start3A_36 = arith.constant 0 : i32
    %dma_start3A_37 = tpu.memref_slice %arg5[%dma_start3A_36, %multiple_of3A_16] : memref<32x1000000xf32, #tpu.memory_space<hbm>> -> memref<32x128xf32, #tpu.memory_space<hbm>>
    %dma_start3A_38 = arith.constant 0 : i32
    %dma_start3A_39 = arith.constant 0 : i32
    %dma_start3A_40 = tpu.memref_slice %arg10[%dma_start3A_30, %dma_start3A_31, %dma_start3A_38, %dma_start3A_39] : memref<3x4x32x128xf32, #tpu.memory_space<vmem>> -> memref<1x1x32x128xf32, #tpu.memory_space<vmem>>
    %dma_start3A_41 = tpu.memref_squeeze %dma_start3A_40 : memref<1x1x32x128xf32, #tpu.memory_space<vmem>> -> memref<32x128xf32, #tpu.memory_space<vmem>>
    %dma_start3A_42 = arith.constant 0 : i32
    %dma_start3A_43 = tpu.memref_slice %arg5[%dma_start3A_42, %multiple_of3A_16] : memref<32x1000000xf32, #tpu.memory_space<hbm>> -> memref<32x128xf32, #tpu.memory_space<hbm>>
    tpu.enqueue_dma source(%dma_start3A_43 : memref<32x128xf32, #tpu.memory_space<hbm>>) target(%dma_start3A_41 : memref<32x128xf32, #tpu.memory_space<vmem>>) target_semaphore(%arg12 : memref<!tpu.dma_semaphore, #tpu.memory_space<semaphore_mem>>)
    %slice3A_44 = vector.extract_strided_slice %and3A_10 {offsets = [1], sizes = [1], strides = [1]} : vector<16xi32> to vector<1xi32>
    %squeeze3A_45 = vector.extract %slice3A_44[0] : i32 from vector<1xi32>
    %multiple_of3A_46 = tpu.assume_multiple %squeeze3A_45, 128 : i32
    %slice3A_47 = vector.extract_strided_slice %and3A_13 {offsets = [1], sizes = [1], strides = [1]} : vector<16xi32> to vector<1xi32>
    %squeeze3A_48 = vector.extract %slice3A_47[0] : i32 from vector<1xi32>
    %multiple_of3A_49 = tpu.assume_multiple %squeeze3A_48, 128 : i32
    %dma_start3A_50 = arith.constant 0 : i32
    %dma_start3A_51 = arith.constant 1 : i32
    %dma_start3A_52 = arith.constant 0 : i32
    %dma_start3A_53 = arith.constant 0 : i32
    %dma_start3A_54 = tpu.memref_slice %arg9[%dma_start3A_50, %dma_start3A_51, %dma_start3A_52, %dma_start3A_53] : memref<3x4x32x128xf32, #tpu.memory_space<vmem>> -> memref<1x1x32x128xf32, #tpu.memory_space<vmem>>
    %dma_start3A_55 = tpu.memref_squeeze %dma_start3A_54 : memref<1x1x32x128xf32, #tpu.memory_space<vmem>> -> memref<32x128xf32, #tpu.memory_space<vmem>>
    %dma_start3A_56 = arith.constant 0 : i32
    %dma_start3A_57 = tpu.memref_slice %arg4[%dma_start3A_56, %multiple_of3A_46] : memref<32x1000000xf32, #tpu.memory_space<hbm>> -> memref<32x128xf32, #tpu.memory_space<hbm>>
    %dma_start3A_58 = arith.constant 0 : i32
    %dma_start3A_59 = arith.constant 0 : i32
    %dma_start3A_60 = tpu.memref_slice %arg9[%dma_start3A_50, %dma_start3A_51, %dma_start3A_58, %dma_start3A_59] : memref<3x4x32x128xf32, #tpu.memory_space<vmem>> -> memref<1x1x32x128xf32, #tpu.memory_space<vmem>>
    %dma_start3A_61 = tpu.memref_squeeze %dma_start3A_60 : memref<1x1x32x128xf32, #tpu.memory_space<vmem>> -> memref<32x128xf32, #tpu.memory_space<vmem>>
    %dma_start3A_62 = arith.constant 0 : i32
    %dma_start3A_63 = tpu.memref_slice %arg4[%dma_start3A_62, %multiple_of3A_46] : memref<32x1000000xf32, #tpu.memory_space<hbm>> -> memref<32x128xf32, #tpu.memory_space<hbm>>
    tpu.enqueue_dma source(%dma_start3A_63 : memref<32x128xf32, #tpu.memory_space<hbm>>) target(%dma_start3A_61 : memref<32x128xf32, #tpu.memory_space<vmem>>) target_semaphore(%arg12 : memref<!tpu.dma_semaphore, #tpu.memory_space<semaphore_mem>>)
    %dma_start3A_64 = arith.constant 0 : i32
    %dma_start3A_65 = arith.constant 1 : i32
    %dma_start3A_66 = arith.constant 0 : i32
    %dma_start3A_67 = arith.constant 0 : i32
    %dma_start3A_68 = tpu.memref_slice %arg10[%dma_start3A_64, %dma_start3A_65, %dma_start3A_66, %dma_start3A_67] : memref<3x4x32x128xf32, #tpu.memory_space<vmem>> -> memref<1x1x32x128xf32, #tpu.memory_space<vmem>>
    %dma_start3A_69 = tpu.memref_squeeze %dma_start3A_68 : memref<1x1x32x128xf32, #tpu.memory_space<vmem>> -> memref<32x128xf32, #tpu.memory_space<vmem>>
    %dma_start3A_70 = arith.constant 0 : i32
    %dma_start3A_71 = tpu.memref_slice %arg5[%dma_start3A_70, %multiple_of3A_49] : memref<32x1000000xf32, #tpu.memory_space<hbm>> -> memref<32x128xf32, #tpu.memory_space<hbm>>
    %dma_start3A_72 = arith.constant 0 : i32
    %dma_start3A_73 = arith.constant 0 : i32
    %dma_start3A_74 = tpu.memref_slice %arg10[%dma_start3A_64, %dma_start3A_65, %dma_start3A_72, %dma_start3A_73] : memref<3x4x32x128xf32, #tpu.memory_space<vmem>> -> memref<1x1x32x128xf32, #tpu.memory_space<vmem>>
    %dma_start3A_75 = tpu.memref_squeeze %dma_start3A_74 : memref<1x1x32x128xf32, #tpu.memory_space<vmem>> -> memref<32x128xf32, #tpu.memory_space<vmem>>
    %dma_start3A_76 = arith.constant 0 : i32
    %dma_start3A_77 = tpu.memref_slice %arg5[%dma_start3A_76, %multiple_of3A_49] : memref<32x1000000xf32, #tpu.memory_space<hbm>> -> memref<32x128xf32, #tpu.memory_space<hbm>>
    tpu.enqueue_dma source(%dma_start3A_77 : memref<32x128xf32, #tpu.memory_space<hbm>>) target(%dma_start3A_75 : memref<32x128xf32, #tpu.memory_space<vmem>>) target_semaphore(%arg12 : memref<!tpu.dma_semaphore, #tpu.memory_space<semaphore_mem>>)
    %slice3A_78 = vector.extract_strided_slice %and3A_10 {offsets = [2], sizes = [1], strides = [1]} : vector<16xi32> to vector<1xi32>
    %squeeze3A_79 = vector.extract %slice3A_78[0] : i32 from vector<1xi32>
    %multiple_of3A_80 = tpu.assume_multiple %squeeze3A_79, 128 : i32
    %slice3A_81 = vector.extract_strided_slice %and3A_13 {offsets = [2], sizes = [1], strides = [1]} : vector<16xi32> to vector<1xi32>
    %squeeze3A_82 = vector.extract %slice3A_81[0] : i32 from vector<1xi32>
    %multiple_of3A_83 = tpu.assume_multiple %squeeze3A_82, 128 : i32
    %dma_start3A_84 = arith.constant 0 : i32
    %dma_start3A_85 = arith.constant 2 : i32
    %dma_start3A_86 = arith.constant 0 : i32
    %dma_start3A_87 = arith.constant 0 : i32
    %dma_start3A_88 = tpu.memref_slice %arg9[%dma_start3A_84, %dma_start3A_85, %dma_start3A_86, %dma_start3A_87] : memref<3x4x32x128xf32, #tpu.memory_space<vmem>> -> memref<1x1x32x128xf32, #tpu.memory_space<vmem>>
    %dma_start3A_89 = tpu.memref_squeeze %dma_start3A_88 : memref<1x1x32x128xf32, #tpu.memory_space<vmem>> -> memref<32x128xf32, #tpu.memory_space<vmem>>
    %dma_start3A_90 = arith.constant 0 : i32
    %dma_start3A_91 = tpu.memref_slice %arg4[%dma_start3A_90, %multiple_of3A_80] : memref<32x1000000xf32, #tpu.memory_space<hbm>> -> memref<32x128xf32, #tpu.memory_space<hbm>>
    %dma_start3A_92 = arith.constant 0 : i32
    %dma_start3A_93 = arith.constant 0 : i32
    %dma_start3A_94 = tpu.memref_slice %arg9[%dma_start3A_84, %dma_start3A_85, %dma_start3A_92, %dma_start3A_93] : memref<3x4x32x128xf32, #tpu.memory_space<vmem>> -> memref<1x1x32x128xf32, #tpu.memory_space<vmem>>
    %dma_start3A_95 = tpu.memref_squeeze %dma_start3A_94 : memref<1x1x32x128xf32, #tpu.memory_space<vmem>> -> memref<32x128xf32, #tpu.memory_space<vmem>>
    %dma_start3A_96 = arith.constant 0 : i32
    %dma_start3A_97 = tpu.memref_slice %arg4[%dma_start3A_96, %multiple_of3A_80] : memref<32x1000000xf32, #tpu.memory_space<hbm>> -> memref<32x128xf32, #tpu.memory_space<hbm>>
    tpu.enqueue_dma source(%dma_start3A_97 : memref<32x128xf32, #tpu.memory_space<hbm>>) target(%dma_start3A_95 : memref<32x128xf32, #tpu.memory_space<vmem>>) target_semaphore(%arg12 : memref<!tpu.dma_semaphore, #tpu.memory_space<semaphore_mem>>)
    %dma_start3A_98 = arith.constant 0 : i32
    %dma_start3A_99 = arith.constant 2 : i32
    %dma_start3A_100 = arith.constant 0 : i32
    %dma_start3A_101 = arith.constant 0 : i32
    %dma_start3A_102 = tpu.memref_slice %arg10[%dma_start3A_98, %dma_start3A_99, %dma_start3A_100, %dma_start3A_101] : memref<3x4x32x128xf32, #tpu.memory_space<vmem>> -> memref<1x1x32x128xf32, #tpu.memory_space<vmem>>
    %dma_start3A_103 = tpu.memref_squeeze %dma_start3A_102 : memref<1x1x32x128xf32, #tpu.memory_space<vmem>> -> memref<32x128xf32, #tpu.memory_space<vmem>>
    %dma_start3A_104 = arith.constant 0 : i32
    %dma_start3A_105 = tpu.memref_slice %arg5[%dma_start3A_104, %multiple_of3A_83] : memref<32x1000000xf32, #tpu.memory_space<hbm>> -> memref<32x128xf32, #tpu.memory_space<hbm>>
    %dma_start3A_106 = arith.constant 0 : i32
    %dma_start3A_107 = arith.constant 0 : i32
    %dma_start3A_108 = tpu.memref_slice %arg10[%dma_start3A_98, %dma_start3A_99, %dma_start3A_106, %dma_start3A_107] : memref<3x4x32x128xf32, #tpu.memory_space<vmem>> -> memref<1x1x32x128xf32, #tpu.memory_space<vmem>>
    %dma_start3A_109 = tpu.memref_squeeze %dma_start3A_108 : memref<1x1x32x128xf32, #tpu.memory_space<vmem>> -> memref<32x128xf32, #tpu.memory_space<vmem>>
    %dma_start3A_110 = arith.constant 0 : i32
    %dma_start3A_111 = tpu.memref_slice %arg5[%dma_start3A_110, %multiple_of3A_83] : memref<32x1000000xf32, #tpu.memory_space<hbm>> -> memref<32x128xf32, #tpu.memory_space<hbm>>
    tpu.enqueue_dma source(%dma_start3A_111 : memref<32x128xf32, #tpu.memory_space<hbm>>) target(%dma_start3A_109 : memref<32x128xf32, #tpu.memory_space<vmem>>) target_semaphore(%arg12 : memref<!tpu.dma_semaphore, #tpu.memory_space<semaphore_mem>>)
    %slice3A_112 = vector.extract_strided_slice %and3A_10 {offsets = [3], sizes = [1], strides = [1]} : vector<16xi32> to vector<1xi32>
    %squeeze3A_113 = vector.extract %slice3A_112[0] : i32 from vector<1xi32>
    %multiple_of3A_114 = tpu.assume_multiple %squeeze3A_113, 128 : i32
    %slice3A_115 = vector.extract_strided_slice %and3A_13 {offsets = [3], sizes = [1], strides = [1]} : vector<16xi32> to vector<1xi32>
    %squeeze3A_116 = vector.extract %slice3A_115[0] : i32 from vector<1xi32>
    %multiple_of3A_117 = tpu.assume_multiple %squeeze3A_116, 128 : i32
    %dma_start3A_118 = arith.constant 0 : i32
    %dma_start3A_119 = arith.constant 3 : i32
    %dma_start3A_120 = arith.constant 0 : i32
    %dma_start3A_121 = arith.constant 0 : i32
    %dma_start3A_122 = tpu.memref_slice %arg9[%dma_start3A_118, %dma_start3A_119, %dma_start3A_120, %dma_start3A_121] : memref<3x4x32x128xf32, #tpu.memory_space<vmem>> -> memref<1x1x32x128xf32, #tpu.memory_space<vmem>>
    %dma_start3A_123 = tpu.memref_squeeze %dma_start3A_122 : memref<1x1x32x128xf32, #tpu.memory_space<vmem>> -> memref<32x128xf32, #tpu.memory_space<vmem>>
    %dma_start3A_124 = arith.constant 0 : i32
    %dma_start3A_125 = tpu.memref_slice %arg4[%dma_start3A_124, %multiple_of3A_114] : memref<32x1000000xf32, #tpu.memory_space<hbm>> -> memref<32x128xf32, #tpu.memory_space<hbm>>
    %dma_start3A_126 = arith.constant 0 : i32
    %dma_start3A_127 = arith.constant 0 : i32
    %dma_start3A_128 = tpu.memref_slice %arg9[%dma_start3A_118, %dma_start3A_119, %dma_start3A_126, %dma_start3A_127] : memref<3x4x32x128xf32, #tpu.memory_space<vmem>> -> memref<1x1x32x128xf32, #tpu.memory_space<vmem>>
    %dma_start3A_129 = tpu.memref_squeeze %dma_start3A_128 : memref<1x1x32x128xf32, #tpu.memory_space<vmem>> -> memref<32x128xf32, #tpu.memory_space<vmem>>
    %dma_start3A_130 = arith.constant 0 : i32
    %dma_start3A_131 = tpu.memref_slice %arg4[%dma_start3A_130, %multiple_of3A_114] : memref<32x1000000xf32, #tpu.memory_space<hbm>> -> memref<32x128xf32, #tpu.memory_space<hbm>>
    tpu.enqueue_dma source(%dma_start3A_131 : memref<32x128xf32, #tpu.memory_space<hbm>>) target(%dma_start3A_129 : memref<32x128xf32, #tpu.memory_space<vmem>>) target_semaphore(%arg12 : memref<!tpu.dma_semaphore, #tpu.memory_space<semaphore_mem>>)
    %dma_start3A_132 = arith.constant 0 : i32
    %dma_start3A_133 = arith.constant 3 : i32
    %dma_start3A_134 = arith.constant 0 : i32
    %dma_start3A_135 = arith.constant 0 : i32
    %dma_start3A_136 = tpu.memref_slice %arg10[%dma_start3A_132, %dma_start3A_133, %dma_start3A_134, %dma_start3A_135] : memref<3x4x32x128xf32, #tpu.memory_space<vmem>> -> memref<1x1x32x128xf32, #tpu.memory_space<vmem>>
    %dma_start3A_137 = tpu.memref_squeeze %dma_start3A_136 : memref<1x1x32x128xf32, #tpu.memory_space<vmem>> -> memref<32x128xf32, #tpu.memory_space<vmem>>
    %dma_start3A_138 = arith.constant 0 : i32
    %dma_start3A_139 = tpu.memref_slice %arg5[%dma_start3A_138, %multiple_of3A_117] : memref<32x1000000xf32, #tpu.memory_space<hbm>> -> memref<32x128xf32, #tpu.memory_space<hbm>>
    %dma_start3A_140 = arith.constant 0 : i32
    %dma_start3A_141 = arith.constant 0 : i32
    %dma_start3A_142 = tpu.memref_slice %arg10[%dma_start3A_132, %dma_start3A_133, %dma_start3A_140, %dma_start3A_141] : memref<3x4x32x128xf32, #tpu.memory_space<vmem>> -> memref<1x1x32x128xf32, #tpu.memory_space<vmem>>
    %dma_start3A_143 = tpu.memref_squeeze %dma_start3A_142 : memref<1x1x32x128xf32, #tpu.memory_space<vmem>> -> memref<32x128xf32, #tpu.memory_space<vmem>>
    %dma_start3A_144 = arith.constant 0 : i32
    %dma_start3A_145 = tpu.memref_slice %arg5[%dma_start3A_144, %multiple_of3A_117] : memref<32x1000000xf32, #tpu.memory_space<hbm>> -> memref<32x128xf32, #tpu.memory_space<hbm>>
    tpu.enqueue_dma source(%dma_start3A_145 : memref<32x128xf32, #tpu.memory_space<hbm>>) target(%dma_start3A_143 : memref<32x128xf32, #tpu.memory_space<vmem>>) target_semaphore(%arg12 : memref<!tpu.dma_semaphore, #tpu.memory_space<semaphore_mem>>)
    %get3A_146 = arith.constant 4 : index
    %get3A_147 = tpu.vector_load %arg7[%get3A_146] {strides = array<i32>} : memref<528xi32, #tpu.memory_space<vmem>>, vector<16xi32>,
    %get3A_148 = arith.constant 4 : index
    %get3A_149 = tpu.vector_load %arg8[%get3A_148] {strides = array<i32>} : memref<528xi32, #tpu.memory_space<vmem>>, vector<16xi32>,
    %and3A_150 = arith.constant -128 : i32
    %and3A_151 = vector.broadcast %and3A_150 : i32 to vector<16xi32>
    %and3A_152 = arith.andi %get3A_147, %and3A_151 : vector<16xi32>
    %and3A_153 = arith.constant -128 : i32
    %and3A_154 = vector.broadcast %and3A_153 : i32 to vector<16xi32>
    %and3A_155 = arith.andi %get3A_149, %and3A_154 : vector<16xi32>
    %slice3A_156 = vector.extract_strided_slice %and3A_152 {offsets = [0], sizes = [1], strides = [1]} : vector<16xi32> to vector<1xi32>
    %squeeze3A_157 = vector.extract %slice3A_156[0] : i32 from vector<1xi32>
    %multiple_of3A_158 = tpu.assume_multiple %squeeze3A_157, 128 : i32
    %slice3A_159 = vector.extract_strided_slice %and3A_155 {offsets = [0], sizes = [1], strides = [1]} : vector<16xi32> to vector<1xi32>
    %squeeze3A_160 = vector.extract %slice3A_159[0] : i32 from vector<1xi32>
    %multiple_of3A_161 = tpu.assume_multiple %squeeze3A_160, 128 : i32
    %dma_start3A_162 = arith.constant 1 : i32
    %dma_start3A_163 = arith.constant 0 : i32
    %dma_start3A_164 = arith.constant 0 : i32
    %dma_start3A_165 = arith.constant 0 : i32
    %dma_start3A_166 = tpu.memref_slice %arg9[%dma_start3A_162, %dma_start3A_163, %dma_start3A_164, %dma_start3A_165] : memref<3x4x32x128xf32, #tpu.memory_space<vmem>> -> memref<1x1x32x128xf32, #tpu.memory_space<vmem>>
    %dma_start3A_167 = tpu.memref_squeeze %dma_start3A_166 : memref<1x1x32x128xf32, #tpu.memory_space<vmem>> -> memref<32x128xf32, #tpu.memory_space<vmem>>
    %dma_start3A_168 = arith.constant 0 : i32
    %dma_start3A_169 = tpu.memref_slice %arg4[%dma_start3A_168, %multiple_of3A_158] : memref<32x1000000xf32, #tpu.memory_space<hbm>> -> memref<32x128xf32, #tpu.memory_space<hbm>>
    %dma_start3A_170 = arith.constant 0 : i32
    %dma_start3A_171 = arith.constant 0 : i32
    %dma_start3A_172 = tpu.memref_slice %arg9[%dma_start3A_162, %dma_start3A_163, %dma_start3A_170, %dma_start3A_171] : memref<3x4x32x128xf32, #tpu.memory_space<vmem>> -> memref<1x1x32x128xf32, #tpu.memory_space<vmem>>
    %dma_start3A_173 = tpu.memref_squeeze %dma_start3A_172 : memref<1x1x32x128xf32, #tpu.memory_space<vmem>> -> memref<32x128xf32, #tpu.memory_space<vmem>>
    %dma_start3A_174 = arith.constant 0 : i32
    %dma_start3A_175 = tpu.memref_slice %arg4[%dma_start3A_174, %multiple_of3A_158] : memref<32x1000000xf32, #tpu.memory_space<hbm>> -> memref<32x128xf32, #tpu.memory_space<hbm>>
    tpu.enqueue_dma source(%dma_start3A_175 : memref<32x128xf32, #tpu.memory_space<hbm>>) target(%dma_start3A_173 : memref<32x128xf32, #tpu.memory_space<vmem>>) target_semaphore(%arg13 : memref<!tpu.dma_semaphore, #tpu.memory_space<semaphore_mem>>)
    %dma_start3A_176 = arith.constant 1 : i32
    %dma_start3A_177 = arith.constant 0 : i32
    %dma_start3A_178 = arith.constant 0 : i32
    %dma_start3A_179 = arith.constant 0 : i32
    %dma_start3A_180 = tpu.memref_slice %arg10[%dma_start3A_176, %dma_start3A_177, %dma_start3A_178, %dma_start3A_179] : memref<3x4x32x128xf32, #tpu.memory_space<vmem>> -> memref<1x1x32x128xf32, #tpu.memory_space<vmem>>
    %dma_start3A_181 = tpu.memref_squeeze %dma_start3A_180 : memref<1x1x32x128xf32, #tpu.memory_space<vmem>> -> memref<32x128xf32, #tpu.memory_space<vmem>>
    %dma_start3A_182 = arith.constant 0 : i32
    %dma_start3A_183 = tpu.memref_slice %arg5[%dma_start3A_182, %multiple_of3A_161] : memref<32x1000000xf32, #tpu.memory_space<hbm>> -> memref<32x128xf32, #tpu.memory_space<hbm>>
    %dma_start3A_184 = arith.constant 0 : i32
    %dma_start3A_185 = arith.constant 0 : i32
    %dma_start3A_186 = tpu.memref_slice %arg10[%dma_start3A_176, %dma_start3A_177, %dma_start3A_184, %dma_start3A_185] : memref<3x4x32x128xf32, #tpu.memory_space<vmem>> -> memref<1x1x32x128xf32, #tpu.memory_space<vmem>>
    %dma_start3A_187 = tpu.memref_squeeze %dma_start3A_186 : memref<1x1x32x128xf32, #tpu.memory_space<vmem>> -> memref<32x128xf32, #tpu.memory_space<vmem>>
    %dma_start3A_188 = arith.constant 0 : i32
    %dma_start3A_189 = tpu.memref_slice %arg5[%dma_start3A_188, %multiple_of3A_161] : memref<32x1000000xf32, #tpu.memory_space<hbm>> -> memref<32x128xf32, #tpu.memory_space<hbm>>
    tpu.enqueue_dma source(%dma_start3A_189 : memref<32x128xf32, #tpu.memory_space<hbm>>) target(%dma_start3A_187 : memref<32x128xf32, #tpu.memory_space<vmem>>) target_semaphore(%arg13 : memref<!tpu.dma_semaphore, #tpu.memory_space<semaphore_mem>>)
    %slice3A_190 = vector.extract_strided_slice %and3A_152 {offsets = [1], sizes = [1], strides = [1]} : vector<16xi32> to vector<1xi32>
    %squeeze3A_191 = vector.extract %slice3A_190[0] : i32 from vector<1xi32>
    %multiple_of3A_192 = tpu.assume_multiple %squeeze3A_191, 128 : i32
    %slice3A_193 = vector.extract_strided_slice %and3A_155 {offsets = [1], sizes = [1], strides = [1]} : vector<16xi32> to vector<1xi32>
    %squeeze3A_194 = vector.extract %slice3A_193[0] : i32 from vector<1xi32>
    %multiple_of3A_195 = tpu.assume_multiple %squeeze3A_194, 128 : i32
    %dma_start3A_196 = arith.constant 1 : i32
    %dma_start3A_197 = arith.constant 1 : i32
    %dma_start3A_198 = arith.constant 0 : i32
    %dma_start3A_199 = arith.constant 0 : i32
    %dma_start3A_200 = tpu.memref_slice %arg9[%dma_start3A_196, %dma_start3A_197, %dma_start3A_198, %dma_start3A_199] : memref<3x4x32x128xf32, #tpu.memory_space<vmem>> -> memref<1x1x32x128xf32, #tpu.memory_space<vmem>>
    %dma_start3A_201 = tpu.memref_squeeze %dma_start3A_200 : memref<1x1x32x128xf32, #tpu.memory_space<vmem>> -> memref<32x128xf32, #tpu.memory_space<vmem>>
    %dma_start3A_202 = arith.constant 0 : i32
    %dma_start3A_203 = tpu.memref_slice %arg4[%dma_start3A_202, %multiple_of3A_192] : memref<32x1000000xf32, #tpu.memory_space<hbm>> -> memref<32x128xf32, #tpu.memory_space<hbm>>
    %dma_start3A_204 = arith.constant 0 : i32
    %dma_start3A_205 = arith.constant 0 : i32
    %dma_start3A_206 = tpu.memref_slice %arg9[%dma_start3A_196, %dma_start3A_197, %dma_start3A_204, %dma_start3A_205] : memref<3x4x32x128xf32, #tpu.memory_space<vmem>> -> memref<1x1x32x128xf32, #tpu.memory_space<vmem>>
    %dma_start3A_207 = tpu.memref_squeeze %dma_start3A_206 : memref<1x1x32x128xf32, #tpu.memory_space<vmem>> -> memref<32x128xf32, #tpu.memory_space<vmem>>
    %dma_start3A_208 = arith.constant 0 : i32
    %dma_start3A_209 = tpu.memref_slice %arg4[%dma_start3A_208, %multiple_of3A_192] : memref<32x1000000xf32, #tpu.memory_space<hbm>> -> memref<32x128xf32, #tpu.memory_space<hbm>>
    tpu.enqueue_dma source(%dma_start3A_209 : memref<32x128xf32, #tpu.memory_space<hbm>>) target(%dma_start3A_207 : memref<32x128xf32, #tpu.memory_space<vmem>>) target_semaphore(%arg13 : memref<!tpu.dma_semaphore, #tpu.memory_space<semaphore_mem>>)
    %dma_start3A_210 = arith.constant 1 : i32
    %dma_start3A_211 = arith.constant 1 : i32
    %dma_start3A_212 = arith.constant 0 : i32
    %dma_start3A_213 = arith.constant 0 : i32
    %dma_start3A_214 = tpu.memref_slice %arg10[%dma_start3A_210, %dma_start3A_211, %dma_start3A_212, %dma_start3A_213] : memref<3x4x32x128xf32, #tpu.memory_space<vmem>> -> memref<1x1x32x128xf32, #tpu.memory_space<vmem>>
    %dma_start3A_215 = tpu.memref_squeeze %dma_start3A_214 : memref<1x1x32x128xf32, #tpu.memory_space<vmem>> -> memref<32x128xf32, #tpu.memory_space<vmem>>
    %dma_start3A_216 = arith.constant 0 : i32
    %dma_start3A_217 = tpu.memref_slice %arg5[%dma_start3A_216, %multiple_of3A_195] : memref<32x1000000xf32, #tpu.memory_space<hbm>> -> memref<32x128xf32, #tpu.memory_space<hbm>>
    %dma_start3A_218 = arith.constant 0 : i32
    %dma_start3A_219 = arith.constant 0 : i32
    %dma_start3A_220 = tpu.memref_slice %arg10[%dma_start3A_210, %dma_start3A_211, %dma_start3A_218, %dma_start3A_219] : memref<3x4x32x128xf32, #tpu.memory_space<vmem>> -> memref<1x1x32x128xf32, #tpu.memory_space<vmem>>
    %dma_start3A_221 = tpu.memref_squeeze %dma_start3A_220 : memref<1x1x32x128xf32, #tpu.memory_space<vmem>> -> memref<32x128xf32, #tpu.memory_space<vmem>>
    %dma_start3A_222 = arith.constant 0 : i32
    %dma_start3A_223 = tpu.memref_slice %arg5[%dma_start3A_222, %multiple_of3A_195] : memref<32x1000000xf32, #tpu.memory_space<hbm>> -> memref<32x128xf32, #tpu.memory_space<hbm>>
    tpu.enqueue_dma source(%dma_start3A_223 : memref<32x128xf32, #tpu.memory_space<hbm>>) target(%dma_start3A_221 : memref<32x128xf32, #tpu.memory_space<vmem>>) target_semaphore(%arg13 : memref<!tpu.dma_semaphore, #tpu.memory_space<semaphore_mem>>)
    %slice3A_224 = vector.extract_strided_slice %and3A_152 {offsets = [2], sizes = [1], strides = [1]} : vector<16xi32> to vector<1xi32>
    %squeeze3A_225 = vector.extract %slice3A_224[0] : i32 from vector<1xi32>
    %multiple_of3A_226 = tpu.assume_multiple %squeeze3A_225, 128 : i32
    %slice3A_227 = vector.extract_strided_slice %and3A_155 {offsets = [2], sizes = [1], strides = [1]} : vector<16xi32> to vector<1xi32>
    %squeeze3A_228 = vector.extract %slice3A_227[0] : i32 from vector<1xi32>
    %multiple_of3A_229 = tpu.assume_multiple %squeeze3A_228, 128 : i32
    %dma_start3A_230 = arith.constant 1 : i32
    %dma_start3A_231 = arith.constant 2 : i32
    %dma_start3A_232 = arith.constant 0 : i32
    %dma_start3A_233 = arith.constant 0 : i32
    %dma_start3A_234 = tpu.memref_slice %arg9[%dma_start3A_230, %dma_start3A_231, %dma_start3A_232, %dma_start3A_233] : memref<3x4x32x128xf32, #tpu.memory_space<vmem>> -> memref<1x1x32x128xf32, #tpu.memory_space<vmem>>
    %dma_start3A_235 = tpu.memref_squeeze %dma_start3A_234 : memref<1x1x32x128xf32, #tpu.memory_space<vmem>> -> memref<32x128xf32, #tpu.memory_space<vmem>>
    %dma_start3A_236 = arith.constant 0 : i32
    %dma_start3A_237 = tpu.memref_slice %arg4[%dma_start3A_236, %multiple_of3A_226] : memref<32x1000000xf32, #tpu.memory_space<hbm>> -> memref<32x128xf32, #tpu.memory_space<hbm>>
    %dma_start3A_238 = arith.constant 0 : i32
    %dma_start3A_239 = arith.constant 0 : i32
    %dma_start3A_240 = tpu.memref_slice %arg9[%dma_start3A_230, %dma_start3A_231, %dma_start3A_238, %dma_start3A_239] : memref<3x4x32x128xf32, #tpu.memory_space<vmem>> -> memref<1x1x32x128xf32, #tpu.memory_space<vmem>>
    %dma_start3A_241 = tpu.memref_squeeze %dma_start3A_240 : memref<1x1x32x128xf32, #tpu.memory_space<vmem>> -> memref<32x128xf32, #tpu.memory_space<vmem>>
    %dma_start3A_242 = arith.constant 0 : i32
    %dma_start3A_243 = tpu.memref_slice %arg4[%dma_start3A_242, %multiple_of3A_226] : memref<32x1000000xf32, #tpu.memory_space<hbm>> -> memref<32x128xf32, #tpu.memory_space<hbm>>
    tpu.enqueue_dma source(%dma_start3A_243 : memref<32x128xf32, #tpu.memory_space<hbm>>) target(%dma_start3A_241 : memref<32x128xf32, #tpu.memory_space<vmem>>) target_semaphore(%arg13 : memref<!tpu.dma_semaphore, #tpu.memory_space<semaphore_mem>>)
    %dma_start3A_244 = arith.constant 1 : i32
    %dma_start3A_245 = arith.constant 2 : i32
    %dma_start3A_246 = arith.constant 0 : i32
    %dma_start3A_247 = arith.constant 0 : i32
    %dma_start3A_248 = tpu.memref_slice %arg10[%dma_start3A_244, %dma_start3A_245, %dma_start3A_246, %dma_start3A_247] : memref<3x4x32x128xf32, #tpu.memory_space<vmem>> -> memref<1x1x32x128xf32, #tpu.memory_space<vmem>>
    %dma_start3A_249 = tpu.memref_squeeze %dma_start3A_248 : memref<1x1x32x128xf32, #tpu.memory_space<vmem>> -> memref<32x128xf32, #tpu.memory_space<vmem>>
    %dma_start3A_250 = arith.constant 0 : i32
    %dma_start3A_251 = tpu.memref_slice %arg5[%dma_start3A_250, %multiple_of3A_229] : memref<32x1000000xf32, #tpu.memory_space<hbm>> -> memref<32x128xf32, #tpu.memory_space<hbm>>
    %dma_start3A_252 = arith.constant 0 : i32
    %dma_start3A_253 = arith.constant 0 : i32
    %dma_start3A_254 = tpu.memref_slice %arg10[%dma_start3A_244, %dma_start3A_245, %dma_start3A_252, %dma_start3A_253] : memref<3x4x32x128xf32, #tpu.memory_space<vmem>> -> memref<1x1x32x128xf32, #tpu.memory_space<vmem>>
    %dma_start3A_255 = tpu.memref_squeeze %dma_start3A_254 : memref<1x1x32x128xf32, #tpu.memory_space<vmem>> -> memref<32x128xf32, #tpu.memory_space<vmem>>
    %dma_start3A_256 = arith.constant 0 : i32
    %dma_start3A_257 = tpu.memref_slice %arg5[%dma_start3A_256, %multiple_of3A_229] : memref<32x1000000xf32, #tpu.memory_space<hbm>> -> memref<32x128xf32, #tpu.memory_space<hbm>>
    tpu.enqueue_dma source(%dma_start3A_257 : memref<32x128xf32, #tpu.memory_space<hbm>>) target(%dma_start3A_255 : memref<32x128xf32, #tpu.memory_space<vmem>>) target_semaphore(%arg13 : memref<!tpu.dma_semaphore, #tpu.memory_space<semaphore_mem>>)
    %slice3A_258 = vector.extract_strided_slice %and3A_152 {offsets = [3], sizes = [1], strides = [1]} : vector<16xi32> to vector<1xi32>
    %squeeze3A_259 = vector.extract %slice3A_258[0] : i32 from vector<1xi32>
    %multiple_of3A_260 = tpu.assume_multiple %squeeze3A_259, 128 : i32
    %slice3A_261 = vector.extract_strided_slice %and3A_155 {offsets = [3], sizes = [1], strides = [1]} : vector<16xi32> to vector<1xi32>
    %squeeze3A_262 = vector.extract %slice3A_261[0] : i32 from vector<1xi32>
    %multiple_of3A_263 = tpu.assume_multiple %squeeze3A_262, 128 : i32
    %dma_start3A_264 = arith.constant 1 : i32
    %dma_start3A_265 = arith.constant 3 : i32
    %dma_start3A_266 = arith.constant 0 : i32
    %dma_start3A_267 = arith.constant 0 : i32
    %dma_start3A_268 = tpu.memref_slice %arg9[%dma_start3A_264, %dma_start3A_265, %dma_start3A_266, %dma_start3A_267] : memref<3x4x32x128xf32, #tpu.memory_space<vmem>> -> memref<1x1x32x128xf32, #tpu.memory_space<vmem>>
    %dma_start3A_269 = tpu.memref_squeeze %dma_start3A_268 : memref<1x1x32x128xf32, #tpu.memory_space<vmem>> -> memref<32x128xf32, #tpu.memory_space<vmem>>
    %dma_start3A_270 = arith.constant 0 : i32
    %dma_start3A_271 = tpu.memref_slice %arg4[%dma_start3A_270, %multiple_of3A_260] : memref<32x1000000xf32, #tpu.memory_space<hbm>> -> memref<32x128xf32, #tpu.memory_space<hbm>>
    %dma_start3A_272 = arith.constant 0 : i32
    %dma_start3A_273 = arith.constant 0 : i32
    %dma_start3A_274 = tpu.memref_slice %arg9[%dma_start3A_264, %dma_start3A_265, %dma_start3A_272, %dma_start3A_273] : memref<3x4x32x128xf32, #tpu.memory_space<vmem>> -> memref<1x1x32x128xf32, #tpu.memory_space<vmem>>
    %dma_start3A_275 = tpu.memref_squeeze %dma_start3A_274 : memref<1x1x32x128xf32, #tpu.memory_space<vmem>> -> memref<32x128xf32, #tpu.memory_space<vmem>>
    %dma_start3A_276 = arith.constant 0 : i32
    %dma_start3A_277 = tpu.memref_slice %arg4[%dma_start3A_276, %multiple_of3A_260] : memref<32x1000000xf32, #tpu.memory_space<hbm>> -> memref<32x128xf32, #tpu.memory_space<hbm>>
    tpu.enqueue_dma source(%dma_start3A_277 : memref<32x128xf32, #tpu.memory_space<hbm>>) target(%dma_start3A_275 : memref<32x128xf32, #tpu.memory_space<vmem>>) target_semaphore(%arg13 : memref<!tpu.dma_semaphore, #tpu.memory_space<semaphore_mem>>)
    %dma_start3A_278 = arith.constant 1 : i32
    %dma_start3A_279 = arith.constant 3 : i32
    %dma_start3A_280 = arith.constant 0 : i32
    %dma_start3A_281 = arith.constant 0 : i32
    %dma_start3A_282 = tpu.memref_slice %arg10[%dma_start3A_278, %dma_start3A_279, %dma_start3A_280, %dma_start3A_281] : memref<3x4x32x128xf32, #tpu.memory_space<vmem>> -> memref<1x1x32x128xf32, #tpu.memory_space<vmem>>
    %dma_start3A_283 = tpu.memref_squeeze %dma_start3A_282 : memref<1x1x32x128xf32, #tpu.memory_space<vmem>> -> memref<32x128xf32, #tpu.memory_space<vmem>>
    %dma_start3A_284 = arith.constant 0 : i32
    %dma_start3A_285 = tpu.memref_slice %arg5[%dma_start3A_284, %multiple_of3A_263] : memref<32x1000000xf32, #tpu.memory_space<hbm>> -> memref<32x128xf32, #tpu.memory_space<hbm>>
    %dma_start3A_286 = arith.constant 0 : i32
    %dma_start3A_287 = arith.constant 0 : i32
    %dma_start3A_288 = tpu.memref_slice %arg10[%dma_start3A_278, %dma_start3A_279, %dma_start3A_286, %dma_start3A_287] : memref<3x4x32x128xf32, #tpu.memory_space<vmem>> -> memref<1x1x32x128xf32, #tpu.memory_space<vmem>>
    %dma_start3A_289 = tpu.memref_squeeze %dma_start3A_288 : memref<1x1x32x128xf32, #tpu.memory_space<vmem>> -> memref<32x128xf32, #tpu.memory_space<vmem>>
    %dma_start3A_290 = arith.constant 0 : i32
    %dma_start3A_291 = tpu.memref_slice %arg5[%dma_start3A_290, %multiple_of3A_263] : memref<32x1000000xf32, #tpu.memory_space<hbm>> -> memref<32x128xf32, #tpu.memory_space<hbm>>
    tpu.enqueue_dma source(%dma_start3A_291 : memref<32x128xf32, #tpu.memory_space<hbm>>) target(%dma_start3A_289 : memref<32x128xf32, #tpu.memory_space<vmem>>) target_semaphore(%arg13 : memref<!tpu.dma_semaphore, #tpu.memory_space<semaphore_mem>>)
    %broadcast_in_dim3A = arith.constant 0.000000e+00 : f32
    %broadcast_in_dim3A_292 = vector.broadcast %broadcast_in_dim3A : f32 to vector<16xf32>
    %scan3A = arith.constant 0 : i32
    %scan3A_293 = arith.constant 42 : i32
    %scan3A_294 = arith.addi %scan3A, %scan3A_293 : i32
    %scan3A_295 = arith.constant 1 : i32
    %scan3A_296 = scf.for %scan3A_983 = %scan3A to %scan3A_294 step %scan3A_295 iter_args(%scan3A_984 = %broadcast_in_dim3A_292) -> (vector<16xf32>)  : i32 {
      %mul3A_985 = arith.constant 3 : i32
      %mul3A_986 = arith.muli %mul3A_985, %scan3A_983 : i32
      %add3A_987 = arith.constant 2 : i32
      %add3A_988 = arith.addi %mul3A_986, %add3A_987 : i32
      %mul3A_989 = arith.constant 4 : i32
      %mul3A_990 = arith.muli %add3A_988, %mul3A_989 : i32
      %get3A_991 = arith.index_cast %mul3A_990 : i32 to index
      %get3A_992 = tpu.vector_load %arg7[%get3A_991] {strides = array<i32>} : memref<528xi32, #tpu.memory_space<vmem>>, vector<16xi32>,
      %get3A_993 = arith.index_cast %mul3A_990 : i32 to index
      %get3A_994 = tpu.vector_load %arg8[%get3A_993] {strides = array<i32>} : memref<528xi32, #tpu.memory_space<vmem>>, vector<16xi32>,
      %and3A_995 = arith.constant -128 : i32
      %and3A_996 = vector.broadcast %and3A_995 : i32 to vector<16xi32>
      %and3A_997 = arith.andi %get3A_992, %and3A_996 : vector<16xi32>
      %and3A_998 = arith.constant -128 : i32
      %and3A_999 = vector.broadcast %and3A_998 : i32 to vector<16xi32>
      %and3A_1000 = arith.andi %get3A_994, %and3A_999 : vector<16xi32>
      %slice3A_1001 = vector.extract_strided_slice %and3A_997 {offsets = [0], sizes = [1], strides = [1]} : vector<16xi32> to vector<1xi32>
      %squeeze3A_1002 = vector.extract %slice3A_1001[0] : i32 from vector<1xi32>
      %multiple_of3A_1003 = tpu.assume_multiple %squeeze3A_1002, 128 : i32
      %slice3A_1004 = vector.extract_strided_slice %and3A_1000 {offsets = [0], sizes = [1], strides = [1]} : vector<16xi32> to vector<1xi32>
      %squeeze3A_1005 = vector.extract %slice3A_1004[0] : i32 from vector<1xi32>
      %multiple_of3A_1006 = tpu.assume_multiple %squeeze3A_1005, 128 : i32
      %dma_start3A_1007 = arith.constant 2 : i32
      %dma_start3A_1008 = arith.constant 0 : i32
      %dma_start3A_1009 = arith.constant 0 : i32
      %dma_start3A_1010 = arith.constant 0 : i32
      %dma_start3A_1011 = tpu.memref_slice %arg9[%dma_start3A_1007, %dma_start3A_1008, %dma_start3A_1009, %dma_start3A_1010] : memref<3x4x32x128xf32, #tpu.memory_space<vmem>> -> memref<1x1x32x128xf32, #tpu.memory_space<vmem>>
      %dma_start3A_1012 = tpu.memref_squeeze %dma_start3A_1011 : memref<1x1x32x128xf32, #tpu.memory_space<vmem>> -> memref<32x128xf32, #tpu.memory_space<vmem>>
      %dma_start3A_1013 = arith.constant 0 : i32
      %dma_start3A_1014 = tpu.memref_slice %arg4[%dma_start3A_1013, %multiple_of3A_1003] : memref<32x1000000xf32, #tpu.memory_space<hbm>> -> memref<32x128xf32, #tpu.memory_space<hbm>>
      %dma_start3A_1015 = arith.constant 0 : i32
      %dma_start3A_1016 = arith.constant 0 : i32
      %dma_start3A_1017 = tpu.memref_slice %arg9[%dma_start3A_1007, %dma_start3A_1008, %dma_start3A_1015, %dma_start3A_1016] : memref<3x4x32x128xf32, #tpu.memory_space<vmem>> -> memref<1x1x32x128xf32, #tpu.memory_space<vmem>>
      %dma_start3A_1018 = tpu.memref_squeeze %dma_start3A_1017 : memref<1x1x32x128xf32, #tpu.memory_space<vmem>> -> memref<32x128xf32, #tpu.memory_space<vmem>>
      %dma_start3A_1019 = arith.constant 0 : i32
      %dma_start3A_1020 = tpu.memref_slice %arg4[%dma_start3A_1019, %multiple_of3A_1003] : memref<32x1000000xf32, #tpu.memory_space<hbm>> -> memref<32x128xf32, #tpu.memory_space<hbm>>
      tpu.enqueue_dma source(%dma_start3A_1020 : memref<32x128xf32, #tpu.memory_space<hbm>>) target(%dma_start3A_1018 : memref<32x128xf32, #tpu.memory_space<vmem>>) target_semaphore(%arg14 : memref<!tpu.dma_semaphore, #tpu.memory_space<semaphore_mem>>)
      %dma_start3A_1021 = arith.constant 2 : i32
      %dma_start3A_1022 = arith.constant 0 : i32
      %dma_start3A_1023 = arith.constant 0 : i32
      %dma_start3A_1024 = arith.constant 0 : i32
      %dma_start3A_1025 = tpu.memref_slice %arg10[%dma_start3A_1021, %dma_start3A_1022, %dma_start3A_1023, %dma_start3A_1024] : memref<3x4x32x128xf32, #tpu.memory_space<vmem>> -> memref<1x1x32x128xf32, #tpu.memory_space<vmem>>
      %dma_start3A_1026 = tpu.memref_squeeze %dma_start3A_1025 : memref<1x1x32x128xf32, #tpu.memory_space<vmem>> -> memref<32x128xf32, #tpu.memory_space<vmem>>
      %dma_start3A_1027 = arith.constant 0 : i32
      %dma_start3A_1028 = tpu.memref_slice %arg5[%dma_start3A_1027, %multiple_of3A_1006] : memref<32x1000000xf32, #tpu.memory_space<hbm>> -> memref<32x128xf32, #tpu.memory_space<hbm>>
      %dma_start3A_1029 = arith.constant 0 : i32
      %dma_start3A_1030 = arith.constant 0 : i32
      %dma_start3A_1031 = tpu.memref_slice %arg10[%dma_start3A_1021, %dma_start3A_1022, %dma_start3A_1029, %dma_start3A_1030] : memref<3x4x32x128xf32, #tpu.memory_space<vmem>> -> memref<1x1x32x128xf32, #tpu.memory_space<vmem>>
      %dma_start3A_1032 = tpu.memref_squeeze %dma_start3A_1031 : memref<1x1x32x128xf32, #tpu.memory_space<vmem>> -> memref<32x128xf32, #tpu.memory_space<vmem>>
      %dma_start3A_1033 = arith.constant 0 : i32
      %dma_start3A_1034 = tpu.memref_slice %arg5[%dma_start3A_1033, %multiple_of3A_1006] : memref<32x1000000xf32, #tpu.memory_space<hbm>> -> memref<32x128xf32, #tpu.memory_space<hbm>>
      tpu.enqueue_dma source(%dma_start3A_1034 : memref<32x128xf32, #tpu.memory_space<hbm>>) target(%dma_start3A_1032 : memref<32x128xf32, #tpu.memory_space<vmem>>) target_semaphore(%arg14 : memref<!tpu.dma_semaphore, #tpu.memory_space<semaphore_mem>>)
      %slice3A_1035 = vector.extract_strided_slice %and3A_997 {offsets = [1], sizes = [1], strides = [1]} : vector<16xi32> to vector<1xi32>
      %squeeze3A_1036 = vector.extract %slice3A_1035[0] : i32 from vector<1xi32>
      %multiple_of3A_1037 = tpu.assume_multiple %squeeze3A_1036, 128 : i32
      %slice3A_1038 = vector.extract_strided_slice %and3A_1000 {offsets = [1], sizes = [1], strides = [1]} : vector<16xi32> to vector<1xi32>
      %squeeze3A_1039 = vector.extract %slice3A_1038[0] : i32 from vector<1xi32>
      %multiple_of3A_1040 = tpu.assume_multiple %squeeze3A_1039, 128 : i32
      %dma_start3A_1041 = arith.constant 2 : i32
      %dma_start3A_1042 = arith.constant 1 : i32
      %dma_start3A_1043 = arith.constant 0 : i32
      %dma_start3A_1044 = arith.constant 0 : i32
      %dma_start3A_1045 = tpu.memref_slice %arg9[%dma_start3A_1041, %dma_start3A_1042, %dma_start3A_1043, %dma_start3A_1044] : memref<3x4x32x128xf32, #tpu.memory_space<vmem>> -> memref<1x1x32x128xf32, #tpu.memory_space<vmem>>
      %dma_start3A_1046 = tpu.memref_squeeze %dma_start3A_1045 : memref<1x1x32x128xf32, #tpu.memory_space<vmem>> -> memref<32x128xf32, #tpu.memory_space<vmem>>
      %dma_start3A_1047 = arith.constant 0 : i32
      %dma_start3A_1048 = tpu.memref_slice %arg4[%dma_start3A_1047, %multiple_of3A_1037] : memref<32x1000000xf32, #tpu.memory_space<hbm>> -> memref<32x128xf32, #tpu.memory_space<hbm>>
      %dma_start3A_1049 = arith.constant 0 : i32
      %dma_start3A_1050 = arith.constant 0 : i32
      %dma_start3A_1051 = tpu.memref_slice %arg9[%dma_start3A_1041, %dma_start3A_1042, %dma_start3A_1049, %dma_start3A_1050] : memref<3x4x32x128xf32, #tpu.memory_space<vmem>> -> memref<1x1x32x128xf32, #tpu.memory_space<vmem>>
      %dma_start3A_1052 = tpu.memref_squeeze %dma_start3A_1051 : memref<1x1x32x128xf32, #tpu.memory_space<vmem>> -> memref<32x128xf32, #tpu.memory_space<vmem>>
      %dma_start3A_1053 = arith.constant 0 : i32
      %dma_start3A_1054 = tpu.memref_slice %arg4[%dma_start3A_1053, %multiple_of3A_1037] : memref<32x1000000xf32, #tpu.memory_space<hbm>> -> memref<32x128xf32, #tpu.memory_space<hbm>>
      tpu.enqueue_dma source(%dma_start3A_1054 : memref<32x128xf32, #tpu.memory_space<hbm>>) target(%dma_start3A_1052 : memref<32x128xf32, #tpu.memory_space<vmem>>) target_semaphore(%arg14 : memref<!tpu.dma_semaphore, #tpu.memory_space<semaphore_mem>>)
      %dma_start3A_1055 = arith.constant 2 : i32
      %dma_start3A_1056 = arith.constant 1 : i32
      %dma_start3A_1057 = arith.constant 0 : i32
      %dma_start3A_1058 = arith.constant 0 : i32
      %dma_start3A_1059 = tpu.memref_slice %arg10[%dma_start3A_1055, %dma_start3A_1056, %dma_start3A_1057, %dma_start3A_1058] : memref<3x4x32x128xf32, #tpu.memory_space<vmem>> -> memref<1x1x32x128xf32, #tpu.memory_space<vmem>>
      %dma_start3A_1060 = tpu.memref_squeeze %dma_start3A_1059 : memref<1x1x32x128xf32, #tpu.memory_space<vmem>> -> memref<32x128xf32, #tpu.memory_space<vmem>>
      %dma_start3A_1061 = arith.constant 0 : i32
      %dma_start3A_1062 = tpu.memref_slice %arg5[%dma_start3A_1061, %multiple_of3A_1040] : memref<32x1000000xf32, #tpu.memory_space<hbm>> -> memref<32x128xf32, #tpu.memory_space<hbm>>
      %dma_start3A_1063 = arith.constant 0 : i32
      %dma_start3A_1064 = arith.constant 0 : i32
      %dma_start3A_1065 = tpu.memref_slice %arg10[%dma_start3A_1055, %dma_start3A_1056, %dma_start3A_1063, %dma_start3A_1064] : memref<3x4x32x128xf32, #tpu.memory_space<vmem>> -> memref<1x1x32x128xf32, #tpu.memory_space<vmem>>
      %dma_start3A_1066 = tpu.memref_squeeze %dma_start3A_1065 : memref<1x1x32x128xf32, #tpu.memory_space<vmem>> -> memref<32x128xf32, #tpu.memory_space<vmem>>
      %dma_start3A_1067 = arith.constant 0 : i32
      %dma_start3A_1068 = tpu.memref_slice %arg5[%dma_start3A_1067, %multiple_of3A_1040] : memref<32x1000000xf32, #tpu.memory_space<hbm>> -> memref<32x128xf32, #tpu.memory_space<hbm>>
      tpu.enqueue_dma source(%dma_start3A_1068 : memref<32x128xf32, #tpu.memory_space<hbm>>) target(%dma_start3A_1066 : memref<32x128xf32, #tpu.memory_space<vmem>>) target_semaphore(%arg14 : memref<!tpu.dma_semaphore, #tpu.memory_space<semaphore_mem>>)
      %slice3A_1069 = vector.extract_strided_slice %and3A_997 {offsets = [2], sizes = [1], strides = [1]} : vector<16xi32> to vector<1xi32>
      %squeeze3A_1070 = vector.extract %slice3A_1069[0] : i32 from vector<1xi32>
      %multiple_of3A_1071 = tpu.assume_multiple %squeeze3A_1070, 128 : i32
      %slice3A_1072 = vector.extract_strided_slice %and3A_1000 {offsets = [2], sizes = [1], strides = [1]} : vector<16xi32> to vector<1xi32>
      %squeeze3A_1073 = vector.extract %slice3A_1072[0] : i32 from vector<1xi32>
      %multiple_of3A_1074 = tpu.assume_multiple %squeeze3A_1073, 128 : i32
      %dma_start3A_1075 = arith.constant 2 : i32
      %dma_start3A_1076 = arith.constant 2 : i32
      %dma_start3A_1077 = arith.constant 0 : i32
      %dma_start3A_1078 = arith.constant 0 : i32
      %dma_start3A_1079 = tpu.memref_slice %arg9[%dma_start3A_1075, %dma_start3A_1076, %dma_start3A_1077, %dma_start3A_1078] : memref<3x4x32x128xf32, #tpu.memory_space<vmem>> -> memref<1x1x32x128xf32, #tpu.memory_space<vmem>>
      %dma_start3A_1080 = tpu.memref_squeeze %dma_start3A_1079 : memref<1x1x32x128xf32, #tpu.memory_space<vmem>> -> memref<32x128xf32, #tpu.memory_space<vmem>>
      %dma_start3A_1081 = arith.constant 0 : i32
      %dma_start3A_1082 = tpu.memref_slice %arg4[%dma_start3A_1081, %multiple_of3A_1071] : memref<32x1000000xf32, #tpu.memory_space<hbm>> -> memref<32x128xf32, #tpu.memory_space<hbm>>
      %dma_start3A_1083 = arith.constant 0 : i32
      %dma_start3A_1084 = arith.constant 0 : i32
      %dma_start3A_1085 = tpu.memref_slice %arg9[%dma_start3A_1075, %dma_start3A_1076, %dma_start3A_1083, %dma_start3A_1084] : memref<3x4x32x128xf32, #tpu.memory_space<vmem>> -> memref<1x1x32x128xf32, #tpu.memory_space<vmem>>
      %dma_start3A_1086 = tpu.memref_squeeze %dma_start3A_1085 : memref<1x1x32x128xf32, #tpu.memory_space<vmem>> -> memref<32x128xf32, #tpu.memory_space<vmem>>
      %dma_start3A_1087 = arith.constant 0 : i32
      %dma_start3A_1088 = tpu.memref_slice %arg4[%dma_start3A_1087, %multiple_of3A_1071] : memref<32x1000000xf32, #tpu.memory_space<hbm>> -> memref<32x128xf32, #tpu.memory_space<hbm>>
      tpu.enqueue_dma source(%dma_start3A_1088 : memref<32x128xf32, #tpu.memory_space<hbm>>) target(%dma_start3A_1086 : memref<32x128xf32, #tpu.memory_space<vmem>>) target_semaphore(%arg14 : memref<!tpu.dma_semaphore, #tpu.memory_space<semaphore_mem>>)
      %dma_start3A_1089 = arith.constant 2 : i32
      %dma_start3A_1090 = arith.constant 2 : i32
      %dma_start3A_1091 = arith.constant 0 : i32
      %dma_start3A_1092 = arith.constant 0 : i32
      %dma_start3A_1093 = tpu.memref_slice %arg10[%dma_start3A_1089, %dma_start3A_1090, %dma_start3A_1091, %dma_start3A_1092] : memref<3x4x32x128xf32, #tpu.memory_space<vmem>> -> memref<1x1x32x128xf32, #tpu.memory_space<vmem>>
      %dma_start3A_1094 = tpu.memref_squeeze %dma_start3A_1093 : memref<1x1x32x128xf32, #tpu.memory_space<vmem>> -> memref<32x128xf32, #tpu.memory_space<vmem>>
      %dma_start3A_1095 = arith.constant 0 : i32
      %dma_start3A_1096 = tpu.memref_slice %arg5[%dma_start3A_1095, %multiple_of3A_1074] : memref<32x1000000xf32, #tpu.memory_space<hbm>> -> memref<32x128xf32, #tpu.memory_space<hbm>>
      %dma_start3A_1097 = arith.constant 0 : i32
      %dma_start3A_1098 = arith.constant 0 : i32
      %dma_start3A_1099 = tpu.memref_slice %arg10[%dma_start3A_1089, %dma_start3A_1090, %dma_start3A_1097, %dma_start3A_1098] : memref<3x4x32x128xf32, #tpu.memory_space<vmem>> -> memref<1x1x32x128xf32, #tpu.memory_space<vmem>>
      %dma_start3A_1100 = tpu.memref_squeeze %dma_start3A_1099 : memref<1x1x32x128xf32, #tpu.memory_space<vmem>> -> memref<32x128xf32, #tpu.memory_space<vmem>>
      %dma_start3A_1101 = arith.constant 0 : i32
      %dma_start3A_1102 = tpu.memref_slice %arg5[%dma_start3A_1101, %multiple_of3A_1074] : memref<32x1000000xf32, #tpu.memory_space<hbm>> -> memref<32x128xf32, #tpu.memory_space<hbm>>
      tpu.enqueue_dma source(%dma_start3A_1102 : memref<32x128xf32, #tpu.memory_space<hbm>>) target(%dma_start3A_1100 : memref<32x128xf32, #tpu.memory_space<vmem>>) target_semaphore(%arg14 : memref<!tpu.dma_semaphore, #tpu.memory_space<semaphore_mem>>)
      %slice3A_1103 = vector.extract_strided_slice %and3A_997 {offsets = [3], sizes = [1], strides = [1]} : vector<16xi32> to vector<1xi32>
      %squeeze3A_1104 = vector.extract %slice3A_1103[0] : i32 from vector<1xi32>
      %multiple_of3A_1105 = tpu.assume_multiple %squeeze3A_1104, 128 : i32
      %slice3A_1106 = vector.extract_strided_slice %and3A_1000 {offsets = [3], sizes = [1], strides = [1]} : vector<16xi32> to vector<1xi32>
      %squeeze3A_1107 = vector.extract %slice3A_1106[0] : i32 from vector<1xi32>
      %multiple_of3A_1108 = tpu.assume_multiple %squeeze3A_1107, 128 : i32
      %dma_start3A_1109 = arith.constant 2 : i32
      %dma_start3A_1110 = arith.constant 3 : i32
      %dma_start3A_1111 = arith.constant 0 : i32
      %dma_start3A_1112 = arith.constant 0 : i32
      %dma_start3A_1113 = tpu.memref_slice %arg9[%dma_start3A_1109, %dma_start3A_1110, %dma_start3A_1111, %dma_start3A_1112] : memref<3x4x32x128xf32, #tpu.memory_space<vmem>> -> memref<1x1x32x128xf32, #tpu.memory_space<vmem>>
      %dma_start3A_1114 = tpu.memref_squeeze %dma_start3A_1113 : memref<1x1x32x128xf32, #tpu.memory_space<vmem>> -> memref<32x128xf32, #tpu.memory_space<vmem>>
      %dma_start3A_1115 = arith.constant 0 : i32
      %dma_start3A_1116 = tpu.memref_slice %arg4[%dma_start3A_1115, %multiple_of3A_1105] : memref<32x1000000xf32, #tpu.memory_space<hbm>> -> memref<32x128xf32, #tpu.memory_space<hbm>>
      %dma_start3A_1117 = arith.constant 0 : i32
      %dma_start3A_1118 = arith.constant 0 : i32
      %dma_start3A_1119 = tpu.memref_slice %arg9[%dma_start3A_1109, %dma_start3A_1110, %dma_start3A_1117, %dma_start3A_1118] : memref<3x4x32x128xf32, #tpu.memory_space<vmem>> -> memref<1x1x32x128xf32, #tpu.memory_space<vmem>>
      %dma_start3A_1120 = tpu.memref_squeeze %dma_start3A_1119 : memref<1x1x32x128xf32, #tpu.memory_space<vmem>> -> memref<32x128xf32, #tpu.memory_space<vmem>>
      %dma_start3A_1121 = arith.constant 0 : i32
      %dma_start3A_1122 = tpu.memref_slice %arg4[%dma_start3A_1121, %multiple_of3A_1105] : memref<32x1000000xf32, #tpu.memory_space<hbm>> -> memref<32x128xf32, #tpu.memory_space<hbm>>
      tpu.enqueue_dma source(%dma_start3A_1122 : memref<32x128xf32, #tpu.memory_space<hbm>>) target(%dma_start3A_1120 : memref<32x128xf32, #tpu.memory_space<vmem>>) target_semaphore(%arg14 : memref<!tpu.dma_semaphore, #tpu.memory_space<semaphore_mem>>)
      %dma_start3A_1123 = arith.constant 2 : i32
      %dma_start3A_1124 = arith.constant 3 : i32
      %dma_start3A_1125 = arith.constant 0 : i32
      %dma_start3A_1126 = arith.constant 0 : i32
      %dma_start3A_1127 = tpu.memref_slice %arg10[%dma_start3A_1123, %dma_start3A_1124, %dma_start3A_1125, %dma_start3A_1126] : memref<3x4x32x128xf32, #tpu.memory_space<vmem>> -> memref<1x1x32x128xf32, #tpu.memory_space<vmem>>
      %dma_start3A_1128 = tpu.memref_squeeze %dma_start3A_1127 : memref<1x1x32x128xf32, #tpu.memory_space<vmem>> -> memref<32x128xf32, #tpu.memory_space<vmem>>
      %dma_start3A_1129 = arith.constant 0 : i32
      %dma_start3A_1130 = tpu.memref_slice %arg5[%dma_start3A_1129, %multiple_of3A_1108] : memref<32x1000000xf32, #tpu.memory_space<hbm>> -> memref<32x128xf32, #tpu.memory_space<hbm>>
      %dma_start3A_1131 = arith.constant 0 : i32
      %dma_start3A_1132 = arith.constant 0 : i32
      %dma_start3A_1133 = tpu.memref_slice %arg10[%dma_start3A_1123, %dma_start3A_1124, %dma_start3A_1131, %dma_start3A_1132] : memref<3x4x32x128xf32, #tpu.memory_space<vmem>> -> memref<1x1x32x128xf32, #tpu.memory_space<vmem>>
      %dma_start3A_1134 = tpu.memref_squeeze %dma_start3A_1133 : memref<1x1x32x128xf32, #tpu.memory_space<vmem>> -> memref<32x128xf32, #tpu.memory_space<vmem>>
      %dma_start3A_1135 = arith.constant 0 : i32
      %dma_start3A_1136 = tpu.memref_slice %arg5[%dma_start3A_1135, %multiple_of3A_1108] : memref<32x1000000xf32, #tpu.memory_space<hbm>> -> memref<32x128xf32, #tpu.memory_space<hbm>>
      tpu.enqueue_dma source(%dma_start3A_1136 : memref<32x128xf32, #tpu.memory_space<hbm>>) target(%dma_start3A_1134 : memref<32x128xf32, #tpu.memory_space<vmem>>) target_semaphore(%arg14 : memref<!tpu.dma_semaphore, #tpu.memory_space<semaphore_mem>>)
      %dma_wait3A_1137 = arith.constant 0 : i32
      %dma_wait3A_1138 = arith.constant 0 : i32
      %dma_wait3A_1139 = arith.constant 0 : i32
      %dma_wait3A_1140 = arith.constant 0 : i32
      %dma_wait3A_1141 = tpu.memref_slice %arg9[%dma_wait3A_1137, %dma_wait3A_1138, %dma_wait3A_1139, %dma_wait3A_1140] : memref<3x4x32x128xf32, #tpu.memory_space<vmem>> -> memref<1x1x32x128xf32, #tpu.memory_space<vmem>>
      %dma_wait3A_1142 = tpu.memref_squeeze %dma_wait3A_1141 : memref<1x1x32x128xf32, #tpu.memory_space<vmem>> -> memref<32x128xf32, #tpu.memory_space<vmem>>
      %dma_wait3A_1143 = arith.constant 0 : i32
      %dma_wait3A_1144 = arith.constant 0 : i32
      %dma_wait3A_1145 = tpu.memref_slice %arg4[%dma_wait3A_1143, %dma_wait3A_1144] : memref<32x1000000xf32, #tpu.memory_space<hbm>> -> memref<32x128xf32, #tpu.memory_space<hbm>>
      %dma_wait3A_1146 = arith.constant 0 : i32
      %dma_wait3A_1147 = arith.constant 0 : i32
      %dma_wait3A_1148 = tpu.memref_slice %arg9[%dma_wait3A_1137, %dma_wait3A_1138, %dma_wait3A_1146, %dma_wait3A_1147] : memref<3x4x32x128xf32, #tpu.memory_space<vmem>> -> memref<1x1x32x128xf32, #tpu.memory_space<vmem>>
      %dma_wait3A_1149 = tpu.memref_squeeze %dma_wait3A_1148 : memref<1x1x32x128xf32, #tpu.memory_space<vmem>> -> memref<32x128xf32, #tpu.memory_space<vmem>>
      %dma_wait3A_1150 = arith.constant 0 : i32
      %dma_wait3A_1151 = arith.constant 0 : i32
      %dma_wait3A_1152 = tpu.memref_slice %arg4[%dma_wait3A_1150, %dma_wait3A_1151] : memref<32x1000000xf32, #tpu.memory_space<hbm>> -> memref<32x128xf32, #tpu.memory_space<hbm>>
      tpu.wait_dma2 semaphore(%arg12 : memref<!tpu.dma_semaphore, #tpu.memory_space<semaphore_mem>>) src(%dma_wait3A_1152 : memref<32x128xf32, #tpu.memory_space<hbm>>) dst(%dma_wait3A_1149 : memref<32x128xf32, #tpu.memory_space<vmem>>)
      %dma_wait3A_1153 = arith.constant 0 : i32
      %dma_wait3A_1154 = arith.constant 0 : i32
      %dma_wait3A_1155 = arith.constant 0 : i32
      %dma_wait3A_1156 = arith.constant 0 : i32
      %dma_wait3A_1157 = tpu.memref_slice %arg9[%dma_wait3A_1153, %dma_wait3A_1154, %dma_wait3A_1155, %dma_wait3A_1156] : memref<3x4x32x128xf32, #tpu.memory_space<vmem>> -> memref<1x1x32x128xf32, #tpu.memory_space<vmem>>
      %dma_wait3A_1158 = tpu.memref_squeeze %dma_wait3A_1157 : memref<1x1x32x128xf32, #tpu.memory_space<vmem>> -> memref<32x128xf32, #tpu.memory_space<vmem>>
      %dma_wait3A_1159 = arith.constant 0 : i32
      %dma_wait3A_1160 = arith.constant 0 : i32
      %dma_wait3A_1161 = tpu.memref_slice %arg4[%dma_wait3A_1159, %dma_wait3A_1160] : memref<32x1000000xf32, #tpu.memory_space<hbm>> -> memref<32x128xf32, #tpu.memory_space<hbm>>
      %dma_wait3A_1162 = arith.constant 0 : i32
      %dma_wait3A_1163 = arith.constant 0 : i32
      %dma_wait3A_1164 = tpu.memref_slice %arg9[%dma_wait3A_1153, %dma_wait3A_1154, %dma_wait3A_1162, %dma_wait3A_1163] : memref<3x4x32x128xf32, #tpu.memory_space<vmem>> -> memref<1x1x32x128xf32, #tpu.memory_space<vmem>>
      %dma_wait3A_1165 = tpu.memref_squeeze %dma_wait3A_1164 : memref<1x1x32x128xf32, #tpu.memory_space<vmem>> -> memref<32x128xf32, #tpu.memory_space<vmem>>
      %dma_wait3A_1166 = arith.constant 0 : i32
      %dma_wait3A_1167 = arith.constant 0 : i32
      %dma_wait3A_1168 = tpu.memref_slice %arg4[%dma_wait3A_1166, %dma_wait3A_1167] : memref<32x1000000xf32, #tpu.memory_space<hbm>> -> memref<32x128xf32, #tpu.memory_space<hbm>>
      tpu.wait_dma2 semaphore(%arg12 : memref<!tpu.dma_semaphore, #tpu.memory_space<semaphore_mem>>) src(%dma_wait3A_1168 : memref<32x128xf32, #tpu.memory_space<hbm>>) dst(%dma_wait3A_1165 : memref<32x128xf32, #tpu.memory_space<vmem>>)
      %dma_wait3A_1169 = arith.constant 0 : i32
      %dma_wait3A_1170 = arith.constant 0 : i32
      %dma_wait3A_1171 = arith.constant 0 : i32
      %dma_wait3A_1172 = arith.constant 0 : i32
      %dma_wait3A_1173 = tpu.memref_slice %arg9[%dma_wait3A_1169, %dma_wait3A_1170, %dma_wait3A_1171, %dma_wait3A_1172] : memref<3x4x32x128xf32, #tpu.memory_space<vmem>> -> memref<1x1x32x128xf32, #tpu.memory_space<vmem>>
      %dma_wait3A_1174 = tpu.memref_squeeze %dma_wait3A_1173 : memref<1x1x32x128xf32, #tpu.memory_space<vmem>> -> memref<32x128xf32, #tpu.memory_space<vmem>>
      %dma_wait3A_1175 = arith.constant 0 : i32
      %dma_wait3A_1176 = arith.constant 0 : i32
      %dma_wait3A_1177 = tpu.memref_slice %arg4[%dma_wait3A_1175, %dma_wait3A_1176] : memref<32x1000000xf32, #tpu.memory_space<hbm>> -> memref<32x128xf32, #tpu.memory_space<hbm>>
      %dma_wait3A_1178 = arith.constant 0 : i32
      %dma_wait3A_1179 = arith.constant 0 : i32
      %dma_wait3A_1180 = tpu.memref_slice %arg9[%dma_wait3A_1169, %dma_wait3A_1170, %dma_wait3A_1178, %dma_wait3A_1179] : memref<3x4x32x128xf32, #tpu.memory_space<vmem>> -> memref<1x1x32x128xf32, #tpu.memory_space<vmem>>
      %dma_wait3A_1181 = tpu.memref_squeeze %dma_wait3A_1180 : memref<1x1x32x128xf32, #tpu.memory_space<vmem>> -> memref<32x128xf32, #tpu.memory_space<vmem>>
      %dma_wait3A_1182 = arith.constant 0 : i32
      %dma_wait3A_1183 = arith.constant 0 : i32
      %dma_wait3A_1184 = tpu.memref_slice %arg4[%dma_wait3A_1182, %dma_wait3A_1183] : memref<32x1000000xf32, #tpu.memory_space<hbm>> -> memref<32x128xf32, #tpu.memory_space<hbm>>
      tpu.wait_dma2 semaphore(%arg12 : memref<!tpu.dma_semaphore, #tpu.memory_space<semaphore_mem>>) src(%dma_wait3A_1184 : memref<32x128xf32, #tpu.memory_space<hbm>>) dst(%dma_wait3A_1181 : memref<32x128xf32, #tpu.memory_space<vmem>>)
      %dma_wait3A_1185 = arith.constant 0 : i32
      %dma_wait3A_1186 = arith.constant 0 : i32
      %dma_wait3A_1187 = arith.constant 0 : i32
      %dma_wait3A_1188 = arith.constant 0 : i32
      %dma_wait3A_1189 = tpu.memref_slice %arg9[%dma_wait3A_1185, %dma_wait3A_1186, %dma_wait3A_1187, %dma_wait3A_1188] : memref<3x4x32x128xf32, #tpu.memory_space<vmem>> -> memref<1x1x32x128xf32, #tpu.memory_space<vmem>>
      %dma_wait3A_1190 = tpu.memref_squeeze %dma_wait3A_1189 : memref<1x1x32x128xf32, #tpu.memory_space<vmem>> -> memref<32x128xf32, #tpu.memory_space<vmem>>
      %dma_wait3A_1191 = arith.constant 0 : i32
      %dma_wait3A_1192 = arith.constant 0 : i32
      %dma_wait3A_1193 = tpu.memref_slice %arg4[%dma_wait3A_1191, %dma_wait3A_1192] : memref<32x1000000xf32, #tpu.memory_space<hbm>> -> memref<32x128xf32, #tpu.memory_space<hbm>>
      %dma_wait3A_1194 = arith.constant 0 : i32
      %dma_wait3A_1195 = arith.constant 0 : i32
      %dma_wait3A_1196 = tpu.memref_slice %arg9[%dma_wait3A_1185, %dma_wait3A_1186, %dma_wait3A_1194, %dma_wait3A_1195] : memref<3x4x32x128xf32, #tpu.memory_space<vmem>> -> memref<1x1x32x128xf32, #tpu.memory_space<vmem>>
      %dma_wait3A_1197 = tpu.memref_squeeze %dma_wait3A_1196 : memref<1x1x32x128xf32, #tpu.memory_space<vmem>> -> memref<32x128xf32, #tpu.memory_space<vmem>>
      %dma_wait3A_1198 = arith.constant 0 : i32
      %dma_wait3A_1199 = arith.constant 0 : i32
      %dma_wait3A_1200 = tpu.memref_slice %arg4[%dma_wait3A_1198, %dma_wait3A_1199] : memref<32x1000000xf32, #tpu.memory_space<hbm>> -> memref<32x128xf32, #tpu.memory_space<hbm>>
      tpu.wait_dma2 semaphore(%arg12 : memref<!tpu.dma_semaphore, #tpu.memory_space<semaphore_mem>>) src(%dma_wait3A_1200 : memref<32x128xf32, #tpu.memory_space<hbm>>) dst(%dma_wait3A_1197 : memref<32x128xf32, #tpu.memory_space<vmem>>)
      %dma_wait3A_1201 = arith.constant 0 : i32
      %dma_wait3A_1202 = arith.constant 0 : i32
      %dma_wait3A_1203 = arith.constant 0 : i32
      %dma_wait3A_1204 = arith.constant 0 : i32
      %dma_wait3A_1205 = tpu.memref_slice %arg9[%dma_wait3A_1201, %dma_wait3A_1202, %dma_wait3A_1203, %dma_wait3A_1204] : memref<3x4x32x128xf32, #tpu.memory_space<vmem>> -> memref<1x1x32x128xf32, #tpu.memory_space<vmem>>
      %dma_wait3A_1206 = tpu.memref_squeeze %dma_wait3A_1205 : memref<1x1x32x128xf32, #tpu.memory_space<vmem>> -> memref<32x128xf32, #tpu.memory_space<vmem>>
      %dma_wait3A_1207 = arith.constant 0 : i32
      %dma_wait3A_1208 = arith.constant 0 : i32
      %dma_wait3A_1209 = tpu.memref_slice %arg4[%dma_wait3A_1207, %dma_wait3A_1208] : memref<32x1000000xf32, #tpu.memory_space<hbm>> -> memref<32x128xf32, #tpu.memory_space<hbm>>
      %dma_wait3A_1210 = arith.constant 0 : i32
      %dma_wait3A_1211 = arith.constant 0 : i32
      %dma_wait3A_1212 = tpu.memref_slice %arg9[%dma_wait3A_1201, %dma_wait3A_1202, %dma_wait3A_1210, %dma_wait3A_1211] : memref<3x4x32x128xf32, #tpu.memory_space<vmem>> -> memref<1x1x32x128xf32, #tpu.memory_space<vmem>>
      %dma_wait3A_1213 = tpu.memref_squeeze %dma_wait3A_1212 : memref<1x1x32x128xf32, #tpu.memory_space<vmem>> -> memref<32x128xf32, #tpu.memory_space<vmem>>
      %dma_wait3A_1214 = arith.constant 0 : i32
      %dma_wait3A_1215 = arith.constant 0 : i32
      %dma_wait3A_1216 = tpu.memref_slice %arg4[%dma_wait3A_1214, %dma_wait3A_1215] : memref<32x1000000xf32, #tpu.memory_space<hbm>> -> memref<32x128xf32, #tpu.memory_space<hbm>>
      tpu.wait_dma2 semaphore(%arg12 : memref<!tpu.dma_semaphore, #tpu.memory_space<semaphore_mem>>) src(%dma_wait3A_1216 : memref<32x128xf32, #tpu.memory_space<hbm>>) dst(%dma_wait3A_1213 : memref<32x128xf32, #tpu.memory_space<vmem>>)
      %dma_wait3A_1217 = arith.constant 0 : i32
      %dma_wait3A_1218 = arith.constant 0 : i32
      %dma_wait3A_1219 = arith.constant 0 : i32
      %dma_wait3A_1220 = arith.constant 0 : i32
      %dma_wait3A_1221 = tpu.memref_slice %arg9[%dma_wait3A_1217, %dma_wait3A_1218, %dma_wait3A_1219, %dma_wait3A_1220] : memref<3x4x32x128xf32, #tpu.memory_space<vmem>> -> memref<1x1x32x128xf32, #tpu.memory_space<vmem>>
      %dma_wait3A_1222 = tpu.memref_squeeze %dma_wait3A_1221 : memref<1x1x32x128xf32, #tpu.memory_space<vmem>> -> memref<32x128xf32, #tpu.memory_space<vmem>>
      %dma_wait3A_1223 = arith.constant 0 : i32
      %dma_wait3A_1224 = arith.constant 0 : i32
      %dma_wait3A_1225 = tpu.memref_slice %arg4[%dma_wait3A_1223, %dma_wait3A_1224] : memref<32x1000000xf32, #tpu.memory_space<hbm>> -> memref<32x128xf32, #tpu.memory_space<hbm>>
      %dma_wait3A_1226 = arith.constant 0 : i32
      %dma_wait3A_1227 = arith.constant 0 : i32
      %dma_wait3A_1228 = tpu.memref_slice %arg9[%dma_wait3A_1217, %dma_wait3A_1218, %dma_wait3A_1226, %dma_wait3A_1227] : memref<3x4x32x128xf32, #tpu.memory_space<vmem>> -> memref<1x1x32x128xf32, #tpu.memory_space<vmem>>
      %dma_wait3A_1229 = tpu.memref_squeeze %dma_wait3A_1228 : memref<1x1x32x128xf32, #tpu.memory_space<vmem>> -> memref<32x128xf32, #tpu.memory_space<vmem>>
      %dma_wait3A_1230 = arith.constant 0 : i32
      %dma_wait3A_1231 = arith.constant 0 : i32
      %dma_wait3A_1232 = tpu.memref_slice %arg4[%dma_wait3A_1230, %dma_wait3A_1231] : memref<32x1000000xf32, #tpu.memory_space<hbm>> -> memref<32x128xf32, #tpu.memory_space<hbm>>
      tpu.wait_dma2 semaphore(%arg12 : memref<!tpu.dma_semaphore, #tpu.memory_space<semaphore_mem>>) src(%dma_wait3A_1232 : memref<32x128xf32, #tpu.memory_space<hbm>>) dst(%dma_wait3A_1229 : memref<32x128xf32, #tpu.memory_space<vmem>>)
      %dma_wait3A_1233 = arith.constant 0 : i32
      %dma_wait3A_1234 = arith.constant 0 : i32
      %dma_wait3A_1235 = arith.constant 0 : i32
      %dma_wait3A_1236 = arith.constant 0 : i32
      %dma_wait3A_1237 = tpu.memref_slice %arg9[%dma_wait3A_1233, %dma_wait3A_1234, %dma_wait3A_1235, %dma_wait3A_1236] : memref<3x4x32x128xf32, #tpu.memory_space<vmem>> -> memref<1x1x32x128xf32, #tpu.memory_space<vmem>>
      %dma_wait3A_1238 = tpu.memref_squeeze %dma_wait3A_1237 : memref<1x1x32x128xf32, #tpu.memory_space<vmem>> -> memref<32x128xf32, #tpu.memory_space<vmem>>
      %dma_wait3A_1239 = arith.constant 0 : i32
      %dma_wait3A_1240 = arith.constant 0 : i32
      %dma_wait3A_1241 = tpu.memref_slice %arg4[%dma_wait3A_1239, %dma_wait3A_1240] : memref<32x1000000xf32, #tpu.memory_space<hbm>> -> memref<32x128xf32, #tpu.memory_space<hbm>>
      %dma_wait3A_1242 = arith.constant 0 : i32
      %dma_wait3A_1243 = arith.constant 0 : i32
      %dma_wait3A_1244 = tpu.memref_slice %arg9[%dma_wait3A_1233, %dma_wait3A_1234, %dma_wait3A_1242, %dma_wait3A_1243] : memref<3x4x32x128xf32, #tpu.memory_space<vmem>> -> memref<1x1x32x128xf32, #tpu.memory_space<vmem>>
      %dma_wait3A_1245 = tpu.memref_squeeze %dma_wait3A_1244 : memref<1x1x32x128xf32, #tpu.memory_space<vmem>> -> memref<32x128xf32, #tpu.memory_space<vmem>>
      %dma_wait3A_1246 = arith.constant 0 : i32
      %dma_wait3A_1247 = arith.constant 0 : i32
      %dma_wait3A_1248 = tpu.memref_slice %arg4[%dma_wait3A_1246, %dma_wait3A_1247] : memref<32x1000000xf32, #tpu.memory_space<hbm>> -> memref<32x128xf32, #tpu.memory_space<hbm>>
      tpu.wait_dma2 semaphore(%arg12 : memref<!tpu.dma_semaphore, #tpu.memory_space<semaphore_mem>>) src(%dma_wait3A_1248 : memref<32x128xf32, #tpu.memory_space<hbm>>) dst(%dma_wait3A_1245 : memref<32x128xf32, #tpu.memory_space<vmem>>)
      %dma_wait3A_1249 = arith.constant 0 : i32
      %dma_wait3A_1250 = arith.constant 0 : i32
      %dma_wait3A_1251 = arith.constant 0 : i32
      %dma_wait3A_1252 = arith.constant 0 : i32
      %dma_wait3A_1253 = tpu.memref_slice %arg9[%dma_wait3A_1249, %dma_wait3A_1250, %dma_wait3A_1251, %dma_wait3A_1252] : memref<3x4x32x128xf32, #tpu.memory_space<vmem>> -> memref<1x1x32x128xf32, #tpu.memory_space<vmem>>
      %dma_wait3A_1254 = tpu.memref_squeeze %dma_wait3A_1253 : memref<1x1x32x128xf32, #tpu.memory_space<vmem>> -> memref<32x128xf32, #tpu.memory_space<vmem>>
      %dma_wait3A_1255 = arith.constant 0 : i32
      %dma_wait3A_1256 = arith.constant 0 : i32
      %dma_wait3A_1257 = tpu.memref_slice %arg4[%dma_wait3A_1255, %dma_wait3A_1256] : memref<32x1000000xf32, #tpu.memory_space<hbm>> -> memref<32x128xf32, #tpu.memory_space<hbm>>
      %dma_wait3A_1258 = arith.constant 0 : i32
      %dma_wait3A_1259 = arith.constant 0 : i32
      %dma_wait3A_1260 = tpu.memref_slice %arg9[%dma_wait3A_1249, %dma_wait3A_1250, %dma_wait3A_1258, %dma_wait3A_1259] : memref<3x4x32x128xf32, #tpu.memory_space<vmem>> -> memref<1x1x32x128xf32, #tpu.memory_space<vmem>>
      %dma_wait3A_1261 = tpu.memref_squeeze %dma_wait3A_1260 : memref<1x1x32x128xf32, #tpu.memory_space<vmem>> -> memref<32x128xf32, #tpu.memory_space<vmem>>
      %dma_wait3A_1262 = arith.constant 0 : i32
      %dma_wait3A_1263 = arith.constant 0 : i32
      %dma_wait3A_1264 = tpu.memref_slice %arg4[%dma_wait3A_1262, %dma_wait3A_1263] : memref<32x1000000xf32, #tpu.memory_space<hbm>> -> memref<32x128xf32, #tpu.memory_space<hbm>>
      tpu.wait_dma2 semaphore(%arg12 : memref<!tpu.dma_semaphore, #tpu.memory_space<semaphore_mem>>) src(%dma_wait3A_1264 : memref<32x128xf32, #tpu.memory_space<hbm>>) dst(%dma_wait3A_1261 : memref<32x128xf32, #tpu.memory_space<vmem>>)
      %mul3A_1265 = arith.constant 4 : i32
      %mul3A_1266 = arith.muli %mul3A_986, %mul3A_1265 : i32
      %get3A_1267 = arith.index_cast %mul3A_1266 : i32 to index
      %get3A_1268 = tpu.vector_load %arg7[%get3A_1267] {strides = array<i32>} : memref<528xi32, #tpu.memory_space<vmem>>, vector<16xi32>,
      %get3A_1269 = arith.index_cast %mul3A_1266 : i32 to index
      %get3A_1270 = tpu.vector_load %arg8[%get3A_1269] {strides = array<i32>} : memref<528xi32, #tpu.memory_space<vmem>>, vector<16xi32>,
      %and3A_1271 = arith.constant 127 : i32
      %and3A_1272 = vector.broadcast %and3A_1271 : i32 to vector<16xi32>
      %and3A_1273 = arith.andi %get3A_1268, %and3A_1272 : vector<16xi32>
      %and3A_1274 = arith.constant 127 : i32
      %and3A_1275 = vector.broadcast %and3A_1274 : i32 to vector<16xi32>
      %and3A_1276 = arith.andi %get3A_1270, %and3A_1275 : vector<16xi32>
      %rem3A_1277 = arith.constant 4 : i32
      %rem3A_1278 = arith.remsi %mul3A_986, %rem3A_1277 : i32
      %mul3A_1279 = arith.constant 4 : i32
      %mul3A_1280 = arith.muli %rem3A_1278, %mul3A_1279 : i32
      %slice3A_1281 = vector.extract_strided_slice %and3A_1273 {offsets = [0], sizes = [1], strides = [1]} : vector<16xi32> to vector<1xi32>
      %squeeze3A_1282 = vector.extract %slice3A_1281[0] : i32 from vector<1xi32>
      %broadcast_in_dim3A_1283 = vector.broadcast %squeeze3A_1282 : i32 to vector<16xi32>
      %slice3A_1284 = vector.extract_strided_slice %and3A_1276 {offsets = [0], sizes = [1], strides = [1]} : vector<16xi32> to vector<1xi32>
      %squeeze3A_1285 = vector.extract %slice3A_1284[0] : i32 from vector<1xi32>
      %broadcast_in_dim3A_1286 = vector.broadcast %squeeze3A_1285 : i32 to vector<16xi32>
      %gather3A_1287 = arith.constant 0 : i32
      %gather3A_1288 = arith.constant 0 : i32
      %gather3A_1289 = arith.constant 0 : i32
      %gather3A_1290 = arith.constant 0 : i32
      %gather3A_1291 = tpu.memref_slice %arg9[%gather3A_1287, %gather3A_1288, %gather3A_1289, %gather3A_1290] : memref<3x4x32x128xf32, #tpu.memory_space<vmem>> -> memref<1x1x32x128xf32, #tpu.memory_space<vmem>>
      %gather3A_1292 = tpu.memref_squeeze %gather3A_1291 : memref<1x1x32x128xf32, #tpu.memory_space<vmem>> -> memref<32x128xf32, #tpu.memory_space<vmem>>
      %gather3A_1293 = tpu.vector_load_idx %gather3A_1292[%iota3A, %broadcast_in_dim3A_1283] : memref<32x128xf32, #tpu.memory_space<vmem>>[vector<16xi32>, vector<16xi32>], vector<16xf32>,
      %gather3A_1294 = arith.constant 0 : i32
      %gather3A_1295 = arith.constant 0 : i32
      %gather3A_1296 = arith.constant 0 : i32
      %gather3A_1297 = arith.constant 0 : i32
      %gather3A_1298 = tpu.memref_slice %arg9[%gather3A_1294, %gather3A_1295, %gather3A_1296, %gather3A_1297] : memref<3x4x32x128xf32, #tpu.memory_space<vmem>> -> memref<1x1x32x128xf32, #tpu.memory_space<vmem>>
      %gather3A_1299 = tpu.memref_squeeze %gather3A_1298 : memref<1x1x32x128xf32, #tpu.memory_space<vmem>> -> memref<32x128xf32, #tpu.memory_space<vmem>>
      %gather3A_1300 = tpu.vector_load_idx %gather3A_1299[%add3A_5, %broadcast_in_dim3A_1283] : memref<32x128xf32, #tpu.memory_space<vmem>>[vector<16xi32>, vector<16xi32>], vector<16xf32>,
      %gather3A_1301 = arith.constant 0 : i32
      %gather3A_1302 = arith.constant 0 : i32
      %gather3A_1303 = arith.constant 0 : i32
      %gather3A_1304 = arith.constant 0 : i32
      %gather3A_1305 = tpu.memref_slice %arg10[%gather3A_1301, %gather3A_1302, %gather3A_1303, %gather3A_1304] : memref<3x4x32x128xf32, #tpu.memory_space<vmem>> -> memref<1x1x32x128xf32, #tpu.memory_space<vmem>>
      %gather3A_1306 = tpu.memref_squeeze %gather3A_1305 : memref<1x1x32x128xf32, #tpu.memory_space<vmem>> -> memref<32x128xf32, #tpu.memory_space<vmem>>
      %gather3A_1307 = tpu.vector_load_idx %gather3A_1306[%iota3A, %broadcast_in_dim3A_1286] : memref<32x128xf32, #tpu.memory_space<vmem>>[vector<16xi32>, vector<16xi32>], vector<16xf32>,
      %gather3A_1308 = arith.constant 0 : i32
      %gather3A_1309 = arith.constant 0 : i32
      %gather3A_1310 = arith.constant 0 : i32
      %gather3A_1311 = arith.constant 0 : i32
      %gather3A_1312 = tpu.memref_slice %arg10[%gather3A_1308, %gather3A_1309, %gather3A_1310, %gather3A_1311] : memref<3x4x32x128xf32, #tpu.memory_space<vmem>> -> memref<1x1x32x128xf32, #tpu.memory_space<vmem>>
      %gather3A_1313 = tpu.memref_squeeze %gather3A_1312 : memref<1x1x32x128xf32, #tpu.memory_space<vmem>> -> memref<32x128xf32, #tpu.memory_space<vmem>>
      %gather3A_1314 = tpu.vector_load_idx %gather3A_1313[%add3A_5, %broadcast_in_dim3A_1286] : memref<32x128xf32, #tpu.memory_space<vmem>>[vector<16xi32>, vector<16xi32>], vector<16xf32>,
      %mul3A_1315 = arith.mulf %gather3A_1293, %gather3A_1307 : vector<16xf32>
      %mul3A_1316 = arith.mulf %gather3A_1300, %gather3A_1314 : vector<16xf32>
      %add3A_1317 = arith.addf %mul3A_1315, %mul3A_1316 : vector<16xf32>
      %reduce_sum3A_1318 = arith.constant true
      %reduce_sum3A_1319 = vector.broadcast %reduce_sum3A_1318 : i1 to vector<16xi1>
      %reduce_sum3A_1320 = tpu.scan <sum>, %add3A_1317 masked %reduce_sum3A_1319 : vector<16xf32>, vector<16xi1> -> vector<16xf32>
      %reduce_sum3A_1321 = vector.extract %reduce_sum3A_1320[15] : f32 from vector<16xf32>
      %add3A_1322 = arith.constant 0 : i32
      %add3A_1323 = arith.addi %mul3A_1280, %add3A_1322 : i32
      %eq3A_1324 = vector.broadcast %add3A_1323 : i32 to vector<16xi32>
      %eq3A_1325 = arith.cmpi eq, %iota3A, %eq3A_1324 : vector<16xi32>
      %broadcast_in_dim3A_1326 = vector.broadcast %reduce_sum3A_1321 : f32 to vector<16xf32>
      %select_n3A_1327 = arith.select %eq3A_1325, %broadcast_in_dim3A_1326, %scan3A_984 : vector<16xi1>, vector<16xf32>
      %slice3A_1328 = vector.extract_strided_slice %and3A_1273 {offsets = [1], sizes = [1], strides = [1]} : vector<16xi32> to vector<1xi32>
      %squeeze3A_1329 = vector.extract %slice3A_1328[0] : i32 from vector<1xi32>
      %broadcast_in_dim3A_1330 = vector.broadcast %squeeze3A_1329 : i32 to vector<16xi32>
      %slice3A_1331 = vector.extract_strided_slice %and3A_1276 {offsets = [1], sizes = [1], strides = [1]} : vector<16xi32> to vector<1xi32>
      %squeeze3A_1332 = vector.extract %slice3A_1331[0] : i32 from vector<1xi32>
      %broadcast_in_dim3A_1333 = vector.broadcast %squeeze3A_1332 : i32 to vector<16xi32>
      %gather3A_1334 = arith.constant 0 : i32
      %gather3A_1335 = arith.constant 1 : i32
      %gather3A_1336 = arith.constant 0 : i32
      %gather3A_1337 = arith.constant 0 : i32
      %gather3A_1338 = tpu.memref_slice %arg9[%gather3A_1334, %gather3A_1335, %gather3A_1336, %gather3A_1337] : memref<3x4x32x128xf32, #tpu.memory_space<vmem>> -> memref<1x1x32x128xf32, #tpu.memory_space<vmem>>
      %gather3A_1339 = tpu.memref_squeeze %gather3A_1338 : memref<1x1x32x128xf32, #tpu.memory_space<vmem>> -> memref<32x128xf32, #tpu.memory_space<vmem>>
      %gather3A_1340 = tpu.vector_load_idx %gather3A_1339[%iota3A, %broadcast_in_dim3A_1330] : memref<32x128xf32, #tpu.memory_space<vmem>>[vector<16xi32>, vector<16xi32>], vector<16xf32>,
      %gather3A_1341 = arith.constant 0 : i32
      %gather3A_1342 = arith.constant 1 : i32
      %gather3A_1343 = arith.constant 0 : i32
      %gather3A_1344 = arith.constant 0 : i32
      %gather3A_1345 = tpu.memref_slice %arg9[%gather3A_1341, %gather3A_1342, %gather3A_1343, %gather3A_1344] : memref<3x4x32x128xf32, #tpu.memory_space<vmem>> -> memref<1x1x32x128xf32, #tpu.memory_space<vmem>>
      %gather3A_1346 = tpu.memref_squeeze %gather3A_1345 : memref<1x1x32x128xf32, #tpu.memory_space<vmem>> -> memref<32x128xf32, #tpu.memory_space<vmem>>
      %gather3A_1347 = tpu.vector_load_idx %gather3A_1346[%add3A_5, %broadcast_in_dim3A_1330] : memref<32x128xf32, #tpu.memory_space<vmem>>[vector<16xi32>, vector<16xi32>], vector<16xf32>,
      %gather3A_1348 = arith.constant 0 : i32
      %gather3A_1349 = arith.constant 1 : i32
      %gather3A_1350 = arith.constant 0 : i32
      %gather3A_1351 = arith.constant 0 : i32
      %gather3A_1352 = tpu.memref_slice %arg10[%gather3A_1348, %gather3A_1349, %gather3A_1350, %gather3A_1351] : memref<3x4x32x128xf32, #tpu.memory_space<vmem>> -> memref<1x1x32x128xf32, #tpu.memory_space<vmem>>
      %gather3A_1353 = tpu.memref_squeeze %gather3A_1352 : memref<1x1x32x128xf32, #tpu.memory_space<vmem>> -> memref<32x128xf32, #tpu.memory_space<vmem>>
      %gather3A_1354 = tpu.vector_load_idx %gather3A_1353[%iota3A, %broadcast_in_dim3A_1333] : memref<32x128xf32, #tpu.memory_space<vmem>>[vector<16xi32>, vector<16xi32>], vector<16xf32>,
      %gather3A_1355 = arith.constant 0 : i32
      %gather3A_1356 = arith.constant 1 : i32
      %gather3A_1357 = arith.constant 0 : i32
      %gather3A_1358 = arith.constant 0 : i32
      %gather3A_1359 = tpu.memref_slice %arg10[%gather3A_1355, %gather3A_1356, %gather3A_1357, %gather3A_1358] : memref<3x4x32x128xf32, #tpu.memory_space<vmem>> -> memref<1x1x32x128xf32, #tpu.memory_space<vmem>>
      %gather3A_1360 = tpu.memref_squeeze %gather3A_1359 : memref<1x1x32x128xf32, #tpu.memory_space<vmem>> -> memref<32x128xf32, #tpu.memory_space<vmem>>
      %gather3A_1361 = tpu.vector_load_idx %gather3A_1360[%add3A_5, %broadcast_in_dim3A_1333] : memref<32x128xf32, #tpu.memory_space<vmem>>[vector<16xi32>, vector<16xi32>], vector<16xf32>,
      %mul3A_1362 = arith.mulf %gather3A_1340, %gather3A_1354 : vector<16xf32>
      %mul3A_1363 = arith.mulf %gather3A_1347, %gather3A_1361 : vector<16xf32>
      %add3A_1364 = arith.addf %mul3A_1362, %mul3A_1363 : vector<16xf32>
      %reduce_sum3A_1365 = arith.constant true
      %reduce_sum3A_1366 = vector.broadcast %reduce_sum3A_1365 : i1 to vector<16xi1>
      %reduce_sum3A_1367 = tpu.scan <sum>, %add3A_1364 masked %reduce_sum3A_1366 : vector<16xf32>, vector<16xi1> -> vector<16xf32>
      %reduce_sum3A_1368 = vector.extract %reduce_sum3A_1367[15] : f32 from vector<16xf32>
      %add3A_1369 = arith.constant 1 : i32
      %add3A_1370 = arith.addi %mul3A_1280, %add3A_1369 : i32
      %eq3A_1371 = vector.broadcast %add3A_1370 : i32 to vector<16xi32>
      %eq3A_1372 = arith.cmpi eq, %iota3A, %eq3A_1371 : vector<16xi32>
      %broadcast_in_dim3A_1373 = vector.broadcast %reduce_sum3A_1368 : f32 to vector<16xf32>
      %select_n3A_1374 = arith.select %eq3A_1372, %broadcast_in_dim3A_1373, %select_n3A_1327 : vector<16xi1>, vector<16xf32>
      %slice3A_1375 = vector.extract_strided_slice %and3A_1273 {offsets = [2], sizes = [1], strides = [1]} : vector<16xi32> to vector<1xi32>
      %squeeze3A_1376 = vector.extract %slice3A_1375[0] : i32 from vector<1xi32>
      %broadcast_in_dim3A_1377 = vector.broadcast %squeeze3A_1376 : i32 to vector<16xi32>
      %slice3A_1378 = vector.extract_strided_slice %and3A_1276 {offsets = [2], sizes = [1], strides = [1]} : vector<16xi32> to vector<1xi32>
      %squeeze3A_1379 = vector.extract %slice3A_1378[0] : i32 from vector<1xi32>
      %broadcast_in_dim3A_1380 = vector.broadcast %squeeze3A_1379 : i32 to vector<16xi32>
      %gather3A_1381 = arith.constant 0 : i32
      %gather3A_1382 = arith.constant 2 : i32
      %gather3A_1383 = arith.constant 0 : i32
      %gather3A_1384 = arith.constant 0 : i32
      %gather3A_1385 = tpu.memref_slice %arg9[%gather3A_1381, %gather3A_1382, %gather3A_1383, %gather3A_1384] : memref<3x4x32x128xf32, #tpu.memory_space<vmem>> -> memref<1x1x32x128xf32, #tpu.memory_space<vmem>>
      %gather3A_1386 = tpu.memref_squeeze %gather3A_1385 : memref<1x1x32x128xf32, #tpu.memory_space<vmem>> -> memref<32x128xf32, #tpu.memory_space<vmem>>
      %gather3A_1387 = tpu.vector_load_idx %gather3A_1386[%iota3A, %broadcast_in_dim3A_1377] : memref<32x128xf32, #tpu.memory_space<vmem>>[vector<16xi32>, vector<16xi32>], vector<16xf32>,
      %gather3A_1388 = arith.constant 0 : i32
      %gather3A_1389 = arith.constant 2 : i32
      %gather3A_1390 = arith.constant 0 : i32
      %gather3A_1391 = arith.constant 0 : i32
      %gather3A_1392 = tpu.memref_slice %arg9[%gather3A_1388, %gather3A_1389, %gather3A_1390, %gather3A_1391] : memref<3x4x32x128xf32, #tpu.memory_space<vmem>> -> memref<1x1x32x128xf32, #tpu.memory_space<vmem>>
      %gather3A_1393 = tpu.memref_squeeze %gather3A_1392 : memref<1x1x32x128xf32, #tpu.memory_space<vmem>> -> memref<32x128xf32, #tpu.memory_space<vmem>>
      %gather3A_1394 = tpu.vector_load_idx %gather3A_1393[%add3A_5, %broadcast_in_dim3A_1377] : memref<32x128xf32, #tpu.memory_space<vmem>>[vector<16xi32>, vector<16xi32>], vector<16xf32>,
      %gather3A_1395 = arith.constant 0 : i32
      %gather3A_1396 = arith.constant 2 : i32
      %gather3A_1397 = arith.constant 0 : i32
      %gather3A_1398 = arith.constant 0 : i32
      %gather3A_1399 = tpu.memref_slice %arg10[%gather3A_1395, %gather3A_1396, %gather3A_1397, %gather3A_1398] : memref<3x4x32x128xf32, #tpu.memory_space<vmem>> -> memref<1x1x32x128xf32, #tpu.memory_space<vmem>>
      %gather3A_1400 = tpu.memref_squeeze %gather3A_1399 : memref<1x1x32x128xf32, #tpu.memory_space<vmem>> -> memref<32x128xf32, #tpu.memory_space<vmem>>
      %gather3A_1401 = tpu.vector_load_idx %gather3A_1400[%iota3A, %broadcast_in_dim3A_1380] : memref<32x128xf32, #tpu.memory_space<vmem>>[vector<16xi32>, vector<16xi32>], vector<16xf32>,
      %gather3A_1402 = arith.constant 0 : i32
      %gather3A_1403 = arith.constant 2 : i32
      %gather3A_1404 = arith.constant 0 : i32
      %gather3A_1405 = arith.constant 0 : i32
      %gather3A_1406 = tpu.memref_slice %arg10[%gather3A_1402, %gather3A_1403, %gather3A_1404, %gather3A_1405] : memref<3x4x32x128xf32, #tpu.memory_space<vmem>> -> memref<1x1x32x128xf32, #tpu.memory_space<vmem>>
      %gather3A_1407 = tpu.memref_squeeze %gather3A_1406 : memref<1x1x32x128xf32, #tpu.memory_space<vmem>> -> memref<32x128xf32, #tpu.memory_space<vmem>>
      %gather3A_1408 = tpu.vector_load_idx %gather3A_1407[%add3A_5, %broadcast_in_dim3A_1380] : memref<32x128xf32, #tpu.memory_space<vmem>>[vector<16xi32>, vector<16xi32>], vector<16xf32>,
      %mul3A_1409 = arith.mulf %gather3A_1387, %gather3A_1401 : vector<16xf32>
      %mul3A_1410 = arith.mulf %gather3A_1394, %gather3A_1408 : vector<16xf32>
      %add3A_1411 = arith.addf %mul3A_1409, %mul3A_1410 : vector<16xf32>
      %reduce_sum3A_1412 = arith.constant true
      %reduce_sum3A_1413 = vector.broadcast %reduce_sum3A_1412 : i1 to vector<16xi1>
      %reduce_sum3A_1414 = tpu.scan <sum>, %add3A_1411 masked %reduce_sum3A_1413 : vector<16xf32>, vector<16xi1> -> vector<16xf32>
      %reduce_sum3A_1415 = vector.extract %reduce_sum3A_1414[15] : f32 from vector<16xf32>
      %add3A_1416 = arith.constant 2 : i32
      %add3A_1417 = arith.addi %mul3A_1280, %add3A_1416 : i32
      %eq3A_1418 = vector.broadcast %add3A_1417 : i32 to vector<16xi32>
      %eq3A_1419 = arith.cmpi eq, %iota3A, %eq3A_1418 : vector<16xi32>
      %broadcast_in_dim3A_1420 = vector.broadcast %reduce_sum3A_1415 : f32 to vector<16xf32>
      %select_n3A_1421 = arith.select %eq3A_1419, %broadcast_in_dim3A_1420, %select_n3A_1374 : vector<16xi1>, vector<16xf32>
      %slice3A_1422 = vector.extract_strided_slice %and3A_1273 {offsets = [3], sizes = [1], strides = [1]} : vector<16xi32> to vector<1xi32>
      %squeeze3A_1423 = vector.extract %slice3A_1422[0] : i32 from vector<1xi32>
      %broadcast_in_dim3A_1424 = vector.broadcast %squeeze3A_1423 : i32 to vector<16xi32>
      %slice3A_1425 = vector.extract_strided_slice %and3A_1276 {offsets = [3], sizes = [1], strides = [1]} : vector<16xi32> to vector<1xi32>
      %squeeze3A_1426 = vector.extract %slice3A_1425[0] : i32 from vector<1xi32>
      %broadcast_in_dim3A_1427 = vector.broadcast %squeeze3A_1426 : i32 to vector<16xi32>
      %gather3A_1428 = arith.constant 0 : i32
      %gather3A_1429 = arith.constant 3 : i32
      %gather3A_1430 = arith.constant 0 : i32
      %gather3A_1431 = arith.constant 0 : i32
      %gather3A_1432 = tpu.memref_slice %arg9[%gather3A_1428, %gather3A_1429, %gather3A_1430, %gather3A_1431] : memref<3x4x32x128xf32, #tpu.memory_space<vmem>> -> memref<1x1x32x128xf32, #tpu.memory_space<vmem>>
      %gather3A_1433 = tpu.memref_squeeze %gather3A_1432 : memref<1x1x32x128xf32, #tpu.memory_space<vmem>> -> memref<32x128xf32, #tpu.memory_space<vmem>>
      %gather3A_1434 = tpu.vector_load_idx %gather3A_1433[%iota3A, %broadcast_in_dim3A_1424] : memref<32x128xf32, #tpu.memory_space<vmem>>[vector<16xi32>, vector<16xi32>], vector<16xf32>,
      %gather3A_1435 = arith.constant 0 : i32
      %gather3A_1436 = arith.constant 3 : i32
      %gather3A_1437 = arith.constant 0 : i32
      %gather3A_1438 = arith.constant 0 : i32
      %gather3A_1439 = tpu.memref_slice %arg9[%gather3A_1435, %gather3A_1436, %gather3A_1437, %gather3A_1438] : memref<3x4x32x128xf32, #tpu.memory_space<vmem>> -> memref<1x1x32x128xf32, #tpu.memory_space<vmem>>
      %gather3A_1440 = tpu.memref_squeeze %gather3A_1439 : memref<1x1x32x128xf32, #tpu.memory_space<vmem>> -> memref<32x128xf32, #tpu.memory_space<vmem>>
      %gather3A_1441 = tpu.vector_load_idx %gather3A_1440[%add3A_5, %broadcast_in_dim3A_1424] : memref<32x128xf32, #tpu.memory_space<vmem>>[vector<16xi32>, vector<16xi32>], vector<16xf32>,
      %gather3A_1442 = arith.constant 0 : i32
      %gather3A_1443 = arith.constant 3 : i32
      %gather3A_1444 = arith.constant 0 : i32
      %gather3A_1445 = arith.constant 0 : i32
      %gather3A_1446 = tpu.memref_slice %arg10[%gather3A_1442, %gather3A_1443, %gather3A_1444, %gather3A_1445] : memref<3x4x32x128xf32, #tpu.memory_space<vmem>> -> memref<1x1x32x128xf32, #tpu.memory_space<vmem>>
      %gather3A_1447 = tpu.memref_squeeze %gather3A_1446 : memref<1x1x32x128xf32, #tpu.memory_space<vmem>> -> memref<32x128xf32, #tpu.memory_space<vmem>>
      %gather3A_1448 = tpu.vector_load_idx %gather3A_1447[%iota3A, %broadcast_in_dim3A_1427] : memref<32x128xf32, #tpu.memory_space<vmem>>[vector<16xi32>, vector<16xi32>], vector<16xf32>,
      %gather3A_1449 = arith.constant 0 : i32
      %gather3A_1450 = arith.constant 3 : i32
      %gather3A_1451 = arith.constant 0 : i32
      %gather3A_1452 = arith.constant 0 : i32
      %gather3A_1453 = tpu.memref_slice %arg10[%gather3A_1449, %gather3A_1450, %gather3A_1451, %gather3A_1452] : memref<3x4x32x128xf32, #tpu.memory_space<vmem>> -> memref<1x1x32x128xf32, #tpu.memory_space<vmem>>
      %gather3A_1454 = tpu.memref_squeeze %gather3A_1453 : memref<1x1x32x128xf32, #tpu.memory_space<vmem>> -> memref<32x128xf32, #tpu.memory_space<vmem>>
      %gather3A_1455 = tpu.vector_load_idx %gather3A_1454[%add3A_5, %broadcast_in_dim3A_1427] : memref<32x128xf32, #tpu.memory_space<vmem>>[vector<16xi32>, vector<16xi32>], vector<16xf32>,
      %mul3A_1456 = arith.mulf %gather3A_1434, %gather3A_1448 : vector<16xf32>
      %mul3A_1457 = arith.mulf %gather3A_1441, %gather3A_1455 : vector<16xf32>
      %add3A_1458 = arith.addf %mul3A_1456, %mul3A_1457 : vector<16xf32>
      %reduce_sum3A_1459 = arith.constant true
      %reduce_sum3A_1460 = vector.broadcast %reduce_sum3A_1459 : i1 to vector<16xi1>
      %reduce_sum3A_1461 = tpu.scan <sum>, %add3A_1458 masked %reduce_sum3A_1460 : vector<16xf32>, vector<16xi1> -> vector<16xf32>
      %reduce_sum3A_1462 = vector.extract %reduce_sum3A_1461[15] : f32 from vector<16xf32>
      %add3A_1463 = arith.constant 3 : i32
      %add3A_1464 = arith.addi %mul3A_1280, %add3A_1463 : i32
      %eq3A_1465 = vector.broadcast %add3A_1464 : i32 to vector<16xi32>
      %eq3A_1466 = arith.cmpi eq, %iota3A, %eq3A_1465 : vector<16xi32>
      %broadcast_in_dim3A_1467 = vector.broadcast %reduce_sum3A_1462 : f32 to vector<16xf32>
      %select_n3A_1468 = arith.select %eq3A_1466, %broadcast_in_dim3A_1467, %select_n3A_1421 : vector<16xi1>, vector<16xf32>
      %div3A_1469 = arith.constant 4 : i32
      %div3A_1470 = arith.divsi %mul3A_986, %div3A_1469 : i32
      %mul3A_1471 = arith.constant 16 : i32
      %mul3A_1472 = arith.muli %div3A_1470, %mul3A_1471 : i32
      %swap3A_1473 = arith.index_cast %mul3A_1472 : i32 to index
      %swap3A_1474 = tpu.vector_load %arg11[%swap3A_1473] {strides = array<i32>} : memref<512xf32, #tpu.memory_space<vmem>>, vector<16xf32>,
      tpu.vector_store %arg11[%swap3A_1473], %select_n3A_1468 {strides = array<i32>} : memref<512xf32, #tpu.memory_space<vmem>>, vector<16xf32>,
      %rem3A_1475 = arith.constant 4 : i32
      %rem3A_1476 = arith.remsi %mul3A_986, %rem3A_1475 : i32
      %eq3A_1477 = arith.constant 3 : i32
      %eq3A_1478 = arith.cmpi eq, %rem3A_1476, %eq3A_1477 : i32
      %broadcast_in_dim3A_1479 = vector.broadcast %eq3A_1478 : i1 to vector<16xi1>
      %jit3A_1480 = arith.constant 0.000000e+00 : f32
      %broadcast_in_dim3A_1481 = vector.broadcast %jit3A_1480 : f32 to vector<16xf32>
      %select_n3A_1482 = arith.select %broadcast_in_dim3A_1479, %broadcast_in_dim3A_1481, %select_n3A_1468 : vector<16xi1>, vector<16xf32>
      %add3A_1483 = arith.constant 3 : i32
      %add3A_1484 = arith.addi %mul3A_986, %add3A_1483 : i32
      %mul3A_1485 = arith.constant 4 : i32
      %mul3A_1486 = arith.muli %add3A_1484, %mul3A_1485 : i32
      %get3A_1487 = arith.index_cast %mul3A_1486 : i32 to index
      %get3A_1488 = tpu.vector_load %arg7[%get3A_1487] {strides = array<i32>} : memref<528xi32, #tpu.memory_space<vmem>>, vector<16xi32>,
      %get3A_1489 = arith.index_cast %mul3A_1486 : i32 to index
      %get3A_1490 = tpu.vector_load %arg8[%get3A_1489] {strides = array<i32>} : memref<528xi32, #tpu.memory_space<vmem>>, vector<16xi32>,
      %and3A_1491 = arith.constant -128 : i32
      %and3A_1492 = vector.broadcast %and3A_1491 : i32 to vector<16xi32>
      %and3A_1493 = arith.andi %get3A_1488, %and3A_1492 : vector<16xi32>
      %and3A_1494 = arith.constant -128 : i32
      %and3A_1495 = vector.broadcast %and3A_1494 : i32 to vector<16xi32>
      %and3A_1496 = arith.andi %get3A_1490, %and3A_1495 : vector<16xi32>
      %slice3A_1497 = vector.extract_strided_slice %and3A_1493 {offsets = [0], sizes = [1], strides = [1]} : vector<16xi32> to vector<1xi32>
      %squeeze3A_1498 = vector.extract %slice3A_1497[0] : i32 from vector<1xi32>
      %multiple_of3A_1499 = tpu.assume_multiple %squeeze3A_1498, 128 : i32
      %slice3A_1500 = vector.extract_strided_slice %and3A_1496 {offsets = [0], sizes = [1], strides = [1]} : vector<16xi32> to vector<1xi32>
      %squeeze3A_1501 = vector.extract %slice3A_1500[0] : i32 from vector<1xi32>
      %multiple_of3A_1502 = tpu.assume_multiple %squeeze3A_1501, 128 : i32
      %dma_start3A_1503 = arith.constant 0 : i32
      %dma_start3A_1504 = arith.constant 0 : i32
      %dma_start3A_1505 = arith.constant 0 : i32
      %dma_start3A_1506 = arith.constant 0 : i32
      %dma_start3A_1507 = tpu.memref_slice %arg9[%dma_start3A_1503, %dma_start3A_1504, %dma_start3A_1505, %dma_start3A_1506] : memref<3x4x32x128xf32, #tpu.memory_space<vmem>> -> memref<1x1x32x128xf32, #tpu.memory_space<vmem>>
      %dma_start3A_1508 = tpu.memref_squeeze %dma_start3A_1507 : memref<1x1x32x128xf32, #tpu.memory_space<vmem>> -> memref<32x128xf32, #tpu.memory_space<vmem>>
      %dma_start3A_1509 = arith.constant 0 : i32
      %dma_start3A_1510 = tpu.memref_slice %arg4[%dma_start3A_1509, %multiple_of3A_1499] : memref<32x1000000xf32, #tpu.memory_space<hbm>> -> memref<32x128xf32, #tpu.memory_space<hbm>>
      %dma_start3A_1511 = arith.constant 0 : i32
      %dma_start3A_1512 = arith.constant 0 : i32
      %dma_start3A_1513 = tpu.memref_slice %arg9[%dma_start3A_1503, %dma_start3A_1504, %dma_start3A_1511, %dma_start3A_1512] : memref<3x4x32x128xf32, #tpu.memory_space<vmem>> -> memref<1x1x32x128xf32, #tpu.memory_space<vmem>>
      %dma_start3A_1514 = tpu.memref_squeeze %dma_start3A_1513 : memref<1x1x32x128xf32, #tpu.memory_space<vmem>> -> memref<32x128xf32, #tpu.memory_space<vmem>>
      %dma_start3A_1515 = arith.constant 0 : i32
      %dma_start3A_1516 = tpu.memref_slice %arg4[%dma_start3A_1515, %multiple_of3A_1499] : memref<32x1000000xf32, #tpu.memory_space<hbm>> -> memref<32x128xf32, #tpu.memory_space<hbm>>
      tpu.enqueue_dma source(%dma_start3A_1516 : memref<32x128xf32, #tpu.memory_space<hbm>>) target(%dma_start3A_1514 : memref<32x128xf32, #tpu.memory_space<vmem>>) target_semaphore(%arg12 : memref<!tpu.dma_semaphore, #tpu.memory_space<semaphore_mem>>)
      %dma_start3A_1517 = arith.constant 0 : i32
      %dma_start3A_1518 = arith.constant 0 : i32
      %dma_start3A_1519 = arith.constant 0 : i32
      %dma_start3A_1520 = arith.constant 0 : i32
      %dma_start3A_1521 = tpu.memref_slice %arg10[%dma_start3A_1517, %dma_start3A_1518, %dma_start3A_1519, %dma_start3A_1520] : memref<3x4x32x128xf32, #tpu.memory_space<vmem>> -> memref<1x1x32x128xf32, #tpu.memory_space<vmem>>
      %dma_start3A_1522 = tpu.memref_squeeze %dma_start3A_1521 : memref<1x1x32x128xf32, #tpu.memory_space<vmem>> -> memref<32x128xf32, #tpu.memory_space<vmem>>
      %dma_start3A_1523 = arith.constant 0 : i32
      %dma_start3A_1524 = tpu.memref_slice %arg5[%dma_start3A_1523, %multiple_of3A_1502] : memref<32x1000000xf32, #tpu.memory_space<hbm>> -> memref<32x128xf32, #tpu.memory_space<hbm>>
      %dma_start3A_1525 = arith.constant 0 : i32
      %dma_start3A_1526 = arith.constant 0 : i32
      %dma_start3A_1527 = tpu.memref_slice %arg10[%dma_start3A_1517, %dma_start3A_1518, %dma_start3A_1525, %dma_start3A_1526] : memref<3x4x32x128xf32, #tpu.memory_space<vmem>> -> memref<1x1x32x128xf32, #tpu.memory_space<vmem>>
      %dma_start3A_1528 = tpu.memref_squeeze %dma_start3A_1527 : memref<1x1x32x128xf32, #tpu.memory_space<vmem>> -> memref<32x128xf32, #tpu.memory_space<vmem>>
      %dma_start3A_1529 = arith.constant 0 : i32
      %dma_start3A_1530 = tpu.memref_slice %arg5[%dma_start3A_1529, %multiple_of3A_1502] : memref<32x1000000xf32, #tpu.memory_space<hbm>> -> memref<32x128xf32, #tpu.memory_space<hbm>>
      tpu.enqueue_dma source(%dma_start3A_1530 : memref<32x128xf32, #tpu.memory_space<hbm>>) target(%dma_start3A_1528 : memref<32x128xf32, #tpu.memory_space<vmem>>) target_semaphore(%arg12 : memref<!tpu.dma_semaphore, #tpu.memory_space<semaphore_mem>>)
      %slice3A_1531 = vector.extract_strided_slice %and3A_1493 {offsets = [1], sizes = [1], strides = [1]} : vector<16xi32> to vector<1xi32>
      %squeeze3A_1532 = vector.extract %slice3A_1531[0] : i32 from vector<1xi32>
      %multiple_of3A_1533 = tpu.assume_multiple %squeeze3A_1532, 128 : i32
      %slice3A_1534 = vector.extract_strided_slice %and3A_1496 {offsets = [1], sizes = [1], strides = [1]} : vector<16xi32> to vector<1xi32>
      %squeeze3A_1535 = vector.extract %slice3A_1534[0] : i32 from vector<1xi32>
      %multiple_of3A_1536 = tpu.assume_multiple %squeeze3A_1535, 128 : i32
      %dma_start3A_1537 = arith.constant 0 : i32
      %dma_start3A_1538 = arith.constant 1 : i32
      %dma_start3A_1539 = arith.constant 0 : i32
      %dma_start3A_1540 = arith.constant 0 : i32
      %dma_start3A_1541 = tpu.memref_slice %arg9[%dma_start3A_1537, %dma_start3A_1538, %dma_start3A_1539, %dma_start3A_1540] : memref<3x4x32x128xf32, #tpu.memory_space<vmem>> -> memref<1x1x32x128xf32, #tpu.memory_space<vmem>>
      %dma_start3A_1542 = tpu.memref_squeeze %dma_start3A_1541 : memref<1x1x32x128xf32, #tpu.memory_space<vmem>> -> memref<32x128xf32, #tpu.memory_space<vmem>>
      %dma_start3A_1543 = arith.constant 0 : i32
      %dma_start3A_1544 = tpu.memref_slice %arg4[%dma_start3A_1543, %multiple_of3A_1533] : memref<32x1000000xf32, #tpu.memory_space<hbm>> -> memref<32x128xf32, #tpu.memory_space<hbm>>
      %dma_start3A_1545 = arith.constant 0 : i32
      %dma_start3A_1546 = arith.constant 0 : i32
      %dma_start3A_1547 = tpu.memref_slice %arg9[%dma_start3A_1537, %dma_start3A_1538, %dma_start3A_1545, %dma_start3A_1546] : memref<3x4x32x128xf32, #tpu.memory_space<vmem>> -> memref<1x1x32x128xf32, #tpu.memory_space<vmem>>
      %dma_start3A_1548 = tpu.memref_squeeze %dma_start3A_1547 : memref<1x1x32x128xf32, #tpu.memory_space<vmem>> -> memref<32x128xf32, #tpu.memory_space<vmem>>
      %dma_start3A_1549 = arith.constant 0 : i32
      %dma_start3A_1550 = tpu.memref_slice %arg4[%dma_start3A_1549, %multiple_of3A_1533] : memref<32x1000000xf32, #tpu.memory_space<hbm>> -> memref<32x128xf32, #tpu.memory_space<hbm>>
      tpu.enqueue_dma source(%dma_start3A_1550 : memref<32x128xf32, #tpu.memory_space<hbm>>) target(%dma_start3A_1548 : memref<32x128xf32, #tpu.memory_space<vmem>>) target_semaphore(%arg12 : memref<!tpu.dma_semaphore, #tpu.memory_space<semaphore_mem>>)
      %dma_start3A_1551 = arith.constant 0 : i32
      %dma_start3A_1552 = arith.constant 1 : i32
      %dma_start3A_1553 = arith.constant 0 : i32
      %dma_start3A_1554 = arith.constant 0 : i32
      %dma_start3A_1555 = tpu.memref_slice %arg10[%dma_start3A_1551, %dma_start3A_1552, %dma_start3A_1553, %dma_start3A_1554] : memref<3x4x32x128xf32, #tpu.memory_space<vmem>> -> memref<1x1x32x128xf32, #tpu.memory_space<vmem>>
      %dma_start3A_1556 = tpu.memref_squeeze %dma_start3A_1555 : memref<1x1x32x128xf32, #tpu.memory_space<vmem>> -> memref<32x128xf32, #tpu.memory_space<vmem>>
      %dma_start3A_1557 = arith.constant 0 : i32
      %dma_start3A_1558 = tpu.memref_slice %arg5[%dma_start3A_1557, %multiple_of3A_1536] : memref<32x1000000xf32, #tpu.memory_space<hbm>> -> memref<32x128xf32, #tpu.memory_space<hbm>>
      %dma_start3A_1559 = arith.constant 0 : i32
      %dma_start3A_1560 = arith.constant 0 : i32
      %dma_start3A_1561 = tpu.memref_slice %arg10[%dma_start3A_1551, %dma_start3A_1552, %dma_start3A_1559, %dma_start3A_1560] : memref<3x4x32x128xf32, #tpu.memory_space<vmem>> -> memref<1x1x32x128xf32, #tpu.memory_space<vmem>>
      %dma_start3A_1562 = tpu.memref_squeeze %dma_start3A_1561 : memref<1x1x32x128xf32, #tpu.memory_space<vmem>> -> memref<32x128xf32, #tpu.memory_space<vmem>>
      %dma_start3A_1563 = arith.constant 0 : i32
      %dma_start3A_1564 = tpu.memref_slice %arg5[%dma_start3A_1563, %multiple_of3A_1536] : memref<32x1000000xf32, #tpu.memory_space<hbm>> -> memref<32x128xf32, #tpu.memory_space<hbm>>
      tpu.enqueue_dma source(%dma_start3A_1564 : memref<32x128xf32, #tpu.memory_space<hbm>>) target(%dma_start3A_1562 : memref<32x128xf32, #tpu.memory_space<vmem>>) target_semaphore(%arg12 : memref<!tpu.dma_semaphore, #tpu.memory_space<semaphore_mem>>)
      %slice3A_1565 = vector.extract_strided_slice %and3A_1493 {offsets = [2], sizes = [1], strides = [1]} : vector<16xi32> to vector<1xi32>
      %squeeze3A_1566 = vector.extract %slice3A_1565[0] : i32 from vector<1xi32>
      %multiple_of3A_1567 = tpu.assume_multiple %squeeze3A_1566, 128 : i32
      %slice3A_1568 = vector.extract_strided_slice %and3A_1496 {offsets = [2], sizes = [1], strides = [1]} : vector<16xi32> to vector<1xi32>
      %squeeze3A_1569 = vector.extract %slice3A_1568[0] : i32 from vector<1xi32>
      %multiple_of3A_1570 = tpu.assume_multiple %squeeze3A_1569, 128 : i32
      %dma_start3A_1571 = arith.constant 0 : i32
      %dma_start3A_1572 = arith.constant 2 : i32
      %dma_start3A_1573 = arith.constant 0 : i32
      %dma_start3A_1574 = arith.constant 0 : i32
      %dma_start3A_1575 = tpu.memref_slice %arg9[%dma_start3A_1571, %dma_start3A_1572, %dma_start3A_1573, %dma_start3A_1574] : memref<3x4x32x128xf32, #tpu.memory_space<vmem>> -> memref<1x1x32x128xf32, #tpu.memory_space<vmem>>
      %dma_start3A_1576 = tpu.memref_squeeze %dma_start3A_1575 : memref<1x1x32x128xf32, #tpu.memory_space<vmem>> -> memref<32x128xf32, #tpu.memory_space<vmem>>
      %dma_start3A_1577 = arith.constant 0 : i32
      %dma_start3A_1578 = tpu.memref_slice %arg4[%dma_start3A_1577, %multiple_of3A_1567] : memref<32x1000000xf32, #tpu.memory_space<hbm>> -> memref<32x128xf32, #tpu.memory_space<hbm>>
      %dma_start3A_1579 = arith.constant 0 : i32
      %dma_start3A_1580 = arith.constant 0 : i32
      %dma_start3A_1581 = tpu.memref_slice %arg9[%dma_start3A_1571, %dma_start3A_1572, %dma_start3A_1579, %dma_start3A_1580] : memref<3x4x32x128xf32, #tpu.memory_space<vmem>> -> memref<1x1x32x128xf32, #tpu.memory_space<vmem>>
      %dma_start3A_1582 = tpu.memref_squeeze %dma_start3A_1581 : memref<1x1x32x128xf32, #tpu.memory_space<vmem>> -> memref<32x128xf32, #tpu.memory_space<vmem>>
      %dma_start3A_1583 = arith.constant 0 : i32
      %dma_start3A_1584 = tpu.memref_slice %arg4[%dma_start3A_1583, %multiple_of3A_1567] : memref<32x1000000xf32, #tpu.memory_space<hbm>> -> memref<32x128xf32, #tpu.memory_space<hbm>>
      tpu.enqueue_dma source(%dma_start3A_1584 : memref<32x128xf32, #tpu.memory_space<hbm>>) target(%dma_start3A_1582 : memref<32x128xf32, #tpu.memory_space<vmem>>) target_semaphore(%arg12 : memref<!tpu.dma_semaphore, #tpu.memory_space<semaphore_mem>>)
      %dma_start3A_1585 = arith.constant 0 : i32
      %dma_start3A_1586 = arith.constant 2 : i32
      %dma_start3A_1587 = arith.constant 0 : i32
      %dma_start3A_1588 = arith.constant 0 : i32
      %dma_start3A_1589 = tpu.memref_slice %arg10[%dma_start3A_1585, %dma_start3A_1586, %dma_start3A_1587, %dma_start3A_1588] : memref<3x4x32x128xf32, #tpu.memory_space<vmem>> -> memref<1x1x32x128xf32, #tpu.memory_space<vmem>>
      %dma_start3A_1590 = tpu.memref_squeeze %dma_start3A_1589 : memref<1x1x32x128xf32, #tpu.memory_space<vmem>> -> memref<32x128xf32, #tpu.memory_space<vmem>>
      %dma_start3A_1591 = arith.constant 0 : i32
      %dma_start3A_1592 = tpu.memref_slice %arg5[%dma_start3A_1591, %multiple_of3A_1570] : memref<32x1000000xf32, #tpu.memory_space<hbm>> -> memref<32x128xf32, #tpu.memory_space<hbm>>
      %dma_start3A_1593 = arith.constant 0 : i32
      %dma_start3A_1594 = arith.constant 0 : i32
      %dma_start3A_1595 = tpu.memref_slice %arg10[%dma_start3A_1585, %dma_start3A_1586, %dma_start3A_1593, %dma_start3A_1594] : memref<3x4x32x128xf32, #tpu.memory_space<vmem>> -> memref<1x1x32x128xf32, #tpu.memory_space<vmem>>
      %dma_start3A_1596 = tpu.memref_squeeze %dma_start3A_1595 : memref<1x1x32x128xf32, #tpu.memory_space<vmem>> -> memref<32x128xf32, #tpu.memory_space<vmem>>
      %dma_start3A_1597 = arith.constant 0 : i32
      %dma_start3A_1598 = tpu.memref_slice %arg5[%dma_start3A_1597, %multiple_of3A_1570] : memref<32x1000000xf32, #tpu.memory_space<hbm>> -> memref<32x128xf32, #tpu.memory_space<hbm>>
      tpu.enqueue_dma source(%dma_start3A_1598 : memref<32x128xf32, #tpu.memory_space<hbm>>) target(%dma_start3A_1596 : memref<32x128xf32, #tpu.memory_space<vmem>>) target_semaphore(%arg12 : memref<!tpu.dma_semaphore, #tpu.memory_space<semaphore_mem>>)
      %slice3A_1599 = vector.extract_strided_slice %and3A_1493 {offsets = [3], sizes = [1], strides = [1]} : vector<16xi32> to vector<1xi32>
      %squeeze3A_1600 = vector.extract %slice3A_1599[0] : i32 from vector<1xi32>
      %multiple_of3A_1601 = tpu.assume_multiple %squeeze3A_1600, 128 : i32
      %slice3A_1602 = vector.extract_strided_slice %and3A_1496 {offsets = [3], sizes = [1], strides = [1]} : vector<16xi32> to vector<1xi32>
      %squeeze3A_1603 = vector.extract %slice3A_1602[0] : i32 from vector<1xi32>
      %multiple_of3A_1604 = tpu.assume_multiple %squeeze3A_1603, 128 : i32
      %dma_start3A_1605 = arith.constant 0 : i32
      %dma_start3A_1606 = arith.constant 3 : i32
      %dma_start3A_1607 = arith.constant 0 : i32
      %dma_start3A_1608 = arith.constant 0 : i32
      %dma_start3A_1609 = tpu.memref_slice %arg9[%dma_start3A_1605, %dma_start3A_1606, %dma_start3A_1607, %dma_start3A_1608] : memref<3x4x32x128xf32, #tpu.memory_space<vmem>> -> memref<1x1x32x128xf32, #tpu.memory_space<vmem>>
      %dma_start3A_1610 = tpu.memref_squeeze %dma_start3A_1609 : memref<1x1x32x128xf32, #tpu.memory_space<vmem>> -> memref<32x128xf32, #tpu.memory_space<vmem>>
      %dma_start3A_1611 = arith.constant 0 : i32
      %dma_start3A_1612 = tpu.memref_slice %arg4[%dma_start3A_1611, %multiple_of3A_1601] : memref<32x1000000xf32, #tpu.memory_space<hbm>> -> memref<32x128xf32, #tpu.memory_space<hbm>>
      %dma_start3A_1613 = arith.constant 0 : i32
      %dma_start3A_1614 = arith.constant 0 : i32
      %dma_start3A_1615 = tpu.memref_slice %arg9[%dma_start3A_1605, %dma_start3A_1606, %dma_start3A_1613, %dma_start3A_1614] : memref<3x4x32x128xf32, #tpu.memory_space<vmem>> -> memref<1x1x32x128xf32, #tpu.memory_space<vmem>>
      %dma_start3A_1616 = tpu.memref_squeeze %dma_start3A_1615 : memref<1x1x32x128xf32, #tpu.memory_space<vmem>> -> memref<32x128xf32, #tpu.memory_space<vmem>>
      %dma_start3A_1617 = arith.constant 0 : i32
      %dma_start3A_1618 = tpu.memref_slice %arg4[%dma_start3A_1617, %multiple_of3A_1601] : memref<32x1000000xf32, #tpu.memory_space<hbm>> -> memref<32x128xf32, #tpu.memory_space<hbm>>
      tpu.enqueue_dma source(%dma_start3A_1618 : memref<32x128xf32, #tpu.memory_space<hbm>>) target(%dma_start3A_1616 : memref<32x128xf32, #tpu.memory_space<vmem>>) target_semaphore(%arg12 : memref<!tpu.dma_semaphore, #tpu.memory_space<semaphore_mem>>)
      %dma_start3A_1619 = arith.constant 0 : i32
      %dma_start3A_1620 = arith.constant 3 : i32
      %dma_start3A_1621 = arith.constant 0 : i32
      %dma_start3A_1622 = arith.constant 0 : i32
      %dma_start3A_1623 = tpu.memref_slice %arg10[%dma_start3A_1619, %dma_start3A_1620, %dma_start3A_1621, %dma_start3A_1622] : memref<3x4x32x128xf32, #tpu.memory_space<vmem>> -> memref<1x1x32x128xf32, #tpu.memory_space<vmem>>
      %dma_start3A_1624 = tpu.memref_squeeze %dma_start3A_1623 : memref<1x1x32x128xf32, #tpu.memory_space<vmem>> -> memref<32x128xf32, #tpu.memory_space<vmem>>
      %dma_start3A_1625 = arith.constant 0 : i32
      %dma_start3A_1626 = tpu.memref_slice %arg5[%dma_start3A_1625, %multiple_of3A_1604] : memref<32x1000000xf32, #tpu.memory_space<hbm>> -> memref<32x128xf32, #tpu.memory_space<hbm>>
      %dma_start3A_1627 = arith.constant 0 : i32
      %dma_start3A_1628 = arith.constant 0 : i32
      %dma_start3A_1629 = tpu.memref_slice %arg10[%dma_start3A_1619, %dma_start3A_1620, %dma_start3A_1627, %dma_start3A_1628] : memref<3x4x32x128xf32, #tpu.memory_space<vmem>> -> memref<1x1x32x128xf32, #tpu.memory_space<vmem>>
      %dma_start3A_1630 = tpu.memref_squeeze %dma_start3A_1629 : memref<1x1x32x128xf32, #tpu.memory_space<vmem>> -> memref<32x128xf32, #tpu.memory_space<vmem>>
      %dma_start3A_1631 = arith.constant 0 : i32
      %dma_start3A_1632 = tpu.memref_slice %arg5[%dma_start3A_1631, %multiple_of3A_1604] : memref<32x1000000xf32, #tpu.memory_space<hbm>> -> memref<32x128xf32, #tpu.memory_space<hbm>>
      tpu.enqueue_dma source(%dma_start3A_1632 : memref<32x128xf32, #tpu.memory_space<hbm>>) target(%dma_start3A_1630 : memref<32x128xf32, #tpu.memory_space<vmem>>) target_semaphore(%arg12 : memref<!tpu.dma_semaphore, #tpu.memory_space<semaphore_mem>>)
      %dma_wait3A_1633 = arith.constant 0 : i32
      %dma_wait3A_1634 = arith.constant 0 : i32
      %dma_wait3A_1635 = arith.constant 0 : i32
      %dma_wait3A_1636 = arith.constant 0 : i32
      %dma_wait3A_1637 = tpu.memref_slice %arg9[%dma_wait3A_1633, %dma_wait3A_1634, %dma_wait3A_1635, %dma_wait3A_1636] : memref<3x4x32x128xf32, #tpu.memory_space<vmem>> -> memref<1x1x32x128xf32, #tpu.memory_space<vmem>>
      %dma_wait3A_1638 = tpu.memref_squeeze %dma_wait3A_1637 : memref<1x1x32x128xf32, #tpu.memory_space<vmem>> -> memref<32x128xf32, #tpu.memory_space<vmem>>
      %dma_wait3A_1639 = arith.constant 0 : i32
      %dma_wait3A_1640 = arith.constant 0 : i32
      %dma_wait3A_1641 = tpu.memref_slice %arg4[%dma_wait3A_1639, %dma_wait3A_1640] : memref<32x1000000xf32, #tpu.memory_space<hbm>> -> memref<32x128xf32, #tpu.memory_space<hbm>>
      %dma_wait3A_1642 = arith.constant 0 : i32
      %dma_wait3A_1643 = arith.constant 0 : i32
      %dma_wait3A_1644 = tpu.memref_slice %arg9[%dma_wait3A_1633, %dma_wait3A_1634, %dma_wait3A_1642, %dma_wait3A_1643] : memref<3x4x32x128xf32, #tpu.memory_space<vmem>> -> memref<1x1x32x128xf32, #tpu.memory_space<vmem>>
      %dma_wait3A_1645 = tpu.memref_squeeze %dma_wait3A_1644 : memref<1x1x32x128xf32, #tpu.memory_space<vmem>> -> memref<32x128xf32, #tpu.memory_space<vmem>>
      %dma_wait3A_1646 = arith.constant 0 : i32
      %dma_wait3A_1647 = arith.constant 0 : i32
      %dma_wait3A_1648 = tpu.memref_slice %arg4[%dma_wait3A_1646, %dma_wait3A_1647] : memref<32x1000000xf32, #tpu.memory_space<hbm>> -> memref<32x128xf32, #tpu.memory_space<hbm>>
      tpu.wait_dma2 semaphore(%arg13 : memref<!tpu.dma_semaphore, #tpu.memory_space<semaphore_mem>>) src(%dma_wait3A_1648 : memref<32x128xf32, #tpu.memory_space<hbm>>) dst(%dma_wait3A_1645 : memref<32x128xf32, #tpu.memory_space<vmem>>)
      %dma_wait3A_1649 = arith.constant 0 : i32
      %dma_wait3A_1650 = arith.constant 0 : i32
      %dma_wait3A_1651 = arith.constant 0 : i32
      %dma_wait3A_1652 = arith.constant 0 : i32
      %dma_wait3A_1653 = tpu.memref_slice %arg9[%dma_wait3A_1649, %dma_wait3A_1650, %dma_wait3A_1651, %dma_wait3A_1652] : memref<3x4x32x128xf32, #tpu.memory_space<vmem>> -> memref<1x1x32x128xf32, #tpu.memory_space<vmem>>
      %dma_wait3A_1654 = tpu.memref_squeeze %dma_wait3A_1653 : memref<1x1x32x128xf32, #tpu.memory_space<vmem>> -> memref<32x128xf32, #tpu.memory_space<vmem>>
      %dma_wait3A_1655 = arith.constant 0 : i32
      %dma_wait3A_1656 = arith.constant 0 : i32
      %dma_wait3A_1657 = tpu.memref_slice %arg4[%dma_wait3A_1655, %dma_wait3A_1656] : memref<32x1000000xf32, #tpu.memory_space<hbm>> -> memref<32x128xf32, #tpu.memory_space<hbm>>
      %dma_wait3A_1658 = arith.constant 0 : i32
      %dma_wait3A_1659 = arith.constant 0 : i32
      %dma_wait3A_1660 = tpu.memref_slice %arg9[%dma_wait3A_1649, %dma_wait3A_1650, %dma_wait3A_1658, %dma_wait3A_1659] : memref<3x4x32x128xf32, #tpu.memory_space<vmem>> -> memref<1x1x32x128xf32, #tpu.memory_space<vmem>>
      %dma_wait3A_1661 = tpu.memref_squeeze %dma_wait3A_1660 : memref<1x1x32x128xf32, #tpu.memory_space<vmem>> -> memref<32x128xf32, #tpu.memory_space<vmem>>
      %dma_wait3A_1662 = arith.constant 0 : i32
      %dma_wait3A_1663 = arith.constant 0 : i32
      %dma_wait3A_1664 = tpu.memref_slice %arg4[%dma_wait3A_1662, %dma_wait3A_1663] : memref<32x1000000xf32, #tpu.memory_space<hbm>> -> memref<32x128xf32, #tpu.memory_space<hbm>>
      tpu.wait_dma2 semaphore(%arg13 : memref<!tpu.dma_semaphore, #tpu.memory_space<semaphore_mem>>) src(%dma_wait3A_1664 : memref<32x128xf32, #tpu.memory_space<hbm>>) dst(%dma_wait3A_1661 : memref<32x128xf32, #tpu.memory_space<vmem>>)
      %dma_wait3A_1665 = arith.constant 0 : i32
      %dma_wait3A_1666 = arith.constant 0 : i32
      %dma_wait3A_1667 = arith.constant 0 : i32
      %dma_wait3A_1668 = arith.constant 0 : i32
      %dma_wait3A_1669 = tpu.memref_slice %arg9[%dma_wait3A_1665, %dma_wait3A_1666, %dma_wait3A_1667, %dma_wait3A_1668] : memref<3x4x32x128xf32, #tpu.memory_space<vmem>> -> memref<1x1x32x128xf32, #tpu.memory_space<vmem>>
      %dma_wait3A_1670 = tpu.memref_squeeze %dma_wait3A_1669 : memref<1x1x32x128xf32, #tpu.memory_space<vmem>> -> memref<32x128xf32, #tpu.memory_space<vmem>>
      %dma_wait3A_1671 = arith.constant 0 : i32
      %dma_wait3A_1672 = arith.constant 0 : i32
      %dma_wait3A_1673 = tpu.memref_slice %arg4[%dma_wait3A_1671, %dma_wait3A_1672] : memref<32x1000000xf32, #tpu.memory_space<hbm>> -> memref<32x128xf32, #tpu.memory_space<hbm>>
      %dma_wait3A_1674 = arith.constant 0 : i32
      %dma_wait3A_1675 = arith.constant 0 : i32
      %dma_wait3A_1676 = tpu.memref_slice %arg9[%dma_wait3A_1665, %dma_wait3A_1666, %dma_wait3A_1674, %dma_wait3A_1675] : memref<3x4x32x128xf32, #tpu.memory_space<vmem>> -> memref<1x1x32x128xf32, #tpu.memory_space<vmem>>
      %dma_wait3A_1677 = tpu.memref_squeeze %dma_wait3A_1676 : memref<1x1x32x128xf32, #tpu.memory_space<vmem>> -> memref<32x128xf32, #tpu.memory_space<vmem>>
      %dma_wait3A_1678 = arith.constant 0 : i32
      %dma_wait3A_1679 = arith.constant 0 : i32
      %dma_wait3A_1680 = tpu.memref_slice %arg4[%dma_wait3A_1678, %dma_wait3A_1679] : memref<32x1000000xf32, #tpu.memory_space<hbm>> -> memref<32x128xf32, #tpu.memory_space<hbm>>
      tpu.wait_dma2 semaphore(%arg13 : memref<!tpu.dma_semaphore, #tpu.memory_space<semaphore_mem>>) src(%dma_wait3A_1680 : memref<32x128xf32, #tpu.memory_space<hbm>>) dst(%dma_wait3A_1677 : memref<32x128xf32, #tpu.memory_space<vmem>>)
      %dma_wait3A_1681 = arith.constant 0 : i32
      %dma_wait3A_1682 = arith.constant 0 : i32
      %dma_wait3A_1683 = arith.constant 0 : i32
      %dma_wait3A_1684 = arith.constant 0 : i32
      %dma_wait3A_1685 = tpu.memref_slice %arg9[%dma_wait3A_1681, %dma_wait3A_1682, %dma_wait3A_1683, %dma_wait3A_1684] : memref<3x4x32x128xf32, #tpu.memory_space<vmem>> -> memref<1x1x32x128xf32, #tpu.memory_space<vmem>>
      %dma_wait3A_1686 = tpu.memref_squeeze %dma_wait3A_1685 : memref<1x1x32x128xf32, #tpu.memory_space<vmem>> -> memref<32x128xf32, #tpu.memory_space<vmem>>
      %dma_wait3A_1687 = arith.constant 0 : i32
      %dma_wait3A_1688 = arith.constant 0 : i32
      %dma_wait3A_1689 = tpu.memref_slice %arg4[%dma_wait3A_1687, %dma_wait3A_1688] : memref<32x1000000xf32, #tpu.memory_space<hbm>> -> memref<32x128xf32, #tpu.memory_space<hbm>>
      %dma_wait3A_1690 = arith.constant 0 : i32
      %dma_wait3A_1691 = arith.constant 0 : i32
      %dma_wait3A_1692 = tpu.memref_slice %arg9[%dma_wait3A_1681, %dma_wait3A_1682, %dma_wait3A_1690, %dma_wait3A_1691] : memref<3x4x32x128xf32, #tpu.memory_space<vmem>> -> memref<1x1x32x128xf32, #tpu.memory_space<vmem>>
      %dma_wait3A_1693 = tpu.memref_squeeze %dma_wait3A_1692 : memref<1x1x32x128xf32, #tpu.memory_space<vmem>> -> memref<32x128xf32, #tpu.memory_space<vmem>>
      %dma_wait3A_1694 = arith.constant 0 : i32
      %dma_wait3A_1695 = arith.constant 0 : i32
      %dma_wait3A_1696 = tpu.memref_slice %arg4[%dma_wait3A_1694, %dma_wait3A_1695] : memref<32x1000000xf32, #tpu.memory_space<hbm>> -> memref<32x128xf32, #tpu.memory_space<hbm>>
      tpu.wait_dma2 semaphore(%arg13 : memref<!tpu.dma_semaphore, #tpu.memory_space<semaphore_mem>>) src(%dma_wait3A_1696 : memref<32x128xf32, #tpu.memory_space<hbm>>) dst(%dma_wait3A_1693 : memref<32x128xf32, #tpu.memory_space<vmem>>)
      %dma_wait3A_1697 = arith.constant 0 : i32
      %dma_wait3A_1698 = arith.constant 0 : i32
      %dma_wait3A_1699 = arith.constant 0 : i32
      %dma_wait3A_1700 = arith.constant 0 : i32
      %dma_wait3A_1701 = tpu.memref_slice %arg9[%dma_wait3A_1697, %dma_wait3A_1698, %dma_wait3A_1699, %dma_wait3A_1700] : memref<3x4x32x128xf32, #tpu.memory_space<vmem>> -> memref<1x1x32x128xf32, #tpu.memory_space<vmem>>
      %dma_wait3A_1702 = tpu.memref_squeeze %dma_wait3A_1701 : memref<1x1x32x128xf32, #tpu.memory_space<vmem>> -> memref<32x128xf32, #tpu.memory_space<vmem>>
      %dma_wait3A_1703 = arith.constant 0 : i32
      %dma_wait3A_1704 = arith.constant 0 : i32
      %dma_wait3A_1705 = tpu.memref_slice %arg4[%dma_wait3A_1703, %dma_wait3A_1704] : memref<32x1000000xf32, #tpu.memory_space<hbm>> -> memref<32x128xf32, #tpu.memory_space<hbm>>
      %dma_wait3A_1706 = arith.constant 0 : i32
      %dma_wait3A_1707 = arith.constant 0 : i32
      %dma_wait3A_1708 = tpu.memref_slice %arg9[%dma_wait3A_1697, %dma_wait3A_1698, %dma_wait3A_1706, %dma_wait3A_1707] : memref<3x4x32x128xf32, #tpu.memory_space<vmem>> -> memref<1x1x32x128xf32, #tpu.memory_space<vmem>>
      %dma_wait3A_1709 = tpu.memref_squeeze %dma_wait3A_1708 : memref<1x1x32x128xf32, #tpu.memory_space<vmem>> -> memref<32x128xf32, #tpu.memory_space<vmem>>
      %dma_wait3A_1710 = arith.constant 0 : i32
      %dma_wait3A_1711 = arith.constant 0 : i32
      %dma_wait3A_1712 = tpu.memref_slice %arg4[%dma_wait3A_1710, %dma_wait3A_1711] : memref<32x1000000xf32, #tpu.memory_space<hbm>> -> memref<32x128xf32, #tpu.memory_space<hbm>>
      tpu.wait_dma2 semaphore(%arg13 : memref<!tpu.dma_semaphore, #tpu.memory_space<semaphore_mem>>) src(%dma_wait3A_1712 : memref<32x128xf32, #tpu.memory_space<hbm>>) dst(%dma_wait3A_1709 : memref<32x128xf32, #tpu.memory_space<vmem>>)
      %dma_wait3A_1713 = arith.constant 0 : i32
      %dma_wait3A_1714 = arith.constant 0 : i32
      %dma_wait3A_1715 = arith.constant 0 : i32
      %dma_wait3A_1716 = arith.constant 0 : i32
      %dma_wait3A_1717 = tpu.memref_slice %arg9[%dma_wait3A_1713, %dma_wait3A_1714, %dma_wait3A_1715, %dma_wait3A_1716] : memref<3x4x32x128xf32, #tpu.memory_space<vmem>> -> memref<1x1x32x128xf32, #tpu.memory_space<vmem>>
      %dma_wait3A_1718 = tpu.memref_squeeze %dma_wait3A_1717 : memref<1x1x32x128xf32, #tpu.memory_space<vmem>> -> memref<32x128xf32, #tpu.memory_space<vmem>>
      %dma_wait3A_1719 = arith.constant 0 : i32
      %dma_wait3A_1720 = arith.constant 0 : i32
      %dma_wait3A_1721 = tpu.memref_slice %arg4[%dma_wait3A_1719, %dma_wait3A_1720] : memref<32x1000000xf32, #tpu.memory_space<hbm>> -> memref<32x128xf32, #tpu.memory_space<hbm>>
      %dma_wait3A_1722 = arith.constant 0 : i32
      %dma_wait3A_1723 = arith.constant 0 : i32
      %dma_wait3A_1724 = tpu.memref_slice %arg9[%dma_wait3A_1713, %dma_wait3A_1714, %dma_wait3A_1722, %dma_wait3A_1723] : memref<3x4x32x128xf32, #tpu.memory_space<vmem>> -> memref<1x1x32x128xf32, #tpu.memory_space<vmem>>
      %dma_wait3A_1725 = tpu.memref_squeeze %dma_wait3A_1724 : memref<1x1x32x128xf32, #tpu.memory_space<vmem>> -> memref<32x128xf32, #tpu.memory_space<vmem>>
      %dma_wait3A_1726 = arith.constant 0 : i32
      %dma_wait3A_1727 = arith.constant 0 : i32
      %dma_wait3A_1728 = tpu.memref_slice %arg4[%dma_wait3A_1726, %dma_wait3A_1727] : memref<32x1000000xf32, #tpu.memory_space<hbm>> -> memref<32x128xf32, #tpu.memory_space<hbm>>
      tpu.wait_dma2 semaphore(%arg13 : memref<!tpu.dma_semaphore, #tpu.memory_space<semaphore_mem>>) src(%dma_wait3A_1728 : memref<32x128xf32, #tpu.memory_space<hbm>>) dst(%dma_wait3A_1725 : memref<32x128xf32, #tpu.memory_space<vmem>>)
      %dma_wait3A_1729 = arith.constant 0 : i32
      %dma_wait3A_1730 = arith.constant 0 : i32
      %dma_wait3A_1731 = arith.constant 0 : i32
      %dma_wait3A_1732 = arith.constant 0 : i32
      %dma_wait3A_1733 = tpu.memref_slice %arg9[%dma_wait3A_1729, %dma_wait3A_1730, %dma_wait3A_1731, %dma_wait3A_1732] : memref<3x4x32x128xf32, #tpu.memory_space<vmem>> -> memref<1x1x32x128xf32, #tpu.memory_space<vmem>>
      %dma_wait3A_1734 = tpu.memref_squeeze %dma_wait3A_1733 : memref<1x1x32x128xf32, #tpu.memory_space<vmem>> -> memref<32x128xf32, #tpu.memory_space<vmem>>
      %dma_wait3A_1735 = arith.constant 0 : i32
      %dma_wait3A_1736 = arith.constant 0 : i32
      %dma_wait3A_1737 = tpu.memref_slice %arg4[%dma_wait3A_1735, %dma_wait3A_1736] : memref<32x1000000xf32, #tpu.memory_space<hbm>> -> memref<32x128xf32, #tpu.memory_space<hbm>>
      %dma_wait3A_1738 = arith.constant 0 : i32
      %dma_wait3A_1739 = arith.constant 0 : i32
      %dma_wait3A_1740 = tpu.memref_slice %arg9[%dma_wait3A_1729, %dma_wait3A_1730, %dma_wait3A_1738, %dma_wait3A_1739] : memref<3x4x32x128xf32, #tpu.memory_space<vmem>> -> memref<1x1x32x128xf32, #tpu.memory_space<vmem>>
      %dma_wait3A_1741 = tpu.memref_squeeze %dma_wait3A_1740 : memref<1x1x32x128xf32, #tpu.memory_space<vmem>> -> memref<32x128xf32, #tpu.memory_space<vmem>>
      %dma_wait3A_1742 = arith.constant 0 : i32
      %dma_wait3A_1743 = arith.constant 0 : i32
      %dma_wait3A_1744 = tpu.memref_slice %arg4[%dma_wait3A_1742, %dma_wait3A_1743] : memref<32x1000000xf32, #tpu.memory_space<hbm>> -> memref<32x128xf32, #tpu.memory_space<hbm>>
      tpu.wait_dma2 semaphore(%arg13 : memref<!tpu.dma_semaphore, #tpu.memory_space<semaphore_mem>>) src(%dma_wait3A_1744 : memref<32x128xf32, #tpu.memory_space<hbm>>) dst(%dma_wait3A_1741 : memref<32x128xf32, #tpu.memory_space<vmem>>)
      %dma_wait3A_1745 = arith.constant 0 : i32
      %dma_wait3A_1746 = arith.constant 0 : i32
      %dma_wait3A_1747 = arith.constant 0 : i32
      %dma_wait3A_1748 = arith.constant 0 : i32
      %dma_wait3A_1749 = tpu.memref_slice %arg9[%dma_wait3A_1745, %dma_wait3A_1746, %dma_wait3A_1747, %dma_wait3A_1748] : memref<3x4x32x128xf32, #tpu.memory_space<vmem>> -> memref<1x1x32x128xf32, #tpu.memory_space<vmem>>
      %dma_wait3A_1750 = tpu.memref_squeeze %dma_wait3A_1749 : memref<1x1x32x128xf32, #tpu.memory_space<vmem>> -> memref<32x128xf32, #tpu.memory_space<vmem>>
      %dma_wait3A_1751 = arith.constant 0 : i32
      %dma_wait3A_1752 = arith.constant 0 : i32
      %dma_wait3A_1753 = tpu.memref_slice %arg4[%dma_wait3A_1751, %dma_wait3A_1752] : memref<32x1000000xf32, #tpu.memory_space<hbm>> -> memref<32x128xf32, #tpu.memory_space<hbm>>
      %dma_wait3A_1754 = arith.constant 0 : i32
      %dma_wait3A_1755 = arith.constant 0 : i32
      %dma_wait3A_1756 = tpu.memref_slice %arg9[%dma_wait3A_1745, %dma_wait3A_1746, %dma_wait3A_1754, %dma_wait3A_1755] : memref<3x4x32x128xf32, #tpu.memory_space<vmem>> -> memref<1x1x32x128xf32, #tpu.memory_space<vmem>>
      %dma_wait3A_1757 = tpu.memref_squeeze %dma_wait3A_1756 : memref<1x1x32x128xf32, #tpu.memory_space<vmem>> -> memref<32x128xf32, #tpu.memory_space<vmem>>
      %dma_wait3A_1758 = arith.constant 0 : i32
      %dma_wait3A_1759 = arith.constant 0 : i32
      %dma_wait3A_1760 = tpu.memref_slice %arg4[%dma_wait3A_1758, %dma_wait3A_1759] : memref<32x1000000xf32, #tpu.memory_space<hbm>> -> memref<32x128xf32, #tpu.memory_space<hbm>>
      tpu.wait_dma2 semaphore(%arg13 : memref<!tpu.dma_semaphore, #tpu.memory_space<semaphore_mem>>) src(%dma_wait3A_1760 : memref<32x128xf32, #tpu.memory_space<hbm>>) dst(%dma_wait3A_1757 : memref<32x128xf32, #tpu.memory_space<vmem>>)
      %add3A_1761 = arith.constant 1 : i32
      %add3A_1762 = arith.addi %mul3A_986, %add3A_1761 : i32
      %mul3A_1763 = arith.constant 4 : i32
      %mul3A_1764 = arith.muli %add3A_1762, %mul3A_1763 : i32
      %get3A_1765 = arith.index_cast %mul3A_1764 : i32 to index
      %get3A_1766 = tpu.vector_load %arg7[%get3A_1765] {strides = array<i32>} : memref<528xi32, #tpu.memory_space<vmem>>, vector<16xi32>,
      %get3A_1767 = arith.index_cast %mul3A_1764 : i32 to index
      %get3A_1768 = tpu.vector_load %arg8[%get3A_1767] {strides = array<i32>} : memref<528xi32, #tpu.memory_space<vmem>>, vector<16xi32>,
      %and3A_1769 = arith.constant 127 : i32
      %and3A_1770 = vector.broadcast %and3A_1769 : i32 to vector<16xi32>
      %and3A_1771 = arith.andi %get3A_1766, %and3A_1770 : vector<16xi32>
      %and3A_1772 = arith.constant 127 : i32
      %and3A_1773 = vector.broadcast %and3A_1772 : i32 to vector<16xi32>
      %and3A_1774 = arith.andi %get3A_1768, %and3A_1773 : vector<16xi32>
      %rem3A_1775 = arith.constant 4 : i32
      %rem3A_1776 = arith.remsi %add3A_1762, %rem3A_1775 : i32
      %mul3A_1777 = arith.constant 4 : i32
      %mul3A_1778 = arith.muli %rem3A_1776, %mul3A_1777 : i32
      %slice3A_1779 = vector.extract_strided_slice %and3A_1771 {offsets = [0], sizes = [1], strides = [1]} : vector<16xi32> to vector<1xi32>
      %squeeze3A_1780 = vector.extract %slice3A_1779[0] : i32 from vector<1xi32>
      %broadcast_in_dim3A_1781 = vector.broadcast %squeeze3A_1780 : i32 to vector<16xi32>
      %slice3A_1782 = vector.extract_strided_slice %and3A_1774 {offsets = [0], sizes = [1], strides = [1]} : vector<16xi32> to vector<1xi32>
      %squeeze3A_1783 = vector.extract %slice3A_1782[0] : i32 from vector<1xi32>
      %broadcast_in_dim3A_1784 = vector.broadcast %squeeze3A_1783 : i32 to vector<16xi32>
      %gather3A_1785 = arith.constant 1 : i32
      %gather3A_1786 = arith.constant 0 : i32
      %gather3A_1787 = arith.constant 0 : i32
      %gather3A_1788 = arith.constant 0 : i32
      %gather3A_1789 = tpu.memref_slice %arg9[%gather3A_1785, %gather3A_1786, %gather3A_1787, %gather3A_1788] : memref<3x4x32x128xf32, #tpu.memory_space<vmem>> -> memref<1x1x32x128xf32, #tpu.memory_space<vmem>>
      %gather3A_1790 = tpu.memref_squeeze %gather3A_1789 : memref<1x1x32x128xf32, #tpu.memory_space<vmem>> -> memref<32x128xf32, #tpu.memory_space<vmem>>
      %gather3A_1791 = tpu.vector_load_idx %gather3A_1790[%iota3A, %broadcast_in_dim3A_1781] : memref<32x128xf32, #tpu.memory_space<vmem>>[vector<16xi32>, vector<16xi32>], vector<16xf32>,
      %gather3A_1792 = arith.constant 1 : i32
      %gather3A_1793 = arith.constant 0 : i32
      %gather3A_1794 = arith.constant 0 : i32
      %gather3A_1795 = arith.constant 0 : i32
      %gather3A_1796 = tpu.memref_slice %arg9[%gather3A_1792, %gather3A_1793, %gather3A_1794, %gather3A_1795] : memref<3x4x32x128xf32, #tpu.memory_space<vmem>> -> memref<1x1x32x128xf32, #tpu.memory_space<vmem>>
      %gather3A_1797 = tpu.memref_squeeze %gather3A_1796 : memref<1x1x32x128xf32, #tpu.memory_space<vmem>> -> memref<32x128xf32, #tpu.memory_space<vmem>>
      %gather3A_1798 = tpu.vector_load_idx %gather3A_1797[%add3A_5, %broadcast_in_dim3A_1781] : memref<32x128xf32, #tpu.memory_space<vmem>>[vector<16xi32>, vector<16xi32>], vector<16xf32>,
      %gather3A_1799 = arith.constant 1 : i32
      %gather3A_1800 = arith.constant 0 : i32
      %gather3A_1801 = arith.constant 0 : i32
      %gather3A_1802 = arith.constant 0 : i32
      %gather3A_1803 = tpu.memref_slice %arg10[%gather3A_1799, %gather3A_1800, %gather3A_1801, %gather3A_1802] : memref<3x4x32x128xf32, #tpu.memory_space<vmem>> -> memref<1x1x32x128xf32, #tpu.memory_space<vmem>>
      %gather3A_1804 = tpu.memref_squeeze %gather3A_1803 : memref<1x1x32x128xf32, #tpu.memory_space<vmem>> -> memref<32x128xf32, #tpu.memory_space<vmem>>
      %gather3A_1805 = tpu.vector_load_idx %gather3A_1804[%iota3A, %broadcast_in_dim3A_1784] : memref<32x128xf32, #tpu.memory_space<vmem>>[vector<16xi32>, vector<16xi32>], vector<16xf32>,
      %gather3A_1806 = arith.constant 1 : i32
      %gather3A_1807 = arith.constant 0 : i32
      %gather3A_1808 = arith.constant 0 : i32
      %gather3A_1809 = arith.constant 0 : i32
      %gather3A_1810 = tpu.memref_slice %arg10[%gather3A_1806, %gather3A_1807, %gather3A_1808, %gather3A_1809] : memref<3x4x32x128xf32, #tpu.memory_space<vmem>> -> memref<1x1x32x128xf32, #tpu.memory_space<vmem>>
      %gather3A_1811 = tpu.memref_squeeze %gather3A_1810 : memref<1x1x32x128xf32, #tpu.memory_space<vmem>> -> memref<32x128xf32, #tpu.memory_space<vmem>>
      %gather3A_1812 = tpu.vector_load_idx %gather3A_1811[%add3A_5, %broadcast_in_dim3A_1784] : memref<32x128xf32, #tpu.memory_space<vmem>>[vector<16xi32>, vector<16xi32>], vector<16xf32>,
      %mul3A_1813 = arith.mulf %gather3A_1791, %gather3A_1805 : vector<16xf32>
      %mul3A_1814 = arith.mulf %gather3A_1798, %gather3A_1812 : vector<16xf32>
      %add3A_1815 = arith.addf %mul3A_1813, %mul3A_1814 : vector<16xf32>
      %reduce_sum3A_1816 = arith.constant true
      %reduce_sum3A_1817 = vector.broadcast %reduce_sum3A_1816 : i1 to vector<16xi1>
      %reduce_sum3A_1818 = tpu.scan <sum>, %add3A_1815 masked %reduce_sum3A_1817 : vector<16xf32>, vector<16xi1> -> vector<16xf32>
      %reduce_sum3A_1819 = vector.extract %reduce_sum3A_1818[15] : f32 from vector<16xf32>
      %add3A_1820 = arith.constant 0 : i32
      %add3A_1821 = arith.addi %mul3A_1778, %add3A_1820 : i32
      %eq3A_1822 = vector.broadcast %add3A_1821 : i32 to vector<16xi32>
      %eq3A_1823 = arith.cmpi eq, %iota3A, %eq3A_1822 : vector<16xi32>
      %broadcast_in_dim3A_1824 = vector.broadcast %reduce_sum3A_1819 : f32 to vector<16xf32>
      %select_n3A_1825 = arith.select %eq3A_1823, %broadcast_in_dim3A_1824, %select_n3A_1482 : vector<16xi1>, vector<16xf32>
      %slice3A_1826 = vector.extract_strided_slice %and3A_1771 {offsets = [1], sizes = [1], strides = [1]} : vector<16xi32> to vector<1xi32>
      %squeeze3A_1827 = vector.extract %slice3A_1826[0] : i32 from vector<1xi32>
      %broadcast_in_dim3A_1828 = vector.broadcast %squeeze3A_1827 : i32 to vector<16xi32>
      %slice3A_1829 = vector.extract_strided_slice %and3A_1774 {offsets = [1], sizes = [1], strides = [1]} : vector<16xi32> to vector<1xi32>
      %squeeze3A_1830 = vector.extract %slice3A_1829[0] : i32 from vector<1xi32>
      %broadcast_in_dim3A_1831 = vector.broadcast %squeeze3A_1830 : i32 to vector<16xi32>
      %gather3A_1832 = arith.constant 1 : i32
      %gather3A_1833 = arith.constant 1 : i32
      %gather3A_1834 = arith.constant 0 : i32
      %gather3A_1835 = arith.constant 0 : i32
      %gather3A_1836 = tpu.memref_slice %arg9[%gather3A_1832, %gather3A_1833, %gather3A_1834, %gather3A_1835] : memref<3x4x32x128xf32, #tpu.memory_space<vmem>> -> memref<1x1x32x128xf32, #tpu.memory_space<vmem>>
      %gather3A_1837 = tpu.memref_squeeze %gather3A_1836 : memref<1x1x32x128xf32, #tpu.memory_space<vmem>> -> memref<32x128xf32, #tpu.memory_space<vmem>>
      %gather3A_1838 = tpu.vector_load_idx %gather3A_1837[%iota3A, %broadcast_in_dim3A_1828] : memref<32x128xf32, #tpu.memory_space<vmem>>[vector<16xi32>, vector<16xi32>], vector<16xf32>,
      %gather3A_1839 = arith.constant 1 : i32
      %gather3A_1840 = arith.constant 1 : i32
      %gather3A_1841 = arith.constant 0 : i32
      %gather3A_1842 = arith.constant 0 : i32
      %gather3A_1843 = tpu.memref_slice %arg9[%gather3A_1839, %gather3A_1840, %gather3A_1841, %gather3A_1842] : memref<3x4x32x128xf32, #tpu.memory_space<vmem>> -> memref<1x1x32x128xf32, #tpu.memory_space<vmem>>
      %gather3A_1844 = tpu.memref_squeeze %gather3A_1843 : memref<1x1x32x128xf32, #tpu.memory_space<vmem>> -> memref<32x128xf32, #tpu.memory_space<vmem>>
      %gather3A_1845 = tpu.vector_load_idx %gather3A_1844[%add3A_5, %broadcast_in_dim3A_1828] : memref<32x128xf32, #tpu.memory_space<vmem>>[vector<16xi32>, vector<16xi32>], vector<16xf32>,
      %gather3A_1846 = arith.constant 1 : i32
      %gather3A_1847 = arith.constant 1 : i32
      %gather3A_1848 = arith.constant 0 : i32
      %gather3A_1849 = arith.constant 0 : i32
      %gather3A_1850 = tpu.memref_slice %arg10[%gather3A_1846, %gather3A_1847, %gather3A_1848, %gather3A_1849] : memref<3x4x32x128xf32, #tpu.memory_space<vmem>> -> memref<1x1x32x128xf32, #tpu.memory_space<vmem>>
      %gather3A_1851 = tpu.memref_squeeze %gather3A_1850 : memref<1x1x32x128xf32, #tpu.memory_space<vmem>> -> memref<32x128xf32, #tpu.memory_space<vmem>>
      %gather3A_1852 = tpu.vector_load_idx %gather3A_1851[%iota3A, %broadcast_in_dim3A_1831] : memref<32x128xf32, #tpu.memory_space<vmem>>[vector<16xi32>, vector<16xi32>], vector<16xf32>,
      %gather3A_1853 = arith.constant 1 : i32
      %gather3A_1854 = arith.constant 1 : i32
      %gather3A_1855 = arith.constant 0 : i32
      %gather3A_1856 = arith.constant 0 : i32
      %gather3A_1857 = tpu.memref_slice %arg10[%gather3A_1853, %gather3A_1854, %gather3A_1855, %gather3A_1856] : memref<3x4x32x128xf32, #tpu.memory_space<vmem>> -> memref<1x1x32x128xf32, #tpu.memory_space<vmem>>
      %gather3A_1858 = tpu.memref_squeeze %gather3A_1857 : memref<1x1x32x128xf32, #tpu.memory_space<vmem>> -> memref<32x128xf32, #tpu.memory_space<vmem>>
      %gather3A_1859 = tpu.vector_load_idx %gather3A_1858[%add3A_5, %broadcast_in_dim3A_1831] : memref<32x128xf32, #tpu.memory_space<vmem>>[vector<16xi32>, vector<16xi32>], vector<16xf32>,
      %mul3A_1860 = arith.mulf %gather3A_1838, %gather3A_1852 : vector<16xf32>
      %mul3A_1861 = arith.mulf %gather3A_1845, %gather3A_1859 : vector<16xf32>
      %add3A_1862 = arith.addf %mul3A_1860, %mul3A_1861 : vector<16xf32>
      %reduce_sum3A_1863 = arith.constant true
      %reduce_sum3A_1864 = vector.broadcast %reduce_sum3A_1863 : i1 to vector<16xi1>
      %reduce_sum3A_1865 = tpu.scan <sum>, %add3A_1862 masked %reduce_sum3A_1864 : vector<16xf32>, vector<16xi1> -> vector<16xf32>
      %reduce_sum3A_1866 = vector.extract %reduce_sum3A_1865[15] : f32 from vector<16xf32>
      %add3A_1867 = arith.constant 1 : i32
      %add3A_1868 = arith.addi %mul3A_1778, %add3A_1867 : i32
      %eq3A_1869 = vector.broadcast %add3A_1868 : i32 to vector<16xi32>
      %eq3A_1870 = arith.cmpi eq, %iota3A, %eq3A_1869 : vector<16xi32>
      %broadcast_in_dim3A_1871 = vector.broadcast %reduce_sum3A_1866 : f32 to vector<16xf32>
      %select_n3A_1872 = arith.select %eq3A_1870, %broadcast_in_dim3A_1871, %select_n3A_1825 : vector<16xi1>, vector<16xf32>
      %slice3A_1873 = vector.extract_strided_slice %and3A_1771 {offsets = [2], sizes = [1], strides = [1]} : vector<16xi32> to vector<1xi32>
      %squeeze3A_1874 = vector.extract %slice3A_1873[0] : i32 from vector<1xi32>
      %broadcast_in_dim3A_1875 = vector.broadcast %squeeze3A_1874 : i32 to vector<16xi32>
      %slice3A_1876 = vector.extract_strided_slice %and3A_1774 {offsets = [2], sizes = [1], strides = [1]} : vector<16xi32> to vector<1xi32>
      %squeeze3A_1877 = vector.extract %slice3A_1876[0] : i32 from vector<1xi32>
      %broadcast_in_dim3A_1878 = vector.broadcast %squeeze3A_1877 : i32 to vector<16xi32>
      %gather3A_1879 = arith.constant 1 : i32
      %gather3A_1880 = arith.constant 2 : i32
      %gather3A_1881 = arith.constant 0 : i32
      %gather3A_1882 = arith.constant 0 : i32
      %gather3A_1883 = tpu.memref_slice %arg9[%gather3A_1879, %gather3A_1880, %gather3A_1881, %gather3A_1882] : memref<3x4x32x128xf32, #tpu.memory_space<vmem>> -> memref<1x1x32x128xf32, #tpu.memory_space<vmem>>
      %gather3A_1884 = tpu.memref_squeeze %gather3A_1883 : memref<1x1x32x128xf32, #tpu.memory_space<vmem>> -> memref<32x128xf32, #tpu.memory_space<vmem>>
      %gather3A_1885 = tpu.vector_load_idx %gather3A_1884[%iota3A, %broadcast_in_dim3A_1875] : memref<32x128xf32, #tpu.memory_space<vmem>>[vector<16xi32>, vector<16xi32>], vector<16xf32>,
      %gather3A_1886 = arith.constant 1 : i32
      %gather3A_1887 = arith.constant 2 : i32
      %gather3A_1888 = arith.constant 0 : i32
      %gather3A_1889 = arith.constant 0 : i32
      %gather3A_1890 = tpu.memref_slice %arg9[%gather3A_1886, %gather3A_1887, %gather3A_1888, %gather3A_1889] : memref<3x4x32x128xf32, #tpu.memory_space<vmem>> -> memref<1x1x32x128xf32, #tpu.memory_space<vmem>>
      %gather3A_1891 = tpu.memref_squeeze %gather3A_1890 : memref<1x1x32x128xf32, #tpu.memory_space<vmem>> -> memref<32x128xf32, #tpu.memory_space<vmem>>
      %gather3A_1892 = tpu.vector_load_idx %gather3A_1891[%add3A_5, %broadcast_in_dim3A_1875] : memref<32x128xf32, #tpu.memory_space<vmem>>[vector<16xi32>, vector<16xi32>], vector<16xf32>,
      %gather3A_1893 = arith.constant 1 : i32
      %gather3A_1894 = arith.constant 2 : i32
      %gather3A_1895 = arith.constant 0 : i32
      %gather3A_1896 = arith.constant 0 : i32
      %gather3A_1897 = tpu.memref_slice %arg10[%gather3A_1893, %gather3A_1894, %gather3A_1895, %gather3A_1896] : memref<3x4x32x128xf32, #tpu.memory_space<vmem>> -> memref<1x1x32x128xf32, #tpu.memory_space<vmem>>
      %gather3A_1898 = tpu.memref_squeeze %gather3A_1897 : memref<1x1x32x128xf32, #tpu.memory_space<vmem>> -> memref<32x128xf32, #tpu.memory_space<vmem>>
      %gather3A_1899 = tpu.vector_load_idx %gather3A_1898[%iota3A, %broadcast_in_dim3A_1878] : memref<32x128xf32, #tpu.memory_space<vmem>>[vector<16xi32>, vector<16xi32>], vector<16xf32>,
      %gather3A_1900 = arith.constant 1 : i32
      %gather3A_1901 = arith.constant 2 : i32
      %gather3A_1902 = arith.constant 0 : i32
      %gather3A_1903 = arith.constant 0 : i32
      %gather3A_1904 = tpu.memref_slice %arg10[%gather3A_1900, %gather3A_1901, %gather3A_1902, %gather3A_1903] : memref<3x4x32x128xf32, #tpu.memory_space<vmem>> -> memref<1x1x32x128xf32, #tpu.memory_space<vmem>>
      %gather3A_1905 = tpu.memref_squeeze %gather3A_1904 : memref<1x1x32x128xf32, #tpu.memory_space<vmem>> -> memref<32x128xf32, #tpu.memory_space<vmem>>
      %gather3A_1906 = tpu.vector_load_idx %gather3A_1905[%add3A_5, %broadcast_in_dim3A_1878] : memref<32x128xf32, #tpu.memory_space<vmem>>[vector<16xi32>, vector<16xi32>], vector<16xf32>,
      %mul3A_1907 = arith.mulf %gather3A_1885, %gather3A_1899 : vector<16xf32>
      %mul3A_1908 = arith.mulf %gather3A_1892, %gather3A_1906 : vector<16xf32>
      %add3A_1909 = arith.addf %mul3A_1907, %mul3A_1908 : vector<16xf32>
      %reduce_sum3A_1910 = arith.constant true
      %reduce_sum3A_1911 = vector.broadcast %reduce_sum3A_1910 : i1 to vector<16xi1>
      %reduce_sum3A_1912 = tpu.scan <sum>, %add3A_1909 masked %reduce_sum3A_1911 : vector<16xf32>, vector<16xi1> -> vector<16xf32>
      %reduce_sum3A_1913 = vector.extract %reduce_sum3A_1912[15] : f32 from vector<16xf32>
      %add3A_1914 = arith.constant 2 : i32
      %add3A_1915 = arith.addi %mul3A_1778, %add3A_1914 : i32
      %eq3A_1916 = vector.broadcast %add3A_1915 : i32 to vector<16xi32>
      %eq3A_1917 = arith.cmpi eq, %iota3A, %eq3A_1916 : vector<16xi32>
      %broadcast_in_dim3A_1918 = vector.broadcast %reduce_sum3A_1913 : f32 to vector<16xf32>
      %select_n3A_1919 = arith.select %eq3A_1917, %broadcast_in_dim3A_1918, %select_n3A_1872 : vector<16xi1>, vector<16xf32>
      %slice3A_1920 = vector.extract_strided_slice %and3A_1771 {offsets = [3], sizes = [1], strides = [1]} : vector<16xi32> to vector<1xi32>
      %squeeze3A_1921 = vector.extract %slice3A_1920[0] : i32 from vector<1xi32>
      %broadcast_in_dim3A_1922 = vector.broadcast %squeeze3A_1921 : i32 to vector<16xi32>
      %slice3A_1923 = vector.extract_strided_slice %and3A_1774 {offsets = [3], sizes = [1], strides = [1]} : vector<16xi32> to vector<1xi32>
      %squeeze3A_1924 = vector.extract %slice3A_1923[0] : i32 from vector<1xi32>
      %broadcast_in_dim3A_1925 = vector.broadcast %squeeze3A_1924 : i32 to vector<16xi32>
      %gather3A_1926 = arith.constant 1 : i32
      %gather3A_1927 = arith.constant 3 : i32
      %gather3A_1928 = arith.constant 0 : i32
      %gather3A_1929 = arith.constant 0 : i32
      %gather3A_1930 = tpu.memref_slice %arg9[%gather3A_1926, %gather3A_1927, %gather3A_1928, %gather3A_1929] : memref<3x4x32x128xf32, #tpu.memory_space<vmem>> -> memref<1x1x32x128xf32, #tpu.memory_space<vmem>>
      %gather3A_1931 = tpu.memref_squeeze %gather3A_1930 : memref<1x1x32x128xf32, #tpu.memory_space<vmem>> -> memref<32x128xf32, #tpu.memory_space<vmem>>
      %gather3A_1932 = tpu.vector_load_idx %gather3A_1931[%iota3A, %broadcast_in_dim3A_1922] : memref<32x128xf32, #tpu.memory_space<vmem>>[vector<16xi32>, vector<16xi32>], vector<16xf32>,
      %gather3A_1933 = arith.constant 1 : i32
      %gather3A_1934 = arith.constant 3 : i32
      %gather3A_1935 = arith.constant 0 : i32
      %gather3A_1936 = arith.constant 0 : i32
      %gather3A_1937 = tpu.memref_slice %arg9[%gather3A_1933, %gather3A_1934, %gather3A_1935, %gather3A_1936] : memref<3x4x32x128xf32, #tpu.memory_space<vmem>> -> memref<1x1x32x128xf32, #tpu.memory_space<vmem>>
      %gather3A_1938 = tpu.memref_squeeze %gather3A_1937 : memref<1x1x32x128xf32, #tpu.memory_space<vmem>> -> memref<32x128xf32, #tpu.memory_space<vmem>>
      %gather3A_1939 = tpu.vector_load_idx %gather3A_1938[%add3A_5, %broadcast_in_dim3A_1922] : memref<32x128xf32, #tpu.memory_space<vmem>>[vector<16xi32>, vector<16xi32>], vector<16xf32>,
      %gather3A_1940 = arith.constant 1 : i32
      %gather3A_1941 = arith.constant 3 : i32
      %gather3A_1942 = arith.constant 0 : i32
      %gather3A_1943 = arith.constant 0 : i32
      %gather3A_1944 = tpu.memref_slice %arg10[%gather3A_1940, %gather3A_1941, %gather3A_1942, %gather3A_1943] : memref<3x4x32x128xf32, #tpu.memory_space<vmem>> -> memref<1x1x32x128xf32, #tpu.memory_space<vmem>>
      %gather3A_1945 = tpu.memref_squeeze %gather3A_1944 : memref<1x1x32x128xf32, #tpu.memory_space<vmem>> -> memref<32x128xf32, #tpu.memory_space<vmem>>
      %gather3A_1946 = tpu.vector_load_idx %gather3A_1945[%iota3A, %broadcast_in_dim3A_1925] : memref<32x128xf32, #tpu.memory_space<vmem>>[vector<16xi32>, vector<16xi32>], vector<16xf32>,
      %gather3A_1947 = arith.constant 1 : i32
      %gather3A_1948 = arith.constant 3 : i32
      %gather3A_1949 = arith.constant 0 : i32
      %gather3A_1950 = arith.constant 0 : i32
      %gather3A_1951 = tpu.memref_slice %arg10[%gather3A_1947, %gather3A_1948, %gather3A_1949, %gather3A_1950] : memref<3x4x32x128xf32, #tpu.memory_space<vmem>> -> memref<1x1x32x128xf32, #tpu.memory_space<vmem>>
      %gather3A_1952 = tpu.memref_squeeze %gather3A_1951 : memref<1x1x32x128xf32, #tpu.memory_space<vmem>> -> memref<32x128xf32, #tpu.memory_space<vmem>>
      %gather3A_1953 = tpu.vector_load_idx %gather3A_1952[%add3A_5, %broadcast_in_dim3A_1925] : memref<32x128xf32, #tpu.memory_space<vmem>>[vector<16xi32>, vector<16xi32>], vector<16xf32>,
      %mul3A_1954 = arith.mulf %gather3A_1932, %gather3A_1946 : vector<16xf32>
      %mul3A_1955 = arith.mulf %gather3A_1939, %gather3A_1953 : vector<16xf32>
      %add3A_1956 = arith.addf %mul3A_1954, %mul3A_1955 : vector<16xf32>
      %reduce_sum3A_1957 = arith.constant true
      %reduce_sum3A_1958 = vector.broadcast %reduce_sum3A_1957 : i1 to vector<16xi1>
      %reduce_sum3A_1959 = tpu.scan <sum>, %add3A_1956 masked %reduce_sum3A_1958 : vector<16xf32>, vector<16xi1> -> vector<16xf32>
      %reduce_sum3A_1960 = vector.extract %reduce_sum3A_1959[15] : f32 from vector<16xf32>
      %add3A_1961 = arith.constant 3 : i32
      %add3A_1962 = arith.addi %mul3A_1778, %add3A_1961 : i32
      %eq3A_1963 = vector.broadcast %add3A_1962 : i32 to vector<16xi32>
      %eq3A_1964 = arith.cmpi eq, %iota3A, %eq3A_1963 : vector<16xi32>
      %broadcast_in_dim3A_1965 = vector.broadcast %reduce_sum3A_1960 : f32 to vector<16xf32>
      %select_n3A_1966 = arith.select %eq3A_1964, %broadcast_in_dim3A_1965, %select_n3A_1919 : vector<16xi1>, vector<16xf32>
      %div3A_1967 = arith.constant 4 : i32
      %div3A_1968 = arith.divsi %add3A_1762, %div3A_1967 : i32
      %mul3A_1969 = arith.constant 16 : i32
      %mul3A_1970 = arith.muli %div3A_1968, %mul3A_1969 : i32
      %swap3A_1971 = arith.index_cast %mul3A_1970 : i32 to index
      %swap3A_1972 = tpu.vector_load %arg11[%swap3A_1971] {strides = array<i32>} : memref<512xf32, #tpu.memory_space<vmem>>, vector<16xf32>,
      tpu.vector_store %arg11[%swap3A_1971], %select_n3A_1966 {strides = array<i32>} : memref<512xf32, #tpu.memory_space<vmem>>, vector<16xf32>,
      %rem3A_1973 = arith.constant 4 : i32
      %rem3A_1974 = arith.remsi %add3A_1762, %rem3A_1973 : i32
      %eq3A_1975 = arith.constant 3 : i32
      %eq3A_1976 = arith.cmpi eq, %rem3A_1974, %eq3A_1975 : i32
      %broadcast_in_dim3A_1977 = vector.broadcast %eq3A_1976 : i1 to vector<16xi1>
      %jit3A_1978 = arith.constant 0.000000e+00 : f32
      %broadcast_in_dim3A_1979 = vector.broadcast %jit3A_1978 : f32 to vector<16xf32>
      %select_n3A_1980 = arith.select %broadcast_in_dim3A_1977, %broadcast_in_dim3A_1979, %select_n3A_1966 : vector<16xi1>, vector<16xf32>
      %add3A_1981 = arith.constant 4 : i32
      %add3A_1982 = arith.addi %mul3A_986, %add3A_1981 : i32
      %mul3A_1983 = arith.constant 4 : i32
      %mul3A_1984 = arith.muli %add3A_1982, %mul3A_1983 : i32
      %get3A_1985 = arith.index_cast %mul3A_1984 : i32 to index
      %get3A_1986 = tpu.vector_load %arg7[%get3A_1985] {strides = array<i32>} : memref<528xi32, #tpu.memory_space<vmem>>, vector<16xi32>,
      %get3A_1987 = arith.index_cast %mul3A_1984 : i32 to index
      %get3A_1988 = tpu.vector_load %arg8[%get3A_1987] {strides = array<i32>} : memref<528xi32, #tpu.memory_space<vmem>>, vector<16xi32>,
      %and3A_1989 = arith.constant -128 : i32
      %and3A_1990 = vector.broadcast %and3A_1989 : i32 to vector<16xi32>
      %and3A_1991 = arith.andi %get3A_1986, %and3A_1990 : vector<16xi32>
      %and3A_1992 = arith.constant -128 : i32
      %and3A_1993 = vector.broadcast %and3A_1992 : i32 to vector<16xi32>
      %and3A_1994 = arith.andi %get3A_1988, %and3A_1993 : vector<16xi32>
      %slice3A_1995 = vector.extract_strided_slice %and3A_1991 {offsets = [0], sizes = [1], strides = [1]} : vector<16xi32> to vector<1xi32>
      %squeeze3A_1996 = vector.extract %slice3A_1995[0] : i32 from vector<1xi32>
      %multiple_of3A_1997 = tpu.assume_multiple %squeeze3A_1996, 128 : i32
      %slice3A_1998 = vector.extract_strided_slice %and3A_1994 {offsets = [0], sizes = [1], strides = [1]} : vector<16xi32> to vector<1xi32>
      %squeeze3A_1999 = vector.extract %slice3A_1998[0] : i32 from vector<1xi32>
      %multiple_of3A_2000 = tpu.assume_multiple %squeeze3A_1999, 128 : i32
      %dma_start3A_2001 = arith.constant 1 : i32
      %dma_start3A_2002 = arith.constant 0 : i32
      %dma_start3A_2003 = arith.constant 0 : i32
      %dma_start3A_2004 = arith.constant 0 : i32
      %dma_start3A_2005 = tpu.memref_slice %arg9[%dma_start3A_2001, %dma_start3A_2002, %dma_start3A_2003, %dma_start3A_2004] : memref<3x4x32x128xf32, #tpu.memory_space<vmem>> -> memref<1x1x32x128xf32, #tpu.memory_space<vmem>>
      %dma_start3A_2006 = tpu.memref_squeeze %dma_start3A_2005 : memref<1x1x32x128xf32, #tpu.memory_space<vmem>> -> memref<32x128xf32, #tpu.memory_space<vmem>>
      %dma_start3A_2007 = arith.constant 0 : i32
      %dma_start3A_2008 = tpu.memref_slice %arg4[%dma_start3A_2007, %multiple_of3A_1997] : memref<32x1000000xf32, #tpu.memory_space<hbm>> -> memref<32x128xf32, #tpu.memory_space<hbm>>
      %dma_start3A_2009 = arith.constant 0 : i32
      %dma_start3A_2010 = arith.constant 0 : i32
      %dma_start3A_2011 = tpu.memref_slice %arg9[%dma_start3A_2001, %dma_start3A_2002, %dma_start3A_2009, %dma_start3A_2010] : memref<3x4x32x128xf32, #tpu.memory_space<vmem>> -> memref<1x1x32x128xf32, #tpu.memory_space<vmem>>
      %dma_start3A_2012 = tpu.memref_squeeze %dma_start3A_2011 : memref<1x1x32x128xf32, #tpu.memory_space<vmem>> -> memref<32x128xf32, #tpu.memory_space<vmem>>
      %dma_start3A_2013 = arith.constant 0 : i32
      %dma_start3A_2014 = tpu.memref_slice %arg4[%dma_start3A_2013, %multiple_of3A_1997] : memref<32x1000000xf32, #tpu.memory_space<hbm>> -> memref<32x128xf32, #tpu.memory_space<hbm>>
      tpu.enqueue_dma source(%dma_start3A_2014 : memref<32x128xf32, #tpu.memory_space<hbm>>) target(%dma_start3A_2012 : memref<32x128xf32, #tpu.memory_space<vmem>>) target_semaphore(%arg13 : memref<!tpu.dma_semaphore, #tpu.memory_space<semaphore_mem>>)
      %dma_start3A_2015 = arith.constant 1 : i32
      %dma_start3A_2016 = arith.constant 0 : i32
      %dma_start3A_2017 = arith.constant 0 : i32
      %dma_start3A_2018 = arith.constant 0 : i32
      %dma_start3A_2019 = tpu.memref_slice %arg10[%dma_start3A_2015, %dma_start3A_2016, %dma_start3A_2017, %dma_start3A_2018] : memref<3x4x32x128xf32, #tpu.memory_space<vmem>> -> memref<1x1x32x128xf32, #tpu.memory_space<vmem>>
      %dma_start3A_2020 = tpu.memref_squeeze %dma_start3A_2019 : memref<1x1x32x128xf32, #tpu.memory_space<vmem>> -> memref<32x128xf32, #tpu.memory_space<vmem>>
      %dma_start3A_2021 = arith.constant 0 : i32
      %dma_start3A_2022 = tpu.memref_slice %arg5[%dma_start3A_2021, %multiple_of3A_2000] : memref<32x1000000xf32, #tpu.memory_space<hbm>> -> memref<32x128xf32, #tpu.memory_space<hbm>>
      %dma_start3A_2023 = arith.constant 0 : i32
      %dma_start3A_2024 = arith.constant 0 : i32
      %dma_start3A_2025 = tpu.memref_slice %arg10[%dma_start3A_2015, %dma_start3A_2016, %dma_start3A_2023, %dma_start3A_2024] : memref<3x4x32x128xf32, #tpu.memory_space<vmem>> -> memref<1x1x32x128xf32, #tpu.memory_space<vmem>>
      %dma_start3A_2026 = tpu.memref_squeeze %dma_start3A_2025 : memref<1x1x32x128xf32, #tpu.memory_space<vmem>> -> memref<32x128xf32, #tpu.memory_space<vmem>>
      %dma_start3A_2027 = arith.constant 0 : i32
      %dma_start3A_2028 = tpu.memref_slice %arg5[%dma_start3A_2027, %multiple_of3A_2000] : memref<32x1000000xf32, #tpu.memory_space<hbm>> -> memref<32x128xf32, #tpu.memory_space<hbm>>
      tpu.enqueue_dma source(%dma_start3A_2028 : memref<32x128xf32, #tpu.memory_space<hbm>>) target(%dma_start3A_2026 : memref<32x128xf32, #tpu.memory_space<vmem>>) target_semaphore(%arg13 : memref<!tpu.dma_semaphore, #tpu.memory_space<semaphore_mem>>)
      %slice3A_2029 = vector.extract_strided_slice %and3A_1991 {offsets = [1], sizes = [1], strides = [1]} : vector<16xi32> to vector<1xi32>
      %squeeze3A_2030 = vector.extract %slice3A_2029[0] : i32 from vector<1xi32>
      %multiple_of3A_2031 = tpu.assume_multiple %squeeze3A_2030, 128 : i32
      %slice3A_2032 = vector.extract_strided_slice %and3A_1994 {offsets = [1], sizes = [1], strides = [1]} : vector<16xi32> to vector<1xi32>
      %squeeze3A_2033 = vector.extract %slice3A_2032[0] : i32 from vector<1xi32>
      %multiple_of3A_2034 = tpu.assume_multiple %squeeze3A_2033, 128 : i32
      %dma_start3A_2035 = arith.constant 1 : i32
      %dma_start3A_2036 = arith.constant 1 : i32
      %dma_start3A_2037 = arith.constant 0 : i32
      %dma_start3A_2038 = arith.constant 0 : i32
      %dma_start3A_2039 = tpu.memref_slice %arg9[%dma_start3A_2035, %dma_start3A_2036, %dma_start3A_2037, %dma_start3A_2038] : memref<3x4x32x128xf32, #tpu.memory_space<vmem>> -> memref<1x1x32x128xf32, #tpu.memory_space<vmem>>
      %dma_start3A_2040 = tpu.memref_squeeze %dma_start3A_2039 : memref<1x1x32x128xf32, #tpu.memory_space<vmem>> -> memref<32x128xf32, #tpu.memory_space<vmem>>
      %dma_start3A_2041 = arith.constant 0 : i32
      %dma_start3A_2042 = tpu.memref_slice %arg4[%dma_start3A_2041, %multiple_of3A_2031] : memref<32x1000000xf32, #tpu.memory_space<hbm>> -> memref<32x128xf32, #tpu.memory_space<hbm>>
      %dma_start3A_2043 = arith.constant 0 : i32
      %dma_start3A_2044 = arith.constant 0 : i32
      %dma_start3A_2045 = tpu.memref_slice %arg9[%dma_start3A_2035, %dma_start3A_2036, %dma_start3A_2043, %dma_start3A_2044] : memref<3x4x32x128xf32, #tpu.memory_space<vmem>> -> memref<1x1x32x128xf32, #tpu.memory_space<vmem>>
      %dma_start3A_2046 = tpu.memref_squeeze %dma_start3A_2045 : memref<1x1x32x128xf32, #tpu.memory_space<vmem>> -> memref<32x128xf32, #tpu.memory_space<vmem>>
      %dma_start3A_2047 = arith.constant 0 : i32
      %dma_start3A_2048 = tpu.memref_slice %arg4[%dma_start3A_2047, %multiple_of3A_2031] : memref<32x1000000xf32, #tpu.memory_space<hbm>> -> memref<32x128xf32, #tpu.memory_space<hbm>>
      tpu.enqueue_dma source(%dma_start3A_2048 : memref<32x128xf32, #tpu.memory_space<hbm>>) target(%dma_start3A_2046 : memref<32x128xf32, #tpu.memory_space<vmem>>) target_semaphore(%arg13 : memref<!tpu.dma_semaphore, #tpu.memory_space<semaphore_mem>>)
      %dma_start3A_2049 = arith.constant 1 : i32
      %dma_start3A_2050 = arith.constant 1 : i32
      %dma_start3A_2051 = arith.constant 0 : i32
      %dma_start3A_2052 = arith.constant 0 : i32
      %dma_start3A_2053 = tpu.memref_slice %arg10[%dma_start3A_2049, %dma_start3A_2050, %dma_start3A_2051, %dma_start3A_2052] : memref<3x4x32x128xf32, #tpu.memory_space<vmem>> -> memref<1x1x32x128xf32, #tpu.memory_space<vmem>>
      %dma_start3A_2054 = tpu.memref_squeeze %dma_start3A_2053 : memref<1x1x32x128xf32, #tpu.memory_space<vmem>> -> memref<32x128xf32, #tpu.memory_space<vmem>>
      %dma_start3A_2055 = arith.constant 0 : i32
      %dma_start3A_2056 = tpu.memref_slice %arg5[%dma_start3A_2055, %multiple_of3A_2034] : memref<32x1000000xf32, #tpu.memory_space<hbm>> -> memref<32x128xf32, #tpu.memory_space<hbm>>
      %dma_start3A_2057 = arith.constant 0 : i32
      %dma_start3A_2058 = arith.constant 0 : i32
      %dma_start3A_2059 = tpu.memref_slice %arg10[%dma_start3A_2049, %dma_start3A_2050, %dma_start3A_2057, %dma_start3A_2058] : memref<3x4x32x128xf32, #tpu.memory_space<vmem>> -> memref<1x1x32x128xf32, #tpu.memory_space<vmem>>
      %dma_start3A_2060 = tpu.memref_squeeze %dma_start3A_2059 : memref<1x1x32x128xf32, #tpu.memory_space<vmem>> -> memref<32x128xf32, #tpu.memory_space<vmem>>
      %dma_start3A_2061 = arith.constant 0 : i32
      %dma_start3A_2062 = tpu.memref_slice %arg5[%dma_start3A_2061, %multiple_of3A_2034] : memref<32x1000000xf32, #tpu.memory_space<hbm>> -> memref<32x128xf32, #tpu.memory_space<hbm>>
      tpu.enqueue_dma source(%dma_start3A_2062 : memref<32x128xf32, #tpu.memory_space<hbm>>) target(%dma_start3A_2060 : memref<32x128xf32, #tpu.memory_space<vmem>>) target_semaphore(%arg13 : memref<!tpu.dma_semaphore, #tpu.memory_space<semaphore_mem>>)
      %slice3A_2063 = vector.extract_strided_slice %and3A_1991 {offsets = [2], sizes = [1], strides = [1]} : vector<16xi32> to vector<1xi32>
      %squeeze3A_2064 = vector.extract %slice3A_2063[0] : i32 from vector<1xi32>
      %multiple_of3A_2065 = tpu.assume_multiple %squeeze3A_2064, 128 : i32
      %slice3A_2066 = vector.extract_strided_slice %and3A_1994 {offsets = [2], sizes = [1], strides = [1]} : vector<16xi32> to vector<1xi32>
      %squeeze3A_2067 = vector.extract %slice3A_2066[0] : i32 from vector<1xi32>
      %multiple_of3A_2068 = tpu.assume_multiple %squeeze3A_2067, 128 : i32
      %dma_start3A_2069 = arith.constant 1 : i32
      %dma_start3A_2070 = arith.constant 2 : i32
      %dma_start3A_2071 = arith.constant 0 : i32
      %dma_start3A_2072 = arith.constant 0 : i32
      %dma_start3A_2073 = tpu.memref_slice %arg9[%dma_start3A_2069, %dma_start3A_2070, %dma_start3A_2071, %dma_start3A_2072] : memref<3x4x32x128xf32, #tpu.memory_space<vmem>> -> memref<1x1x32x128xf32, #tpu.memory_space<vmem>>
      %dma_start3A_2074 = tpu.memref_squeeze %dma_start3A_2073 : memref<1x1x32x128xf32, #tpu.memory_space<vmem>> -> memref<32x128xf32, #tpu.memory_space<vmem>>
      %dma_start3A_2075 = arith.constant 0 : i32
      %dma_start3A_2076 = tpu.memref_slice %arg4[%dma_start3A_2075, %multiple_of3A_2065] : memref<32x1000000xf32, #tpu.memory_space<hbm>> -> memref<32x128xf32, #tpu.memory_space<hbm>>
      %dma_start3A_2077 = arith.constant 0 : i32
      %dma_start3A_2078 = arith.constant 0 : i32
      %dma_start3A_2079 = tpu.memref_slice %arg9[%dma_start3A_2069, %dma_start3A_2070, %dma_start3A_2077, %dma_start3A_2078] : memref<3x4x32x128xf32, #tpu.memory_space<vmem>> -> memref<1x1x32x128xf32, #tpu.memory_space<vmem>>
      %dma_start3A_2080 = tpu.memref_squeeze %dma_start3A_2079 : memref<1x1x32x128xf32, #tpu.memory_space<vmem>> -> memref<32x128xf32, #tpu.memory_space<vmem>>
      %dma_start3A_2081 = arith.constant 0 : i32
      %dma_start3A_2082 = tpu.memref_slice %arg4[%dma_start3A_2081, %multiple_of3A_2065] : memref<32x1000000xf32, #tpu.memory_space<hbm>> -> memref<32x128xf32, #tpu.memory_space<hbm>>
      tpu.enqueue_dma source(%dma_start3A_2082 : memref<32x128xf32, #tpu.memory_space<hbm>>) target(%dma_start3A_2080 : memref<32x128xf32, #tpu.memory_space<vmem>>) target_semaphore(%arg13 : memref<!tpu.dma_semaphore, #tpu.memory_space<semaphore_mem>>)
      %dma_start3A_2083 = arith.constant 1 : i32
      %dma_start3A_2084 = arith.constant 2 : i32
      %dma_start3A_2085 = arith.constant 0 : i32
      %dma_start3A_2086 = arith.constant 0 : i32
      %dma_start3A_2087 = tpu.memref_slice %arg10[%dma_start3A_2083, %dma_start3A_2084, %dma_start3A_2085, %dma_start3A_2086] : memref<3x4x32x128xf32, #tpu.memory_space<vmem>> -> memref<1x1x32x128xf32, #tpu.memory_space<vmem>>
      %dma_start3A_2088 = tpu.memref_squeeze %dma_start3A_2087 : memref<1x1x32x128xf32, #tpu.memory_space<vmem>> -> memref<32x128xf32, #tpu.memory_space<vmem>>
      %dma_start3A_2089 = arith.constant 0 : i32
      %dma_start3A_2090 = tpu.memref_slice %arg5[%dma_start3A_2089, %multiple_of3A_2068] : memref<32x1000000xf32, #tpu.memory_space<hbm>> -> memref<32x128xf32, #tpu.memory_space<hbm>>
      %dma_start3A_2091 = arith.constant 0 : i32
      %dma_start3A_2092 = arith.constant 0 : i32
      %dma_start3A_2093 = tpu.memref_slice %arg10[%dma_start3A_2083, %dma_start3A_2084, %dma_start3A_2091, %dma_start3A_2092] : memref<3x4x32x128xf32, #tpu.memory_space<vmem>> -> memref<1x1x32x128xf32, #tpu.memory_space<vmem>>
      %dma_start3A_2094 = tpu.memref_squeeze %dma_start3A_2093 : memref<1x1x32x128xf32, #tpu.memory_space<vmem>> -> memref<32x128xf32, #tpu.memory_space<vmem>>
      %dma_start3A_2095 = arith.constant 0 : i32
      %dma_start3A_2096 = tpu.memref_slice %arg5[%dma_start3A_2095, %multiple_of3A_2068] : memref<32x1000000xf32, #tpu.memory_space<hbm>> -> memref<32x128xf32, #tpu.memory_space<hbm>>
      tpu.enqueue_dma source(%dma_start3A_2096 : memref<32x128xf32, #tpu.memory_space<hbm>>) target(%dma_start3A_2094 : memref<32x128xf32, #tpu.memory_space<vmem>>) target_semaphore(%arg13 : memref<!tpu.dma_semaphore, #tpu.memory_space<semaphore_mem>>)
      %slice3A_2097 = vector.extract_strided_slice %and3A_1991 {offsets = [3], sizes = [1], strides = [1]} : vector<16xi32> to vector<1xi32>
      %squeeze3A_2098 = vector.extract %slice3A_2097[0] : i32 from vector<1xi32>
      %multiple_of3A_2099 = tpu.assume_multiple %squeeze3A_2098, 128 : i32
      %slice3A_2100 = vector.extract_strided_slice %and3A_1994 {offsets = [3], sizes = [1], strides = [1]} : vector<16xi32> to vector<1xi32>
      %squeeze3A_2101 = vector.extract %slice3A_2100[0] : i32 from vector<1xi32>
      %multiple_of3A_2102 = tpu.assume_multiple %squeeze3A_2101, 128 : i32
      %dma_start3A_2103 = arith.constant 1 : i32
      %dma_start3A_2104 = arith.constant 3 : i32
      %dma_start3A_2105 = arith.constant 0 : i32
      %dma_start3A_2106 = arith.constant 0 : i32
      %dma_start3A_2107 = tpu.memref_slice %arg9[%dma_start3A_2103, %dma_start3A_2104, %dma_start3A_2105, %dma_start3A_2106] : memref<3x4x32x128xf32, #tpu.memory_space<vmem>> -> memref<1x1x32x128xf32, #tpu.memory_space<vmem>>
      %dma_start3A_2108 = tpu.memref_squeeze %dma_start3A_2107 : memref<1x1x32x128xf32, #tpu.memory_space<vmem>> -> memref<32x128xf32, #tpu.memory_space<vmem>>
      %dma_start3A_2109 = arith.constant 0 : i32
      %dma_start3A_2110 = tpu.memref_slice %arg4[%dma_start3A_2109, %multiple_of3A_2099] : memref<32x1000000xf32, #tpu.memory_space<hbm>> -> memref<32x128xf32, #tpu.memory_space<hbm>>
      %dma_start3A_2111 = arith.constant 0 : i32
      %dma_start3A_2112 = arith.constant 0 : i32
      %dma_start3A_2113 = tpu.memref_slice %arg9[%dma_start3A_2103, %dma_start3A_2104, %dma_start3A_2111, %dma_start3A_2112] : memref<3x4x32x128xf32, #tpu.memory_space<vmem>> -> memref<1x1x32x128xf32, #tpu.memory_space<vmem>>
      %dma_start3A_2114 = tpu.memref_squeeze %dma_start3A_2113 : memref<1x1x32x128xf32, #tpu.memory_space<vmem>> -> memref<32x128xf32, #tpu.memory_space<vmem>>
      %dma_start3A_2115 = arith.constant 0 : i32
      %dma_start3A_2116 = tpu.memref_slice %arg4[%dma_start3A_2115, %multiple_of3A_2099] : memref<32x1000000xf32, #tpu.memory_space<hbm>> -> memref<32x128xf32, #tpu.memory_space<hbm>>
      tpu.enqueue_dma source(%dma_start3A_2116 : memref<32x128xf32, #tpu.memory_space<hbm>>) target(%dma_start3A_2114 : memref<32x128xf32, #tpu.memory_space<vmem>>) target_semaphore(%arg13 : memref<!tpu.dma_semaphore, #tpu.memory_space<semaphore_mem>>)
      %dma_start3A_2117 = arith.constant 1 : i32
      %dma_start3A_2118 = arith.constant 3 : i32
      %dma_start3A_2119 = arith.constant 0 : i32
      %dma_start3A_2120 = arith.constant 0 : i32
      %dma_start3A_2121 = tpu.memref_slice %arg10[%dma_start3A_2117, %dma_start3A_2118, %dma_start3A_2119, %dma_start3A_2120] : memref<3x4x32x128xf32, #tpu.memory_space<vmem>> -> memref<1x1x32x128xf32, #tpu.memory_space<vmem>>
      %dma_start3A_2122 = tpu.memref_squeeze %dma_start3A_2121 : memref<1x1x32x128xf32, #tpu.memory_space<vmem>> -> memref<32x128xf32, #tpu.memory_space<vmem>>
      %dma_start3A_2123 = arith.constant 0 : i32
      %dma_start3A_2124 = tpu.memref_slice %arg5[%dma_start3A_2123, %multiple_of3A_2102] : memref<32x1000000xf32, #tpu.memory_space<hbm>> -> memref<32x128xf32, #tpu.memory_space<hbm>>
      %dma_start3A_2125 = arith.constant 0 : i32
      %dma_start3A_2126 = arith.constant 0 : i32
      %dma_start3A_2127 = tpu.memref_slice %arg10[%dma_start3A_2117, %dma_start3A_2118, %dma_start3A_2125, %dma_start3A_2126] : memref<3x4x32x128xf32, #tpu.memory_space<vmem>> -> memref<1x1x32x128xf32, #tpu.memory_space<vmem>>
      %dma_start3A_2128 = tpu.memref_squeeze %dma_start3A_2127 : memref<1x1x32x128xf32, #tpu.memory_space<vmem>> -> memref<32x128xf32, #tpu.memory_space<vmem>>
      %dma_start3A_2129 = arith.constant 0 : i32
      %dma_start3A_2130 = tpu.memref_slice %arg5[%dma_start3A_2129, %multiple_of3A_2102] : memref<32x1000000xf32, #tpu.memory_space<hbm>> -> memref<32x128xf32, #tpu.memory_space<hbm>>
      tpu.enqueue_dma source(%dma_start3A_2130 : memref<32x128xf32, #tpu.memory_space<hbm>>) target(%dma_start3A_2128 : memref<32x128xf32, #tpu.memory_space<vmem>>) target_semaphore(%arg13 : memref<!tpu.dma_semaphore, #tpu.memory_space<semaphore_mem>>)
      %dma_wait3A_2131 = arith.constant 0 : i32
      %dma_wait3A_2132 = arith.constant 0 : i32
      %dma_wait3A_2133 = arith.constant 0 : i32
      %dma_wait3A_2134 = arith.constant 0 : i32
      %dma_wait3A_2135 = tpu.memref_slice %arg9[%dma_wait3A_2131, %dma_wait3A_2132, %dma_wait3A_2133, %dma_wait3A_2134] : memref<3x4x32x128xf32, #tpu.memory_space<vmem>> -> memref<1x1x32x128xf32, #tpu.memory_space<vmem>>
      %dma_wait3A_2136 = tpu.memref_squeeze %dma_wait3A_2135 : memref<1x1x32x128xf32, #tpu.memory_space<vmem>> -> memref<32x128xf32, #tpu.memory_space<vmem>>
      %dma_wait3A_2137 = arith.constant 0 : i32
      %dma_wait3A_2138 = arith.constant 0 : i32
      %dma_wait3A_2139 = tpu.memref_slice %arg4[%dma_wait3A_2137, %dma_wait3A_2138] : memref<32x1000000xf32, #tpu.memory_space<hbm>> -> memref<32x128xf32, #tpu.memory_space<hbm>>
      %dma_wait3A_2140 = arith.constant 0 : i32
      %dma_wait3A_2141 = arith.constant 0 : i32
      %dma_wait3A_2142 = tpu.memref_slice %arg9[%dma_wait3A_2131, %dma_wait3A_2132, %dma_wait3A_2140, %dma_wait3A_2141] : memref<3x4x32x128xf32, #tpu.memory_space<vmem>> -> memref<1x1x32x128xf32, #tpu.memory_space<vmem>>
      %dma_wait3A_2143 = tpu.memref_squeeze %dma_wait3A_2142 : memref<1x1x32x128xf32, #tpu.memory_space<vmem>> -> memref<32x128xf32, #tpu.memory_space<vmem>>
      %dma_wait3A_2144 = arith.constant 0 : i32
      %dma_wait3A_2145 = arith.constant 0 : i32
      %dma_wait3A_2146 = tpu.memref_slice %arg4[%dma_wait3A_2144, %dma_wait3A_2145] : memref<32x1000000xf32, #tpu.memory_space<hbm>> -> memref<32x128xf32, #tpu.memory_space<hbm>>
      tpu.wait_dma2 semaphore(%arg14 : memref<!tpu.dma_semaphore, #tpu.memory_space<semaphore_mem>>) src(%dma_wait3A_2146 : memref<32x128xf32, #tpu.memory_space<hbm>>) dst(%dma_wait3A_2143 : memref<32x128xf32, #tpu.memory_space<vmem>>)
      %dma_wait3A_2147 = arith.constant 0 : i32
      %dma_wait3A_2148 = arith.constant 0 : i32
      %dma_wait3A_2149 = arith.constant 0 : i32
      %dma_wait3A_2150 = arith.constant 0 : i32
      %dma_wait3A_2151 = tpu.memref_slice %arg9[%dma_wait3A_2147, %dma_wait3A_2148, %dma_wait3A_2149, %dma_wait3A_2150] : memref<3x4x32x128xf32, #tpu.memory_space<vmem>> -> memref<1x1x32x128xf32, #tpu.memory_space<vmem>>
      %dma_wait3A_2152 = tpu.memref_squeeze %dma_wait3A_2151 : memref<1x1x32x128xf32, #tpu.memory_space<vmem>> -> memref<32x128xf32, #tpu.memory_space<vmem>>
      %dma_wait3A_2153 = arith.constant 0 : i32
      %dma_wait3A_2154 = arith.constant 0 : i32
      %dma_wait3A_2155 = tpu.memref_slice %arg4[%dma_wait3A_2153, %dma_wait3A_2154] : memref<32x1000000xf32, #tpu.memory_space<hbm>> -> memref<32x128xf32, #tpu.memory_space<hbm>>
      %dma_wait3A_2156 = arith.constant 0 : i32
      %dma_wait3A_2157 = arith.constant 0 : i32
      %dma_wait3A_2158 = tpu.memref_slice %arg9[%dma_wait3A_2147, %dma_wait3A_2148, %dma_wait3A_2156, %dma_wait3A_2157] : memref<3x4x32x128xf32, #tpu.memory_space<vmem>> -> memref<1x1x32x128xf32, #tpu.memory_space<vmem>>
      %dma_wait3A_2159 = tpu.memref_squeeze %dma_wait3A_2158 : memref<1x1x32x128xf32, #tpu.memory_space<vmem>> -> memref<32x128xf32, #tpu.memory_space<vmem>>
      %dma_wait3A_2160 = arith.constant 0 : i32
      %dma_wait3A_2161 = arith.constant 0 : i32
      %dma_wait3A_2162 = tpu.memref_slice %arg4[%dma_wait3A_2160, %dma_wait3A_2161] : memref<32x1000000xf32, #tpu.memory_space<hbm>> -> memref<32x128xf32, #tpu.memory_space<hbm>>
      tpu.wait_dma2 semaphore(%arg14 : memref<!tpu.dma_semaphore, #tpu.memory_space<semaphore_mem>>) src(%dma_wait3A_2162 : memref<32x128xf32, #tpu.memory_space<hbm>>) dst(%dma_wait3A_2159 : memref<32x128xf32, #tpu.memory_space<vmem>>)
      %dma_wait3A_2163 = arith.constant 0 : i32
      %dma_wait3A_2164 = arith.constant 0 : i32
      %dma_wait3A_2165 = arith.constant 0 : i32
      %dma_wait3A_2166 = arith.constant 0 : i32
      %dma_wait3A_2167 = tpu.memref_slice %arg9[%dma_wait3A_2163, %dma_wait3A_2164, %dma_wait3A_2165, %dma_wait3A_2166] : memref<3x4x32x128xf32, #tpu.memory_space<vmem>> -> memref<1x1x32x128xf32, #tpu.memory_space<vmem>>
      %dma_wait3A_2168 = tpu.memref_squeeze %dma_wait3A_2167 : memref<1x1x32x128xf32, #tpu.memory_space<vmem>> -> memref<32x128xf32, #tpu.memory_space<vmem>>
      %dma_wait3A_2169 = arith.constant 0 : i32
      %dma_wait3A_2170 = arith.constant 0 : i32
      %dma_wait3A_2171 = tpu.memref_slice %arg4[%dma_wait3A_2169, %dma_wait3A_2170] : memref<32x1000000xf32, #tpu.memory_space<hbm>> -> memref<32x128xf32, #tpu.memory_space<hbm>>
      %dma_wait3A_2172 = arith.constant 0 : i32
      %dma_wait3A_2173 = arith.constant 0 : i32
      %dma_wait3A_2174 = tpu.memref_slice %arg9[%dma_wait3A_2163, %dma_wait3A_2164, %dma_wait3A_2172, %dma_wait3A_2173] : memref<3x4x32x128xf32, #tpu.memory_space<vmem>> -> memref<1x1x32x128xf32, #tpu.memory_space<vmem>>
      %dma_wait3A_2175 = tpu.memref_squeeze %dma_wait3A_2174 : memref<1x1x32x128xf32, #tpu.memory_space<vmem>> -> memref<32x128xf32, #tpu.memory_space<vmem>>
      %dma_wait3A_2176 = arith.constant 0 : i32
      %dma_wait3A_2177 = arith.constant 0 : i32
      %dma_wait3A_2178 = tpu.memref_slice %arg4[%dma_wait3A_2176, %dma_wait3A_2177] : memref<32x1000000xf32, #tpu.memory_space<hbm>> -> memref<32x128xf32, #tpu.memory_space<hbm>>
      tpu.wait_dma2 semaphore(%arg14 : memref<!tpu.dma_semaphore, #tpu.memory_space<semaphore_mem>>) src(%dma_wait3A_2178 : memref<32x128xf32, #tpu.memory_space<hbm>>) dst(%dma_wait3A_2175 : memref<32x128xf32, #tpu.memory_space<vmem>>)
      %dma_wait3A_2179 = arith.constant 0 : i32
      %dma_wait3A_2180 = arith.constant 0 : i32
      %dma_wait3A_2181 = arith.constant 0 : i32
      %dma_wait3A_2182 = arith.constant 0 : i32
      %dma_wait3A_2183 = tpu.memref_slice %arg9[%dma_wait3A_2179, %dma_wait3A_2180, %dma_wait3A_2181, %dma_wait3A_2182] : memref<3x4x32x128xf32, #tpu.memory_space<vmem>> -> memref<1x1x32x128xf32, #tpu.memory_space<vmem>>
      %dma_wait3A_2184 = tpu.memref_squeeze %dma_wait3A_2183 : memref<1x1x32x128xf32, #tpu.memory_space<vmem>> -> memref<32x128xf32, #tpu.memory_space<vmem>>
      %dma_wait3A_2185 = arith.constant 0 : i32
      %dma_wait3A_2186 = arith.constant 0 : i32
      %dma_wait3A_2187 = tpu.memref_slice %arg4[%dma_wait3A_2185, %dma_wait3A_2186] : memref<32x1000000xf32, #tpu.memory_space<hbm>> -> memref<32x128xf32, #tpu.memory_space<hbm>>
      %dma_wait3A_2188 = arith.constant 0 : i32
      %dma_wait3A_2189 = arith.constant 0 : i32
      %dma_wait3A_2190 = tpu.memref_slice %arg9[%dma_wait3A_2179, %dma_wait3A_2180, %dma_wait3A_2188, %dma_wait3A_2189] : memref<3x4x32x128xf32, #tpu.memory_space<vmem>> -> memref<1x1x32x128xf32, #tpu.memory_space<vmem>>
      %dma_wait3A_2191 = tpu.memref_squeeze %dma_wait3A_2190 : memref<1x1x32x128xf32, #tpu.memory_space<vmem>> -> memref<32x128xf32, #tpu.memory_space<vmem>>
      %dma_wait3A_2192 = arith.constant 0 : i32
      %dma_wait3A_2193 = arith.constant 0 : i32
      %dma_wait3A_2194 = tpu.memref_slice %arg4[%dma_wait3A_2192, %dma_wait3A_2193] : memref<32x1000000xf32, #tpu.memory_space<hbm>> -> memref<32x128xf32, #tpu.memory_space<hbm>>
      tpu.wait_dma2 semaphore(%arg14 : memref<!tpu.dma_semaphore, #tpu.memory_space<semaphore_mem>>) src(%dma_wait3A_2194 : memref<32x128xf32, #tpu.memory_space<hbm>>) dst(%dma_wait3A_2191 : memref<32x128xf32, #tpu.memory_space<vmem>>)
      %dma_wait3A_2195 = arith.constant 0 : i32
      %dma_wait3A_2196 = arith.constant 0 : i32
      %dma_wait3A_2197 = arith.constant 0 : i32
      %dma_wait3A_2198 = arith.constant 0 : i32
      %dma_wait3A_2199 = tpu.memref_slice %arg9[%dma_wait3A_2195, %dma_wait3A_2196, %dma_wait3A_2197, %dma_wait3A_2198] : memref<3x4x32x128xf32, #tpu.memory_space<vmem>> -> memref<1x1x32x128xf32, #tpu.memory_space<vmem>>
      %dma_wait3A_2200 = tpu.memref_squeeze %dma_wait3A_2199 : memref<1x1x32x128xf32, #tpu.memory_space<vmem>> -> memref<32x128xf32, #tpu.memory_space<vmem>>
      %dma_wait3A_2201 = arith.constant 0 : i32
      %dma_wait3A_2202 = arith.constant 0 : i32
      %dma_wait3A_2203 = tpu.memref_slice %arg4[%dma_wait3A_2201, %dma_wait3A_2202] : memref<32x1000000xf32, #tpu.memory_space<hbm>> -> memref<32x128xf32, #tpu.memory_space<hbm>>
      %dma_wait3A_2204 = arith.constant 0 : i32
      %dma_wait3A_2205 = arith.constant 0 : i32
      %dma_wait3A_2206 = tpu.memref_slice %arg9[%dma_wait3A_2195, %dma_wait3A_2196, %dma_wait3A_2204, %dma_wait3A_2205] : memref<3x4x32x128xf32, #tpu.memory_space<vmem>> -> memref<1x1x32x128xf32, #tpu.memory_space<vmem>>
      %dma_wait3A_2207 = tpu.memref_squeeze %dma_wait3A_2206 : memref<1x1x32x128xf32, #tpu.memory_space<vmem>> -> memref<32x128xf32, #tpu.memory_space<vmem>>
      %dma_wait3A_2208 = arith.constant 0 : i32
      %dma_wait3A_2209 = arith.constant 0 : i32
      %dma_wait3A_2210 = tpu.memref_slice %arg4[%dma_wait3A_2208, %dma_wait3A_2209] : memref<32x1000000xf32, #tpu.memory_space<hbm>> -> memref<32x128xf32, #tpu.memory_space<hbm>>
      tpu.wait_dma2 semaphore(%arg14 : memref<!tpu.dma_semaphore, #tpu.memory_space<semaphore_mem>>) src(%dma_wait3A_2210 : memref<32x128xf32, #tpu.memory_space<hbm>>) dst(%dma_wait3A_2207 : memref<32x128xf32, #tpu.memory_space<vmem>>)
      %dma_wait3A_2211 = arith.constant 0 : i32
      %dma_wait3A_2212 = arith.constant 0 : i32
      %dma_wait3A_2213 = arith.constant 0 : i32
      %dma_wait3A_2214 = arith.constant 0 : i32
      %dma_wait3A_2215 = tpu.memref_slice %arg9[%dma_wait3A_2211, %dma_wait3A_2212, %dma_wait3A_2213, %dma_wait3A_2214] : memref<3x4x32x128xf32, #tpu.memory_space<vmem>> -> memref<1x1x32x128xf32, #tpu.memory_space<vmem>>
      %dma_wait3A_2216 = tpu.memref_squeeze %dma_wait3A_2215 : memref<1x1x32x128xf32, #tpu.memory_space<vmem>> -> memref<32x128xf32, #tpu.memory_space<vmem>>
      %dma_wait3A_2217 = arith.constant 0 : i32
      %dma_wait3A_2218 = arith.constant 0 : i32
      %dma_wait3A_2219 = tpu.memref_slice %arg4[%dma_wait3A_2217, %dma_wait3A_2218] : memref<32x1000000xf32, #tpu.memory_space<hbm>> -> memref<32x128xf32, #tpu.memory_space<hbm>>
      %dma_wait3A_2220 = arith.constant 0 : i32
      %dma_wait3A_2221 = arith.constant 0 : i32
      %dma_wait3A_2222 = tpu.memref_slice %arg9[%dma_wait3A_2211, %dma_wait3A_2212, %dma_wait3A_2220, %dma_wait3A_2221] : memref<3x4x32x128xf32, #tpu.memory_space<vmem>> -> memref<1x1x32x128xf32, #tpu.memory_space<vmem>>
      %dma_wait3A_2223 = tpu.memref_squeeze %dma_wait3A_2222 : memref<1x1x32x128xf32, #tpu.memory_space<vmem>> -> memref<32x128xf32, #tpu.memory_space<vmem>>
      %dma_wait3A_2224 = arith.constant 0 : i32
      %dma_wait3A_2225 = arith.constant 0 : i32
      %dma_wait3A_2226 = tpu.memref_slice %arg4[%dma_wait3A_2224, %dma_wait3A_2225] : memref<32x1000000xf32, #tpu.memory_space<hbm>> -> memref<32x128xf32, #tpu.memory_space<hbm>>
      tpu.wait_dma2 semaphore(%arg14 : memref<!tpu.dma_semaphore, #tpu.memory_space<semaphore_mem>>) src(%dma_wait3A_2226 : memref<32x128xf32, #tpu.memory_space<hbm>>) dst(%dma_wait3A_2223 : memref<32x128xf32, #tpu.memory_space<vmem>>)
      %dma_wait3A_2227 = arith.constant 0 : i32
      %dma_wait3A_2228 = arith.constant 0 : i32
      %dma_wait3A_2229 = arith.constant 0 : i32
      %dma_wait3A_2230 = arith.constant 0 : i32
      %dma_wait3A_2231 = tpu.memref_slice %arg9[%dma_wait3A_2227, %dma_wait3A_2228, %dma_wait3A_2229, %dma_wait3A_2230] : memref<3x4x32x128xf32, #tpu.memory_space<vmem>> -> memref<1x1x32x128xf32, #tpu.memory_space<vmem>>
      %dma_wait3A_2232 = tpu.memref_squeeze %dma_wait3A_2231 : memref<1x1x32x128xf32, #tpu.memory_space<vmem>> -> memref<32x128xf32, #tpu.memory_space<vmem>>
      %dma_wait3A_2233 = arith.constant 0 : i32
      %dma_wait3A_2234 = arith.constant 0 : i32
      %dma_wait3A_2235 = tpu.memref_slice %arg4[%dma_wait3A_2233, %dma_wait3A_2234] : memref<32x1000000xf32, #tpu.memory_space<hbm>> -> memref<32x128xf32, #tpu.memory_space<hbm>>
      %dma_wait3A_2236 = arith.constant 0 : i32
      %dma_wait3A_2237 = arith.constant 0 : i32
      %dma_wait3A_2238 = tpu.memref_slice %arg9[%dma_wait3A_2227, %dma_wait3A_2228, %dma_wait3A_2236, %dma_wait3A_2237] : memref<3x4x32x128xf32, #tpu.memory_space<vmem>> -> memref<1x1x32x128xf32, #tpu.memory_space<vmem>>
      %dma_wait3A_2239 = tpu.memref_squeeze %dma_wait3A_2238 : memref<1x1x32x128xf32, #tpu.memory_space<vmem>> -> memref<32x128xf32, #tpu.memory_space<vmem>>
      %dma_wait3A_2240 = arith.constant 0 : i32
      %dma_wait3A_2241 = arith.constant 0 : i32
      %dma_wait3A_2242 = tpu.memref_slice %arg4[%dma_wait3A_2240, %dma_wait3A_2241] : memref<32x1000000xf32, #tpu.memory_space<hbm>> -> memref<32x128xf32, #tpu.memory_space<hbm>>
      tpu.wait_dma2 semaphore(%arg14 : memref<!tpu.dma_semaphore, #tpu.memory_space<semaphore_mem>>) src(%dma_wait3A_2242 : memref<32x128xf32, #tpu.memory_space<hbm>>) dst(%dma_wait3A_2239 : memref<32x128xf32, #tpu.memory_space<vmem>>)
      %dma_wait3A_2243 = arith.constant 0 : i32
      %dma_wait3A_2244 = arith.constant 0 : i32
      %dma_wait3A_2245 = arith.constant 0 : i32
      %dma_wait3A_2246 = arith.constant 0 : i32
      %dma_wait3A_2247 = tpu.memref_slice %arg9[%dma_wait3A_2243, %dma_wait3A_2244, %dma_wait3A_2245, %dma_wait3A_2246] : memref<3x4x32x128xf32, #tpu.memory_space<vmem>> -> memref<1x1x32x128xf32, #tpu.memory_space<vmem>>
      %dma_wait3A_2248 = tpu.memref_squeeze %dma_wait3A_2247 : memref<1x1x32x128xf32, #tpu.memory_space<vmem>> -> memref<32x128xf32, #tpu.memory_space<vmem>>
      %dma_wait3A_2249 = arith.constant 0 : i32
      %dma_wait3A_2250 = arith.constant 0 : i32
      %dma_wait3A_2251 = tpu.memref_slice %arg4[%dma_wait3A_2249, %dma_wait3A_2250] : memref<32x1000000xf32, #tpu.memory_space<hbm>> -> memref<32x128xf32, #tpu.memory_space<hbm>>
      %dma_wait3A_2252 = arith.constant 0 : i32
      %dma_wait3A_2253 = arith.constant 0 : i32
      %dma_wait3A_2254 = tpu.memref_slice %arg9[%dma_wait3A_2243, %dma_wait3A_2244, %dma_wait3A_2252, %dma_wait3A_2253] : memref<3x4x32x128xf32, #tpu.memory_space<vmem>> -> memref<1x1x32x128xf32, #tpu.memory_space<vmem>>
      %dma_wait3A_2255 = tpu.memref_squeeze %dma_wait3A_2254 : memref<1x1x32x128xf32, #tpu.memory_space<vmem>> -> memref<32x128xf32, #tpu.memory_space<vmem>>
      %dma_wait3A_2256 = arith.constant 0 : i32
      %dma_wait3A_2257 = arith.constant 0 : i32
      %dma_wait3A_2258 = tpu.memref_slice %arg4[%dma_wait3A_2256, %dma_wait3A_2257] : memref<32x1000000xf32, #tpu.memory_space<hbm>> -> memref<32x128xf32, #tpu.memory_space<hbm>>
      tpu.wait_dma2 semaphore(%arg14 : memref<!tpu.dma_semaphore, #tpu.memory_space<semaphore_mem>>) src(%dma_wait3A_2258 : memref<32x128xf32, #tpu.memory_space<hbm>>) dst(%dma_wait3A_2255 : memref<32x128xf32, #tpu.memory_space<vmem>>)
      %add3A_2259 = arith.constant 2 : i32
      %add3A_2260 = arith.addi %mul3A_986, %add3A_2259 : i32
      %mul3A_2261 = arith.constant 4 : i32
      %mul3A_2262 = arith.muli %add3A_2260, %mul3A_2261 : i32
      %get3A_2263 = arith.index_cast %mul3A_2262 : i32 to index
      %get3A_2264 = tpu.vector_load %arg7[%get3A_2263] {strides = array<i32>} : memref<528xi32, #tpu.memory_space<vmem>>, vector<16xi32>,
      %get3A_2265 = arith.index_cast %mul3A_2262 : i32 to index
      %get3A_2266 = tpu.vector_load %arg8[%get3A_2265] {strides = array<i32>} : memref<528xi32, #tpu.memory_space<vmem>>, vector<16xi32>,
      %and3A_2267 = arith.constant 127 : i32
      %and3A_2268 = vector.broadcast %and3A_2267 : i32 to vector<16xi32>
      %and3A_2269 = arith.andi %get3A_2264, %and3A_2268 : vector<16xi32>
      %and3A_2270 = arith.constant 127 : i32
      %and3A_2271 = vector.broadcast %and3A_2270 : i32 to vector<16xi32>
      %and3A_2272 = arith.andi %get3A_2266, %and3A_2271 : vector<16xi32>
      %rem3A_2273 = arith.constant 4 : i32
      %rem3A_2274 = arith.remsi %add3A_2260, %rem3A_2273 : i32
      %mul3A_2275 = arith.constant 4 : i32
      %mul3A_2276 = arith.muli %rem3A_2274, %mul3A_2275 : i32
      %slice3A_2277 = vector.extract_strided_slice %and3A_2269 {offsets = [0], sizes = [1], strides = [1]} : vector<16xi32> to vector<1xi32>
      %squeeze3A_2278 = vector.extract %slice3A_2277[0] : i32 from vector<1xi32>
      %broadcast_in_dim3A_2279 = vector.broadcast %squeeze3A_2278 : i32 to vector<16xi32>
      %slice3A_2280 = vector.extract_strided_slice %and3A_2272 {offsets = [0], sizes = [1], strides = [1]} : vector<16xi32> to vector<1xi32>
      %squeeze3A_2281 = vector.extract %slice3A_2280[0] : i32 from vector<1xi32>
      %broadcast_in_dim3A_2282 = vector.broadcast %squeeze3A_2281 : i32 to vector<16xi32>
      %gather3A_2283 = arith.constant 2 : i32
      %gather3A_2284 = arith.constant 0 : i32
      %gather3A_2285 = arith.constant 0 : i32
      %gather3A_2286 = arith.constant 0 : i32
      %gather3A_2287 = tpu.memref_slice %arg9[%gather3A_2283, %gather3A_2284, %gather3A_2285, %gather3A_2286] : memref<3x4x32x128xf32, #tpu.memory_space<vmem>> -> memref<1x1x32x128xf32, #tpu.memory_space<vmem>>
      %gather3A_2288 = tpu.memref_squeeze %gather3A_2287 : memref<1x1x32x128xf32, #tpu.memory_space<vmem>> -> memref<32x128xf32, #tpu.memory_space<vmem>>
      %gather3A_2289 = tpu.vector_load_idx %gather3A_2288[%iota3A, %broadcast_in_dim3A_2279] : memref<32x128xf32, #tpu.memory_space<vmem>>[vector<16xi32>, vector<16xi32>], vector<16xf32>,
      %gather3A_2290 = arith.constant 2 : i32
      %gather3A_2291 = arith.constant 0 : i32
      %gather3A_2292 = arith.constant 0 : i32
      %gather3A_2293 = arith.constant 0 : i32
      %gather3A_2294 = tpu.memref_slice %arg9[%gather3A_2290, %gather3A_2291, %gather3A_2292, %gather3A_2293] : memref<3x4x32x128xf32, #tpu.memory_space<vmem>> -> memref<1x1x32x128xf32, #tpu.memory_space<vmem>>
      %gather3A_2295 = tpu.memref_squeeze %gather3A_2294 : memref<1x1x32x128xf32, #tpu.memory_space<vmem>> -> memref<32x128xf32, #tpu.memory_space<vmem>>
      %gather3A_2296 = tpu.vector_load_idx %gather3A_2295[%add3A_5, %broadcast_in_dim3A_2279] : memref<32x128xf32, #tpu.memory_space<vmem>>[vector<16xi32>, vector<16xi32>], vector<16xf32>,
      %gather3A_2297 = arith.constant 2 : i32
      %gather3A_2298 = arith.constant 0 : i32
      %gather3A_2299 = arith.constant 0 : i32
      %gather3A_2300 = arith.constant 0 : i32
      %gather3A_2301 = tpu.memref_slice %arg10[%gather3A_2297, %gather3A_2298, %gather3A_2299, %gather3A_2300] : memref<3x4x32x128xf32, #tpu.memory_space<vmem>> -> memref<1x1x32x128xf32, #tpu.memory_space<vmem>>
      %gather3A_2302 = tpu.memref_squeeze %gather3A_2301 : memref<1x1x32x128xf32, #tpu.memory_space<vmem>> -> memref<32x128xf32, #tpu.memory_space<vmem>>
      %gather3A_2303 = tpu.vector_load_idx %gather3A_2302[%iota3A, %broadcast_in_dim3A_2282] : memref<32x128xf32, #tpu.memory_space<vmem>>[vector<16xi32>, vector<16xi32>], vector<16xf32>,
      %gather3A_2304 = arith.constant 2 : i32
      %gather3A_2305 = arith.constant 0 : i32
      %gather3A_2306 = arith.constant 0 : i32
      %gather3A_2307 = arith.constant 0 : i32
      %gather3A_2308 = tpu.memref_slice %arg10[%gather3A_2304, %gather3A_2305, %gather3A_2306, %gather3A_2307] : memref<3x4x32x128xf32, #tpu.memory_space<vmem>> -> memref<1x1x32x128xf32, #tpu.memory_space<vmem>>
      %gather3A_2309 = tpu.memref_squeeze %gather3A_2308 : memref<1x1x32x128xf32, #tpu.memory_space<vmem>> -> memref<32x128xf32, #tpu.memory_space<vmem>>
      %gather3A_2310 = tpu.vector_load_idx %gather3A_2309[%add3A_5, %broadcast_in_dim3A_2282] : memref<32x128xf32, #tpu.memory_space<vmem>>[vector<16xi32>, vector<16xi32>], vector<16xf32>,
      %mul3A_2311 = arith.mulf %gather3A_2289, %gather3A_2303 : vector<16xf32>
      %mul3A_2312 = arith.mulf %gather3A_2296, %gather3A_2310 : vector<16xf32>
      %add3A_2313 = arith.addf %mul3A_2311, %mul3A_2312 : vector<16xf32>
      %reduce_sum3A_2314 = arith.constant true
      %reduce_sum3A_2315 = vector.broadcast %reduce_sum3A_2314 : i1 to vector<16xi1>
      %reduce_sum3A_2316 = tpu.scan <sum>, %add3A_2313 masked %reduce_sum3A_2315 : vector<16xf32>, vector<16xi1> -> vector<16xf32>
      %reduce_sum3A_2317 = vector.extract %reduce_sum3A_2316[15] : f32 from vector<16xf32>
      %add3A_2318 = arith.constant 0 : i32
      %add3A_2319 = arith.addi %mul3A_2276, %add3A_2318 : i32
      %eq3A_2320 = vector.broadcast %add3A_2319 : i32 to vector<16xi32>
      %eq3A_2321 = arith.cmpi eq, %iota3A, %eq3A_2320 : vector<16xi32>
      %broadcast_in_dim3A_2322 = vector.broadcast %reduce_sum3A_2317 : f32 to vector<16xf32>
      %select_n3A_2323 = arith.select %eq3A_2321, %broadcast_in_dim3A_2322, %select_n3A_1980 : vector<16xi1>, vector<16xf32>
      %slice3A_2324 = vector.extract_strided_slice %and3A_2269 {offsets = [1], sizes = [1], strides = [1]} : vector<16xi32> to vector<1xi32>
      %squeeze3A_2325 = vector.extract %slice3A_2324[0] : i32 from vector<1xi32>
      %broadcast_in_dim3A_2326 = vector.broadcast %squeeze3A_2325 : i32 to vector<16xi32>
      %slice3A_2327 = vector.extract_strided_slice %and3A_2272 {offsets = [1], sizes = [1], strides = [1]} : vector<16xi32> to vector<1xi32>
      %squeeze3A_2328 = vector.extract %slice3A_2327[0] : i32 from vector<1xi32>
      %broadcast_in_dim3A_2329 = vector.broadcast %squeeze3A_2328 : i32 to vector<16xi32>
      %gather3A_2330 = arith.constant 2 : i32
      %gather3A_2331 = arith.constant 1 : i32
      %gather3A_2332 = arith.constant 0 : i32
      %gather3A_2333 = arith.constant 0 : i32
      %gather3A_2334 = tpu.memref_slice %arg9[%gather3A_2330, %gather3A_2331, %gather3A_2332, %gather3A_2333] : memref<3x4x32x128xf32, #tpu.memory_space<vmem>> -> memref<1x1x32x128xf32, #tpu.memory_space<vmem>>
      %gather3A_2335 = tpu.memref_squeeze %gather3A_2334 : memref<1x1x32x128xf32, #tpu.memory_space<vmem>> -> memref<32x128xf32, #tpu.memory_space<vmem>>
      %gather3A_2336 = tpu.vector_load_idx %gather3A_2335[%iota3A, %broadcast_in_dim3A_2326] : memref<32x128xf32, #tpu.memory_space<vmem>>[vector<16xi32>, vector<16xi32>], vector<16xf32>,
      %gather3A_2337 = arith.constant 2 : i32
      %gather3A_2338 = arith.constant 1 : i32
      %gather3A_2339 = arith.constant 0 : i32
      %gather3A_2340 = arith.constant 0 : i32
      %gather3A_2341 = tpu.memref_slice %arg9[%gather3A_2337, %gather3A_2338, %gather3A_2339, %gather3A_2340] : memref<3x4x32x128xf32, #tpu.memory_space<vmem>> -> memref<1x1x32x128xf32, #tpu.memory_space<vmem>>
      %gather3A_2342 = tpu.memref_squeeze %gather3A_2341 : memref<1x1x32x128xf32, #tpu.memory_space<vmem>> -> memref<32x128xf32, #tpu.memory_space<vmem>>
      %gather3A_2343 = tpu.vector_load_idx %gather3A_2342[%add3A_5, %broadcast_in_dim3A_2326] : memref<32x128xf32, #tpu.memory_space<vmem>>[vector<16xi32>, vector<16xi32>], vector<16xf32>,
      %gather3A_2344 = arith.constant 2 : i32
      %gather3A_2345 = arith.constant 1 : i32
      %gather3A_2346 = arith.constant 0 : i32
      %gather3A_2347 = arith.constant 0 : i32
      %gather3A_2348 = tpu.memref_slice %arg10[%gather3A_2344, %gather3A_2345, %gather3A_2346, %gather3A_2347] : memref<3x4x32x128xf32, #tpu.memory_space<vmem>> -> memref<1x1x32x128xf32, #tpu.memory_space<vmem>>
      %gather3A_2349 = tpu.memref_squeeze %gather3A_2348 : memref<1x1x32x128xf32, #tpu.memory_space<vmem>> -> memref<32x128xf32, #tpu.memory_space<vmem>>
      %gather3A_2350 = tpu.vector_load_idx %gather3A_2349[%iota3A, %broadcast_in_dim3A_2329] : memref<32x128xf32, #tpu.memory_space<vmem>>[vector<16xi32>, vector<16xi32>], vector<16xf32>,
      %gather3A_2351 = arith.constant 2 : i32
      %gather3A_2352 = arith.constant 1 : i32
      %gather3A_2353 = arith.constant 0 : i32
      %gather3A_2354 = arith.constant 0 : i32
      %gather3A_2355 = tpu.memref_slice %arg10[%gather3A_2351, %gather3A_2352, %gather3A_2353, %gather3A_2354] : memref<3x4x32x128xf32, #tpu.memory_space<vmem>> -> memref<1x1x32x128xf32, #tpu.memory_space<vmem>>
      %gather3A_2356 = tpu.memref_squeeze %gather3A_2355 : memref<1x1x32x128xf32, #tpu.memory_space<vmem>> -> memref<32x128xf32, #tpu.memory_space<vmem>>
      %gather3A_2357 = tpu.vector_load_idx %gather3A_2356[%add3A_5, %broadcast_in_dim3A_2329] : memref<32x128xf32, #tpu.memory_space<vmem>>[vector<16xi32>, vector<16xi32>], vector<16xf32>,
      %mul3A_2358 = arith.mulf %gather3A_2336, %gather3A_2350 : vector<16xf32>
      %mul3A_2359 = arith.mulf %gather3A_2343, %gather3A_2357 : vector<16xf32>
      %add3A_2360 = arith.addf %mul3A_2358, %mul3A_2359 : vector<16xf32>
      %reduce_sum3A_2361 = arith.constant true
      %reduce_sum3A_2362 = vector.broadcast %reduce_sum3A_2361 : i1 to vector<16xi1>
      %reduce_sum3A_2363 = tpu.scan <sum>, %add3A_2360 masked %reduce_sum3A_2362 : vector<16xf32>, vector<16xi1> -> vector<16xf32>
      %reduce_sum3A_2364 = vector.extract %reduce_sum3A_2363[15] : f32 from vector<16xf32>
      %add3A_2365 = arith.constant 1 : i32
      %add3A_2366 = arith.addi %mul3A_2276, %add3A_2365 : i32
      %eq3A_2367 = vector.broadcast %add3A_2366 : i32 to vector<16xi32>
      %eq3A_2368 = arith.cmpi eq, %iota3A, %eq3A_2367 : vector<16xi32>
      %broadcast_in_dim3A_2369 = vector.broadcast %reduce_sum3A_2364 : f32 to vector<16xf32>
      %select_n3A_2370 = arith.select %eq3A_2368, %broadcast_in_dim3A_2369, %select_n3A_2323 : vector<16xi1>, vector<16xf32>
      %slice3A_2371 = vector.extract_strided_slice %and3A_2269 {offsets = [2], sizes = [1], strides = [1]} : vector<16xi32> to vector<1xi32>
      %squeeze3A_2372 = vector.extract %slice3A_2371[0] : i32 from vector<1xi32>
      %broadcast_in_dim3A_2373 = vector.broadcast %squeeze3A_2372 : i32 to vector<16xi32>
      %slice3A_2374 = vector.extract_strided_slice %and3A_2272 {offsets = [2], sizes = [1], strides = [1]} : vector<16xi32> to vector<1xi32>
      %squeeze3A_2375 = vector.extract %slice3A_2374[0] : i32 from vector<1xi32>
      %broadcast_in_dim3A_2376 = vector.broadcast %squeeze3A_2375 : i32 to vector<16xi32>
      %gather3A_2377 = arith.constant 2 : i32
      %gather3A_2378 = arith.constant 2 : i32
      %gather3A_2379 = arith.constant 0 : i32
      %gather3A_2380 = arith.constant 0 : i32
      %gather3A_2381 = tpu.memref_slice %arg9[%gather3A_2377, %gather3A_2378, %gather3A_2379, %gather3A_2380] : memref<3x4x32x128xf32, #tpu.memory_space<vmem>> -> memref<1x1x32x128xf32, #tpu.memory_space<vmem>>
      %gather3A_2382 = tpu.memref_squeeze %gather3A_2381 : memref<1x1x32x128xf32, #tpu.memory_space<vmem>> -> memref<32x128xf32, #tpu.memory_space<vmem>>
      %gather3A_2383 = tpu.vector_load_idx %gather3A_2382[%iota3A, %broadcast_in_dim3A_2373] : memref<32x128xf32, #tpu.memory_space<vmem>>[vector<16xi32>, vector<16xi32>], vector<16xf32>,
      %gather3A_2384 = arith.constant 2 : i32
      %gather3A_2385 = arith.constant 2 : i32
      %gather3A_2386 = arith.constant 0 : i32
      %gather3A_2387 = arith.constant 0 : i32
      %gather3A_2388 = tpu.memref_slice %arg9[%gather3A_2384, %gather3A_2385, %gather3A_2386, %gather3A_2387] : memref<3x4x32x128xf32, #tpu.memory_space<vmem>> -> memref<1x1x32x128xf32, #tpu.memory_space<vmem>>
      %gather3A_2389 = tpu.memref_squeeze %gather3A_2388 : memref<1x1x32x128xf32, #tpu.memory_space<vmem>> -> memref<32x128xf32, #tpu.memory_space<vmem>>
      %gather3A_2390 = tpu.vector_load_idx %gather3A_2389[%add3A_5, %broadcast_in_dim3A_2373] : memref<32x128xf32, #tpu.memory_space<vmem>>[vector<16xi32>, vector<16xi32>], vector<16xf32>,
      %gather3A_2391 = arith.constant 2 : i32
      %gather3A_2392 = arith.constant 2 : i32
      %gather3A_2393 = arith.constant 0 : i32
      %gather3A_2394 = arith.constant 0 : i32
      %gather3A_2395 = tpu.memref_slice %arg10[%gather3A_2391, %gather3A_2392, %gather3A_2393, %gather3A_2394] : memref<3x4x32x128xf32, #tpu.memory_space<vmem>> -> memref<1x1x32x128xf32, #tpu.memory_space<vmem>>
      %gather3A_2396 = tpu.memref_squeeze %gather3A_2395 : memref<1x1x32x128xf32, #tpu.memory_space<vmem>> -> memref<32x128xf32, #tpu.memory_space<vmem>>
      %gather3A_2397 = tpu.vector_load_idx %gather3A_2396[%iota3A, %broadcast_in_dim3A_2376] : memref<32x128xf32, #tpu.memory_space<vmem>>[vector<16xi32>, vector<16xi32>], vector<16xf32>,
      %gather3A_2398 = arith.constant 2 : i32
      %gather3A_2399 = arith.constant 2 : i32
      %gather3A_2400 = arith.constant 0 : i32
      %gather3A_2401 = arith.constant 0 : i32
      %gather3A_2402 = tpu.memref_slice %arg10[%gather3A_2398, %gather3A_2399, %gather3A_2400, %gather3A_2401] : memref<3x4x32x128xf32, #tpu.memory_space<vmem>> -> memref<1x1x32x128xf32, #tpu.memory_space<vmem>>
      %gather3A_2403 = tpu.memref_squeeze %gather3A_2402 : memref<1x1x32x128xf32, #tpu.memory_space<vmem>> -> memref<32x128xf32, #tpu.memory_space<vmem>>
      %gather3A_2404 = tpu.vector_load_idx %gather3A_2403[%add3A_5, %broadcast_in_dim3A_2376] : memref<32x128xf32, #tpu.memory_space<vmem>>[vector<16xi32>, vector<16xi32>], vector<16xf32>,
      %mul3A_2405 = arith.mulf %gather3A_2383, %gather3A_2397 : vector<16xf32>
      %mul3A_2406 = arith.mulf %gather3A_2390, %gather3A_2404 : vector<16xf32>
      %add3A_2407 = arith.addf %mul3A_2405, %mul3A_2406 : vector<16xf32>
      %reduce_sum3A_2408 = arith.constant true
      %reduce_sum3A_2409 = vector.broadcast %reduce_sum3A_2408 : i1 to vector<16xi1>
      %reduce_sum3A_2410 = tpu.scan <sum>, %add3A_2407 masked %reduce_sum3A_2409 : vector<16xf32>, vector<16xi1> -> vector<16xf32>
      %reduce_sum3A_2411 = vector.extract %reduce_sum3A_2410[15] : f32 from vector<16xf32>
      %add3A_2412 = arith.constant 2 : i32
      %add3A_2413 = arith.addi %mul3A_2276, %add3A_2412 : i32
      %eq3A_2414 = vector.broadcast %add3A_2413 : i32 to vector<16xi32>
      %eq3A_2415 = arith.cmpi eq, %iota3A, %eq3A_2414 : vector<16xi32>
      %broadcast_in_dim3A_2416 = vector.broadcast %reduce_sum3A_2411 : f32 to vector<16xf32>
      %select_n3A_2417 = arith.select %eq3A_2415, %broadcast_in_dim3A_2416, %select_n3A_2370 : vector<16xi1>, vector<16xf32>
      %slice3A_2418 = vector.extract_strided_slice %and3A_2269 {offsets = [3], sizes = [1], strides = [1]} : vector<16xi32> to vector<1xi32>
      %squeeze3A_2419 = vector.extract %slice3A_2418[0] : i32 from vector<1xi32>
      %broadcast_in_dim3A_2420 = vector.broadcast %squeeze3A_2419 : i32 to vector<16xi32>
      %slice3A_2421 = vector.extract_strided_slice %and3A_2272 {offsets = [3], sizes = [1], strides = [1]} : vector<16xi32> to vector<1xi32>
      %squeeze3A_2422 = vector.extract %slice3A_2421[0] : i32 from vector<1xi32>
      %broadcast_in_dim3A_2423 = vector.broadcast %squeeze3A_2422 : i32 to vector<16xi32>
      %gather3A_2424 = arith.constant 2 : i32
      %gather3A_2425 = arith.constant 3 : i32
      %gather3A_2426 = arith.constant 0 : i32
      %gather3A_2427 = arith.constant 0 : i32
      %gather3A_2428 = tpu.memref_slice %arg9[%gather3A_2424, %gather3A_2425, %gather3A_2426, %gather3A_2427] : memref<3x4x32x128xf32, #tpu.memory_space<vmem>> -> memref<1x1x32x128xf32, #tpu.memory_space<vmem>>
      %gather3A_2429 = tpu.memref_squeeze %gather3A_2428 : memref<1x1x32x128xf32, #tpu.memory_space<vmem>> -> memref<32x128xf32, #tpu.memory_space<vmem>>
      %gather3A_2430 = tpu.vector_load_idx %gather3A_2429[%iota3A, %broadcast_in_dim3A_2420] : memref<32x128xf32, #tpu.memory_space<vmem>>[vector<16xi32>, vector<16xi32>], vector<16xf32>,
      %gather3A_2431 = arith.constant 2 : i32
      %gather3A_2432 = arith.constant 3 : i32
      %gather3A_2433 = arith.constant 0 : i32
      %gather3A_2434 = arith.constant 0 : i32
      %gather3A_2435 = tpu.memref_slice %arg9[%gather3A_2431, %gather3A_2432, %gather3A_2433, %gather3A_2434] : memref<3x4x32x128xf32, #tpu.memory_space<vmem>> -> memref<1x1x32x128xf32, #tpu.memory_space<vmem>>
      %gather3A_2436 = tpu.memref_squeeze %gather3A_2435 : memref<1x1x32x128xf32, #tpu.memory_space<vmem>> -> memref<32x128xf32, #tpu.memory_space<vmem>>
      %gather3A_2437 = tpu.vector_load_idx %gather3A_2436[%add3A_5, %broadcast_in_dim3A_2420] : memref<32x128xf32, #tpu.memory_space<vmem>>[vector<16xi32>, vector<16xi32>], vector<16xf32>,
      %gather3A_2438 = arith.constant 2 : i32
      %gather3A_2439 = arith.constant 3 : i32
      %gather3A_2440 = arith.constant 0 : i32
      %gather3A_2441 = arith.constant 0 : i32
      %gather3A_2442 = tpu.memref_slice %arg10[%gather3A_2438, %gather3A_2439, %gather3A_2440, %gather3A_2441] : memref<3x4x32x128xf32, #tpu.memory_space<vmem>> -> memref<1x1x32x128xf32, #tpu.memory_space<vmem>>
      %gather3A_2443 = tpu.memref_squeeze %gather3A_2442 : memref<1x1x32x128xf32, #tpu.memory_space<vmem>> -> memref<32x128xf32, #tpu.memory_space<vmem>>
      %gather3A_2444 = tpu.vector_load_idx %gather3A_2443[%iota3A, %broadcast_in_dim3A_2423] : memref<32x128xf32, #tpu.memory_space<vmem>>[vector<16xi32>, vector<16xi32>], vector<16xf32>,
      %gather3A_2445 = arith.constant 2 : i32
      %gather3A_2446 = arith.constant 3 : i32
      %gather3A_2447 = arith.constant 0 : i32
      %gather3A_2448 = arith.constant 0 : i32
      %gather3A_2449 = tpu.memref_slice %arg10[%gather3A_2445, %gather3A_2446, %gather3A_2447, %gather3A_2448] : memref<3x4x32x128xf32, #tpu.memory_space<vmem>> -> memref<1x1x32x128xf32, #tpu.memory_space<vmem>>
      %gather3A_2450 = tpu.memref_squeeze %gather3A_2449 : memref<1x1x32x128xf32, #tpu.memory_space<vmem>> -> memref<32x128xf32, #tpu.memory_space<vmem>>
      %gather3A_2451 = tpu.vector_load_idx %gather3A_2450[%add3A_5, %broadcast_in_dim3A_2423] : memref<32x128xf32, #tpu.memory_space<vmem>>[vector<16xi32>, vector<16xi32>], vector<16xf32>,
      %mul3A_2452 = arith.mulf %gather3A_2430, %gather3A_2444 : vector<16xf32>
      %mul3A_2453 = arith.mulf %gather3A_2437, %gather3A_2451 : vector<16xf32>
      %add3A_2454 = arith.addf %mul3A_2452, %mul3A_2453 : vector<16xf32>
      %reduce_sum3A_2455 = arith.constant true
      %reduce_sum3A_2456 = vector.broadcast %reduce_sum3A_2455 : i1 to vector<16xi1>
      %reduce_sum3A_2457 = tpu.scan <sum>, %add3A_2454 masked %reduce_sum3A_2456 : vector<16xf32>, vector<16xi1> -> vector<16xf32>
      %reduce_sum3A_2458 = vector.extract %reduce_sum3A_2457[15] : f32 from vector<16xf32>
      %add3A_2459 = arith.constant 3 : i32
      %add3A_2460 = arith.addi %mul3A_2276, %add3A_2459 : i32
      %eq3A_2461 = vector.broadcast %add3A_2460 : i32 to vector<16xi32>
      %eq3A_2462 = arith.cmpi eq, %iota3A, %eq3A_2461 : vector<16xi32>
      %broadcast_in_dim3A_2463 = vector.broadcast %reduce_sum3A_2458 : f32 to vector<16xf32>
      %select_n3A_2464 = arith.select %eq3A_2462, %broadcast_in_dim3A_2463, %select_n3A_2417 : vector<16xi1>, vector<16xf32>
      %div3A_2465 = arith.constant 4 : i32
      %div3A_2466 = arith.divsi %add3A_2260, %div3A_2465 : i32
      %mul3A_2467 = arith.constant 16 : i32
      %mul3A_2468 = arith.muli %div3A_2466, %mul3A_2467 : i32
      %swap3A_2469 = arith.index_cast %mul3A_2468 : i32 to index
      %swap3A_2470 = tpu.vector_load %arg11[%swap3A_2469] {strides = array<i32>} : memref<512xf32, #tpu.memory_space<vmem>>, vector<16xf32>,
      tpu.vector_store %arg11[%swap3A_2469], %select_n3A_2464 {strides = array<i32>} : memref<512xf32, #tpu.memory_space<vmem>>, vector<16xf32>,
      %rem3A_2471 = arith.constant 4 : i32
      %rem3A_2472 = arith.remsi %add3A_2260, %rem3A_2471 : i32
      %eq3A_2473 = arith.constant 3 : i32
      %eq3A_2474 = arith.cmpi eq, %rem3A_2472, %eq3A_2473 : i32
      %broadcast_in_dim3A_2475 = vector.broadcast %eq3A_2474 : i1 to vector<16xi1>
      %jit3A_2476 = arith.constant 0.000000e+00 : f32
      %broadcast_in_dim3A_2477 = vector.broadcast %jit3A_2476 : f32 to vector<16xf32>
      %select_n3A_2478 = arith.select %broadcast_in_dim3A_2475, %broadcast_in_dim3A_2477, %select_n3A_2464 : vector<16xi1>, vector<16xf32>
      scf.yield %select_n3A_2478 : vector<16xf32>
    }
    %scan3A_297 = arith.constant 42 : i32
    %dma_wait3A = arith.constant 0 : i32
    %dma_wait3A_298 = arith.constant 0 : i32
    %dma_wait3A_299 = arith.constant 0 : i32
    %dma_wait3A_300 = arith.constant 0 : i32
    %dma_wait3A_301 = tpu.memref_slice %arg9[%dma_wait3A, %dma_wait3A_298, %dma_wait3A_299, %dma_wait3A_300] : memref<3x4x32x128xf32, #tpu.memory_space<vmem>> -> memref<1x1x32x128xf32, #tpu.memory_space<vmem>>
    %dma_wait3A_302 = tpu.memref_squeeze %dma_wait3A_301 : memref<1x1x32x128xf32, #tpu.memory_space<vmem>> -> memref<32x128xf32, #tpu.memory_space<vmem>>
    %dma_wait3A_303 = arith.constant 0 : i32
    %dma_wait3A_304 = arith.constant 0 : i32
    %dma_wait3A_305 = tpu.memref_slice %arg4[%dma_wait3A_303, %dma_wait3A_304] : memref<32x1000000xf32, #tpu.memory_space<hbm>> -> memref<32x128xf32, #tpu.memory_space<hbm>>
    %dma_wait3A_306 = arith.constant 0 : i32
    %dma_wait3A_307 = arith.constant 0 : i32
    %dma_wait3A_308 = tpu.memref_slice %arg9[%dma_wait3A, %dma_wait3A_298, %dma_wait3A_306, %dma_wait3A_307] : memref<3x4x32x128xf32, #tpu.memory_space<vmem>> -> memref<1x1x32x128xf32, #tpu.memory_space<vmem>>
    %dma_wait3A_309 = tpu.memref_squeeze %dma_wait3A_308 : memref<1x1x32x128xf32, #tpu.memory_space<vmem>> -> memref<32x128xf32, #tpu.memory_space<vmem>>
    %dma_wait3A_310 = arith.constant 0 : i32
    %dma_wait3A_311 = arith.constant 0 : i32
    %dma_wait3A_312 = tpu.memref_slice %arg4[%dma_wait3A_310, %dma_wait3A_311] : memref<32x1000000xf32, #tpu.memory_space<hbm>> -> memref<32x128xf32, #tpu.memory_space<hbm>>
    tpu.wait_dma2 semaphore(%arg12 : memref<!tpu.dma_semaphore, #tpu.memory_space<semaphore_mem>>) src(%dma_wait3A_312 : memref<32x128xf32, #tpu.memory_space<hbm>>) dst(%dma_wait3A_309 : memref<32x128xf32, #tpu.memory_space<vmem>>)
    %dma_wait3A_313 = arith.constant 0 : i32
    %dma_wait3A_314 = arith.constant 0 : i32
    %dma_wait3A_315 = arith.constant 0 : i32
    %dma_wait3A_316 = arith.constant 0 : i32
    %dma_wait3A_317 = tpu.memref_slice %arg9[%dma_wait3A_313, %dma_wait3A_314, %dma_wait3A_315, %dma_wait3A_316] : memref<3x4x32x128xf32, #tpu.memory_space<vmem>> -> memref<1x1x32x128xf32, #tpu.memory_space<vmem>>
    %dma_wait3A_318 = tpu.memref_squeeze %dma_wait3A_317 : memref<1x1x32x128xf32, #tpu.memory_space<vmem>> -> memref<32x128xf32, #tpu.memory_space<vmem>>
    %dma_wait3A_319 = arith.constant 0 : i32
    %dma_wait3A_320 = arith.constant 0 : i32
    %dma_wait3A_321 = tpu.memref_slice %arg4[%dma_wait3A_319, %dma_wait3A_320] : memref<32x1000000xf32, #tpu.memory_space<hbm>> -> memref<32x128xf32, #tpu.memory_space<hbm>>
    %dma_wait3A_322 = arith.constant 0 : i32
    %dma_wait3A_323 = arith.constant 0 : i32
    %dma_wait3A_324 = tpu.memref_slice %arg9[%dma_wait3A_313, %dma_wait3A_314, %dma_wait3A_322, %dma_wait3A_323] : memref<3x4x32x128xf32, #tpu.memory_space<vmem>> -> memref<1x1x32x128xf32, #tpu.memory_space<vmem>>
    %dma_wait3A_325 = tpu.memref_squeeze %dma_wait3A_324 : memref<1x1x32x128xf32, #tpu.memory_space<vmem>> -> memref<32x128xf32, #tpu.memory_space<vmem>>
    %dma_wait3A_326 = arith.constant 0 : i32
    %dma_wait3A_327 = arith.constant 0 : i32
    %dma_wait3A_328 = tpu.memref_slice %arg4[%dma_wait3A_326, %dma_wait3A_327] : memref<32x1000000xf32, #tpu.memory_space<hbm>> -> memref<32x128xf32, #tpu.memory_space<hbm>>
    tpu.wait_dma2 semaphore(%arg12 : memref<!tpu.dma_semaphore, #tpu.memory_space<semaphore_mem>>) src(%dma_wait3A_328 : memref<32x128xf32, #tpu.memory_space<hbm>>) dst(%dma_wait3A_325 : memref<32x128xf32, #tpu.memory_space<vmem>>)
    %dma_wait3A_329 = arith.constant 0 : i32
    %dma_wait3A_330 = arith.constant 0 : i32
    %dma_wait3A_331 = arith.constant 0 : i32
    %dma_wait3A_332 = arith.constant 0 : i32
    %dma_wait3A_333 = tpu.memref_slice %arg9[%dma_wait3A_329, %dma_wait3A_330, %dma_wait3A_331, %dma_wait3A_332] : memref<3x4x32x128xf32, #tpu.memory_space<vmem>> -> memref<1x1x32x128xf32, #tpu.memory_space<vmem>>
    %dma_wait3A_334 = tpu.memref_squeeze %dma_wait3A_333 : memref<1x1x32x128xf32, #tpu.memory_space<vmem>> -> memref<32x128xf32, #tpu.memory_space<vmem>>
    %dma_wait3A_335 = arith.constant 0 : i32
    %dma_wait3A_336 = arith.constant 0 : i32
    %dma_wait3A_337 = tpu.memref_slice %arg4[%dma_wait3A_335, %dma_wait3A_336] : memref<32x1000000xf32, #tpu.memory_space<hbm>> -> memref<32x128xf32, #tpu.memory_space<hbm>>
    %dma_wait3A_338 = arith.constant 0 : i32
    %dma_wait3A_339 = arith.constant 0 : i32
    %dma_wait3A_340 = tpu.memref_slice %arg9[%dma_wait3A_329, %dma_wait3A_330, %dma_wait3A_338, %dma_wait3A_339] : memref<3x4x32x128xf32, #tpu.memory_space<vmem>> -> memref<1x1x32x128xf32, #tpu.memory_space<vmem>>
    %dma_wait3A_341 = tpu.memref_squeeze %dma_wait3A_340 : memref<1x1x32x128xf32, #tpu.memory_space<vmem>> -> memref<32x128xf32, #tpu.memory_space<vmem>>
    %dma_wait3A_342 = arith.constant 0 : i32
    %dma_wait3A_343 = arith.constant 0 : i32
    %dma_wait3A_344 = tpu.memref_slice %arg4[%dma_wait3A_342, %dma_wait3A_343] : memref<32x1000000xf32, #tpu.memory_space<hbm>> -> memref<32x128xf32, #tpu.memory_space<hbm>>
    tpu.wait_dma2 semaphore(%arg12 : memref<!tpu.dma_semaphore, #tpu.memory_space<semaphore_mem>>) src(%dma_wait3A_344 : memref<32x128xf32, #tpu.memory_space<hbm>>) dst(%dma_wait3A_341 : memref<32x128xf32, #tpu.memory_space<vmem>>)
    %dma_wait3A_345 = arith.constant 0 : i32
    %dma_wait3A_346 = arith.constant 0 : i32
    %dma_wait3A_347 = arith.constant 0 : i32
    %dma_wait3A_348 = arith.constant 0 : i32
    %dma_wait3A_349 = tpu.memref_slice %arg9[%dma_wait3A_345, %dma_wait3A_346, %dma_wait3A_347, %dma_wait3A_348] : memref<3x4x32x128xf32, #tpu.memory_space<vmem>> -> memref<1x1x32x128xf32, #tpu.memory_space<vmem>>
    %dma_wait3A_350 = tpu.memref_squeeze %dma_wait3A_349 : memref<1x1x32x128xf32, #tpu.memory_space<vmem>> -> memref<32x128xf32, #tpu.memory_space<vmem>>
    %dma_wait3A_351 = arith.constant 0 : i32
    %dma_wait3A_352 = arith.constant 0 : i32
    %dma_wait3A_353 = tpu.memref_slice %arg4[%dma_wait3A_351, %dma_wait3A_352] : memref<32x1000000xf32, #tpu.memory_space<hbm>> -> memref<32x128xf32, #tpu.memory_space<hbm>>
    %dma_wait3A_354 = arith.constant 0 : i32
    %dma_wait3A_355 = arith.constant 0 : i32
    %dma_wait3A_356 = tpu.memref_slice %arg9[%dma_wait3A_345, %dma_wait3A_346, %dma_wait3A_354, %dma_wait3A_355] : memref<3x4x32x128xf32, #tpu.memory_space<vmem>> -> memref<1x1x32x128xf32, #tpu.memory_space<vmem>>
    %dma_wait3A_357 = tpu.memref_squeeze %dma_wait3A_356 : memref<1x1x32x128xf32, #tpu.memory_space<vmem>> -> memref<32x128xf32, #tpu.memory_space<vmem>>
    %dma_wait3A_358 = arith.constant 0 : i32
    %dma_wait3A_359 = arith.constant 0 : i32
    %dma_wait3A_360 = tpu.memref_slice %arg4[%dma_wait3A_358, %dma_wait3A_359] : memref<32x1000000xf32, #tpu.memory_space<hbm>> -> memref<32x128xf32, #tpu.memory_space<hbm>>
    tpu.wait_dma2 semaphore(%arg12 : memref<!tpu.dma_semaphore, #tpu.memory_space<semaphore_mem>>) src(%dma_wait3A_360 : memref<32x128xf32, #tpu.memory_space<hbm>>) dst(%dma_wait3A_357 : memref<32x128xf32, #tpu.memory_space<vmem>>)
    %dma_wait3A_361 = arith.constant 0 : i32
    %dma_wait3A_362 = arith.constant 0 : i32
    %dma_wait3A_363 = arith.constant 0 : i32
    %dma_wait3A_364 = arith.constant 0 : i32
    %dma_wait3A_365 = tpu.memref_slice %arg9[%dma_wait3A_361, %dma_wait3A_362, %dma_wait3A_363, %dma_wait3A_364] : memref<3x4x32x128xf32, #tpu.memory_space<vmem>> -> memref<1x1x32x128xf32, #tpu.memory_space<vmem>>
    %dma_wait3A_366 = tpu.memref_squeeze %dma_wait3A_365 : memref<1x1x32x128xf32, #tpu.memory_space<vmem>> -> memref<32x128xf32, #tpu.memory_space<vmem>>
    %dma_wait3A_367 = arith.constant 0 : i32
    %dma_wait3A_368 = arith.constant 0 : i32
    %dma_wait3A_369 = tpu.memref_slice %arg4[%dma_wait3A_367, %dma_wait3A_368] : memref<32x1000000xf32, #tpu.memory_space<hbm>> -> memref<32x128xf32, #tpu.memory_space<hbm>>
    %dma_wait3A_370 = arith.constant 0 : i32
    %dma_wait3A_371 = arith.constant 0 : i32
    %dma_wait3A_372 = tpu.memref_slice %arg9[%dma_wait3A_361, %dma_wait3A_362, %dma_wait3A_370, %dma_wait3A_371] : memref<3x4x32x128xf32, #tpu.memory_space<vmem>> -> memref<1x1x32x128xf32, #tpu.memory_space<vmem>>
    %dma_wait3A_373 = tpu.memref_squeeze %dma_wait3A_372 : memref<1x1x32x128xf32, #tpu.memory_space<vmem>> -> memref<32x128xf32, #tpu.memory_space<vmem>>
    %dma_wait3A_374 = arith.constant 0 : i32
    %dma_wait3A_375 = arith.constant 0 : i32
    %dma_wait3A_376 = tpu.memref_slice %arg4[%dma_wait3A_374, %dma_wait3A_375] : memref<32x1000000xf32, #tpu.memory_space<hbm>> -> memref<32x128xf32, #tpu.memory_space<hbm>>
    tpu.wait_dma2 semaphore(%arg12 : memref<!tpu.dma_semaphore, #tpu.memory_space<semaphore_mem>>) src(%dma_wait3A_376 : memref<32x128xf32, #tpu.memory_space<hbm>>) dst(%dma_wait3A_373 : memref<32x128xf32, #tpu.memory_space<vmem>>)
    %dma_wait3A_377 = arith.constant 0 : i32
    %dma_wait3A_378 = arith.constant 0 : i32
    %dma_wait3A_379 = arith.constant 0 : i32
    %dma_wait3A_380 = arith.constant 0 : i32
    %dma_wait3A_381 = tpu.memref_slice %arg9[%dma_wait3A_377, %dma_wait3A_378, %dma_wait3A_379, %dma_wait3A_380] : memref<3x4x32x128xf32, #tpu.memory_space<vmem>> -> memref<1x1x32x128xf32, #tpu.memory_space<vmem>>
    %dma_wait3A_382 = tpu.memref_squeeze %dma_wait3A_381 : memref<1x1x32x128xf32, #tpu.memory_space<vmem>> -> memref<32x128xf32, #tpu.memory_space<vmem>>
    %dma_wait3A_383 = arith.constant 0 : i32
    %dma_wait3A_384 = arith.constant 0 : i32
    %dma_wait3A_385 = tpu.memref_slice %arg4[%dma_wait3A_383, %dma_wait3A_384] : memref<32x1000000xf32, #tpu.memory_space<hbm>> -> memref<32x128xf32, #tpu.memory_space<hbm>>
    %dma_wait3A_386 = arith.constant 0 : i32
    %dma_wait3A_387 = arith.constant 0 : i32
    %dma_wait3A_388 = tpu.memref_slice %arg9[%dma_wait3A_377, %dma_wait3A_378, %dma_wait3A_386, %dma_wait3A_387] : memref<3x4x32x128xf32, #tpu.memory_space<vmem>> -> memref<1x1x32x128xf32, #tpu.memory_space<vmem>>
    %dma_wait3A_389 = tpu.memref_squeeze %dma_wait3A_388 : memref<1x1x32x128xf32, #tpu.memory_space<vmem>> -> memref<32x128xf32, #tpu.memory_space<vmem>>
    %dma_wait3A_390 = arith.constant 0 : i32
    %dma_wait3A_391 = arith.constant 0 : i32
    %dma_wait3A_392 = tpu.memref_slice %arg4[%dma_wait3A_390, %dma_wait3A_391] : memref<32x1000000xf32, #tpu.memory_space<hbm>> -> memref<32x128xf32, #tpu.memory_space<hbm>>
    tpu.wait_dma2 semaphore(%arg12 : memref<!tpu.dma_semaphore, #tpu.memory_space<semaphore_mem>>) src(%dma_wait3A_392 : memref<32x128xf32, #tpu.memory_space<hbm>>) dst(%dma_wait3A_389 : memref<32x128xf32, #tpu.memory_space<vmem>>)
    %dma_wait3A_393 = arith.constant 0 : i32
    %dma_wait3A_394 = arith.constant 0 : i32
    %dma_wait3A_395 = arith.constant 0 : i32
    %dma_wait3A_396 = arith.constant 0 : i32
    %dma_wait3A_397 = tpu.memref_slice %arg9[%dma_wait3A_393, %dma_wait3A_394, %dma_wait3A_395, %dma_wait3A_396] : memref<3x4x32x128xf32, #tpu.memory_space<vmem>> -> memref<1x1x32x128xf32, #tpu.memory_space<vmem>>
    %dma_wait3A_398 = tpu.memref_squeeze %dma_wait3A_397 : memref<1x1x32x128xf32, #tpu.memory_space<vmem>> -> memref<32x128xf32, #tpu.memory_space<vmem>>
    %dma_wait3A_399 = arith.constant 0 : i32
    %dma_wait3A_400 = arith.constant 0 : i32
    %dma_wait3A_401 = tpu.memref_slice %arg4[%dma_wait3A_399, %dma_wait3A_400] : memref<32x1000000xf32, #tpu.memory_space<hbm>> -> memref<32x128xf32, #tpu.memory_space<hbm>>
    %dma_wait3A_402 = arith.constant 0 : i32
    %dma_wait3A_403 = arith.constant 0 : i32
    %dma_wait3A_404 = tpu.memref_slice %arg9[%dma_wait3A_393, %dma_wait3A_394, %dma_wait3A_402, %dma_wait3A_403] : memref<3x4x32x128xf32, #tpu.memory_space<vmem>> -> memref<1x1x32x128xf32, #tpu.memory_space<vmem>>
    %dma_wait3A_405 = tpu.memref_squeeze %dma_wait3A_404 : memref<1x1x32x128xf32, #tpu.memory_space<vmem>> -> memref<32x128xf32, #tpu.memory_space<vmem>>
    %dma_wait3A_406 = arith.constant 0 : i32
    %dma_wait3A_407 = arith.constant 0 : i32
    %dma_wait3A_408 = tpu.memref_slice %arg4[%dma_wait3A_406, %dma_wait3A_407] : memref<32x1000000xf32, #tpu.memory_space<hbm>> -> memref<32x128xf32, #tpu.memory_space<hbm>>
    tpu.wait_dma2 semaphore(%arg12 : memref<!tpu.dma_semaphore, #tpu.memory_space<semaphore_mem>>) src(%dma_wait3A_408 : memref<32x128xf32, #tpu.memory_space<hbm>>) dst(%dma_wait3A_405 : memref<32x128xf32, #tpu.memory_space<vmem>>)
    %dma_wait3A_409 = arith.constant 0 : i32
    %dma_wait3A_410 = arith.constant 0 : i32
    %dma_wait3A_411 = arith.constant 0 : i32
    %dma_wait3A_412 = arith.constant 0 : i32
    %dma_wait3A_413 = tpu.memref_slice %arg9[%dma_wait3A_409, %dma_wait3A_410, %dma_wait3A_411, %dma_wait3A_412] : memref<3x4x32x128xf32, #tpu.memory_space<vmem>> -> memref<1x1x32x128xf32, #tpu.memory_space<vmem>>
    %dma_wait3A_414 = tpu.memref_squeeze %dma_wait3A_413 : memref<1x1x32x128xf32, #tpu.memory_space<vmem>> -> memref<32x128xf32, #tpu.memory_space<vmem>>
    %dma_wait3A_415 = arith.constant 0 : i32
    %dma_wait3A_416 = arith.constant 0 : i32
    %dma_wait3A_417 = tpu.memref_slice %arg4[%dma_wait3A_415, %dma_wait3A_416] : memref<32x1000000xf32, #tpu.memory_space<hbm>> -> memref<32x128xf32, #tpu.memory_space<hbm>>
    %dma_wait3A_418 = arith.constant 0 : i32
    %dma_wait3A_419 = arith.constant 0 : i32
    %dma_wait3A_420 = tpu.memref_slice %arg9[%dma_wait3A_409, %dma_wait3A_410, %dma_wait3A_418, %dma_wait3A_419] : memref<3x4x32x128xf32, #tpu.memory_space<vmem>> -> memref<1x1x32x128xf32, #tpu.memory_space<vmem>>
    %dma_wait3A_421 = tpu.memref_squeeze %dma_wait3A_420 : memref<1x1x32x128xf32, #tpu.memory_space<vmem>> -> memref<32x128xf32, #tpu.memory_space<vmem>>
    %dma_wait3A_422 = arith.constant 0 : i32
    %dma_wait3A_423 = arith.constant 0 : i32
    %dma_wait3A_424 = tpu.memref_slice %arg4[%dma_wait3A_422, %dma_wait3A_423] : memref<32x1000000xf32, #tpu.memory_space<hbm>> -> memref<32x128xf32, #tpu.memory_space<hbm>>
    tpu.wait_dma2 semaphore(%arg12 : memref<!tpu.dma_semaphore, #tpu.memory_space<semaphore_mem>>) src(%dma_wait3A_424 : memref<32x128xf32, #tpu.memory_space<hbm>>) dst(%dma_wait3A_421 : memref<32x128xf32, #tpu.memory_space<vmem>>)
    %get3A_425 = arith.constant 504 : index
    %get3A_426 = tpu.vector_load %arg7[%get3A_425] {strides = array<i32>} : memref<528xi32, #tpu.memory_space<vmem>>, vector<16xi32>,
    %get3A_427 = arith.constant 504 : index
    %get3A_428 = tpu.vector_load %arg8[%get3A_427] {strides = array<i32>} : memref<528xi32, #tpu.memory_space<vmem>>, vector<16xi32>,
    %and3A_429 = arith.constant 127 : i32
    %and3A_430 = vector.broadcast %and3A_429 : i32 to vector<16xi32>
    %and3A_431 = arith.andi %get3A_426, %and3A_430 : vector<16xi32>
    %and3A_432 = arith.constant 127 : i32
    %and3A_433 = vector.broadcast %and3A_432 : i32 to vector<16xi32>
    %and3A_434 = arith.andi %get3A_428, %and3A_433 : vector<16xi32>
    %rem3A = arith.constant 126 : i32
    %rem3A_435 = arith.constant 4 : i32
    %rem3A_436 = arith.remsi %rem3A, %rem3A_435 : i32
    %mul3A_437 = arith.constant 4 : i32
    %mul3A_438 = arith.muli %rem3A_436, %mul3A_437 : i32
    %slice3A_439 = vector.extract_strided_slice %and3A_431 {offsets = [0], sizes = [1], strides = [1]} : vector<16xi32> to vector<1xi32>
    %squeeze3A_440 = vector.extract %slice3A_439[0] : i32 from vector<1xi32>
    %broadcast_in_dim3A_441 = vector.broadcast %squeeze3A_440 : i32 to vector<16xi32>
    %slice3A_442 = vector.extract_strided_slice %and3A_434 {offsets = [0], sizes = [1], strides = [1]} : vector<16xi32> to vector<1xi32>
    %squeeze3A_443 = vector.extract %slice3A_442[0] : i32 from vector<1xi32>
    %broadcast_in_dim3A_444 = vector.broadcast %squeeze3A_443 : i32 to vector<16xi32>
    %gather3A = arith.constant 0 : i32
    %gather3A_445 = arith.constant 0 : i32
    %gather3A_446 = arith.constant 0 : i32
    %gather3A_447 = arith.constant 0 : i32
    %gather3A_448 = tpu.memref_slice %arg9[%gather3A, %gather3A_445, %gather3A_446, %gather3A_447] : memref<3x4x32x128xf32, #tpu.memory_space<vmem>> -> memref<1x1x32x128xf32, #tpu.memory_space<vmem>>
    %gather3A_449 = tpu.memref_squeeze %gather3A_448 : memref<1x1x32x128xf32, #tpu.memory_space<vmem>> -> memref<32x128xf32, #tpu.memory_space<vmem>>
    %gather3A_450 = tpu.vector_load_idx %gather3A_449[%iota3A, %broadcast_in_dim3A_441] : memref<32x128xf32, #tpu.memory_space<vmem>>[vector<16xi32>, vector<16xi32>], vector<16xf32>,
    %gather3A_451 = arith.constant 0 : i32
    %gather3A_452 = arith.constant 0 : i32
    %gather3A_453 = arith.constant 0 : i32
    %gather3A_454 = arith.constant 0 : i32
    %gather3A_455 = tpu.memref_slice %arg9[%gather3A_451, %gather3A_452, %gather3A_453, %gather3A_454] : memref<3x4x32x128xf32, #tpu.memory_space<vmem>> -> memref<1x1x32x128xf32, #tpu.memory_space<vmem>>
    %gather3A_456 = tpu.memref_squeeze %gather3A_455 : memref<1x1x32x128xf32, #tpu.memory_space<vmem>> -> memref<32x128xf32, #tpu.memory_space<vmem>>
    %gather3A_457 = tpu.vector_load_idx %gather3A_456[%add3A_5, %broadcast_in_dim3A_441] : memref<32x128xf32, #tpu.memory_space<vmem>>[vector<16xi32>, vector<16xi32>], vector<16xf32>,
    %gather3A_458 = arith.constant 0 : i32
    %gather3A_459 = arith.constant 0 : i32
    %gather3A_460 = arith.constant 0 : i32
    %gather3A_461 = arith.constant 0 : i32
    %gather3A_462 = tpu.memref_slice %arg10[%gather3A_458, %gather3A_459, %gather3A_460, %gather3A_461] : memref<3x4x32x128xf32, #tpu.memory_space<vmem>> -> memref<1x1x32x128xf32, #tpu.memory_space<vmem>>
    %gather3A_463 = tpu.memref_squeeze %gather3A_462 : memref<1x1x32x128xf32, #tpu.memory_space<vmem>> -> memref<32x128xf32, #tpu.memory_space<vmem>>
    %gather3A_464 = tpu.vector_load_idx %gather3A_463[%iota3A, %broadcast_in_dim3A_444] : memref<32x128xf32, #tpu.memory_space<vmem>>[vector<16xi32>, vector<16xi32>], vector<16xf32>,
    %gather3A_465 = arith.constant 0 : i32
    %gather3A_466 = arith.constant 0 : i32
    %gather3A_467 = arith.constant 0 : i32
    %gather3A_468 = arith.constant 0 : i32
    %gather3A_469 = tpu.memref_slice %arg10[%gather3A_465, %gather3A_466, %gather3A_467, %gather3A_468] : memref<3x4x32x128xf32, #tpu.memory_space<vmem>> -> memref<1x1x32x128xf32, #tpu.memory_space<vmem>>
    %gather3A_470 = tpu.memref_squeeze %gather3A_469 : memref<1x1x32x128xf32, #tpu.memory_space<vmem>> -> memref<32x128xf32, #tpu.memory_space<vmem>>
    %gather3A_471 = tpu.vector_load_idx %gather3A_470[%add3A_5, %broadcast_in_dim3A_444] : memref<32x128xf32, #tpu.memory_space<vmem>>[vector<16xi32>, vector<16xi32>], vector<16xf32>,
    %mul3A_472 = arith.mulf %gather3A_450, %gather3A_464 : vector<16xf32>
    %mul3A_473 = arith.mulf %gather3A_457, %gather3A_471 : vector<16xf32>
    %add3A_474 = arith.addf %mul3A_472, %mul3A_473 : vector<16xf32>
    %reduce_sum3A = arith.constant true
    %reduce_sum3A_475 = vector.broadcast %reduce_sum3A : i1 to vector<16xi1>
    %reduce_sum3A_476 = tpu.scan <sum>, %add3A_474 masked %reduce_sum3A_475 : vector<16xf32>, vector<16xi1> -> vector<16xf32>
    %reduce_sum3A_477 = vector.extract %reduce_sum3A_476[15] : f32 from vector<16xf32>
    %add3A_478 = arith.constant 0 : i32
    %add3A_479 = arith.addi %mul3A_438, %add3A_478 : i32
    %eq3A = vector.broadcast %add3A_479 : i32 to vector<16xi32>
    %eq3A_480 = arith.cmpi eq, %iota3A, %eq3A : vector<16xi32>
    %broadcast_in_dim3A_481 = vector.broadcast %reduce_sum3A_477 : f32 to vector<16xf32>
    %select_n3A = arith.select %eq3A_480, %broadcast_in_dim3A_481, %scan3A_296 : vector<16xi1>, vector<16xf32>
    %slice3A_482 = vector.extract_strided_slice %and3A_431 {offsets = [1], sizes = [1], strides = [1]} : vector<16xi32> to vector<1xi32>
    %squeeze3A_483 = vector.extract %slice3A_482[0] : i32 from vector<1xi32>
    %broadcast_in_dim3A_484 = vector.broadcast %squeeze3A_483 : i32 to vector<16xi32>
    %slice3A_485 = vector.extract_strided_slice %and3A_434 {offsets = [1], sizes = [1], strides = [1]} : vector<16xi32> to vector<1xi32>
    %squeeze3A_486 = vector.extract %slice3A_485[0] : i32 from vector<1xi32>
    %broadcast_in_dim3A_487 = vector.broadcast %squeeze3A_486 : i32 to vector<16xi32>
    %gather3A_488 = arith.constant 0 : i32
    %gather3A_489 = arith.constant 1 : i32
    %gather3A_490 = arith.constant 0 : i32
    %gather3A_491 = arith.constant 0 : i32
    %gather3A_492 = tpu.memref_slice %arg9[%gather3A_488, %gather3A_489, %gather3A_490, %gather3A_491] : memref<3x4x32x128xf32, #tpu.memory_space<vmem>> -> memref<1x1x32x128xf32, #tpu.memory_space<vmem>>
    %gather3A_493 = tpu.memref_squeeze %gather3A_492 : memref<1x1x32x128xf32, #tpu.memory_space<vmem>> -> memref<32x128xf32, #tpu.memory_space<vmem>>
    %gather3A_494 = tpu.vector_load_idx %gather3A_493[%iota3A, %broadcast_in_dim3A_484] : memref<32x128xf32, #tpu.memory_space<vmem>>[vector<16xi32>, vector<16xi32>], vector<16xf32>,
    %gather3A_495 = arith.constant 0 : i32
    %gather3A_496 = arith.constant 1 : i32
    %gather3A_497 = arith.constant 0 : i32
    %gather3A_498 = arith.constant 0 : i32
    %gather3A_499 = tpu.memref_slice %arg9[%gather3A_495, %gather3A_496, %gather3A_497, %gather3A_498] : memref<3x4x32x128xf32, #tpu.memory_space<vmem>> -> memref<1x1x32x128xf32, #tpu.memory_space<vmem>>
    %gather3A_500 = tpu.memref_squeeze %gather3A_499 : memref<1x1x32x128xf32, #tpu.memory_space<vmem>> -> memref<32x128xf32, #tpu.memory_space<vmem>>
    %gather3A_501 = tpu.vector_load_idx %gather3A_500[%add3A_5, %broadcast_in_dim3A_484] : memref<32x128xf32, #tpu.memory_space<vmem>>[vector<16xi32>, vector<16xi32>], vector<16xf32>,
    %gather3A_502 = arith.constant 0 : i32
    %gather3A_503 = arith.constant 1 : i32
    %gather3A_504 = arith.constant 0 : i32
    %gather3A_505 = arith.constant 0 : i32
    %gather3A_506 = tpu.memref_slice %arg10[%gather3A_502, %gather3A_503, %gather3A_504, %gather3A_505] : memref<3x4x32x128xf32, #tpu.memory_space<vmem>> -> memref<1x1x32x128xf32, #tpu.memory_space<vmem>>
    %gather3A_507 = tpu.memref_squeeze %gather3A_506 : memref<1x1x32x128xf32, #tpu.memory_space<vmem>> -> memref<32x128xf32, #tpu.memory_space<vmem>>
    %gather3A_508 = tpu.vector_load_idx %gather3A_507[%iota3A, %broadcast_in_dim3A_487] : memref<32x128xf32, #tpu.memory_space<vmem>>[vector<16xi32>, vector<16xi32>], vector<16xf32>,
    %gather3A_509 = arith.constant 0 : i32
    %gather3A_510 = arith.constant 1 : i32
    %gather3A_511 = arith.constant 0 : i32
    %gather3A_512 = arith.constant 0 : i32
    %gather3A_513 = tpu.memref_slice %arg10[%gather3A_509, %gather3A_510, %gather3A_511, %gather3A_512] : memref<3x4x32x128xf32, #tpu.memory_space<vmem>> -> memref<1x1x32x128xf32, #tpu.memory_space<vmem>>
    %gather3A_514 = tpu.memref_squeeze %gather3A_513 : memref<1x1x32x128xf32, #tpu.memory_space<vmem>> -> memref<32x128xf32, #tpu.memory_space<vmem>>
    %gather3A_515 = tpu.vector_load_idx %gather3A_514[%add3A_5, %broadcast_in_dim3A_487] : memref<32x128xf32, #tpu.memory_space<vmem>>[vector<16xi32>, vector<16xi32>], vector<16xf32>,
    %mul3A_516 = arith.mulf %gather3A_494, %gather3A_508 : vector<16xf32>
    %mul3A_517 = arith.mulf %gather3A_501, %gather3A_515 : vector<16xf32>
    %add3A_518 = arith.addf %mul3A_516, %mul3A_517 : vector<16xf32>
    %reduce_sum3A_519 = arith.constant true
    %reduce_sum3A_520 = vector.broadcast %reduce_sum3A_519 : i1 to vector<16xi1>
    %reduce_sum3A_521 = tpu.scan <sum>, %add3A_518 masked %reduce_sum3A_520 : vector<16xf32>, vector<16xi1> -> vector<16xf32>
    %reduce_sum3A_522 = vector.extract %reduce_sum3A_521[15] : f32 from vector<16xf32>
    %add3A_523 = arith.constant 1 : i32
    %add3A_524 = arith.addi %mul3A_438, %add3A_523 : i32
    %eq3A_525 = vector.broadcast %add3A_524 : i32 to vector<16xi32>
    %eq3A_526 = arith.cmpi eq, %iota3A, %eq3A_525 : vector<16xi32>
    %broadcast_in_dim3A_527 = vector.broadcast %reduce_sum3A_522 : f32 to vector<16xf32>
    %select_n3A_528 = arith.select %eq3A_526, %broadcast_in_dim3A_527, %select_n3A : vector<16xi1>, vector<16xf32>
    %slice3A_529 = vector.extract_strided_slice %and3A_431 {offsets = [2], sizes = [1], strides = [1]} : vector<16xi32> to vector<1xi32>
    %squeeze3A_530 = vector.extract %slice3A_529[0] : i32 from vector<1xi32>
    %broadcast_in_dim3A_531 = vector.broadcast %squeeze3A_530 : i32 to vector<16xi32>
    %slice3A_532 = vector.extract_strided_slice %and3A_434 {offsets = [2], sizes = [1], strides = [1]} : vector<16xi32> to vector<1xi32>
    %squeeze3A_533 = vector.extract %slice3A_532[0] : i32 from vector<1xi32>
    %broadcast_in_dim3A_534 = vector.broadcast %squeeze3A_533 : i32 to vector<16xi32>
    %gather3A_535 = arith.constant 0 : i32
    %gather3A_536 = arith.constant 2 : i32
    %gather3A_537 = arith.constant 0 : i32
    %gather3A_538 = arith.constant 0 : i32
    %gather3A_539 = tpu.memref_slice %arg9[%gather3A_535, %gather3A_536, %gather3A_537, %gather3A_538] : memref<3x4x32x128xf32, #tpu.memory_space<vmem>> -> memref<1x1x32x128xf32, #tpu.memory_space<vmem>>
    %gather3A_540 = tpu.memref_squeeze %gather3A_539 : memref<1x1x32x128xf32, #tpu.memory_space<vmem>> -> memref<32x128xf32, #tpu.memory_space<vmem>>
    %gather3A_541 = tpu.vector_load_idx %gather3A_540[%iota3A, %broadcast_in_dim3A_531] : memref<32x128xf32, #tpu.memory_space<vmem>>[vector<16xi32>, vector<16xi32>], vector<16xf32>,
    %gather3A_542 = arith.constant 0 : i32
    %gather3A_543 = arith.constant 2 : i32
    %gather3A_544 = arith.constant 0 : i32
    %gather3A_545 = arith.constant 0 : i32
    %gather3A_546 = tpu.memref_slice %arg9[%gather3A_542, %gather3A_543, %gather3A_544, %gather3A_545] : memref<3x4x32x128xf32, #tpu.memory_space<vmem>> -> memref<1x1x32x128xf32, #tpu.memory_space<vmem>>
    %gather3A_547 = tpu.memref_squeeze %gather3A_546 : memref<1x1x32x128xf32, #tpu.memory_space<vmem>> -> memref<32x128xf32, #tpu.memory_space<vmem>>
    %gather3A_548 = tpu.vector_load_idx %gather3A_547[%add3A_5, %broadcast_in_dim3A_531] : memref<32x128xf32, #tpu.memory_space<vmem>>[vector<16xi32>, vector<16xi32>], vector<16xf32>,
    %gather3A_549 = arith.constant 0 : i32
    %gather3A_550 = arith.constant 2 : i32
    %gather3A_551 = arith.constant 0 : i32
    %gather3A_552 = arith.constant 0 : i32
    %gather3A_553 = tpu.memref_slice %arg10[%gather3A_549, %gather3A_550, %gather3A_551, %gather3A_552] : memref<3x4x32x128xf32, #tpu.memory_space<vmem>> -> memref<1x1x32x128xf32, #tpu.memory_space<vmem>>
    %gather3A_554 = tpu.memref_squeeze %gather3A_553 : memref<1x1x32x128xf32, #tpu.memory_space<vmem>> -> memref<32x128xf32, #tpu.memory_space<vmem>>
    %gather3A_555 = tpu.vector_load_idx %gather3A_554[%iota3A, %broadcast_in_dim3A_534] : memref<32x128xf32, #tpu.memory_space<vmem>>[vector<16xi32>, vector<16xi32>], vector<16xf32>,
    %gather3A_556 = arith.constant 0 : i32
    %gather3A_557 = arith.constant 2 : i32
    %gather3A_558 = arith.constant 0 : i32
    %gather3A_559 = arith.constant 0 : i32
    %gather3A_560 = tpu.memref_slice %arg10[%gather3A_556, %gather3A_557, %gather3A_558, %gather3A_559] : memref<3x4x32x128xf32, #tpu.memory_space<vmem>> -> memref<1x1x32x128xf32, #tpu.memory_space<vmem>>
    %gather3A_561 = tpu.memref_squeeze %gather3A_560 : memref<1x1x32x128xf32, #tpu.memory_space<vmem>> -> memref<32x128xf32, #tpu.memory_space<vmem>>
    %gather3A_562 = tpu.vector_load_idx %gather3A_561[%add3A_5, %broadcast_in_dim3A_534] : memref<32x128xf32, #tpu.memory_space<vmem>>[vector<16xi32>, vector<16xi32>], vector<16xf32>,
    %mul3A_563 = arith.mulf %gather3A_541, %gather3A_555 : vector<16xf32>
    %mul3A_564 = arith.mulf %gather3A_548, %gather3A_562 : vector<16xf32>
    %add3A_565 = arith.addf %mul3A_563, %mul3A_564 : vector<16xf32>
    %reduce_sum3A_566 = arith.constant true
    %reduce_sum3A_567 = vector.broadcast %reduce_sum3A_566 : i1 to vector<16xi1>
    %reduce_sum3A_568 = tpu.scan <sum>, %add3A_565 masked %reduce_sum3A_567 : vector<16xf32>, vector<16xi1> -> vector<16xf32>
    %reduce_sum3A_569 = vector.extract %reduce_sum3A_568[15] : f32 from vector<16xf32>
    %add3A_570 = arith.constant 2 : i32
    %add3A_571 = arith.addi %mul3A_438, %add3A_570 : i32
    %eq3A_572 = vector.broadcast %add3A_571 : i32 to vector<16xi32>
    %eq3A_573 = arith.cmpi eq, %iota3A, %eq3A_572 : vector<16xi32>
    %broadcast_in_dim3A_574 = vector.broadcast %reduce_sum3A_569 : f32 to vector<16xf32>
    %select_n3A_575 = arith.select %eq3A_573, %broadcast_in_dim3A_574, %select_n3A_528 : vector<16xi1>, vector<16xf32>
    %slice3A_576 = vector.extract_strided_slice %and3A_431 {offsets = [3], sizes = [1], strides = [1]} : vector<16xi32> to vector<1xi32>
    %squeeze3A_577 = vector.extract %slice3A_576[0] : i32 from vector<1xi32>
    %broadcast_in_dim3A_578 = vector.broadcast %squeeze3A_577 : i32 to vector<16xi32>
    %slice3A_579 = vector.extract_strided_slice %and3A_434 {offsets = [3], sizes = [1], strides = [1]} : vector<16xi32> to vector<1xi32>
    %squeeze3A_580 = vector.extract %slice3A_579[0] : i32 from vector<1xi32>
    %broadcast_in_dim3A_581 = vector.broadcast %squeeze3A_580 : i32 to vector<16xi32>
    %gather3A_582 = arith.constant 0 : i32
    %gather3A_583 = arith.constant 3 : i32
    %gather3A_584 = arith.constant 0 : i32
    %gather3A_585 = arith.constant 0 : i32
    %gather3A_586 = tpu.memref_slice %arg9[%gather3A_582, %gather3A_583, %gather3A_584, %gather3A_585] : memref<3x4x32x128xf32, #tpu.memory_space<vmem>> -> memref<1x1x32x128xf32, #tpu.memory_space<vmem>>
    %gather3A_587 = tpu.memref_squeeze %gather3A_586 : memref<1x1x32x128xf32, #tpu.memory_space<vmem>> -> memref<32x128xf32, #tpu.memory_space<vmem>>
    %gather3A_588 = tpu.vector_load_idx %gather3A_587[%iota3A, %broadcast_in_dim3A_578] : memref<32x128xf32, #tpu.memory_space<vmem>>[vector<16xi32>, vector<16xi32>], vector<16xf32>,
    %gather3A_589 = arith.constant 0 : i32
    %gather3A_590 = arith.constant 3 : i32
    %gather3A_591 = arith.constant 0 : i32
    %gather3A_592 = arith.constant 0 : i32
    %gather3A_593 = tpu.memref_slice %arg9[%gather3A_589, %gather3A_590, %gather3A_591, %gather3A_592] : memref<3x4x32x128xf32, #tpu.memory_space<vmem>> -> memref<1x1x32x128xf32, #tpu.memory_space<vmem>>
    %gather3A_594 = tpu.memref_squeeze %gather3A_593 : memref<1x1x32x128xf32, #tpu.memory_space<vmem>> -> memref<32x128xf32, #tpu.memory_space<vmem>>
    %gather3A_595 = tpu.vector_load_idx %gather3A_594[%add3A_5, %broadcast_in_dim3A_578] : memref<32x128xf32, #tpu.memory_space<vmem>>[vector<16xi32>, vector<16xi32>], vector<16xf32>,
    %gather3A_596 = arith.constant 0 : i32
    %gather3A_597 = arith.constant 3 : i32
    %gather3A_598 = arith.constant 0 : i32
    %gather3A_599 = arith.constant 0 : i32
    %gather3A_600 = tpu.memref_slice %arg10[%gather3A_596, %gather3A_597, %gather3A_598, %gather3A_599] : memref<3x4x32x128xf32, #tpu.memory_space<vmem>> -> memref<1x1x32x128xf32, #tpu.memory_space<vmem>>
    %gather3A_601 = tpu.memref_squeeze %gather3A_600 : memref<1x1x32x128xf32, #tpu.memory_space<vmem>> -> memref<32x128xf32, #tpu.memory_space<vmem>>
    %gather3A_602 = tpu.vector_load_idx %gather3A_601[%iota3A, %broadcast_in_dim3A_581] : memref<32x128xf32, #tpu.memory_space<vmem>>[vector<16xi32>, vector<16xi32>], vector<16xf32>,
    %gather3A_603 = arith.constant 0 : i32
    %gather3A_604 = arith.constant 3 : i32
    %gather3A_605 = arith.constant 0 : i32
    %gather3A_606 = arith.constant 0 : i32
    %gather3A_607 = tpu.memref_slice %arg10[%gather3A_603, %gather3A_604, %gather3A_605, %gather3A_606] : memref<3x4x32x128xf32, #tpu.memory_space<vmem>> -> memref<1x1x32x128xf32, #tpu.memory_space<vmem>>
    %gather3A_608 = tpu.memref_squeeze %gather3A_607 : memref<1x1x32x128xf32, #tpu.memory_space<vmem>> -> memref<32x128xf32, #tpu.memory_space<vmem>>
    %gather3A_609 = tpu.vector_load_idx %gather3A_608[%add3A_5, %broadcast_in_dim3A_581] : memref<32x128xf32, #tpu.memory_space<vmem>>[vector<16xi32>, vector<16xi32>], vector<16xf32>,
    %mul3A_610 = arith.mulf %gather3A_588, %gather3A_602 : vector<16xf32>
    %mul3A_611 = arith.mulf %gather3A_595, %gather3A_609 : vector<16xf32>
    %add3A_612 = arith.addf %mul3A_610, %mul3A_611 : vector<16xf32>
    %reduce_sum3A_613 = arith.constant true
    %reduce_sum3A_614 = vector.broadcast %reduce_sum3A_613 : i1 to vector<16xi1>
    %reduce_sum3A_615 = tpu.scan <sum>, %add3A_612 masked %reduce_sum3A_614 : vector<16xf32>, vector<16xi1> -> vector<16xf32>
    %reduce_sum3A_616 = vector.extract %reduce_sum3A_615[15] : f32 from vector<16xf32>
    %add3A_617 = arith.constant 3 : i32
    %add3A_618 = arith.addi %mul3A_438, %add3A_617 : i32
    %eq3A_619 = vector.broadcast %add3A_618 : i32 to vector<16xi32>
    %eq3A_620 = arith.cmpi eq, %iota3A, %eq3A_619 : vector<16xi32>
    %broadcast_in_dim3A_621 = vector.broadcast %reduce_sum3A_616 : f32 to vector<16xf32>
    %select_n3A_622 = arith.select %eq3A_620, %broadcast_in_dim3A_621, %select_n3A_575 : vector<16xi1>, vector<16xf32>
    %div3A = arith.constant 126 : i32
    %div3A_623 = arith.constant 4 : i32
    %div3A_624 = arith.divsi %div3A, %div3A_623 : i32
    %mul3A_625 = arith.constant 16 : i32
    %mul3A_626 = arith.muli %div3A_624, %mul3A_625 : i32
    %swap3A = arith.index_cast %mul3A_626 : i32 to index
    %swap3A_627 = tpu.vector_load %arg11[%swap3A] {strides = array<i32>} : memref<512xf32, #tpu.memory_space<vmem>>, vector<16xf32>,
    tpu.vector_store %arg11[%swap3A], %select_n3A_622 {strides = array<i32>} : memref<512xf32, #tpu.memory_space<vmem>>, vector<16xf32>,
    %rem3A_628 = arith.constant 126 : i32
    %rem3A_629 = arith.constant 4 : i32
    %rem3A_630 = arith.remsi %rem3A_628, %rem3A_629 : i32
    %eq3A_631 = arith.constant 3 : i32
    %eq3A_632 = arith.cmpi eq, %rem3A_630, %eq3A_631 : i32
    %broadcast_in_dim3A_633 = vector.broadcast %eq3A_632 : i1 to vector<16xi1>
    %jit3A = arith.constant 0.000000e+00 : f32
    %broadcast_in_dim3A_634 = vector.broadcast %jit3A : f32 to vector<16xf32>
    %select_n3A_635 = arith.select %broadcast_in_dim3A_633, %broadcast_in_dim3A_634, %select_n3A_622 : vector<16xi1>, vector<16xf32>
    %dma_wait3A_636 = arith.constant 0 : i32
    %dma_wait3A_637 = arith.constant 0 : i32
    %dma_wait3A_638 = arith.constant 0 : i32
    %dma_wait3A_639 = arith.constant 0 : i32
    %dma_wait3A_640 = tpu.memref_slice %arg9[%dma_wait3A_636, %dma_wait3A_637, %dma_wait3A_638, %dma_wait3A_639] : memref<3x4x32x128xf32, #tpu.memory_space<vmem>> -> memref<1x1x32x128xf32, #tpu.memory_space<vmem>>
    %dma_wait3A_641 = tpu.memref_squeeze %dma_wait3A_640 : memref<1x1x32x128xf32, #tpu.memory_space<vmem>> -> memref<32x128xf32, #tpu.memory_space<vmem>>
    %dma_wait3A_642 = arith.constant 0 : i32
    %dma_wait3A_643 = arith.constant 0 : i32
    %dma_wait3A_644 = tpu.memref_slice %arg4[%dma_wait3A_642, %dma_wait3A_643] : memref<32x1000000xf32, #tpu.memory_space<hbm>> -> memref<32x128xf32, #tpu.memory_space<hbm>>
    %dma_wait3A_645 = arith.constant 0 : i32
    %dma_wait3A_646 = arith.constant 0 : i32
    %dma_wait3A_647 = tpu.memref_slice %arg9[%dma_wait3A_636, %dma_wait3A_637, %dma_wait3A_645, %dma_wait3A_646] : memref<3x4x32x128xf32, #tpu.memory_space<vmem>> -> memref<1x1x32x128xf32, #tpu.memory_space<vmem>>
    %dma_wait3A_648 = tpu.memref_squeeze %dma_wait3A_647 : memref<1x1x32x128xf32, #tpu.memory_space<vmem>> -> memref<32x128xf32, #tpu.memory_space<vmem>>
    %dma_wait3A_649 = arith.constant 0 : i32
    %dma_wait3A_650 = arith.constant 0 : i32
    %dma_wait3A_651 = tpu.memref_slice %arg4[%dma_wait3A_649, %dma_wait3A_650] : memref<32x1000000xf32, #tpu.memory_space<hbm>> -> memref<32x128xf32, #tpu.memory_space<hbm>>
    tpu.wait_dma2 semaphore(%arg13 : memref<!tpu.dma_semaphore, #tpu.memory_space<semaphore_mem>>) src(%dma_wait3A_651 : memref<32x128xf32, #tpu.memory_space<hbm>>) dst(%dma_wait3A_648 : memref<32x128xf32, #tpu.memory_space<vmem>>)
    %dma_wait3A_652 = arith.constant 0 : i32
    %dma_wait3A_653 = arith.constant 0 : i32
    %dma_wait3A_654 = arith.constant 0 : i32
    %dma_wait3A_655 = arith.constant 0 : i32
    %dma_wait3A_656 = tpu.memref_slice %arg9[%dma_wait3A_652, %dma_wait3A_653, %dma_wait3A_654, %dma_wait3A_655] : memref<3x4x32x128xf32, #tpu.memory_space<vmem>> -> memref<1x1x32x128xf32, #tpu.memory_space<vmem>>
    %dma_wait3A_657 = tpu.memref_squeeze %dma_wait3A_656 : memref<1x1x32x128xf32, #tpu.memory_space<vmem>> -> memref<32x128xf32, #tpu.memory_space<vmem>>
    %dma_wait3A_658 = arith.constant 0 : i32
    %dma_wait3A_659 = arith.constant 0 : i32
    %dma_wait3A_660 = tpu.memref_slice %arg4[%dma_wait3A_658, %dma_wait3A_659] : memref<32x1000000xf32, #tpu.memory_space<hbm>> -> memref<32x128xf32, #tpu.memory_space<hbm>>
    %dma_wait3A_661 = arith.constant 0 : i32
    %dma_wait3A_662 = arith.constant 0 : i32
    %dma_wait3A_663 = tpu.memref_slice %arg9[%dma_wait3A_652, %dma_wait3A_653, %dma_wait3A_661, %dma_wait3A_662] : memref<3x4x32x128xf32, #tpu.memory_space<vmem>> -> memref<1x1x32x128xf32, #tpu.memory_space<vmem>>
    %dma_wait3A_664 = tpu.memref_squeeze %dma_wait3A_663 : memref<1x1x32x128xf32, #tpu.memory_space<vmem>> -> memref<32x128xf32, #tpu.memory_space<vmem>>
    %dma_wait3A_665 = arith.constant 0 : i32
    %dma_wait3A_666 = arith.constant 0 : i32
    %dma_wait3A_667 = tpu.memref_slice %arg4[%dma_wait3A_665, %dma_wait3A_666] : memref<32x1000000xf32, #tpu.memory_space<hbm>> -> memref<32x128xf32, #tpu.memory_space<hbm>>
    tpu.wait_dma2 semaphore(%arg13 : memref<!tpu.dma_semaphore, #tpu.memory_space<semaphore_mem>>) src(%dma_wait3A_667 : memref<32x128xf32, #tpu.memory_space<hbm>>) dst(%dma_wait3A_664 : memref<32x128xf32, #tpu.memory_space<vmem>>)
    %dma_wait3A_668 = arith.constant 0 : i32
    %dma_wait3A_669 = arith.constant 0 : i32
    %dma_wait3A_670 = arith.constant 0 : i32
    %dma_wait3A_671 = arith.constant 0 : i32
    %dma_wait3A_672 = tpu.memref_slice %arg9[%dma_wait3A_668, %dma_wait3A_669, %dma_wait3A_670, %dma_wait3A_671] : memref<3x4x32x128xf32, #tpu.memory_space<vmem>> -> memref<1x1x32x128xf32, #tpu.memory_space<vmem>>
    %dma_wait3A_673 = tpu.memref_squeeze %dma_wait3A_672 : memref<1x1x32x128xf32, #tpu.memory_space<vmem>> -> memref<32x128xf32, #tpu.memory_space<vmem>>
    %dma_wait3A_674 = arith.constant 0 : i32
    %dma_wait3A_675 = arith.constant 0 : i32
    %dma_wait3A_676 = tpu.memref_slice %arg4[%dma_wait3A_674, %dma_wait3A_675] : memref<32x1000000xf32, #tpu.memory_space<hbm>> -> memref<32x128xf32, #tpu.memory_space<hbm>>
    %dma_wait3A_677 = arith.constant 0 : i32
    %dma_wait3A_678 = arith.constant 0 : i32
    %dma_wait3A_679 = tpu.memref_slice %arg9[%dma_wait3A_668, %dma_wait3A_669, %dma_wait3A_677, %dma_wait3A_678] : memref<3x4x32x128xf32, #tpu.memory_space<vmem>> -> memref<1x1x32x128xf32, #tpu.memory_space<vmem>>
    %dma_wait3A_680 = tpu.memref_squeeze %dma_wait3A_679 : memref<1x1x32x128xf32, #tpu.memory_space<vmem>> -> memref<32x128xf32, #tpu.memory_space<vmem>>
    %dma_wait3A_681 = arith.constant 0 : i32
    %dma_wait3A_682 = arith.constant 0 : i32
    %dma_wait3A_683 = tpu.memref_slice %arg4[%dma_wait3A_681, %dma_wait3A_682] : memref<32x1000000xf32, #tpu.memory_space<hbm>> -> memref<32x128xf32, #tpu.memory_space<hbm>>
    tpu.wait_dma2 semaphore(%arg13 : memref<!tpu.dma_semaphore, #tpu.memory_space<semaphore_mem>>) src(%dma_wait3A_683 : memref<32x128xf32, #tpu.memory_space<hbm>>) dst(%dma_wait3A_680 : memref<32x128xf32, #tpu.memory_space<vmem>>)
    %dma_wait3A_684 = arith.constant 0 : i32
    %dma_wait3A_685 = arith.constant 0 : i32
    %dma_wait3A_686 = arith.constant 0 : i32
    %dma_wait3A_687 = arith.constant 0 : i32
    %dma_wait3A_688 = tpu.memref_slice %arg9[%dma_wait3A_684, %dma_wait3A_685, %dma_wait3A_686, %dma_wait3A_687] : memref<3x4x32x128xf32, #tpu.memory_space<vmem>> -> memref<1x1x32x128xf32, #tpu.memory_space<vmem>>
    %dma_wait3A_689 = tpu.memref_squeeze %dma_wait3A_688 : memref<1x1x32x128xf32, #tpu.memory_space<vmem>> -> memref<32x128xf32, #tpu.memory_space<vmem>>
    %dma_wait3A_690 = arith.constant 0 : i32
    %dma_wait3A_691 = arith.constant 0 : i32
    %dma_wait3A_692 = tpu.memref_slice %arg4[%dma_wait3A_690, %dma_wait3A_691] : memref<32x1000000xf32, #tpu.memory_space<hbm>> -> memref<32x128xf32, #tpu.memory_space<hbm>>
    %dma_wait3A_693 = arith.constant 0 : i32
    %dma_wait3A_694 = arith.constant 0 : i32
    %dma_wait3A_695 = tpu.memref_slice %arg9[%dma_wait3A_684, %dma_wait3A_685, %dma_wait3A_693, %dma_wait3A_694] : memref<3x4x32x128xf32, #tpu.memory_space<vmem>> -> memref<1x1x32x128xf32, #tpu.memory_space<vmem>>
    %dma_wait3A_696 = tpu.memref_squeeze %dma_wait3A_695 : memref<1x1x32x128xf32, #tpu.memory_space<vmem>> -> memref<32x128xf32, #tpu.memory_space<vmem>>
    %dma_wait3A_697 = arith.constant 0 : i32
    %dma_wait3A_698 = arith.constant 0 : i32
    %dma_wait3A_699 = tpu.memref_slice %arg4[%dma_wait3A_697, %dma_wait3A_698] : memref<32x1000000xf32, #tpu.memory_space<hbm>> -> memref<32x128xf32, #tpu.memory_space<hbm>>
    tpu.wait_dma2 semaphore(%arg13 : memref<!tpu.dma_semaphore, #tpu.memory_space<semaphore_mem>>) src(%dma_wait3A_699 : memref<32x128xf32, #tpu.memory_space<hbm>>) dst(%dma_wait3A_696 : memref<32x128xf32, #tpu.memory_space<vmem>>)
    %dma_wait3A_700 = arith.constant 0 : i32
    %dma_wait3A_701 = arith.constant 0 : i32
    %dma_wait3A_702 = arith.constant 0 : i32
    %dma_wait3A_703 = arith.constant 0 : i32
    %dma_wait3A_704 = tpu.memref_slice %arg9[%dma_wait3A_700, %dma_wait3A_701, %dma_wait3A_702, %dma_wait3A_703] : memref<3x4x32x128xf32, #tpu.memory_space<vmem>> -> memref<1x1x32x128xf32, #tpu.memory_space<vmem>>
    %dma_wait3A_705 = tpu.memref_squeeze %dma_wait3A_704 : memref<1x1x32x128xf32, #tpu.memory_space<vmem>> -> memref<32x128xf32, #tpu.memory_space<vmem>>
    %dma_wait3A_706 = arith.constant 0 : i32
    %dma_wait3A_707 = arith.constant 0 : i32
    %dma_wait3A_708 = tpu.memref_slice %arg4[%dma_wait3A_706, %dma_wait3A_707] : memref<32x1000000xf32, #tpu.memory_space<hbm>> -> memref<32x128xf32, #tpu.memory_space<hbm>>
    %dma_wait3A_709 = arith.constant 0 : i32
    %dma_wait3A_710 = arith.constant 0 : i32
    %dma_wait3A_711 = tpu.memref_slice %arg9[%dma_wait3A_700, %dma_wait3A_701, %dma_wait3A_709, %dma_wait3A_710] : memref<3x4x32x128xf32, #tpu.memory_space<vmem>> -> memref<1x1x32x128xf32, #tpu.memory_space<vmem>>
    %dma_wait3A_712 = tpu.memref_squeeze %dma_wait3A_711 : memref<1x1x32x128xf32, #tpu.memory_space<vmem>> -> memref<32x128xf32, #tpu.memory_space<vmem>>
    %dma_wait3A_713 = arith.constant 0 : i32
    %dma_wait3A_714 = arith.constant 0 : i32
    %dma_wait3A_715 = tpu.memref_slice %arg4[%dma_wait3A_713, %dma_wait3A_714] : memref<32x1000000xf32, #tpu.memory_space<hbm>> -> memref<32x128xf32, #tpu.memory_space<hbm>>
    tpu.wait_dma2 semaphore(%arg13 : memref<!tpu.dma_semaphore, #tpu.memory_space<semaphore_mem>>) src(%dma_wait3A_715 : memref<32x128xf32, #tpu.memory_space<hbm>>) dst(%dma_wait3A_712 : memref<32x128xf32, #tpu.memory_space<vmem>>)
    %dma_wait3A_716 = arith.constant 0 : i32
    %dma_wait3A_717 = arith.constant 0 : i32
    %dma_wait3A_718 = arith.constant 0 : i32
    %dma_wait3A_719 = arith.constant 0 : i32
    %dma_wait3A_720 = tpu.memref_slice %arg9[%dma_wait3A_716, %dma_wait3A_717, %dma_wait3A_718, %dma_wait3A_719] : memref<3x4x32x128xf32, #tpu.memory_space<vmem>> -> memref<1x1x32x128xf32, #tpu.memory_space<vmem>>
    %dma_wait3A_721 = tpu.memref_squeeze %dma_wait3A_720 : memref<1x1x32x128xf32, #tpu.memory_space<vmem>> -> memref<32x128xf32, #tpu.memory_space<vmem>>
    %dma_wait3A_722 = arith.constant 0 : i32
    %dma_wait3A_723 = arith.constant 0 : i32
    %dma_wait3A_724 = tpu.memref_slice %arg4[%dma_wait3A_722, %dma_wait3A_723] : memref<32x1000000xf32, #tpu.memory_space<hbm>> -> memref<32x128xf32, #tpu.memory_space<hbm>>
    %dma_wait3A_725 = arith.constant 0 : i32
    %dma_wait3A_726 = arith.constant 0 : i32
    %dma_wait3A_727 = tpu.memref_slice %arg9[%dma_wait3A_716, %dma_wait3A_717, %dma_wait3A_725, %dma_wait3A_726] : memref<3x4x32x128xf32, #tpu.memory_space<vmem>> -> memref<1x1x32x128xf32, #tpu.memory_space<vmem>>
    %dma_wait3A_728 = tpu.memref_squeeze %dma_wait3A_727 : memref<1x1x32x128xf32, #tpu.memory_space<vmem>> -> memref<32x128xf32, #tpu.memory_space<vmem>>
    %dma_wait3A_729 = arith.constant 0 : i32
    %dma_wait3A_730 = arith.constant 0 : i32
    %dma_wait3A_731 = tpu.memref_slice %arg4[%dma_wait3A_729, %dma_wait3A_730] : memref<32x1000000xf32, #tpu.memory_space<hbm>> -> memref<32x128xf32, #tpu.memory_space<hbm>>
    tpu.wait_dma2 semaphore(%arg13 : memref<!tpu.dma_semaphore, #tpu.memory_space<semaphore_mem>>) src(%dma_wait3A_731 : memref<32x128xf32, #tpu.memory_space<hbm>>) dst(%dma_wait3A_728 : memref<32x128xf32, #tpu.memory_space<vmem>>)
    %dma_wait3A_732 = arith.constant 0 : i32
    %dma_wait3A_733 = arith.constant 0 : i32
    %dma_wait3A_734 = arith.constant 0 : i32
    %dma_wait3A_735 = arith.constant 0 : i32
    %dma_wait3A_736 = tpu.memref_slice %arg9[%dma_wait3A_732, %dma_wait3A_733, %dma_wait3A_734, %dma_wait3A_735] : memref<3x4x32x128xf32, #tpu.memory_space<vmem>> -> memref<1x1x32x128xf32, #tpu.memory_space<vmem>>
    %dma_wait3A_737 = tpu.memref_squeeze %dma_wait3A_736 : memref<1x1x32x128xf32, #tpu.memory_space<vmem>> -> memref<32x128xf32, #tpu.memory_space<vmem>>
    %dma_wait3A_738 = arith.constant 0 : i32
    %dma_wait3A_739 = arith.constant 0 : i32
    %dma_wait3A_740 = tpu.memref_slice %arg4[%dma_wait3A_738, %dma_wait3A_739] : memref<32x1000000xf32, #tpu.memory_space<hbm>> -> memref<32x128xf32, #tpu.memory_space<hbm>>
    %dma_wait3A_741 = arith.constant 0 : i32
    %dma_wait3A_742 = arith.constant 0 : i32
    %dma_wait3A_743 = tpu.memref_slice %arg9[%dma_wait3A_732, %dma_wait3A_733, %dma_wait3A_741, %dma_wait3A_742] : memref<3x4x32x128xf32, #tpu.memory_space<vmem>> -> memref<1x1x32x128xf32, #tpu.memory_space<vmem>>
    %dma_wait3A_744 = tpu.memref_squeeze %dma_wait3A_743 : memref<1x1x32x128xf32, #tpu.memory_space<vmem>> -> memref<32x128xf32, #tpu.memory_space<vmem>>
    %dma_wait3A_745 = arith.constant 0 : i32
    %dma_wait3A_746 = arith.constant 0 : i32
    %dma_wait3A_747 = tpu.memref_slice %arg4[%dma_wait3A_745, %dma_wait3A_746] : memref<32x1000000xf32, #tpu.memory_space<hbm>> -> memref<32x128xf32, #tpu.memory_space<hbm>>
    tpu.wait_dma2 semaphore(%arg13 : memref<!tpu.dma_semaphore, #tpu.memory_space<semaphore_mem>>) src(%dma_wait3A_747 : memref<32x128xf32, #tpu.memory_space<hbm>>) dst(%dma_wait3A_744 : memref<32x128xf32, #tpu.memory_space<vmem>>)
    %dma_wait3A_748 = arith.constant 0 : i32
    %dma_wait3A_749 = arith.constant 0 : i32
    %dma_wait3A_750 = arith.constant 0 : i32
    %dma_wait3A_751 = arith.constant 0 : i32
    %dma_wait3A_752 = tpu.memref_slice %arg9[%dma_wait3A_748, %dma_wait3A_749, %dma_wait3A_750, %dma_wait3A_751] : memref<3x4x32x128xf32, #tpu.memory_space<vmem>> -> memref<1x1x32x128xf32, #tpu.memory_space<vmem>>
    %dma_wait3A_753 = tpu.memref_squeeze %dma_wait3A_752 : memref<1x1x32x128xf32, #tpu.memory_space<vmem>> -> memref<32x128xf32, #tpu.memory_space<vmem>>
    %dma_wait3A_754 = arith.constant 0 : i32
    %dma_wait3A_755 = arith.constant 0 : i32
    %dma_wait3A_756 = tpu.memref_slice %arg4[%dma_wait3A_754, %dma_wait3A_755] : memref<32x1000000xf32, #tpu.memory_space<hbm>> -> memref<32x128xf32, #tpu.memory_space<hbm>>
    %dma_wait3A_757 = arith.constant 0 : i32
    %dma_wait3A_758 = arith.constant 0 : i32
    %dma_wait3A_759 = tpu.memref_slice %arg9[%dma_wait3A_748, %dma_wait3A_749, %dma_wait3A_757, %dma_wait3A_758] : memref<3x4x32x128xf32, #tpu.memory_space<vmem>> -> memref<1x1x32x128xf32, #tpu.memory_space<vmem>>
    %dma_wait3A_760 = tpu.memref_squeeze %dma_wait3A_759 : memref<1x1x32x128xf32, #tpu.memory_space<vmem>> -> memref<32x128xf32, #tpu.memory_space<vmem>>
    %dma_wait3A_761 = arith.constant 0 : i32
    %dma_wait3A_762 = arith.constant 0 : i32
    %dma_wait3A_763 = tpu.memref_slice %arg4[%dma_wait3A_761, %dma_wait3A_762] : memref<32x1000000xf32, #tpu.memory_space<hbm>> -> memref<32x128xf32, #tpu.memory_space<hbm>>
    tpu.wait_dma2 semaphore(%arg13 : memref<!tpu.dma_semaphore, #tpu.memory_space<semaphore_mem>>) src(%dma_wait3A_763 : memref<32x128xf32, #tpu.memory_space<hbm>>) dst(%dma_wait3A_760 : memref<32x128xf32, #tpu.memory_space<vmem>>)
    %get3A_764 = arith.constant 508 : index
    %get3A_765 = tpu.vector_load %arg7[%get3A_764] {strides = array<i32>} : memref<528xi32, #tpu.memory_space<vmem>>, vector<16xi32>,
    %get3A_766 = arith.constant 508 : index
    %get3A_767 = tpu.vector_load %arg8[%get3A_766] {strides = array<i32>} : memref<528xi32, #tpu.memory_space<vmem>>, vector<16xi32>,
    %and3A_768 = arith.constant 127 : i32
    %and3A_769 = vector.broadcast %and3A_768 : i32 to vector<16xi32>
    %and3A_770 = arith.andi %get3A_765, %and3A_769 : vector<16xi32>
    %and3A_771 = arith.constant 127 : i32
    %and3A_772 = vector.broadcast %and3A_771 : i32 to vector<16xi32>
    %and3A_773 = arith.andi %get3A_767, %and3A_772 : vector<16xi32>
    %rem3A_774 = arith.constant 127 : i32
    %rem3A_775 = arith.constant 4 : i32
    %rem3A_776 = arith.remsi %rem3A_774, %rem3A_775 : i32
    %mul3A_777 = arith.constant 4 : i32
    %mul3A_778 = arith.muli %rem3A_776, %mul3A_777 : i32
    %slice3A_779 = vector.extract_strided_slice %and3A_770 {offsets = [0], sizes = [1], strides = [1]} : vector<16xi32> to vector<1xi32>
    %squeeze3A_780 = vector.extract %slice3A_779[0] : i32 from vector<1xi32>
    %broadcast_in_dim3A_781 = vector.broadcast %squeeze3A_780 : i32 to vector<16xi32>
    %slice3A_782 = vector.extract_strided_slice %and3A_773 {offsets = [0], sizes = [1], strides = [1]} : vector<16xi32> to vector<1xi32>
    %squeeze3A_783 = vector.extract %slice3A_782[0] : i32 from vector<1xi32>
    %broadcast_in_dim3A_784 = vector.broadcast %squeeze3A_783 : i32 to vector<16xi32>
    %gather3A_785 = arith.constant 1 : i32
    %gather3A_786 = arith.constant 0 : i32
    %gather3A_787 = arith.constant 0 : i32
    %gather3A_788 = arith.constant 0 : i32
    %gather3A_789 = tpu.memref_slice %arg9[%gather3A_785, %gather3A_786, %gather3A_787, %gather3A_788] : memref<3x4x32x128xf32, #tpu.memory_space<vmem>> -> memref<1x1x32x128xf32, #tpu.memory_space<vmem>>
    %gather3A_790 = tpu.memref_squeeze %gather3A_789 : memref<1x1x32x128xf32, #tpu.memory_space<vmem>> -> memref<32x128xf32, #tpu.memory_space<vmem>>
    %gather3A_791 = tpu.vector_load_idx %gather3A_790[%iota3A, %broadcast_in_dim3A_781] : memref<32x128xf32, #tpu.memory_space<vmem>>[vector<16xi32>, vector<16xi32>], vector<16xf32>,
    %gather3A_792 = arith.constant 1 : i32
    %gather3A_793 = arith.constant 0 : i32
    %gather3A_794 = arith.constant 0 : i32
    %gather3A_795 = arith.constant 0 : i32
    %gather3A_796 = tpu.memref_slice %arg9[%gather3A_792, %gather3A_793, %gather3A_794, %gather3A_795] : memref<3x4x32x128xf32, #tpu.memory_space<vmem>> -> memref<1x1x32x128xf32, #tpu.memory_space<vmem>>
    %gather3A_797 = tpu.memref_squeeze %gather3A_796 : memref<1x1x32x128xf32, #tpu.memory_space<vmem>> -> memref<32x128xf32, #tpu.memory_space<vmem>>
    %gather3A_798 = tpu.vector_load_idx %gather3A_797[%add3A_5, %broadcast_in_dim3A_781] : memref<32x128xf32, #tpu.memory_space<vmem>>[vector<16xi32>, vector<16xi32>], vector<16xf32>,
    %gather3A_799 = arith.constant 1 : i32
    %gather3A_800 = arith.constant 0 : i32
    %gather3A_801 = arith.constant 0 : i32
    %gather3A_802 = arith.constant 0 : i32
    %gather3A_803 = tpu.memref_slice %arg10[%gather3A_799, %gather3A_800, %gather3A_801, %gather3A_802] : memref<3x4x32x128xf32, #tpu.memory_space<vmem>> -> memref<1x1x32x128xf32, #tpu.memory_space<vmem>>
    %gather3A_804 = tpu.memref_squeeze %gather3A_803 : memref<1x1x32x128xf32, #tpu.memory_space<vmem>> -> memref<32x128xf32, #tpu.memory_space<vmem>>
    %gather3A_805 = tpu.vector_load_idx %gather3A_804[%iota3A, %broadcast_in_dim3A_784] : memref<32x128xf32, #tpu.memory_space<vmem>>[vector<16xi32>, vector<16xi32>], vector<16xf32>,
    %gather3A_806 = arith.constant 1 : i32
    %gather3A_807 = arith.constant 0 : i32
    %gather3A_808 = arith.constant 0 : i32
    %gather3A_809 = arith.constant 0 : i32
    %gather3A_810 = tpu.memref_slice %arg10[%gather3A_806, %gather3A_807, %gather3A_808, %gather3A_809] : memref<3x4x32x128xf32, #tpu.memory_space<vmem>> -> memref<1x1x32x128xf32, #tpu.memory_space<vmem>>
    %gather3A_811 = tpu.memref_squeeze %gather3A_810 : memref<1x1x32x128xf32, #tpu.memory_space<vmem>> -> memref<32x128xf32, #tpu.memory_space<vmem>>
    %gather3A_812 = tpu.vector_load_idx %gather3A_811[%add3A_5, %broadcast_in_dim3A_784] : memref<32x128xf32, #tpu.memory_space<vmem>>[vector<16xi32>, vector<16xi32>], vector<16xf32>,
    %mul3A_813 = arith.mulf %gather3A_791, %gather3A_805 : vector<16xf32>
    %mul3A_814 = arith.mulf %gather3A_798, %gather3A_812 : vector<16xf32>
    %add3A_815 = arith.addf %mul3A_813, %mul3A_814 : vector<16xf32>
    %reduce_sum3A_816 = arith.constant true
    %reduce_sum3A_817 = vector.broadcast %reduce_sum3A_816 : i1 to vector<16xi1>
    %reduce_sum3A_818 = tpu.scan <sum>, %add3A_815 masked %reduce_sum3A_817 : vector<16xf32>, vector<16xi1> -> vector<16xf32>
    %reduce_sum3A_819 = vector.extract %reduce_sum3A_818[15] : f32 from vector<16xf32>
    %add3A_820 = arith.constant 0 : i32
    %add3A_821 = arith.addi %mul3A_778, %add3A_820 : i32
    %eq3A_822 = vector.broadcast %add3A_821 : i32 to vector<16xi32>
    %eq3A_823 = arith.cmpi eq, %iota3A, %eq3A_822 : vector<16xi32>
    %broadcast_in_dim3A_824 = vector.broadcast %reduce_sum3A_819 : f32 to vector<16xf32>
    %select_n3A_825 = arith.select %eq3A_823, %broadcast_in_dim3A_824, %select_n3A_635 : vector<16xi1>, vector<16xf32>
    %slice3A_826 = vector.extract_strided_slice %and3A_770 {offsets = [1], sizes = [1], strides = [1]} : vector<16xi32> to vector<1xi32>
    %squeeze3A_827 = vector.extract %slice3A_826[0] : i32 from vector<1xi32>
    %broadcast_in_dim3A_828 = vector.broadcast %squeeze3A_827 : i32 to vector<16xi32>
    %slice3A_829 = vector.extract_strided_slice %and3A_773 {offsets = [1], sizes = [1], strides = [1]} : vector<16xi32> to vector<1xi32>
    %squeeze3A_830 = vector.extract %slice3A_829[0] : i32 from vector<1xi32>
    %broadcast_in_dim3A_831 = vector.broadcast %squeeze3A_830 : i32 to vector<16xi32>
    %gather3A_832 = arith.constant 1 : i32
    %gather3A_833 = arith.constant 1 : i32
    %gather3A_834 = arith.constant 0 : i32
    %gather3A_835 = arith.constant 0 : i32
    %gather3A_836 = tpu.memref_slice %arg9[%gather3A_832, %gather3A_833, %gather3A_834, %gather3A_835] : memref<3x4x32x128xf32, #tpu.memory_space<vmem>> -> memref<1x1x32x128xf32, #tpu.memory_space<vmem>>
    %gather3A_837 = tpu.memref_squeeze %gather3A_836 : memref<1x1x32x128xf32, #tpu.memory_space<vmem>> -> memref<32x128xf32, #tpu.memory_space<vmem>>
    %gather3A_838 = tpu.vector_load_idx %gather3A_837[%iota3A, %broadcast_in_dim3A_828] : memref<32x128xf32, #tpu.memory_space<vmem>>[vector<16xi32>, vector<16xi32>], vector<16xf32>,
    %gather3A_839 = arith.constant 1 : i32
    %gather3A_840 = arith.constant 1 : i32
    %gather3A_841 = arith.constant 0 : i32
    %gather3A_842 = arith.constant 0 : i32
    %gather3A_843 = tpu.memref_slice %arg9[%gather3A_839, %gather3A_840, %gather3A_841, %gather3A_842] : memref<3x4x32x128xf32, #tpu.memory_space<vmem>> -> memref<1x1x32x128xf32, #tpu.memory_space<vmem>>
    %gather3A_844 = tpu.memref_squeeze %gather3A_843 : memref<1x1x32x128xf32, #tpu.memory_space<vmem>> -> memref<32x128xf32, #tpu.memory_space<vmem>>
    %gather3A_845 = tpu.vector_load_idx %gather3A_844[%add3A_5, %broadcast_in_dim3A_828] : memref<32x128xf32, #tpu.memory_space<vmem>>[vector<16xi32>, vector<16xi32>], vector<16xf32>,
    %gather3A_846 = arith.constant 1 : i32
    %gather3A_847 = arith.constant 1 : i32
    %gather3A_848 = arith.constant 0 : i32
    %gather3A_849 = arith.constant 0 : i32
    %gather3A_850 = tpu.memref_slice %arg10[%gather3A_846, %gather3A_847, %gather3A_848, %gather3A_849] : memref<3x4x32x128xf32, #tpu.memory_space<vmem>> -> memref<1x1x32x128xf32, #tpu.memory_space<vmem>>
    %gather3A_851 = tpu.memref_squeeze %gather3A_850 : memref<1x1x32x128xf32, #tpu.memory_space<vmem>> -> memref<32x128xf32, #tpu.memory_space<vmem>>
    %gather3A_852 = tpu.vector_load_idx %gather3A_851[%iota3A, %broadcast_in_dim3A_831] : memref<32x128xf32, #tpu.memory_space<vmem>>[vector<16xi32>, vector<16xi32>], vector<16xf32>,
    %gather3A_853 = arith.constant 1 : i32
    %gather3A_854 = arith.constant 1 : i32
    %gather3A_855 = arith.constant 0 : i32
    %gather3A_856 = arith.constant 0 : i32
    %gather3A_857 = tpu.memref_slice %arg10[%gather3A_853, %gather3A_854, %gather3A_855, %gather3A_856] : memref<3x4x32x128xf32, #tpu.memory_space<vmem>> -> memref<1x1x32x128xf32, #tpu.memory_space<vmem>>
    %gather3A_858 = tpu.memref_squeeze %gather3A_857 : memref<1x1x32x128xf32, #tpu.memory_space<vmem>> -> memref<32x128xf32, #tpu.memory_space<vmem>>
    %gather3A_859 = tpu.vector_load_idx %gather3A_858[%add3A_5, %broadcast_in_dim3A_831] : memref<32x128xf32, #tpu.memory_space<vmem>>[vector<16xi32>, vector<16xi32>], vector<16xf32>,
    %mul3A_860 = arith.mulf %gather3A_838, %gather3A_852 : vector<16xf32>
    %mul3A_861 = arith.mulf %gather3A_845, %gather3A_859 : vector<16xf32>
    %add3A_862 = arith.addf %mul3A_860, %mul3A_861 : vector<16xf32>
    %reduce_sum3A_863 = arith.constant true
    %reduce_sum3A_864 = vector.broadcast %reduce_sum3A_863 : i1 to vector<16xi1>
    %reduce_sum3A_865 = tpu.scan <sum>, %add3A_862 masked %reduce_sum3A_864 : vector<16xf32>, vector<16xi1> -> vector<16xf32>
    %reduce_sum3A_866 = vector.extract %reduce_sum3A_865[15] : f32 from vector<16xf32>
    %add3A_867 = arith.constant 1 : i32
    %add3A_868 = arith.addi %mul3A_778, %add3A_867 : i32
    %eq3A_869 = vector.broadcast %add3A_868 : i32 to vector<16xi32>
    %eq3A_870 = arith.cmpi eq, %iota3A, %eq3A_869 : vector<16xi32>
    %broadcast_in_dim3A_871 = vector.broadcast %reduce_sum3A_866 : f32 to vector<16xf32>
    %select_n3A_872 = arith.select %eq3A_870, %broadcast_in_dim3A_871, %select_n3A_825 : vector<16xi1>, vector<16xf32>
    %slice3A_873 = vector.extract_strided_slice %and3A_770 {offsets = [2], sizes = [1], strides = [1]} : vector<16xi32> to vector<1xi32>
    %squeeze3A_874 = vector.extract %slice3A_873[0] : i32 from vector<1xi32>
    %broadcast_in_dim3A_875 = vector.broadcast %squeeze3A_874 : i32 to vector<16xi32>
    %slice3A_876 = vector.extract_strided_slice %and3A_773 {offsets = [2], sizes = [1], strides = [1]} : vector<16xi32> to vector<1xi32>
    %squeeze3A_877 = vector.extract %slice3A_876[0] : i32 from vector<1xi32>
    %broadcast_in_dim3A_878 = vector.broadcast %squeeze3A_877 : i32 to vector<16xi32>
    %gather3A_879 = arith.constant 1 : i32
    %gather3A_880 = arith.constant 2 : i32
    %gather3A_881 = arith.constant 0 : i32
    %gather3A_882 = arith.constant 0 : i32
    %gather3A_883 = tpu.memref_slice %arg9[%gather3A_879, %gather3A_880, %gather3A_881, %gather3A_882] : memref<3x4x32x128xf32, #tpu.memory_space<vmem>> -> memref<1x1x32x128xf32, #tpu.memory_space<vmem>>
    %gather3A_884 = tpu.memref_squeeze %gather3A_883 : memref<1x1x32x128xf32, #tpu.memory_space<vmem>> -> memref<32x128xf32, #tpu.memory_space<vmem>>
    %gather3A_885 = tpu.vector_load_idx %gather3A_884[%iota3A, %broadcast_in_dim3A_875] : memref<32x128xf32, #tpu.memory_space<vmem>>[vector<16xi32>, vector<16xi32>], vector<16xf32>,
    %gather3A_886 = arith.constant 1 : i32
    %gather3A_887 = arith.constant 2 : i32
    %gather3A_888 = arith.constant 0 : i32
    %gather3A_889 = arith.constant 0 : i32
    %gather3A_890 = tpu.memref_slice %arg9[%gather3A_886, %gather3A_887, %gather3A_888, %gather3A_889] : memref<3x4x32x128xf32, #tpu.memory_space<vmem>> -> memref<1x1x32x128xf32, #tpu.memory_space<vmem>>
    %gather3A_891 = tpu.memref_squeeze %gather3A_890 : memref<1x1x32x128xf32, #tpu.memory_space<vmem>> -> memref<32x128xf32, #tpu.memory_space<vmem>>
    %gather3A_892 = tpu.vector_load_idx %gather3A_891[%add3A_5, %broadcast_in_dim3A_875] : memref<32x128xf32, #tpu.memory_space<vmem>>[vector<16xi32>, vector<16xi32>], vector<16xf32>,
    %gather3A_893 = arith.constant 1 : i32
    %gather3A_894 = arith.constant 2 : i32
    %gather3A_895 = arith.constant 0 : i32
    %gather3A_896 = arith.constant 0 : i32
    %gather3A_897 = tpu.memref_slice %arg10[%gather3A_893, %gather3A_894, %gather3A_895, %gather3A_896] : memref<3x4x32x128xf32, #tpu.memory_space<vmem>> -> memref<1x1x32x128xf32, #tpu.memory_space<vmem>>
    %gather3A_898 = tpu.memref_squeeze %gather3A_897 : memref<1x1x32x128xf32, #tpu.memory_space<vmem>> -> memref<32x128xf32, #tpu.memory_space<vmem>>
    %gather3A_899 = tpu.vector_load_idx %gather3A_898[%iota3A, %broadcast_in_dim3A_878] : memref<32x128xf32, #tpu.memory_space<vmem>>[vector<16xi32>, vector<16xi32>], vector<16xf32>,
    %gather3A_900 = arith.constant 1 : i32
    %gather3A_901 = arith.constant 2 : i32
    %gather3A_902 = arith.constant 0 : i32
    %gather3A_903 = arith.constant 0 : i32
    %gather3A_904 = tpu.memref_slice %arg10[%gather3A_900, %gather3A_901, %gather3A_902, %gather3A_903] : memref<3x4x32x128xf32, #tpu.memory_space<vmem>> -> memref<1x1x32x128xf32, #tpu.memory_space<vmem>>
    %gather3A_905 = tpu.memref_squeeze %gather3A_904 : memref<1x1x32x128xf32, #tpu.memory_space<vmem>> -> memref<32x128xf32, #tpu.memory_space<vmem>>
    %gather3A_906 = tpu.vector_load_idx %gather3A_905[%add3A_5, %broadcast_in_dim3A_878] : memref<32x128xf32, #tpu.memory_space<vmem>>[vector<16xi32>, vector<16xi32>], vector<16xf32>,
    %mul3A_907 = arith.mulf %gather3A_885, %gather3A_899 : vector<16xf32>
    %mul3A_908 = arith.mulf %gather3A_892, %gather3A_906 : vector<16xf32>
    %add3A_909 = arith.addf %mul3A_907, %mul3A_908 : vector<16xf32>
    %reduce_sum3A_910 = arith.constant true
    %reduce_sum3A_911 = vector.broadcast %reduce_sum3A_910 : i1 to vector<16xi1>
    %reduce_sum3A_912 = tpu.scan <sum>, %add3A_909 masked %reduce_sum3A_911 : vector<16xf32>, vector<16xi1> -> vector<16xf32>
    %reduce_sum3A_913 = vector.extract %reduce_sum3A_912[15] : f32 from vector<16xf32>
    %add3A_914 = arith.constant 2 : i32
    %add3A_915 = arith.addi %mul3A_778, %add3A_914 : i32
    %eq3A_916 = vector.broadcast %add3A_915 : i32 to vector<16xi32>
    %eq3A_917 = arith.cmpi eq, %iota3A, %eq3A_916 : vector<16xi32>
    %broadcast_in_dim3A_918 = vector.broadcast %reduce_sum3A_913 : f32 to vector<16xf32>
    %select_n3A_919 = arith.select %eq3A_917, %broadcast_in_dim3A_918, %select_n3A_872 : vector<16xi1>, vector<16xf32>
    %slice3A_920 = vector.extract_strided_slice %and3A_770 {offsets = [3], sizes = [1], strides = [1]} : vector<16xi32> to vector<1xi32>
    %squeeze3A_921 = vector.extract %slice3A_920[0] : i32 from vector<1xi32>
    %broadcast_in_dim3A_922 = vector.broadcast %squeeze3A_921 : i32 to vector<16xi32>
    %slice3A_923 = vector.extract_strided_slice %and3A_773 {offsets = [3], sizes = [1], strides = [1]} : vector<16xi32> to vector<1xi32>
    %squeeze3A_924 = vector.extract %slice3A_923[0] : i32 from vector<1xi32>
    %broadcast_in_dim3A_925 = vector.broadcast %squeeze3A_924 : i32 to vector<16xi32>
    %gather3A_926 = arith.constant 1 : i32
    %gather3A_927 = arith.constant 3 : i32
    %gather3A_928 = arith.constant 0 : i32
    %gather3A_929 = arith.constant 0 : i32
    %gather3A_930 = tpu.memref_slice %arg9[%gather3A_926, %gather3A_927, %gather3A_928, %gather3A_929] : memref<3x4x32x128xf32, #tpu.memory_space<vmem>> -> memref<1x1x32x128xf32, #tpu.memory_space<vmem>>
    %gather3A_931 = tpu.memref_squeeze %gather3A_930 : memref<1x1x32x128xf32, #tpu.memory_space<vmem>> -> memref<32x128xf32, #tpu.memory_space<vmem>>
    %gather3A_932 = tpu.vector_load_idx %gather3A_931[%iota3A, %broadcast_in_dim3A_922] : memref<32x128xf32, #tpu.memory_space<vmem>>[vector<16xi32>, vector<16xi32>], vector<16xf32>,
    %gather3A_933 = arith.constant 1 : i32
    %gather3A_934 = arith.constant 3 : i32
    %gather3A_935 = arith.constant 0 : i32
    %gather3A_936 = arith.constant 0 : i32
    %gather3A_937 = tpu.memref_slice %arg9[%gather3A_933, %gather3A_934, %gather3A_935, %gather3A_936] : memref<3x4x32x128xf32, #tpu.memory_space<vmem>> -> memref<1x1x32x128xf32, #tpu.memory_space<vmem>>
    %gather3A_938 = tpu.memref_squeeze %gather3A_937 : memref<1x1x32x128xf32, #tpu.memory_space<vmem>> -> memref<32x128xf32, #tpu.memory_space<vmem>>
    %gather3A_939 = tpu.vector_load_idx %gather3A_938[%add3A_5, %broadcast_in_dim3A_922] : memref<32x128xf32, #tpu.memory_space<vmem>>[vector<16xi32>, vector<16xi32>], vector<16xf32>,
    %gather3A_940 = arith.constant 1 : i32
    %gather3A_941 = arith.constant 3 : i32
    %gather3A_942 = arith.constant 0 : i32
    %gather3A_943 = arith.constant 0 : i32
    %gather3A_944 = tpu.memref_slice %arg10[%gather3A_940, %gather3A_941, %gather3A_942, %gather3A_943] : memref<3x4x32x128xf32, #tpu.memory_space<vmem>> -> memref<1x1x32x128xf32, #tpu.memory_space<vmem>>
    %gather3A_945 = tpu.memref_squeeze %gather3A_944 : memref<1x1x32x128xf32, #tpu.memory_space<vmem>> -> memref<32x128xf32, #tpu.memory_space<vmem>>
    %gather3A_946 = tpu.vector_load_idx %gather3A_945[%iota3A, %broadcast_in_dim3A_925] : memref<32x128xf32, #tpu.memory_space<vmem>>[vector<16xi32>, vector<16xi32>], vector<16xf32>,
    %gather3A_947 = arith.constant 1 : i32
    %gather3A_948 = arith.constant 3 : i32
    %gather3A_949 = arith.constant 0 : i32
    %gather3A_950 = arith.constant 0 : i32
    %gather3A_951 = tpu.memref_slice %arg10[%gather3A_947, %gather3A_948, %gather3A_949, %gather3A_950] : memref<3x4x32x128xf32, #tpu.memory_space<vmem>> -> memref<1x1x32x128xf32, #tpu.memory_space<vmem>>
    %gather3A_952 = tpu.memref_squeeze %gather3A_951 : memref<1x1x32x128xf32, #tpu.memory_space<vmem>> -> memref<32x128xf32, #tpu.memory_space<vmem>>
    %gather3A_953 = tpu.vector_load_idx %gather3A_952[%add3A_5, %broadcast_in_dim3A_925] : memref<32x128xf32, #tpu.memory_space<vmem>>[vector<16xi32>, vector<16xi32>], vector<16xf32>,
    %mul3A_954 = arith.mulf %gather3A_932, %gather3A_946 : vector<16xf32>
    %mul3A_955 = arith.mulf %gather3A_939, %gather3A_953 : vector<16xf32>
    %add3A_956 = arith.addf %mul3A_954, %mul3A_955 : vector<16xf32>
    %reduce_sum3A_957 = arith.constant true
    %reduce_sum3A_958 = vector.broadcast %reduce_sum3A_957 : i1 to vector<16xi1>
    %reduce_sum3A_959 = tpu.scan <sum>, %add3A_956 masked %reduce_sum3A_958 : vector<16xf32>, vector<16xi1> -> vector<16xf32>
    %reduce_sum3A_960 = vector.extract %reduce_sum3A_959[15] : f32 from vector<16xf32>
    %add3A_961 = arith.constant 3 : i32
    %add3A_962 = arith.addi %mul3A_778, %add3A_961 : i32
    %eq3A_963 = vector.broadcast %add3A_962 : i32 to vector<16xi32>
    %eq3A_964 = arith.cmpi eq, %iota3A, %eq3A_963 : vector<16xi32>
    %broadcast_in_dim3A_965 = vector.broadcast %reduce_sum3A_960 : f32 to vector<16xf32>
    %select_n3A_966 = arith.select %eq3A_964, %broadcast_in_dim3A_965, %select_n3A_919 : vector<16xi1>, vector<16xf32>
    %div3A_967 = arith.constant 127 : i32
    %div3A_968 = arith.constant 4 : i32
    %div3A_969 = arith.divsi %div3A_967, %div3A_968 : i32
    %mul3A_970 = arith.constant 16 : i32
    %mul3A_971 = arith.muli %div3A_969, %mul3A_970 : i32
    %swap3A_972 = arith.index_cast %mul3A_971 : i32 to index
    %swap3A_973 = tpu.vector_load %arg11[%swap3A_972] {strides = array<i32>} : memref<512xf32, #tpu.memory_space<vmem>>, vector<16xf32>,
    tpu.vector_store %arg11[%swap3A_972], %select_n3A_966 {strides = array<i32>} : memref<512xf32, #tpu.memory_space<vmem>>, vector<16xf32>,
    %rem3A_974 = arith.constant 127 : i32
    %rem3A_975 = arith.constant 4 : i32
    %rem3A_976 = arith.remsi %rem3A_974, %rem3A_975 : i32
    %eq3A_977 = arith.constant 3 : i32
    %eq3A_978 = arith.cmpi eq, %rem3A_976, %eq3A_977 : i32
    %broadcast_in_dim3A_979 = vector.broadcast %eq3A_978 : i1 to vector<16xi1>
    %jit3A_980 = arith.constant 0.000000e+00 : f32
    %broadcast_in_dim3A_981 = vector.broadcast %jit3A_980 : f32 to vector<16xf32>
    %select_n3A_982 = arith.select %broadcast_in_dim3A_979, %broadcast_in_dim3A_981, %select_n3A_966 : vector<16xi1>, vector<16xf32>
    "tpu.region"() ({
      %run_scoped3A = tpu.sem_alloc : memref<!tpu.dma_semaphore, #tpu.memory_space<semaphore_mem>>
      %dma_start3A_983 = tpu.memref_slice %arg6[%mul3A_2] : memref<16384xf32, #tpu.memory_space<hbm>> -> memref<512xf32, #tpu.memory_space<hbm>>
      %dma_start3A_984 = tpu.memref_slice %arg6[%mul3A_2] : memref<16384xf32, #tpu.memory_space<hbm>> -> memref<512xf32, #tpu.memory_space<hbm>>
      tpu.enqueue_dma source(%arg11 : memref<512xf32, #tpu.memory_space<vmem>>) target(%dma_start3A_984 : memref<512xf32, #tpu.memory_space<hbm>>) target_semaphore(%run_scoped3A : memref<!tpu.dma_semaphore, #tpu.memory_space<semaphore_mem>>)
      %dma_wait3A_985 = tpu.memref_slice %arg6[%mul3A_2] : memref<16384xf32, #tpu.memory_space<hbm>> -> memref<512xf32, #tpu.memory_space<hbm>>
      %dma_wait3A_986 = tpu.memref_slice %arg6[%mul3A_2] : memref<16384xf32, #tpu.memory_space<hbm>> -> memref<512xf32, #tpu.memory_space<hbm>>
      tpu.wait_dma2 semaphore(%run_scoped3A : memref<!tpu.dma_semaphore, #tpu.memory_space<semaphore_mem>>) src(%arg11 : memref<512xf32, #tpu.memory_space<vmem>>) dst(%dma_wait3A_986 : memref<512xf32, #tpu.memory_space<hbm>>)
      tpu.yield
    }) : () -> ()
    return
  }
}

</mosaic_0001>

<sc_bundles>
// kernel: kernel.3.cloned.1.call-start
scs
__scs_entry_jumppad:
0x0: {  	(pc) =	sbr.rel $0x88, $3  }
0x1: {  	(tag) =	ssettag $0x0;
	lr =	simm.s32 $0x1  }
0x2: {  	[smem:$0x3F9D] =	sst lr;
	_ =	strace $0xD0000000  }
0x3: {  	_ = 	snop  }
0x4: {  	_ = 	snop  }
0x5: {  	_ = 	snop  }
0x6: {  	_ = 	snop  }
0x7: {  	_ = 	snop  }
__scs_overlays_trampoline_lowered:
0x8: {  	[smem:$0x3FAC] =	sst s0  }
0x9: {  	[smem:$0x3FAD] =	sst s1  }
0xa: {  	[smem:$0x3FAE] =	sst s2  }
0xb: {  	[smem:$0x3FAF] =	sst s3  }
0xc: {  	[smem:$0x3FB0] =	sst s4  }
0xd: {  	[smem:$0x3FB1] =	sst s5  }
0xe: {  	[smem:$0x3FB2] =	sst s6  }
0xf: {  	[smem:$0x3FB3] =	sst s7  }
0x10: {  	[smem:$0x3FB4] =	sst s8  }
0x11: {  	[smem:$0x3FB5] =	sst s9;
	s0 =	simm.s32 @!p0 $0x0  }
0x12: {  	s1 =	sld [smem:$0x3F9B];
	s0 =	simm.s32 @p0 $0x1  }
0x13: {  	[smem:$0x3FB6] =	sst s0;
	s0 =	simm.s32 @!p1 $0x0  }
0x14: {  	s2 =	sld [smem:$0x3F9A];
	s0 =	simm.s32 @p1 $0x1  }
0x15: {  	[smem:$0x3FB7] =	sst s0;
	s0 =	simm.s32 @!p2 $0x0  }
0x16: {  	s3 =	sld [smem:$0x3FDB];
	s0 =	simm.s32 @p2 $0x1  }
0x17: {  	s4 =	simm.s32 $0x1BF5;
	[smem:$0x3FB9] =	sst s0  }
0x18: {  	s0 =	sld [smem:$0x3F9C];
	_ =	swait.ge [sflag:s4], $0x0  }
0x19: {  	s7 =	sld [smem:$0x3F9D]  }
0x1a: {  	s8 =	sadd.s32 $0xFFFFE003, lr  }
0x1b: {  	s9 =	sadd.s32 $0xFFFFFEF7, lr;
	s5 =	simm.s32 $0xFFFFFFFF;
	p2 =	slt.u32 s8, $0xFFFFF086  }
0x1c: {  	p1 =	slt.u32 s9, $0xF7A;
	s5 =	simm.s32 @!p2 $0x0  }
0x1d: {  	s5 =	simm.s32 @p1 $0x1;
	p0 =	seq.s32 s7, s2  }
0x1e: {  	s7 =	smul.u32 @!p0 $0xF7A, s2;
	p2 =	seq.s32 @!p0 s5, $0x0  }
0x1f: {  	s9 =	smul.u32 $0xF7A, s1;
	s8 =	simm.s32 @!p0 $0x1BF5;
	p2 =	por !p2, p0  }
0x20: {  	[sflag:s8] =	ssyncset.s32 @!p0 $0xFFFFF086;
	s6 =	sadd.s32 @!p0 s3, s7;
	s7 =	simm.s32 @!p0 $0x108  }
0x21: {  	s3 =	sadd.s32 s3, s9;
	s6 =	sadd.s32 @!p0 $0x88, s6;
	s7 =	simm.s32 @p2 $0x1082  }
0x22: {  	[simem:s7], [sflag:s8] =	dma.local @!p0 [hbm:s6], $0xF7A  }
0x23: {  	s9 =	sor.u32 $0xD0000000, s2;
	s6 =	simm.s32 $0x108;
	_ =	swait.ge @!p0 [sflag:s8], $0x0  }
0x24: {  	s3 =	sadd.s32 $0x88, s3;
	s6 =	simm.s32 @!p1 $0x1082;
	[sflag:s4] =	ssyncset.s32 $0xFFFFF086  }
0x25: {  	[simem:s6], [sflag:s4] =	dma.local [hbm:s3], $0xF7A  }
0x26: {  	[smem:$0x3F9D] =	sst s1;
	(tag) =	ssettag s2;
	_ =	strace s9  }
0x27: {  	s1 =	sld [smem:$0x3FAD]  }
0x28: {  	s2 =	sld [smem:$0x3FAE]  }
0x29: {  	s4 =	sld [smem:$0x3FB0]  }
0x2a: {  	p0 =	seq.s32 s5, $0x0;
	s5 =	sld [smem:$0x3FB1]  }
0x2b: {  	s6 =	sld [smem:$0x3FB2]  }
0x2c: {  	s7 =	sld [smem:$0x3FB3]  }
0x2d: {  	s3 =	simm.s32 $0x108;
	s8 =	sld [smem:$0x3FB4]  }
0x2e: {  	s3 =	simm.s32 @!p0 $0x1082;
	s9 =	sld [smem:$0x3FB5]  }
0x2f: {  	lr =	sadd.s32 s0, s3;
	s0 =	sld [smem:$0x3FAC]  }
0x30: {  	s3 =	sld [smem:$0x3FAF]  }
0x31: {  	[smem:$0x3FB8] =	sst s10  }
0x32: {  	s10 =	sld [smem:$0x3FB6];
	_ =	sdelay $0x3  }
0x33: {  	p0 =	seq.s32 s10, $0x1;
	s10 =	sld [smem:$0x3FB8];
	_ =	sdelay $0x3  }
0x34: {  	[smem:$0x3FB8] =	sst s10  }
0x35: {  	s10 =	sld [smem:$0x3FB7];
	_ =	sdelay $0x3  }
0x36: {  	p1 =	seq.s32 s10, $0x1;
	s10 =	sld [smem:$0x3FB8];
	_ =	sdelay $0x3  }
0x37: {  	[smem:$0x3FB8] =	sst s10  }
0x38: {  	s10 =	sld [smem:$0x3FB9]  }
0x39: {  	_ = 	snop;
	(pc) =	sbr.ind lr, $3  }
0x3a: {  	_ = 	snop  }
0x3b: {  	_ = 	snop  }
0x3c: {  	p2 =	seq.s32 s10, $0x1;
	s10 =	sld [smem:$0x3FB8]  }
0x3d: {  	_ =	shalt  }
0x3e: {  	_ =	shalt  }
0x3f: {  	_ =	shalt  }
0x40: {  	_ =	shalt  }
0x41: {  	_ =	shalt  }
0x42: {  	_ =	shalt  }
0x43: {  	_ =	shalt  }
0x44: {  	_ =	shalt  }
0x45: {  	_ =	shalt  }
0x46: {  	_ =	shalt  }
0x47: {  	_ =	shalt  }
0x48: {  	_ =	shalt  }
0x49: {  	_ =	shalt  }
0x4a: {  	_ =	shalt  }
0x4b: {  	_ =	shalt  }
0x4c: {  	_ =	shalt  }
0x4d: {  	_ =	shalt  }
0x4e: {  	_ =	shalt  }
0x4f: {  	_ =	shalt  }
0x50: {  	_ =	shalt  }
0x51: {  	_ =	shalt  }
0x52: {  	_ =	shalt  }
0x53: {  	_ =	shalt  }
0x54: {  	_ =	shalt  }
0x55: {  	_ =	shalt  }
0x56: {  	_ =	shalt  }
0x57: {  	_ =	shalt  }
0x58: {  	_ =	shalt  }
0x59: {  	_ =	shalt  }
0x5a: {  	_ =	shalt  }
0x5b: {  	_ =	shalt  }
0x5c: {  	_ =	shalt  }
0x5d: {  	_ =	shalt  }
0x5e: {  	_ =	shalt  }
0x5f: {  	_ =	shalt  }
0x60: {  	_ =	shalt  }
0x61: {  	_ =	shalt  }
0x62: {  	_ =	shalt  }
0x63: {  	_ =	shalt  }
0x64: {  	_ =	shalt  }
0x65: {  	_ =	shalt  }
0x66: {  	_ =	shalt  }
0x67: {  	_ =	shalt  }
0x68: {  	_ =	shalt  }
0x69: {  	_ =	shalt  }
0x6a: {  	_ =	shalt  }
0x6b: {  	_ =	shalt  }
0x6c: {  	_ =	shalt  }
0x6d: {  	_ =	shalt  }
0x6e: {  	_ =	shalt  }
0x6f: {  	_ =	shalt  }
0x70: {  	_ =	shalt  }
0x71: {  	_ =	shalt  }
0x72: {  	_ =	shalt  }
0x73: {  	_ =	shalt  }
0x74: {  	_ =	shalt  }
0x75: {  	_ =	shalt  }
0x76: {  	_ =	shalt  }
0x77: {  	_ =	shalt  }
0x78: {  	_ =	shalt  }
0x79: {  	_ =	shalt  }
0x7a: {  	_ =	shalt  }
0x7b: {  	_ =	shalt  }
0x7c: {  	_ =	shalt  }
0x7d: {  	_ =	shalt  }
0x7e: {  	_ =	shalt  }
0x7f: {  	_ =	shalt  }
0x80: {  	_ =	shalt  }
0x81: {  	_ =	shalt  }
0x82: {  	_ =	shalt  }
0x83: {  	_ =	shalt  }
0x84: {  	_ =	shalt  }
0x85: {  	_ =	shalt  }
0x86: {  	_ =	shalt  }
0x87: {  	_ =	shalt  }
.Lfunc_end0:
.L_simem_size_0:
called_computation_lowered:
.L_overlay_start_0:
0x88: {  	s2 =	sld [smem:$0x3FD9]  }
0x89: {  	s3 =	sld [smem:$0x3FFE];
	_ =	sdelay $0x1  }
0x8a: {  	s1 =	srdreg.scid  }
0x8b: {  	s0 =	sand.u32 $0x1, s1  }
0x8c: {  	s17 =	sshll.u32 s0, $0xA;
	s2 =	sadd.s32 s3, s2  }
0x8d: {  	s2 =	sadd.s32 s2, s17  }
0x8e: {  	[smem:$0x3FC4] =	sst s2  }
0x8f: {  	_ = 	snop  }
0x90: {  	s2 =	sld [smem:$0x3FC7]  }
0x91: {  	s18 =	sld [smem:$0x3FC6]  }
0x92: {  	s4 =	sld [smem:$0x3FD0];
	(tm) =	ssettm $0x1  }
0x93: {  	s5 =	sld [smem:$0x3FFB];
	_ =	sdelay $0x3  }
0x94: {  	_ =	strace s5  }
0x95: {  	s5 =	sld [smem:$0x3FFC];
	_ =	sdelay $0x3  }
0x96: {  	_ =	strace s5  }
0x97: {  	s5 =	sld [smem:$0x3FFD];
	_ =	sdelay $0x3  }
0x98: {  	_ =	strace s5  }
0x99: {  	_ =	strace $0x8FFFFFFF  }
0x9a: {  	s19 =	sld [smem:$0x3FDB];
	_ =	sdelay $0x1  }
0x9b: {  	s6 =	simm.s32 $_scs_section_size  }
0x9c: {  	s7 =	simm.s32 $_size__tile_overlayer_lowered;
	s8 =	simm.s32 $_tile_overlayer_lowered  }
0x9d: {  	s22 =	simm.s32 $0x1BFF;
	s21 =	sshll.u32 s8, $0x1;
	s5 =	sadd.s32 s6, s19  }
0x9e: {  	s9 =	simm.s32 $0x0;
	s20 =	sshll.u32 s7, $0x1;
	s7 =	sadd.s32 s21, s5  }
0x9f: {  	[timem:s9], [sflag:s22] =	dma.local [hbm:s7], s20  }
0xa0: {  	_ =	swait.ge [sflag:s22], s20  }
0xa1: {  	s6 =	ssub.s32 $0x0, s20;
	[sflag:s22] =	ssyncset.done $0x0  }
0xa2: {  	[sflag:s22] =	ssyncadd.s32 s6;
	_ =	sdelay $0x1  }
0xa3: {  	s23 =	simm.s32 $0x1B8B  }
0xa4: {  	_ =	swait.ge [sflag:s23], $0x1  }
0xa5: {  	[sflag:s23] =	ssyncset.done $0x0  }
0xa6: {  	s25 =	simm.s32 $0x1B8E;
	s24 =	sld [smem:$0x3FFE];
	[sflag:s23] =	ssyncadd.s32 $0xFFFFFFFF  }
0xa7: {  	s26 =	simm.s32 $execute0_lowered;
	[smem:$0x3FD2] =	sst s25  }
0xa8: {  	s7 =	sshll.u32 s26, $0x1;
	_ =	strace $0x80000046;
	[dreg:$0x1] =	wrdreg $0xFFFFFFFF  }
0xa9: {  	s28 =	simm.s32 $_size_execute0_lowered;
	s5 =	sadd.s32 s5, s7;
	[dreg:$0x0] =	wrdreg $0x0  }
0xaa: {  	s7 =	sshll.u32 s28, $0x1;
	[dreg:$0x2] =	wrdreg s5  }
0xab: {  	[dreg:$0x3] =	wrdreg s7  }
0xac: {  	[dreg:$0x4] =	wrdreg $0xC0  }
0xad: {  	_ =	task [dreg:s9], $0x5FFFF  }
0xae: {  	[dreg:$0x1] =	wrdreg $0xFFFFFFFF  }
0xaf: {  	[dreg:$0x0] =	wrdreg $0x60  }
0xb0: {  	[dreg:$0x2] =	wrdreg s24  }
0xb1: {  	[dreg:$0x3] =	wrdreg s2  }
0xb2: {  	[dreg:$0x4] =	wrdreg s18  }
0xb3: {  	[dreg:$0x5] =	wrdreg s4  }
0xb4: {  	[dreg:$0x6] =	wrdreg $0x9  }
0xb5: {  	_ =	task.clear_ibuf [dreg:s9], $0x7FFFF;
	_ =	strace $0x90000046  }
0xb6: {  	s29 =	simm.s32 $0x9;
	_ =	strace $0x80000048  }
0xb7: {  	_ =	swait.ge [sflag:s29], $0x1  }
0xb8: {  	[sflag:s29] =	ssyncadd.s32 $0xFFFFFFFF  }
0xb9: {  	_ =	strace $0x90000048  }
0xba: {  	_ =	sfence  }
0xbb: {  	s30 =	sld [smem:$0x0];
	_ =	sdelay $0x2  }
0xbc: {  	s31 =	sshll.u32 s1, $0xD;
	s1 =	sshrl.u32 s1, $0x2  }
0xbd: {  	s3 =	sand.u32 $0x4000, s31;
	s1 =	sadd.s32 s1, s30  }
0xbe: {  	s0 =	sor.u32 s3, s0;
	s1 =	sshll.u32 s1, $0x11  }
0xbf: {  	s0 =	sor.u32 s1, s0  }
0xc0: {  	s0 =	sadd.s32 $0x8F2B, s0  }
0xc1: {  	[sflag:s0] =	ssyncadd.remote.s32 $0x1  }
0xc2: {  	_ =	sfence.sel $0xFFFF  }
0xc3: {  	[dreg:$0x0] =	wrdreg $0xFFFFFFFF;
	(pc) =	sbr.abs _section_cstart, $3  }
0xc4: {  	[dreg:$0x1] =	wrdreg $0xFFFFFFFF  }
0xc5: {  	_ =	task.clear_ibuf [dreg:s9], $0x2FFFF;
	_ =	strace $0x9FFFFFFF  }
0xc6: {  	(tm) =	ssettm $0x7FFFFFFF  }
0xc7: {  	_ =	shalt  }
tec
execute0_lowered:
.L_overlay_start_1:
0x0: {  	(tag) =	ssettag $0x1  }
0x1: {  	s0 =	rddreg [dreg:$0x0]  }
0x2: {  	s14 =	rddreg [dreg:$0x1]  }
0x3: {  	s1 =	srdreg.scid;
	s15 =	rddreg [dreg:$0x2]  }
0x4: {  	s4 =	stileid.u32;
	s3 =	rddreg [dreg:$0x3];
	s12 =	simm.s32 $0x0  }
0x5: {  	s10 =	simm.s32 $0x400;
	s13 =	simm.s32 $0x7A1400;
	s31 =	simm.s32 $0x500  }
0x6: {  	s16 =	simm.s32 $0x1500;
	s17 =	simm.s32 $0xD500;
	s18 =	simm.s32 $0x2500  }
0x7: {  	s19 =	simm.s32 $0xE500;
	s20 =	simm.s32 $0x3500;
	s21 =	simm.s32 $0xF500  }
0x8: {  	s22 =	simm.s32 $0x4500;
	s23 =	simm.s32 $0x10500;
	s28 =	simm.s32 $0x12500  }
0x9: {  	s29 =	simm.s32 $0x7500;
	s30 =	simm.s32 $0x13500;
	s9 =	simm.s32 $0x8500  }
0xa: {  	s6 =	simm.s32 $0xB500;
	s7 =	simm.s32 $0x1;
	s8 =	simm.s32 $0x2  }
0xb: {  	s11 =	simm.s32 $0x3;
	s1 =	sand.u32 $0x1, s1;
	s2 =	sshll.u32 s4, $0x1  }
0xc: {  	s4 =	sshll.u32 s4, $0x7;
	[smem:$0x7FF] =	sst s12;
	s2 =	sor.u32 s1, s2  }
0xd: {  	s1 =	ssub.s32 $0x2, s1;
	_ =	strace $0x80000047;
	s5 =	sshll.u32 s2, $0x4  }
0xe: {  	s24 =	sshrl.u32 s1, $0x1;
	s25 =	sshll.u32 s2, $0x6;
	s4 =	sor.u32 s4, s5  }
0xf: {  	s2 =	simm.s32 $0x4;
	s1 =	ssub.s32 s1, s24;
	s4 =	sand.u32 $0x670, s4  }
0x10: {  	s24 =	simm.s32 $0x5500;
	s26 =	smax.u32 s1, $0x1;
	s0 =	sadd.s32 s4, s0  }
0x11: {  	v0 =	vlaneseq.u32;
	vm0 =	vcmask $0x2320;
	s5 =	simm.s32 $0xA500;
	[dreg:$0x8] =	wrdreg s26;
	s4 =	sadd.s32 $0x400, s0  }
0x12: {  	vm1 =	vcmask $0x2330;
	vm2 =	vcmask $0x2730;
	v1 =	vmul.u32 $0x80, v0;
	s1 =	simm.s32 $0x0;
	s0 =	sadd.s32 $0xC00, s0;
	[dreg:$0x5] =	wrdreg s4  }
0x13: {  	vm3 =	vcmask $0x2B30;
	vm4 =	vmmov $0xfff;
	vm5 =	vmmov $0x1fff;
	s26 =	simm.s32 $0x6500;
	[dreg:$0x6] =	wrdreg s0;
	s0 =	sadd.s32 s3, s25  }
0x14: {  	vm6 =	vmmov $0x3fff;
	vm7 =	vmmov $0x7fff;
	v2 =	vor.u32 $0x800, v1;
	s4 =	simm.s32 $0xC500;
	s25 =	simm.s32 $0x11500;
	[dreg:$0x7] =	wrdreg s0  }
.LBB2_1:
0x15: {  	[dreg:$0x9] =	wrdreg s1  }
0x16: {  	s0 =	rddreg [dreg:$0x5];
	s1 =	simm.s32 $0x80  }
0x17: {  	[tilespmem:s12], [sflag:$0x4] =	stream.strided.gather [hbm4b:s0+s1], $0x200, s10, s1, $0x38;
	[tilespmem:$0x18700] =	vst v63  }
0x18: {  	_ =	swait.ge [sflag:s2], $0x200  }
0x19: {  	[sflag:s2] =	ssyncset.done $0x0  }
0x1a: {  	s3 =	simm.s32 $0x280;
	s12 =	rddreg [dreg:$0x6];
	[sflag:s2] =	ssyncadd.s32 $0xFFFFFE00  }
0x1b: {  	[tilespmem:s3], [sflag:$0x4] =	stream.strided.gather [hbm4b:s12+s1], $0x200, s10, s1, $0x38;
	[tilespmem:$0x18700] =	vst v63  }
0x1c: {  	_ =	swait.ge [sflag:s2], $0x200  }
0x1d: {  	[sflag:s2] =	ssyncset.done $0x0  }
0x1e: {  	[sflag:s2] =	ssyncadd.s32 $0xFFFFFE00  }
0x1f: {  	v3 =	vld [tilespmem:$0x0];
	_ =	sdelay $0x1  }
0x20: {  	v4 =	vld [tilespmem:$0x280];
	_ =	sdelay $0x2  }
0x21: {  	v3 =	vand.u32 $0xFFFFFF80, v3  }
0x22: {  	v3 =	vadd.s32 s14, v3  }
0x23: {  	v4 =	vand.u32 $0xFFFFFF80, v4;
	(v2sf) =	vpush v3, $0x0  }
0x24: {  	v4 =	vadd.s32 s15, v4  }
0x25: {  	(v2sf) =	vpush v4, $0x0;
	_ =	sdelay $0x1  }
0x26: {  	(v2sf) =	vpush v3, $0x1;
	_ =	sdelay $0x1  }
0x27: {  	(v2sf) =	vpush v4, $0x1;
	_ =	sdelay $0x1  }
0x28: {  	(v2sf) =	vpush v3, $0x2;
	_ =	sdelay $0x1  }
0x29: {  	(v2sf) =	vpush v4, $0x2;
	_ =	sdelay $0x1  }
0x2a: {  	(v2sf) =	vpush v3, $0x3;
	_ =	sdelay $0x1  }
0x2b: {  	(v2sf) =	vpush v4, $0x3  }
0x2c: {  	s2 =	spop (v2sf)  }
0x2d: {  	[tilespmem:s31], [sflag:$0x1] =	stream.strided.gather [hbm4b:s2+s10], $0x1000, s13, s10, $0x38;
	[tilespmem:$0x18700] =	vst v63  }
0x2e: {  	s3 =	spop (v2sf)  }
0x2f: {  	[tilespmem:s4], [sflag:$0x1] =	stream.strided.gather [hbm4b:s3+s10], $0x1000, s13, s10, $0x38;
	[tilespmem:$0x18700] =	vst v63  }
0x30: {  	s12 =	spop (v2sf)  }
0x31: {  	[tilespmem:s16], [sflag:$0x1] =	stream.strided.gather [hbm4b:s12+s10], $0x1000, s13, s10, $0x38;
	[tilespmem:$0x18700] =	vst v63  }
0x32: {  	s31 =	spop (v2sf)  }
0x33: {  	[tilespmem:s17], [sflag:$0x1] =	stream.strided.gather [hbm4b:s31+s10], $0x1000, s13, s10, $0x38;
	[tilespmem:$0x18700] =	vst v63  }
0x34: {  	s1 =	spop (v2sf)  }
0x35: {  	[tilespmem:s18], [sflag:$0x1] =	stream.strided.gather [hbm4b:s1+s10], $0x1000, s13, s10, $0x38;
	[tilespmem:$0x18700] =	vst v63  }
0x36: {  	s2 =	spop (v2sf)  }
0x37: {  	[tilespmem:s19], [sflag:$0x1] =	stream.strided.gather [hbm4b:s2+s10], $0x1000, s13, s10, $0x38;
	[tilespmem:$0x18700] =	vst v63  }
0x38: {  	s3 =	spop (v2sf)  }
0x39: {  	[tilespmem:s20], [sflag:$0x1] =	stream.strided.gather [hbm4b:s3+s10], $0x1000, s13, s10, $0x38;
	[tilespmem:$0x18700] =	vst v63  }
0x3a: {  	s4 =	spop (v2sf)  }
0x3b: {  	[tilespmem:s21], [sflag:$0x1] =	stream.strided.gather [hbm4b:s4+s10], $0x1000, s13, s10, $0x38;
	[tilespmem:$0x18700] =	vst v63  }
0x3c: {  	v3 =	vld [tilespmem:$0x4];
	_ =	sdelay $0x1  }
0x3d: {  	v4 =	vld [tilespmem:$0x284];
	_ =	sdelay $0x2  }
0x3e: {  	v3 =	vand.u32 $0xFFFFFF80, v3  }
0x3f: {  	v3 =	vadd.s32 s14, v3  }
0x40: {  	v4 =	vand.u32 $0xFFFFFF80, v4;
	(v2sf) =	vpush v3, $0x0  }
0x41: {  	v4 =	vadd.s32 s15, v4  }
0x42: {  	(v2sf) =	vpush v4, $0x0;
	_ =	sdelay $0x1  }
0x43: {  	(v2sf) =	vpush v3, $0x1;
	_ =	sdelay $0x1  }
0x44: {  	(v2sf) =	vpush v4, $0x1;
	_ =	sdelay $0x1  }
0x45: {  	(v2sf) =	vpush v3, $0x2;
	_ =	sdelay $0x1  }
0x46: {  	(v2sf) =	vpush v4, $0x2;
	_ =	sdelay $0x1  }
0x47: {  	(v2sf) =	vpush v3, $0x3;
	_ =	sdelay $0x1  }
0x48: {  	(v2sf) =	vpush v4, $0x3  }
0x49: {  	s12 =	spop (v2sf)  }
0x4a: {  	[tilespmem:s22], [sflag:$0x2] =	stream.strided.gather [hbm4b:s12+s10], $0x1000, s13, s10, $0x38;
	[tilespmem:$0x18700] =	vst v63  }
0x4b: {  	s16 =	spop (v2sf)  }
0x4c: {  	[tilespmem:s23], [sflag:$0x2] =	stream.strided.gather [hbm4b:s16+s10], $0x1000, s13, s10, $0x38;
	[tilespmem:$0x18700] =	vst v63  }
0x4d: {  	s17 =	spop (v2sf)  }
0x4e: {  	[tilespmem:s24], [sflag:$0x2] =	stream.strided.gather [hbm4b:s17+s10], $0x1000, s13, s10, $0x38;
	[tilespmem:$0x18700] =	vst v63  }
0x4f: {  	s18 =	spop (v2sf)  }
0x50: {  	[tilespmem:s25], [sflag:$0x2] =	stream.strided.gather [hbm4b:s18+s10], $0x1000, s13, s10, $0x38;
	[tilespmem:$0x18700] =	vst v63  }
0x51: {  	s1 =	simm.s32 $0x2;
	s19 =	spop (v2sf)  }
0x52: {  	[tilespmem:s26], [sflag:$0x2] =	stream.strided.gather [hbm4b:s19+s10], $0x1000, s13, s10, $0x38;
	[tilespmem:$0x18700] =	vst v63  }
0x53: {  	s3 =	simm.s32 $0x0;
	s4 =	simm.s32 $0x14500;
	s20 =	spop (v2sf)  }
0x54: {  	[tilespmem:s28], [sflag:$0x2] =	stream.strided.gather [hbm4b:s20+s10], $0x1000, s13, s10, $0x38;
	[tilespmem:$0x18700] =	vst v63  }
0x55: {  	s16 =	simm.s32 $0x9500;
	s17 =	simm.s32 $0x15500;
	s21 =	spop (v2sf)  }
0x56: {  	[tilespmem:s29], [sflag:$0x2] =	stream.strided.gather [hbm4b:s21+s10], $0x1000, s13, s10, $0x38;
	[tilespmem:$0x18700] =	vst v63  }
0x57: {  	s31 =	spop (v2sf);
	s18 =	simm.s32 $0x16500;
	s19 =	simm.s32 $0x17500  }
0x58: {  	v3 =	vimm.f32 $0.0e+00;
	[tilespmem:s30], [sflag:$0x2] =	stream.strided.gather [hbm4b:s31+s10], $0x1000, s13, s10, $0x38;
	[tilespmem:$0x18700] =	vst v63  }
.LBB2_2:
0x59: {  	s31 =	sshra.s32 s3, $0x2  }
0x5a: {  	v4 =	vld [tilespmem:s31+$0x8];
	_ =	sdelay $0x1  }
0x5b: {  	v5 =	vld [tilespmem:s31+$0x288];
	_ =	sdelay $0x2  }
0x5c: {  	v4 =	vand.u32 $0xFFFFFF80, v4  }
0x5d: {  	v4 =	vadd.s32 s14, v4  }
0x5e: {  	v5 =	vand.u32 $0xFFFFFF80, v5;
	(v2sf) =	vpush v4, $0x0  }
0x5f: {  	v5 =	vadd.s32 s15, v5  }
0x60: {  	(v2sf) =	vpush v5, $0x0;
	_ =	sdelay $0x1  }
0x61: {  	(v2sf) =	vpush v4, $0x1;
	_ =	sdelay $0x1  }
0x62: {  	(v2sf) =	vpush v5, $0x1;
	_ =	sdelay $0x1  }
0x63: {  	(v2sf) =	vpush v4, $0x2;
	_ =	sdelay $0x1  }
0x64: {  	(v2sf) =	vpush v5, $0x2;
	_ =	sdelay $0x1  }
0x65: {  	(v2sf) =	vpush v4, $0x3;
	_ =	sdelay $0x1  }
0x66: {  	(v2sf) =	vpush v5, $0x3  }
0x67: {  	s0 =	spop (v2sf)  }
0x68: {  	[tilespmem:s9], [sflag:$0x3] =	stream.strided.gather [hbm4b:s0+s10], $0x1000, s13, s10, $0x38;
	[tilespmem:$0x18700] =	vst v63  }
0x69: {  	s2 =	spop (v2sf)  }
0x6a: {  	[tilespmem:s4], [sflag:$0x3] =	stream.strided.gather [hbm4b:s2+s10], $0x1000, s13, s10, $0x38;
	[tilespmem:$0x18700] =	vst v63  }
0x6b: {  	s4 =	spop (v2sf)  }
0x6c: {  	[tilespmem:s16], [sflag:$0x3] =	stream.strided.gather [hbm4b:s4+s10], $0x1000, s13, s10, $0x38;
	[tilespmem:$0x18700] =	vst v63  }
0x6d: {  	s9 =	spop (v2sf)  }
0x6e: {  	[tilespmem:s17], [sflag:$0x3] =	stream.strided.gather [hbm4b:s9+s10], $0x1000, s13, s10, $0x38;
	[tilespmem:$0x18700] =	vst v63  }
0x6f: {  	s12 =	spop (v2sf)  }
0x70: {  	[tilespmem:s5], [sflag:$0x3] =	stream.strided.gather [hbm4b:s12+s10], $0x1000, s13, s10, $0x38;
	[tilespmem:$0x18700] =	vst v63  }
0x71: {  	s16 =	spop (v2sf)  }
0x72: {  	[tilespmem:s18], [sflag:$0x3] =	stream.strided.gather [hbm4b:s16+s10], $0x1000, s13, s10, $0x38;
	[tilespmem:$0x18700] =	vst v63  }
0x73: {  	s20 =	spop (v2sf)  }
0x74: {  	[tilespmem:s6], [sflag:$0x3] =	stream.strided.gather [hbm4b:s20+s10], $0x1000, s13, s10, $0x38;
	[tilespmem:$0x18700] =	vst v63  }
0x75: {  	s21 =	spop (v2sf)  }
0x76: {  	[tilespmem:s19], [sflag:$0x3] =	stream.strided.gather [hbm4b:s21+s10], $0x1000, s13, s10, $0x38;
	[tilespmem:$0x18700] =	vst v63  }
0x77: {  	_ =	swait.ge [sflag:s7], $0x1000  }
0x78: {  	[sflag:s7] =	ssyncset.done $0x0  }
0x79: {  	[sflag:s7] =	ssyncadd.s32 $0xFFFFF000  }
0x7a: {  	_ =	swait.ge [sflag:s7], $0x1000  }
0x7b: {  	[sflag:s7] =	ssyncset.done $0x0  }
0x7c: {  	[sflag:s7] =	ssyncadd.s32 $0xFFFFF000  }
0x7d: {  	_ =	swait.ge [sflag:s7], $0x1000  }
0x7e: {  	[sflag:s7] =	ssyncset.done $0x0  }
0x7f: {  	[sflag:s7] =	ssyncadd.s32 $0xFFFFF000  }
0x80: {  	_ =	swait.ge [sflag:s7], $0x1000  }
0x81: {  	[sflag:s7] =	ssyncset.done $0x0  }
0x82: {  	[sflag:s7] =	ssyncadd.s32 $0xFFFFF000  }
0x83: {  	_ =	swait.ge [sflag:s7], $0x1000  }
0x84: {  	[sflag:s7] =	ssyncset.done $0x0  }
0x85: {  	[sflag:s7] =	ssyncadd.s32 $0xFFFFF000  }
0x86: {  	_ =	swait.ge [sflag:s7], $0x1000  }
0x87: {  	[sflag:s7] =	ssyncset.done $0x0  }
0x88: {  	[sflag:s7] =	ssyncadd.s32 $0xFFFFF000  }
0x89: {  	_ =	swait.ge [sflag:s7], $0x1000  }
0x8a: {  	[sflag:s7] =	ssyncset.done $0x0  }
0x8b: {  	[sflag:s7] =	ssyncadd.s32 $0xFFFFF000  }
0x8c: {  	_ =	swait.ge [sflag:s7], $0x1000  }
0x8d: {  	[sflag:s7] =	ssyncset.done $0x0  }
0x8e: {  	[sflag:s7] =	ssyncadd.s32 $0xFFFFF000  }
0x8f: {  	v4 =	vld [tilespmem:s31+$0x0];
	_ =	sdelay $0x1  }
0x90: {  	v5 =	vld [tilespmem:s31+$0x280];
	_ =	sdelay $0x2  }
0x91: {  	v4 =	vand.u32 $0x7F, v4  }
0x92: {  	v6 =	vbroadcast v4, $0x0  }
0x93: {  	v5 =	vand.u32 $0x7F, v5  }
0x94: {  	v7 =	vbroadcast v5, $0x0;
	v8 =	vor.u32 v1, v6  }
0x95: {  	v6 =	vor.u32 v2, v6  }
0x96: {  	v10 =	vbroadcast v4, $0x1;
	v9 =	vor.u32 v1, v7  }
0x97: {  	v7 =	vor.u32 v2, v7  }
0x98: {  	s4 =	simm.s32 $0x500;
	v11 =	vbroadcast v5, $0x1;
	v12 =	vor.u32 v1, v10  }
0x99: {  	v10 =	vor.u32 v2, v10;
	v8 =	vld.idx.msk [tilespmem:v8+s4+$0x0], $0xffff  }
0x9a: {  	s16 =	simm.s32 $0xC500;
	v14 =	vbroadcast v4, $0x2;
	v13 =	vor.u32 v1, v11;
	v6 =	vld.idx.msk [tilespmem:v6+s4+$0x0], $0xffff  }
0x9b: {  	v11 =	vor.u32 v2, v11;
	v9 =	vld.idx.msk [tilespmem:v9+s16+$0x0], $0xffff  }
0x9c: {  	s9 =	simm.s32 $0x1500;
	v15 =	vbroadcast v5, $0x2;
	v16 =	vor.u32 v1, v14;
	v7 =	vld.idx.msk [tilespmem:v7+s16+$0x0], $0xffff  }
0x9d: {  	v14 =	vor.u32 v2, v14;
	v12 =	vld.idx.msk [tilespmem:v12+s9+$0x0], $0xffff  }
0x9e: {  	s5 =	simm.s32 $0xD500;
	v4 =	vbroadcast v4, $0x3;
	v17 =	vor.u32 v1, v15;
	v10 =	vld.idx.msk [tilespmem:v10+s9+$0x0], $0xffff  }
0x9f: {  	v15 =	vor.u32 v2, v15;
	v13 =	vld.idx.msk [tilespmem:v13+s5+$0x0], $0xffff  }
0xa0: {  	s19 =	simm.s32 $0x2500;
	v5 =	vbroadcast v5, $0x3;
	v18 =	vor.u32 v1, v4;
	v11 =	vld.idx.msk [tilespmem:v11+s5+$0x0], $0xffff  }
0xa1: {  	v4 =	vor.u32 v2, v4;
	v16 =	vld.idx.msk [tilespmem:v16+s19+$0x0], $0xffff  }
0xa2: {  	s20 =	simm.s32 $0xE500;
	v19 =	vor.u32 v1, v5;
	v14 =	vld.idx.msk [tilespmem:v14+s19+$0x0], $0xffff  }
0xa3: {  	v5 =	vor.u32 v2, v5;
	v17 =	vld.idx.msk [tilespmem:v17+s20+$0x0], $0xffff  }
0xa4: {  	s21 =	simm.s32 $0x3500;
	v15 =	vld.idx.msk [tilespmem:v15+s20+$0x0], $0xffff  }
0xa5: {  	v18 =	vld.idx.msk [tilespmem:v18+s21+$0x0], $0xffff  }
0xa6: {  	s6 =	simm.s32 $0xF500;
	v4 =	vld.idx.msk [tilespmem:v4+s21+$0x0], $0xffff  }
0xa7: {  	v19 =	vld.idx.msk [tilespmem:v19+s6+$0x0], $0xffff;
	v8 =	vmul.f32 v9, v8;
	v6 =	vmul.f32 v7, v6  }
0xa8: {  	v5 =	vld.idx.msk [tilespmem:v5+s6+$0x0], $0xffff  }
0xa9: {  	v6 =	vadd.f32 v6, v8  }
0xaa: {  	v63 =	vmul.f32 v13, v12;
	v12 =	vmul.f32 v11, v10  }
0xab: {  	(xrf2) =	vadd.scan.msk.f32 $0xffff, v6  }
0xac: {  	v13 =	vmul.f32 v17, v16;
	v16 =	vmul.f32 v15, v14;
	v7 =	vadd.f32 v12, v63  }
0xad: {  	v17 =	vmul.f32 v19, v18;
	v4 =	vmul.f32 v5, v4  }
0xae: {  	v5 =	vadd.f32 v16, v13;
	(xrf2) =	vadd.scan.msk.f32 $0xffff, v7  }
0xaf: {  	v4 =	vadd.f32 v4, v17  }
0xb0: {  	(xrf2) =	vadd.scan.msk.f32 $0xffff, v5  }
0xb1: {  	(xrf2) =	vadd.scan.msk.f32 $0xffff, v4;
	_ =	sdelay $0x3  }
0xb2: {  	s2 =	sadd.s32 $0xFFFFFFFE, s1;
	v4, _, _ =	vpop (xrf2)  }
0xb3: {  	s0 =	sand.u32 $0x3, s2;
	v4 =	vbroadcast v4, $0xF  }
0xb4: {  	s2 =	sshll.u32 s0, $0x2  }
0xb5: {  	s12 =	sor.u32 $0x1, s2;
	v5 =	vmov s2;
	v18, _, _ =	vpop (xrf2)  }
0xb6: {  	vm8 =	veq.s32 v5, v0;
	v5 =	vmov s12;
	v6 =	vbroadcast v18, $0xF  }
0xb7: {  	s2 =	sor.u32 $0x2, s2;
	v3 =	vsel vm8, v4, v3;
	vm8 =	veq.s32 v5, v0;
	v4, _, _ =	vpop (xrf2)  }
0xb8: {  	s12 =	sshllo.u32 s0, $0x2;
	v5 =	vmov s2;
	v3 =	vsel vm8, v6, v3;
	v4 =	vbroadcast v4, $0xF;
	v19, _, _ =	vpop (xrf2)  }
0xb9: {  	vm8 =	veq.s32 v5, v0;
	v5 =	vmov s12;
	v6 =	vbroadcast v19, $0xF  }
0xba: {  	s12 =	sand.u32 $0xFC0, s3;
	v3 =	vsel vm8, v4, v3;
	vm8 =	veq.s32 v5, v0  }
0xbb: {  	s2 =	sshrl.u32 s12, $0x2;
	v3 =	vsel vm8, v6, v3  }
0xbc: {  	[tilespmem:s2+$0x18500] =	vst v3  }
0xbd: {  	v4 =	vld [tilespmem:s31+$0xC];
	_ =	sdelay $0x1  }
0xbe: {  	v5 =	vld [tilespmem:s31+$0x28C];
	_ =	sdelay $0x2  }
0xbf: {  	v4 =	vand.u32 $0xFFFFFF80, v4  }
0xc0: {  	v4 =	vadd.s32 s14, v4  }
0xc1: {  	v5 =	vand.u32 $0xFFFFFF80, v5;
	(v2sf) =	vpush v4, $0x0  }
0xc2: {  	v5 =	vadd.s32 s15, v5  }
0xc3: {  	(v2sf) =	vpush v5, $0x0;
	_ =	sdelay $0x1  }
0xc4: {  	(v2sf) =	vpush v4, $0x1;
	_ =	sdelay $0x1  }
0xc5: {  	(v2sf) =	vpush v5, $0x1;
	_ =	sdelay $0x1  }
0xc6: {  	(v2sf) =	vpush v4, $0x2;
	_ =	sdelay $0x1  }
0xc7: {  	(v2sf) =	vpush v5, $0x2;
	_ =	sdelay $0x1  }
0xc8: {  	(v2sf) =	vpush v4, $0x3;
	_ =	sdelay $0x1  }
0xc9: {  	(v2sf) =	vpush v5, $0x3  }
0xca: {  	s12 =	spop (v2sf)  }
0xcb: {  	[tilespmem:s4], [sflag:$0x1] =	stream.strided.gather [hbm4b:s12+s10], $0x1000, s13, s10, $0x38;
	[tilespmem:$0x18700] =	vst v63  }
0xcc: {  	s12 =	spop (v2sf)  }
0xcd: {  	[tilespmem:s16], [sflag:$0x1] =	stream.strided.gather [hbm4b:s12+s10], $0x1000, s13, s10, $0x38;
	[tilespmem:$0x18700] =	vst v63  }
0xce: {  	s12 =	spop (v2sf)  }
0xcf: {  	[tilespmem:s9], [sflag:$0x1] =	stream.strided.gather [hbm4b:s12+s10], $0x1000, s13, s10, $0x38;
	[tilespmem:$0x18700] =	vst v63  }
0xd0: {  	s12 =	spop (v2sf)  }
0xd1: {  	[tilespmem:s5], [sflag:$0x1] =	stream.strided.gather [hbm4b:s12+s10], $0x1000, s13, s10, $0x38;
	[tilespmem:$0x18700] =	vst v63  }
0xd2: {  	s12 =	spop (v2sf)  }
0xd3: {  	[tilespmem:s19], [sflag:$0x1] =	stream.strided.gather [hbm4b:s12+s10], $0x1000, s13, s10, $0x38;
	[tilespmem:$0x18700] =	vst v63  }
0xd4: {  	s12 =	spop (v2sf)  }
0xd5: {  	[tilespmem:s20], [sflag:$0x1] =	stream.strided.gather [hbm4b:s12+s10], $0x1000, s13, s10, $0x38;
	[tilespmem:$0x18700] =	vst v63  }
0xd6: {  	s20 =	spop (v2sf)  }
0xd7: {  	[tilespmem:s21], [sflag:$0x1] =	stream.strided.gather [hbm4b:s20+s10], $0x1000, s13, s10, $0x38;
	[tilespmem:$0x18700] =	vst v63  }
0xd8: {  	s21 =	spop (v2sf)  }
0xd9: {  	[tilespmem:s6], [sflag:$0x1] =	stream.strided.gather [hbm4b:s21+s10], $0x1000, s13, s10, $0x38;
	[tilespmem:$0x18700] =	vst v63  }
0xda: {  	_ =	swait.ge [sflag:s8], $0x1000  }
0xdb: {  	[sflag:s8] =	ssyncset.done $0x0  }
0xdc: {  	[sflag:s8] =	ssyncadd.s32 $0xFFFFF000  }
0xdd: {  	_ =	swait.ge [sflag:s8], $0x1000  }
0xde: {  	[sflag:s8] =	ssyncset.done $0x0  }
0xdf: {  	[sflag:s8] =	ssyncadd.s32 $0xFFFFF000  }
0xe0: {  	_ =	swait.ge [sflag:s8], $0x1000  }
0xe1: {  	[sflag:s8] =	ssyncset.done $0x0  }
0xe2: {  	[sflag:s8] =	ssyncadd.s32 $0xFFFFF000  }
0xe3: {  	_ =	swait.ge [sflag:s8], $0x1000  }
0xe4: {  	[sflag:s8] =	ssyncset.done $0x0  }
0xe5: {  	[sflag:s8] =	ssyncadd.s32 $0xFFFFF000  }
0xe6: {  	_ =	swait.ge [sflag:s8], $0x1000  }
0xe7: {  	[sflag:s8] =	ssyncset.done $0x0  }
0xe8: {  	[sflag:s8] =	ssyncadd.s32 $0xFFFFF000  }
0xe9: {  	_ =	swait.ge [sflag:s8], $0x1000  }
0xea: {  	[sflag:s8] =	ssyncset.done $0x0  }
0xeb: {  	[sflag:s8] =	ssyncadd.s32 $0xFFFFF000  }
0xec: {  	_ =	swait.ge [sflag:s8], $0x1000  }
0xed: {  	[sflag:s8] =	ssyncset.done $0x0  }
0xee: {  	[sflag:s8] =	ssyncadd.s32 $0xFFFFF000  }
0xef: {  	_ =	swait.ge [sflag:s8], $0x1000  }
0xf0: {  	[sflag:s8] =	ssyncset.done $0x0  }
0xf1: {  	[sflag:s8] =	ssyncadd.s32 $0xFFFFF000  }
0xf2: {  	v4 =	vld [tilespmem:s31+$0x4];
	_ =	sdelay $0x1  }
0xf3: {  	v5 =	vld [tilespmem:s31+$0x284];
	_ =	sdelay $0x2  }
0xf4: {  	v4 =	vand.u32 $0x7F, v4  }
0xf5: {  	v20 =	vbroadcast v4, $0x0  }
0xf6: {  	v5 =	vand.u32 $0x7F, v5  }
0xf7: {  	v21 =	vbroadcast v5, $0x0;
	v22 =	vor.u32 v1, v20  }
0xf8: {  	v6 =	vor.u32 v2, v20  }
0xf9: {  	v24 =	vbroadcast v4, $0x1;
	v23 =	vor.u32 v1, v21  }
0xfa: {  	v7 =	vor.u32 v2, v21  }
0xfb: {  	v25 =	vbroadcast v5, $0x1;
	v26 =	vor.u32 v1, v24  }
0xfc: {  	v10 =	vor.u32 v2, v24;
	v8 =	vld.idx.msk [tilespmem:v22+s22+$0x0], $0xffff  }
0xfd: {  	v28 =	vbroadcast v4, $0x2;
	v27 =	vor.u32 v1, v25;
	v6 =	vld.idx.msk [tilespmem:v6+s22+$0x0], $0xffff  }
0xfe: {  	v11 =	vor.u32 v2, v25;
	v9 =	vld.idx.msk [tilespmem:v23+s23+$0x0], $0xffff  }
0xff: {  	v29 =	vbroadcast v5, $0x2;
	v30 =	vor.u32 v1, v28;
	v7 =	vld.idx.msk [tilespmem:v7+s23+$0x0], $0xffff  }
0x100: {  	v14 =	vor.u32 v2, v28;
	v12 =	vld.idx.msk [tilespmem:v26+s24+$0x0], $0xffff  }
0x101: {  	v4 =	vbroadcast v4, $0x3;
	v31 =	vor.u32 v1, v29;
	v10 =	vld.idx.msk [tilespmem:v10+s24+$0x0], $0xffff  }
0x102: {  	v15 =	vor.u32 v2, v29;
	v13 =	vld.idx.msk [tilespmem:v27+s25+$0x0], $0xffff  }
0x103: {  	v5 =	vbroadcast v5, $0x3;
	v32 =	vor.u32 v1, v4;
	v11 =	vld.idx.msk [tilespmem:v11+s25+$0x0], $0xffff  }
0x104: {  	v4 =	vor.u32 v2, v4;
	v16 =	vld.idx.msk [tilespmem:v30+s26+$0x0], $0xffff  }
0x105: {  	v33 =	vor.u32 v1, v5;
	v14 =	vld.idx.msk [tilespmem:v14+s26+$0x0], $0xffff  }
0x106: {  	v5 =	vor.u32 v2, v5;
	v17 =	vld.idx.msk [tilespmem:v31+s28+$0x0], $0xffff  }
0x107: {  	v15 =	vld.idx.msk [tilespmem:v15+s28+$0x0], $0xffff  }
0x108: {  	v18 =	vld.idx.msk [tilespmem:v32+s29+$0x0], $0xffff  }
0x109: {  	v4 =	vld.idx.msk [tilespmem:v4+s29+$0x0], $0xffff  }
0x10a: {  	v19 =	vld.idx.msk [tilespmem:v33+s30+$0x0], $0xffff;
	v8 =	vmul.f32 v9, v8;
	v6 =	vmul.f32 v7, v6  }
0x10b: {  	v5 =	vld.idx.msk [tilespmem:v5+s30+$0x0], $0xffff  }
0x10c: {  	v6 =	vadd.f32 v6, v8  }
0x10d: {  	v34 =	vmul.f32 v13, v12;
	v35 =	vmul.f32 v11, v10  }
0x10e: {  	(xrf2) =	vadd.scan.msk.f32 $0xffff, v6  }
0x10f: {  	v36 =	vmul.f32 v17, v16;
	v37 =	vmul.f32 v15, v14;
	v7 =	vadd.f32 v35, v34  }
0x110: {  	v38 =	vmul.f32 v19, v18;
	v4 =	vmul.f32 v5, v4  }
0x111: {  	v5 =	vadd.f32 v37, v36;
	(xrf2) =	vadd.scan.msk.f32 $0xffff, v7  }
0x112: {  	v4 =	vadd.f32 v4, v38  }
0x113: {  	(xrf2) =	vadd.scan.msk.f32 $0xffff, v5  }
0x114: {  	(xrf2) =	vadd.scan.msk.f32 $0xffff, v4;
	_ =	sdelay $0x3  }
0x115: {  	s12 =	sadd.s32 $0xFFFFFFFF, s1;
	v4, _, _ =	vpop (xrf2)  }
0x116: {  	s2 =	sand.u32 $0x3, s12;
	v4 =	vbroadcast v4, $0xF  }
0x117: {  	p0 =	seq.s32 s0, $0x3;
	s20 =	sshll.u32 s2, $0x2  }
0x118: {  	v3 =	vpsel p0, $0x0, v3;
	s21 =	sor.u32 $0x1, s20;
	v5 =	vmov s20;
	v39, _, _ =	vpop (xrf2)  }
0x119: {  	vm8 =	veq.s32 v5, v0;
	v5 =	vmov s21;
	v6 =	vbroadcast v39, $0xF  }
0x11a: {  	s0 =	sor.u32 $0x2, s20;
	v3 =	vsel vm8, v4, v3;
	vm8 =	veq.s32 v5, v0;
	v4, _, _ =	vpop (xrf2)  }
0x11b: {  	s12 =	sshllo.u32 s2, $0x2;
	v5 =	vmov s0;
	v3 =	vsel vm8, v6, v3;
	v4 =	vbroadcast v4, $0xF;
	v40, _, _ =	vpop (xrf2)  }
0x11c: {  	s20 =	sadd.s32 $0x10, s3;
	vm8 =	veq.s32 v5, v0;
	v5 =	vmov s12;
	v6 =	vbroadcast v40, $0xF  }
0x11d: {  	s0 =	sand.u32 $0x1FC0, s20;
	v3 =	vsel vm8, v4, v3;
	vm8 =	veq.s32 v5, v0  }
0x11e: {  	s0 =	sshrl.u32 s0, $0x2;
	v3 =	vsel vm8, v6, v3  }
0x11f: {  	[tilespmem:s0+$0x18500] =	vst v3  }
0x120: {  	v4 =	vld [tilespmem:s31+$0x10];
	_ =	sdelay $0x1  }
0x121: {  	v5 =	vld [tilespmem:s31+$0x290];
	_ =	sdelay $0x2  }
0x122: {  	v4 =	vand.u32 $0xFFFFFF80, v4  }
0x123: {  	v4 =	vadd.s32 s14, v4  }
0x124: {  	v5 =	vand.u32 $0xFFFFFF80, v5;
	(v2sf) =	vpush v4, $0x0  }
0x125: {  	v5 =	vadd.s32 s15, v5  }
0x126: {  	(v2sf) =	vpush v5, $0x0;
	_ =	sdelay $0x1  }
0x127: {  	(v2sf) =	vpush v4, $0x1;
	_ =	sdelay $0x1  }
0x128: {  	(v2sf) =	vpush v5, $0x1;
	_ =	sdelay $0x1  }
0x129: {  	(v2sf) =	vpush v4, $0x2;
	_ =	sdelay $0x1  }
0x12a: {  	(v2sf) =	vpush v5, $0x2;
	_ =	sdelay $0x1  }
0x12b: {  	(v2sf) =	vpush v4, $0x3;
	_ =	sdelay $0x1  }
0x12c: {  	(v2sf) =	vpush v5, $0x3  }
0x12d: {  	s21 =	spop (v2sf)  }
0x12e: {  	[tilespmem:s22], [sflag:$0x2] =	stream.strided.gather [hbm4b:s21+s10], $0x1000, s13, s10, $0x38;
	[tilespmem:$0x18700] =	vst v63  }
0x12f: {  	s12 =	spop (v2sf)  }
0x130: {  	[tilespmem:s23], [sflag:$0x2] =	stream.strided.gather [hbm4b:s12+s10], $0x1000, s13, s10, $0x38;
	[tilespmem:$0x18700] =	vst v63  }
0x131: {  	s20 =	spop (v2sf)  }
0x132: {  	[tilespmem:s24], [sflag:$0x2] =	stream.strided.gather [hbm4b:s20+s10], $0x1000, s13, s10, $0x38;
	[tilespmem:$0x18700] =	vst v63  }
0x133: {  	s21 =	spop (v2sf)  }
0x134: {  	[tilespmem:s25], [sflag:$0x2] =	stream.strided.gather [hbm4b:s21+s10], $0x1000, s13, s10, $0x38;
	[tilespmem:$0x18700] =	vst v63  }
0x135: {  	s12 =	spop (v2sf)  }
0x136: {  	[tilespmem:s26], [sflag:$0x2] =	stream.strided.gather [hbm4b:s12+s10], $0x1000, s13, s10, $0x38;
	[tilespmem:$0x18700] =	vst v63  }
0x137: {  	s20 =	spop (v2sf)  }
0x138: {  	[tilespmem:s28], [sflag:$0x2] =	stream.strided.gather [hbm4b:s20+s10], $0x1000, s13, s10, $0x38;
	[tilespmem:$0x18700] =	vst v63  }
0x139: {  	s21 =	spop (v2sf)  }
0x13a: {  	[tilespmem:s29], [sflag:$0x2] =	stream.strided.gather [hbm4b:s21+s10], $0x1000, s13, s10, $0x38;
	[tilespmem:$0x18700] =	vst v63  }
0x13b: {  	s12 =	spop (v2sf)  }
0x13c: {  	[tilespmem:s30], [sflag:$0x2] =	stream.strided.gather [hbm4b:s12+s10], $0x1000, s13, s10, $0x38;
	[tilespmem:$0x18700] =	vst v63  }
0x13d: {  	_ =	swait.ge [sflag:s11], $0x1000  }
0x13e: {  	[sflag:s11] =	ssyncset.done $0x0  }
0x13f: {  	[sflag:s11] =	ssyncadd.s32 $0xFFFFF000  }
0x140: {  	_ =	swait.ge [sflag:s11], $0x1000  }
0x141: {  	[sflag:s11] =	ssyncset.done $0x0  }
0x142: {  	[sflag:s11] =	ssyncadd.s32 $0xFFFFF000  }
0x143: {  	_ =	swait.ge [sflag:s11], $0x1000  }
0x144: {  	[sflag:s11] =	ssyncset.done $0x0  }
0x145: {  	[sflag:s11] =	ssyncadd.s32 $0xFFFFF000  }
0x146: {  	_ =	swait.ge [sflag:s11], $0x1000  }
0x147: {  	[sflag:s11] =	ssyncset.done $0x0  }
0x148: {  	[sflag:s11] =	ssyncadd.s32 $0xFFFFF000  }
0x149: {  	_ =	swait.ge [sflag:s11], $0x1000  }
0x14a: {  	[sflag:s11] =	ssyncset.done $0x0  }
0x14b: {  	[sflag:s11] =	ssyncadd.s32 $0xFFFFF000  }
0x14c: {  	_ =	swait.ge [sflag:s11], $0x1000  }
0x14d: {  	[sflag:s11] =	ssyncset.done $0x0  }
0x14e: {  	[sflag:s11] =	ssyncadd.s32 $0xFFFFF000  }
0x14f: {  	_ =	swait.ge [sflag:s11], $0x1000  }
0x150: {  	[sflag:s11] =	ssyncset.done $0x0  }
0x151: {  	[sflag:s11] =	ssyncadd.s32 $0xFFFFF000  }
0x152: {  	_ =	swait.ge [sflag:s11], $0x1000  }
0x153: {  	[sflag:s11] =	ssyncset.done $0x0  }
0x154: {  	[sflag:s11] =	ssyncadd.s32 $0xFFFFF000  }
0x155: {  	v4 =	vld [tilespmem:s31+$0x8];
	_ =	sdelay $0x1  }
0x156: {  	v5 =	vld [tilespmem:s31+$0x288];
	_ =	sdelay $0x2  }
0x157: {  	v4 =	vand.u32 $0x7F, v4  }
0x158: {  	v41 =	vbroadcast v4, $0x0  }
0x159: {  	v5 =	vand.u32 $0x7F, v5  }
0x15a: {  	v42 =	vbroadcast v5, $0x0;
	v43 =	vor.u32 v1, v41  }
0x15b: {  	v6 =	vor.u32 v2, v41  }
0x15c: {  	v45 =	vbroadcast v4, $0x1;
	v44 =	vor.u32 v1, v42  }
0x15d: {  	v7 =	vor.u32 v2, v42  }
0x15e: {  	s9 =	simm.s32 $0x8500;
	v46 =	vbroadcast v5, $0x1;
	v47 =	vor.u32 v1, v45  }
0x15f: {  	v10 =	vor.u32 v2, v45;
	v8 =	vld.idx.msk [tilespmem:v43+s9+$0x0], $0xffff  }
0x160: {  	s4 =	simm.s32 $0x14500;
	v49 =	vbroadcast v4, $0x2;
	v48 =	vor.u32 v1, v46;
	v6 =	vld.idx.msk [tilespmem:v6+s9+$0x0], $0xffff  }
0x161: {  	v11 =	vor.u32 v2, v46;
	v9 =	vld.idx.msk [tilespmem:v44+s4+$0x0], $0xffff  }
0x162: {  	s16 =	simm.s32 $0x9500;
	v50 =	vbroadcast v5, $0x2;
	v51 =	vor.u32 v1, v49;
	v7 =	vld.idx.msk [tilespmem:v7+s4+$0x0], $0xffff  }
0x163: {  	v14 =	vor.u32 v2, v49;
	v12 =	vld.idx.msk [tilespmem:v47+s16+$0x0], $0xffff  }
0x164: {  	v4 =	vbroadcast v4, $0x3;
	v52 =	vor.u32 v1, v50;
	v10 =	vld.idx.msk [tilespmem:v10+s16+$0x0], $0xffff  }
0x165: {  	v15 =	vor.u32 v2, v50;
	v13 =	vld.idx.msk [tilespmem:v48+s17+$0x0], $0xffff  }
0x166: {  	s5 =	simm.s32 $0xA500;
	v5 =	vbroadcast v5, $0x3;
	v53 =	vor.u32 v1, v4;
	v11 =	vld.idx.msk [tilespmem:v11+s17+$0x0], $0xffff  }
0x167: {  	v4 =	vor.u32 v2, v4;
	v16 =	vld.idx.msk [tilespmem:v51+s5+$0x0], $0xffff  }
0x168: {  	v54 =	vor.u32 v1, v5;
	v14 =	vld.idx.msk [tilespmem:v14+s5+$0x0], $0xffff  }
0x169: {  	v5 =	vor.u32 v2, v5;
	v17 =	vld.idx.msk [tilespmem:v52+s18+$0x0], $0xffff  }
0x16a: {  	s6 =	simm.s32 $0xB500;
	v15 =	vld.idx.msk [tilespmem:v15+s18+$0x0], $0xffff  }
0x16b: {  	v18 =	vld.idx.msk [tilespmem:v53+s6+$0x0], $0xffff  }
0x16c: {  	s19 =	simm.s32 $0x17500;
	v4 =	vld.idx.msk [tilespmem:v4+s6+$0x0], $0xffff  }
0x16d: {  	v19 =	vld.idx.msk [tilespmem:v54+s19+$0x0], $0xffff  }
0x16e: {  	v5 =	vld.idx.msk [tilespmem:v5+s19+$0x0], $0xffff  }
0x16f: {  	v8 =	vmul.f32 v9, v8;
	v6 =	vmul.f32 v7, v6  }
0x170: {  	v55 =	vmul.f32 v13, v12;
	v56 =	vmul.f32 v11, v10  }
0x171: {  	v6 =	vadd.f32 v6, v8  }
0x172: {  	v57 =	vmul.f32 v17, v16;
	v58 =	vmul.f32 v15, v14;
	v7 =	vadd.f32 v56, v55  }
0x173: {  	v59 =	vmul.f32 v19, v18;
	v4 =	vmul.f32 v5, v4;
	(xrf2) =	vadd.scan.msk.f32 $0xffff, v6  }
0x174: {  	v5 =	vadd.f32 v58, v57;
	(xrf2) =	vadd.scan.msk.f32 $0xffff, v7  }
0x175: {  	v4 =	vadd.f32 v4, v59  }
0x176: {  	(xrf2) =	vadd.scan.msk.f32 $0xffff, v5  }
0x177: {  	(xrf2) =	vadd.scan.msk.f32 $0xffff, v4;
	_ =	sdelay $0x4  }
0x178: {  	s0 =	sand.u32 $0x3, s1  }
0x179: {  	p5 =	seq.s32 s2, $0x3;
	s20 =	sshll.u32 s0, $0x2;
	v4, _, _ =	vpop (xrf2)  }
0x17a: {  	v3 =	vpsel p5, $0x0, v3;
	v61 =	vmov s20;
	s21 =	sor.u32 $0x1, s20;
	v60, _, _ =	vpop (xrf2);
	v4 =	vbroadcast v4, $0xF  }
0x17b: {  	vm8 =	veq.s32 v61, v0;
	v5 =	vmov s21;
	v6 =	vbroadcast v60, $0xF  }
0x17c: {  	p1 =	sne.s32 s3, $0x7B0;
	s12 =	sor.u32 $0x2, s20;
	v62, _, _ =	vpop (xrf2);
	v3 =	vsel vm8, v4, v3;
	vm8 =	veq.s32 v5, v0  }
.Ltmp0:
0x17d: {  	s20 =	sshllo.u32 s0, $0x2;
	v4 =	vmov s12;
	v5 =	vbroadcast v62, $0xF;
	v63, _, _ =	vpop (xrf2);
	v3 =	vsel vm8, v6, v3;
	(pc) =	sbr.rel @p1 .LBB2_2-.Ltmp0, $4  }
0x17e: {  	s21 =	sadd.s32 $0x20, s3;
	vm8 =	veq.s32 v4, v0;
	v4 =	vmov s20;
	v6 =	vbroadcast v63, $0xF  }
0x17f: {  	s2 =	sand.u32 $0x1FC0, s21;
	v3 =	vsel vm8, v5, v3;
	vm8 =	veq.s32 v4, v0  }
0x180: {  	p6 =	seq.s32 s0, $0x3;
	s31 =	sshrl.u32 s2, $0x2;
	v3 =	vsel vm8, v6, v3  }
0x181: {  	s1 =	sadd.s32 $0x3, s1;
	s3 =	sadd.s32 $0x30, s3;
	[tilespmem:s31+$0x18500] =	vst v3;
	v3 =	vpsel p6, $0x0, v3  }
0x182: {  	_ =	swait.ge [sflag:s7], $0x1000  }
0x183: {  	[sflag:s7] =	ssyncset.done $0x0  }
0x184: {  	[sflag:s7] =	ssyncadd.s32 $0xFFFFF000  }
0x185: {  	_ =	swait.ge [sflag:s7], $0x1000  }
0x186: {  	[sflag:s7] =	ssyncset.done $0x0  }
0x187: {  	[sflag:s7] =	ssyncadd.s32 $0xFFFFF000  }
0x188: {  	_ =	swait.ge [sflag:s7], $0x1000  }
0x189: {  	[sflag:s7] =	ssyncset.done $0x0  }
0x18a: {  	[sflag:s7] =	ssyncadd.s32 $0xFFFFF000  }
0x18b: {  	_ =	swait.ge [sflag:s7], $0x1000  }
0x18c: {  	[sflag:s7] =	ssyncset.done $0x0  }
0x18d: {  	[sflag:s7] =	ssyncadd.s32 $0xFFFFF000  }
0x18e: {  	_ =	swait.ge [sflag:s7], $0x1000  }
0x18f: {  	[sflag:s7] =	ssyncset.done $0x0  }
0x190: {  	[sflag:s7] =	ssyncadd.s32 $0xFFFFF000  }
0x191: {  	_ =	swait.ge [sflag:s7], $0x1000  }
0x192: {  	[sflag:s7] =	ssyncset.done $0x0  }
0x193: {  	[sflag:s7] =	ssyncadd.s32 $0xFFFFF000  }
0x194: {  	_ =	swait.ge [sflag:s7], $0x1000  }
0x195: {  	[sflag:s7] =	ssyncset.done $0x0  }
0x196: {  	[sflag:s7] =	ssyncadd.s32 $0xFFFFF000  }
0x197: {  	_ =	swait.ge [sflag:s7], $0x1000  }
0x198: {  	[sflag:s7] =	ssyncset.done $0x0  }
0x199: {  	[sflag:s7] =	ssyncadd.s32 $0xFFFFF000  }
0x19a: {  	v4 =	vld [tilespmem:$0x1F8];
	_ =	sdelay $0x1  }
0x19b: {  	v5 =	vld [tilespmem:$0x478];
	_ =	sdelay $0x2  }
0x19c: {  	v4 =	vand.u32 $0x7F, v4  }
0x19d: {  	v6 =	vbroadcast v4, $0x0  }
0x19e: {  	v5 =	vand.u32 $0x7F, v5  }
0x19f: {  	v7 =	vbroadcast v5, $0x0;
	v8 =	vor.u32 v1, v6  }
0x1a0: {  	v6 =	vor.u32 v2, v6  }
0x1a1: {  	v10 =	vbroadcast v4, $0x1;
	v9 =	vor.u32 v1, v7  }
0x1a2: {  	v7 =	vor.u32 v2, v7  }
0x1a3: {  	s0 =	simm.s32 $0x500;
	v11 =	vbroadcast v5, $0x1;
	v12 =	vor.u32 v1, v10  }
0x1a4: {  	v10 =	vor.u32 v2, v10;
	v8 =	vld.idx.msk [tilespmem:v8+s0+$0x0], $0xffff  }
0x1a5: {  	s17 =	simm.s32 $0xC500;
	v14 =	vbroadcast v4, $0x2;
	v13 =	vor.u32 v1, v11;
	v6 =	vld.idx.msk [tilespmem:v6+s0+$0x0], $0xffff  }
0x1a6: {  	v11 =	vor.u32 v2, v11;
	v9 =	vld.idx.msk [tilespmem:v9+s17+$0x0], $0xffff  }
0x1a7: {  	s18 =	simm.s32 $0x1500;
	v15 =	vbroadcast v5, $0x2;
	v16 =	vor.u32 v1, v14;
	v7 =	vld.idx.msk [tilespmem:v7+s17+$0x0], $0xffff  }
0x1a8: {  	v14 =	vor.u32 v2, v14;
	v12 =	vld.idx.msk [tilespmem:v12+s18+$0x0], $0xffff  }
0x1a9: {  	s19 =	simm.s32 $0xD500;
	v4 =	vbroadcast v4, $0x3;
	v17 =	vor.u32 v1, v15;
	v10 =	vld.idx.msk [tilespmem:v10+s18+$0x0], $0xffff  }
0x1aa: {  	v15 =	vor.u32 v2, v15;
	v13 =	vld.idx.msk [tilespmem:v13+s19+$0x0], $0xffff  }
0x1ab: {  	s20 =	simm.s32 $0x2500;
	v5 =	vbroadcast v5, $0x3;
	v18 =	vor.u32 v1, v4;
	v11 =	vld.idx.msk [tilespmem:v11+s19+$0x0], $0xffff  }
0x1ac: {  	v4 =	vor.u32 v2, v4;
	v16 =	vld.idx.msk [tilespmem:v16+s20+$0x0], $0xffff  }
0x1ad: {  	s21 =	simm.s32 $0xE500;
	v19 =	vor.u32 v1, v5;
	v14 =	vld.idx.msk [tilespmem:v14+s20+$0x0], $0xffff  }
0x1ae: {  	v5 =	vor.u32 v2, v5;
	v17 =	vld.idx.msk [tilespmem:v17+s21+$0x0], $0xffff  }
0x1af: {  	s1 =	simm.s32 $0x3500;
	v15 =	vld.idx.msk [tilespmem:v15+s21+$0x0], $0xffff  }
0x1b0: {  	v18 =	vld.idx.msk [tilespmem:v18+s1+$0x0], $0xffff  }
0x1b1: {  	s2 =	simm.s32 $0xF500;
	v4 =	vld.idx.msk [tilespmem:v4+s1+$0x0], $0xffff  }
0x1b2: {  	v19 =	vld.idx.msk [tilespmem:v19+s2+$0x0], $0xffff  }
0x1b3: {  	v5 =	vld.idx.msk [tilespmem:v5+s2+$0x0], $0xffff;
	_ =	sdelay $0x1  }
0x1b4: {  	v8 =	vmul.f32 v9, v8;
	v6 =	vmul.f32 v7, v6  }
0x1b5: {  	v26 =	vmul.f32 v13, v12;
	v27 =	vmul.f32 v11, v10  }
0x1b6: {  	v28 =	vmul.f32 v17, v16;
	v29 =	vmul.f32 v15, v14;
	v6 =	vadd.f32 v6, v8  }
0x1b7: {  	v30 =	vmul.f32 v19, v18;
	v4 =	vmul.f32 v5, v4;
	v7 =	vadd.f32 v27, v26  }
0x1b8: {  	v31 =	vadd.f32 v29, v28;
	(xrf2) =	vadd.scan.msk.f32 $0xffff, v6  }
0x1b9: {  	v4 =	vadd.f32 v4, v30;
	(xrf2) =	vadd.scan.msk.f32 $0xffff, v7  }
0x1ba: {  	(xrf2) =	vadd.scan.msk.f32 $0xffff, v31  }
0x1bb: {  	(xrf2) =	vadd.scan.msk.f32 $0xffff, v4;
	_ =	sdelay $0x6  }
0x1bc: {  	v32, _, _ =	vpop (xrf2)  }
0x1bd: {  	v4 =	vbroadcast v32, $0xF;
	v33, _, _ =	vpop (xrf2)  }
0x1be: {  	v5 =	vbroadcast v33, $0xF;
	v34, _, _ =	vpop (xrf2)  }
0x1bf: {  	v3 =	vsel vm0, v4, v3;
	v35 =	vbroadcast v34, $0xF;
	v36, _, _ =	vpop (xrf2)  }
0x1c0: {  	v3 =	vsel vm1, v3, v5;
	v37 =	vbroadcast v36, $0xF  }
0x1c1: {  	v3 =	vsel vm2, v3, v35  }
0x1c2: {  	v3 =	vsel vm3, v3, v37  }
0x1c3: {  	[tilespmem:$0x186F0] =	vst v3  }
0x1c4: {  	_ =	swait.ge [sflag:s8], $0x1000  }
0x1c5: {  	[sflag:s8] =	ssyncset.done $0x0  }
0x1c6: {  	[sflag:s8] =	ssyncadd.s32 $0xFFFFF000  }
0x1c7: {  	_ =	swait.ge [sflag:s8], $0x1000  }
0x1c8: {  	[sflag:s8] =	ssyncset.done $0x0  }
0x1c9: {  	[sflag:s8] =	ssyncadd.s32 $0xFFFFF000  }
0x1ca: {  	_ =	swait.ge [sflag:s8], $0x1000  }
0x1cb: {  	[sflag:s8] =	ssyncset.done $0x0  }
0x1cc: {  	[sflag:s8] =	ssyncadd.s32 $0xFFFFF000  }
0x1cd: {  	_ =	swait.ge [sflag:s8], $0x1000  }
0x1ce: {  	[sflag:s8] =	ssyncset.done $0x0  }
0x1cf: {  	[sflag:s8] =	ssyncadd.s32 $0xFFFFF000  }
0x1d0: {  	_ =	swait.ge [sflag:s8], $0x1000  }
0x1d1: {  	[sflag:s8] =	ssyncset.done $0x0  }
0x1d2: {  	[sflag:s8] =	ssyncadd.s32 $0xFFFFF000  }
0x1d3: {  	_ =	swait.ge [sflag:s8], $0x1000  }
0x1d4: {  	[sflag:s8] =	ssyncset.done $0x0  }
0x1d5: {  	[sflag:s8] =	ssyncadd.s32 $0xFFFFF000  }
0x1d6: {  	_ =	swait.ge [sflag:s8], $0x1000  }
0x1d7: {  	[sflag:s8] =	ssyncset.done $0x0  }
0x1d8: {  	[sflag:s8] =	ssyncadd.s32 $0xFFFFF000  }
0x1d9: {  	_ =	swait.ge [sflag:s8], $0x1000  }
0x1da: {  	[sflag:s8] =	ssyncset.done $0x0  }
0x1db: {  	[sflag:s8] =	ssyncadd.s32 $0xFFFFF000  }
0x1dc: {  	v38 =	vld [tilespmem:$0x1FC];
	_ =	sdelay $0x1  }
0x1dd: {  	v39 =	vld [tilespmem:$0x47C];
	_ =	sdelay $0x2  }
0x1de: {  	v4 =	vand.u32 $0x7F, v38  }
0x1df: {  	v40 =	vbroadcast v4, $0x0  }
0x1e0: {  	v5 =	vand.u32 $0x7F, v39  }
0x1e1: {  	v41 =	vbroadcast v5, $0x0;
	v42 =	vor.u32 v1, v40  }
0x1e2: {  	v6 =	vor.u32 v2, v40  }
0x1e3: {  	v44 =	vbroadcast v4, $0x1;
	v43 =	vor.u32 v1, v41  }
0x1e4: {  	v7 =	vor.u32 v2, v41  }
0x1e5: {  	v45 =	vbroadcast v5, $0x1;
	v46 =	vor.u32 v1, v44  }
0x1e6: {  	v10 =	vor.u32 v2, v44;
	v8 =	vld.idx.msk [tilespmem:v42+s22+$0x0], $0xffff  }
0x1e7: {  	v48 =	vbroadcast v4, $0x2;
	v47 =	vor.u32 v1, v45;
	v6 =	vld.idx.msk [tilespmem:v6+s22+$0x0], $0xffff  }
0x1e8: {  	v11 =	vor.u32 v2, v45;
	v9 =	vld.idx.msk [tilespmem:v43+s23+$0x0], $0xffff  }
0x1e9: {  	v49 =	vbroadcast v5, $0x2;
	v50 =	vor.u32 v1, v48;
	v7 =	vld.idx.msk [tilespmem:v7+s23+$0x0], $0xffff  }
0x1ea: {  	v14 =	vor.u32 v2, v48;
	v12 =	vld.idx.msk [tilespmem:v46+s24+$0x0], $0xffff  }
0x1eb: {  	v4 =	vbroadcast v4, $0x3;
	v51 =	vor.u32 v1, v49;
	v10 =	vld.idx.msk [tilespmem:v10+s24+$0x0], $0xffff  }
0x1ec: {  	v15 =	vor.u32 v2, v49;
	v13 =	vld.idx.msk [tilespmem:v47+s25+$0x0], $0xffff  }
0x1ed: {  	v5 =	vbroadcast v5, $0x3;
	v52 =	vor.u32 v1, v4;
	v11 =	vld.idx.msk [tilespmem:v11+s25+$0x0], $0xffff  }
0x1ee: {  	v4 =	vor.u32 v2, v4;
	v16 =	vld.idx.msk [tilespmem:v50+s26+$0x0], $0xffff  }
0x1ef: {  	v53 =	vor.u32 v1, v5;
	v14 =	vld.idx.msk [tilespmem:v14+s26+$0x0], $0xffff  }
0x1f0: {  	v5 =	vor.u32 v2, v5;
	v17 =	vld.idx.msk [tilespmem:v51+s28+$0x0], $0xffff  }
0x1f1: {  	v15 =	vld.idx.msk [tilespmem:v15+s28+$0x0], $0xffff  }
0x1f2: {  	v18 =	vld.idx.msk [tilespmem:v52+s29+$0x0], $0xffff  }
0x1f3: {  	v4 =	vld.idx.msk [tilespmem:v4+s29+$0x0], $0xffff  }
0x1f4: {  	v19 =	vld.idx.msk [tilespmem:v53+s30+$0x0], $0xffff  }
0x1f5: {  	v5 =	vld.idx.msk [tilespmem:v5+s30+$0x0], $0xffff;
	v8 =	vmul.f32 v9, v8;
	v6 =	vmul.f32 v7, v6  }
0x1f6: {  	v54 =	vmul.f32 v13, v12;
	v55 =	vmul.f32 v11, v10  }
0x1f7: {  	v56 =	vmul.f32 v17, v16;
	v57 =	vmul.f32 v15, v14;
	v6 =	vadd.f32 v6, v8  }
0x1f8: {  	v7 =	vadd.f32 v55, v54  }
0x1f9: {  	v58 =	vadd.f32 v57, v56;
	(xrf2) =	vadd.scan.msk.f32 $0xffff, v6  }
0x1fa: {  	v59 =	vmul.f32 v19, v18;
	v4 =	vmul.f32 v5, v4;
	(xrf2) =	vadd.scan.msk.f32 $0xffff, v7  }
0x1fb: {  	(xrf2) =	vadd.scan.msk.f32 $0xffff, v58  }
0x1fc: {  	v4 =	vadd.f32 v4, v59;
	_ =	sdelay $0x1  }
0x1fd: {  	(xrf2) =	vadd.scan.msk.f32 $0xffff, v4;
	_ =	sdelay $0x4  }
0x1fe: {  	v60, _, _ =	vpop (xrf2)  }
0x1ff: {  	v61, _, _ =	vpop (xrf2);
	v4 =	vbroadcast v60, $0xF  }
0x200: {  	v6, _, _ =	vpop (xrf2);
	v5 =	vbroadcast v61, $0xF  }
0x201: {  	v3 =	vsel vm4, v3, v4;
	v62 =	vbroadcast v6, $0xF  }
0x202: {  	v3 =	vsel vm5, v3, v5  }
0x203: {  	v63, _, _ =	vpop (xrf2);
	v3 =	vsel vm6, v3, v62  }
0x204: {  	s12 =	simm.s32 $0x0;
	v3 =	vsel vm7, v3, v63  }
0x205: {  	s1 =	simm.s32 $0x18500;
	s2 =	simm.s32 $0x4;
	s3 =	rddreg [dreg:$0x7];
	[tilespmem:$0x186F0] =	vst v3  }
0x206: {  	[hbm4b:s3+s12] =	stream.linear.scatter [tilespmem:s1], [sflag:$0x4], $0x200, $0x38;
	[tilespmem:$0x18700] =	vst v63  }
0x207: {  	_ =	swait.ge [sflag:s2], $0x200  }
0x208: {  	s0 =	rddreg [dreg:$0x9]  }
0x209: {  	s3 =	rddreg [dreg:$0x8];
	s1 =	sadd.s32 $0x1, s0  }
0x20a: {  	p0 =	sne.s32 s1, s3  }
.Ltmp1:
0x20b: {  	_ = 	snop;
	(pc) =	sbr.rel @p0 .LBB2_1-.Ltmp1, $4  }
0x20c: {  	s31 =	simm.s32 $0x500  }
0x20d: {  	s4 =	simm.s32 $0xC500;
	s16 =	simm.s32 $0x1500;
	s17 =	simm.s32 $0xD500  }
0x20e: {  	s18 =	simm.s32 $0x2500;
	s19 =	simm.s32 $0xE500;
	[sflag:s2] =	ssyncset.done $0x0  }
0x20f: {  	s20 =	simm.s32 $0x3500;
	s21 =	simm.s32 $0xF500;
	[sflag:s2] =	ssyncadd.s32 $0xFFFFFE00  }
0x210: {  	_ =	sfence.sel $0x180000  }
0x211: {  	[bflag:$0x0] =	sbarrier.arrive $0xFFFF  }
0x212: {  	_ =	strace $0x90000047  }
0x213: {  	s0 =	stileid.u32;
	[bflag:$0x2] =	sbarrier.arrive $0xFFFF  }
0x214: {  	p0 =	sne.s32 s0, $0x0;
	s0 =	rddreg [dreg:$0x4]  }
0x215: {  	s0 =	sadd.s32 @!p0 $0x100000, s0  }
0x216: {  	[sflag:s0] =	ssyncadd.tile.s32 @!p0 $0x1;
	_ =	shalt  }
.Lfunc_end2:
_tile_overlayer_lowered:
.L_overlay_start_2:
0x217: {  	(tag) =	ssettag $0x2  }
0x218: {  	s0 =	rddreg [dreg:$0x0];
	s2 =	stileid.u32  }
0x219: {  	s1 =	rddreg [dreg:$0x1];
	p0 =	sne.s32 s2, $0x0  }
0x21a: {  	s3 =	rddreg [dreg:$0x2];
	[bflag:$0x3] =	sbarrier.arrive $0xFFFF;
	s2 =	simm.s32 @!p0 $0x1C04  }
0x21b: {  	[timem:s3], [sflag:s2] =	dma.local @!p0 [hbm:s0], s1  }
0x21c: {  	s0 =	simm.s32 @!p0 $0x4  }
0x21d: {  	_ =	swait.ge @!p0 [sflag:s0], s1  }
0x21e: {  	s1 =	ssub.s32 @!p0 $0x0, s1;
	[sflag:s0] =	ssyncset.done @!p0 $0x0  }
0x21f: {  	[sflag:s0] =	ssyncadd.s32 @!p0 s1  }
0x220: {  	[bflag:$0x3] =	sbarrier.arrive $0xFFFF  }
0x221: {  	_ =	shalt  }

</sc_bundles>
